<compile_context>
chip_gen: v7x
topology: tpu7x:2x2x1
jax: 0.10.2.dev20260603
libtpu: 0.0.44.dev20260713+nightly
codegen_flags: <defaults>
</compile_context>

<pallas_src>
import functools

import jax
import jax.numpy as jnp
from jax.experimental import pallas as pl
from jax.experimental.pallas import tpu as pltpu
from jax.experimental.pallas import tpu_sc as plsc

_NC = 2
_NS = 16
_NW = _NC * _NS
_CHUNK = 16
_NBUF = 3


def _sc_body(H, W, n, y2d_ref, x16_ref, xi_ref, yi_ref, out_ref,
             bufs, xi_v, yi_v, x_v, in_sems, out_sems):
    B_rows = y2d_ref.shape[0]
    rows_per_w = B_rows // _NW
    nchunk = rows_per_w // _CHUNK
    wid = jax.lax.axis_index("s") * _NC + jax.lax.axis_index("c")
    row0 = wid * rows_per_w

    pltpu.sync_copy(xi_ref, xi_v)
    pltpu.sync_copy(yi_ref, yi_v)
    pltpu.sync_copy(x16_ref, x_v)

    b_w = row0 // H
    vals = plsc.load_gather(x_v, [jnp.full((16,), b_w, jnp.int32)])

    nvec = n // 16
    xs = [xi_v[pl.ds(k * 16, 16)] + b_w * H for k in range(nvec)]
    ys = [yi_v[pl.ds(k * 16, 16)] for k in range(nvec)]

    def start_in(c):
        return pltpu.make_async_copy(
            y2d_ref.at[pl.ds(row0 + c * _CHUNK, _CHUNK), :],
            bufs[c % _NBUF],
            in_sems[c % _NBUF],
        )

    def start_out(c):
        return pltpu.make_async_copy(
            bufs[c % _NBUF],
            out_ref.at[pl.ds(row0 + c * _CHUNK, _CHUNK), :],
            out_sems[c % _NBUF],
        )

    start_in(0).start()
    for c in range(nchunk):
        if c + 1 < nchunk:
            if c + 1 >= _NBUF:
                start_out(c + 1 - _NBUF).wait()
            start_in(c + 1).start()
        start_in(c).wait()
        buf = bufs[c % _NBUF]
        lo = row0 + c * _CHUNK
        for k in range(nvec):
            local = xs[k] - lo
            mask = (local >= 0) & (local < _CHUNK)
            safe = jnp.clip(local, 0, _CHUNK - 1)
            plsc.addupdate_scatter(buf, [safe, ys[k]], vals, mask=mask)
        start_out(c).start()
    for c in range(max(nchunk - _NBUF, 0), nchunk):
        start_out(c).wait()


@jax.jit
def kernel(Y, X, x_idx, y_idx):
    B, H, W = Y.shape
    n = x_idx.shape[0]
    y2d = Y.reshape(B * H, W)
    x16 = jnp.pad(X.reshape(B), (0, 16 - B))
    mesh = plsc.VectorSubcoreMesh(
        core_axis_name="c", subcore_axis_name="s",
        num_cores=_NC, num_subcores=_NS,
    )
    run = pl.kernel(
        functools.partial(_sc_body, H, W, n),
        out_type=jax.ShapeDtypeStruct((B * H, W), Y.dtype),
        mesh=mesh,
        compiler_params=pltpu.CompilerParams(needs_layout_passes=False),
        scratch_types=[
            [pltpu.VMEM((_CHUNK, W), jnp.float32) for _ in range(_NBUF)],
            pltpu.VMEM((n,), jnp.int32),
            pltpu.VMEM((n,), jnp.int32),
            pltpu.VMEM((16,), jnp.float32),
            [pltpu.SemaphoreType.DMA for _ in range(_NBUF)],
            [pltpu.SemaphoreType.DMA for _ in range(_NBUF)],
        ],
    )
    out = run(y2d, x16, x_idx, y_idx)
    return out.reshape(B, H, W)

# --- scband reference (transcript-rebuilt; emitter-appended) ---
"""Pipeline reference for scband-source-21646635172694 (READ-ONLY COPY).

The authoritative reference and input builder live on the scoring server;
editing this copy changes nothing except your own understanding.
"""

import jax, jax.numpy as jnp
import numpy as np

X_IDX = np.array([0, 32, 64, 96, 128, 160, 192, 224, 256, 288, 320, 352, 384, 416, 448, 480, 512, 544, 576, 608, 640, 672, 704, 736, 768, 800, 832, 864, 896, 928, 960, 992, 1024, 1056, 1088, 1120, 1152, 1184, 1216, 1248, 1280, 1312, 1344, 1376, 1408, 1440, 1472, 1504, 1536, 1568, 1600, 1632, 1664, 1696, 1728, 1760, 1792, 1824, 1856, 1888, 1920, 1952, 1984, 2016], dtype=np.int32)
Y_IDX = np.array([0, 53, 106, 159, 212, 265, 318, 371, 424, 477, 530, 583, 636, 689, 742, 795, 848, 901, 954, 1007, 1060, 1113, 1166, 1219, 1272, 1325, 1378, 1431, 1484, 1537, 1590, 1643, 1696, 1749, 1802, 1855, 1908, 1961, 2014, 19, 72, 125, 178, 231, 284, 337, 390, 443, 496, 549, 602, 655, 708, 761, 814, 867, 920, 973, 1026, 1079, 1132, 1185, 1238, 1291], dtype=np.int32)

def setup_inputs(seed: int = 0):
    key = jax.random.key(seed)
    k1, k2 = jax.random.split(key)
    Y = jax.random.normal(k1, (8, 2048, 2048), dtype=jnp.float32)
    X = jax.random.normal(k2, (8, 1), dtype=jnp.float32)
    return {"Y": Y, "X": X, "x_idx": jnp.asarray(X_IDX), "y_idx": jnp.asarray(Y_IDX)}

def reference(Y, X, x_idx, y_idx):
    # Y[:, x, y] = Y[:, x, y] + X.expand_as(Y[:, x, y])
    n = x_idx.shape[0]
    vals = jnp.broadcast_to(X, (Y.shape[0], n))
    return Y.at[:, x_idx, y_idx].add(vals)

if __name__ == "__main__":
    import jax
    _d = setup_inputs()
    print(jax.jit(kernel)(*tuple(_d.values())))

</pallas_src>

<mosaic_0001>
#map = affine_map<(d0, d1) -> (0, 0)>
#map1 = affine_map<(d0, d1) -> (0)>
module attributes {stable_mosaic.version = 14 : i64} {
  func.func @_sc_body(%arg0: i32, %arg1: i32, %arg2: memref<16384x2048xf32, #tpu.memory_space<hbm>>, %arg3: memref<16xf32, #tpu.memory_space<hbm>>, %arg4: memref<64xi32, #tpu.memory_space<hbm>>, %arg5: memref<64xi32, #tpu.memory_space<hbm>>, %arg6: memref<16384x2048xf32, #tpu.memory_space<hbm>>, %arg7: memref<16x2048xf32, #tpu.memory_space<vmem>>, %arg8: memref<16x2048xf32, #tpu.memory_space<vmem>>, %arg9: memref<16x2048xf32, #tpu.memory_space<vmem>>, %arg10: memref<64xi32, #tpu.memory_space<vmem>>, %arg11: memref<64xi32, #tpu.memory_space<vmem>>, %arg12: memref<16xf32, #tpu.memory_space<vmem>>, %arg13: memref<!tpu.dma_semaphore, #tpu.memory_space<semaphore_mem>>, %arg14: memref<!tpu.dma_semaphore, #tpu.memory_space<semaphore_mem>>, %arg15: memref<!tpu.dma_semaphore, #tpu.memory_space<semaphore_mem>>, %arg16: memref<!tpu.dma_semaphore, #tpu.memory_space<semaphore_mem>>, %arg17: memref<!tpu.dma_semaphore, #tpu.memory_space<semaphore_mem>>, %arg18: memref<!tpu.dma_semaphore, #tpu.memory_space<semaphore_mem>>) attributes {dimension_semantics = [#tpu.dimension_semantics<core_parallel>, #tpu.dimension_semantics<subcore_parallel>], iteration_bounds = array<i64: 2, 16>, scalar_prefetch = 0 : i64, scratch_operands = 12 : i64, tpu.core_type = #tpu.core_type<sc_vector_subcore>, window_params = [{transform_indices = #map}, {transform_indices = #map1}, {transform_indices = #map1}, {transform_indices = #map1}, {transform_indices = #map}]} {
    %mul3A = arith.constant 2 : i32
    %mul3A_0 = arith.muli %arg1, %mul3A : i32
    %add3A = arith.addi %mul3A_0, %arg0 : i32
    %mul3A_1 = arith.constant 512 : i32
    %mul3A_2 = arith.muli %add3A, %mul3A_1 : i32
    "tpu.region"() ({
      %run_scoped3A = tpu.sem_alloc : memref<!tpu.dma_semaphore, #tpu.memory_space<semaphore_mem>>
      tpu.enqueue_dma source(%arg4 : memref<64xi32, #tpu.memory_space<hbm>>) target(%arg10 : memref<64xi32, #tpu.memory_space<vmem>>) target_semaphore(%run_scoped3A : memref<!tpu.dma_semaphore, #tpu.memory_space<semaphore_mem>>)
      tpu.wait_dma2 semaphore(%run_scoped3A : memref<!tpu.dma_semaphore, #tpu.memory_space<semaphore_mem>>) src(%arg4 : memref<64xi32, #tpu.memory_space<hbm>>) dst(%arg10 : memref<64xi32, #tpu.memory_space<vmem>>)
      tpu.yield
    }) : () -> ()
    "tpu.region"() ({
      %run_scoped3A = tpu.sem_alloc : memref<!tpu.dma_semaphore, #tpu.memory_space<semaphore_mem>>
      tpu.enqueue_dma source(%arg5 : memref<64xi32, #tpu.memory_space<hbm>>) target(%arg11 : memref<64xi32, #tpu.memory_space<vmem>>) target_semaphore(%run_scoped3A : memref<!tpu.dma_semaphore, #tpu.memory_space<semaphore_mem>>)
      tpu.wait_dma2 semaphore(%run_scoped3A : memref<!tpu.dma_semaphore, #tpu.memory_space<semaphore_mem>>) src(%arg5 : memref<64xi32, #tpu.memory_space<hbm>>) dst(%arg11 : memref<64xi32, #tpu.memory_space<vmem>>)
      tpu.yield
    }) : () -> ()
    "tpu.region"() ({
      %run_scoped3A = tpu.sem_alloc : memref<!tpu.dma_semaphore, #tpu.memory_space<semaphore_mem>>
      tpu.enqueue_dma source(%arg3 : memref<16xf32, #tpu.memory_space<hbm>>) target(%arg12 : memref<16xf32, #tpu.memory_space<vmem>>) target_semaphore(%run_scoped3A : memref<!tpu.dma_semaphore, #tpu.memory_space<semaphore_mem>>)
      tpu.wait_dma2 semaphore(%run_scoped3A : memref<!tpu.dma_semaphore, #tpu.memory_space<semaphore_mem>>) src(%arg3 : memref<16xf32, #tpu.memory_space<hbm>>) dst(%arg12 : memref<16xf32, #tpu.memory_space<vmem>>)
      tpu.yield
    }) : () -> ()
    %jit3A = arith.constant 2048 : i32
    %div3A = arith.divsi %mul3A_2, %jit3A : i32
    %sign3A = arith.constant 0 : i32
    %sign3A_3 = arith.cmpi sgt, %mul3A_2, %sign3A : i32
    %sign3A_4 = arith.extui %sign3A_3 : i1 to i32
    %sign3A_5 = arith.constant 0 : i32
    %sign3A_6 = arith.cmpi slt, %mul3A_2, %sign3A_5 : i32
    %sign3A_7 = arith.extui %sign3A_6 : i1 to i32
    %sign3A_8 = arith.subi %sign3A_4, %sign3A_7 : i32
    %sign3A_9 = arith.constant 0 : i32
    %sign3A_10 = arith.cmpi sgt, %jit3A, %sign3A_9 : i32
    %sign3A_11 = arith.extui %sign3A_10 : i1 to i32
    %sign3A_12 = arith.constant 0 : i32
    %sign3A_13 = arith.cmpi slt, %jit3A, %sign3A_12 : i32
    %sign3A_14 = arith.extui %sign3A_13 : i1 to i32
    %sign3A_15 = arith.subi %sign3A_11, %sign3A_14 : i32
    %ne3A = arith.cmpi ne, %sign3A_8, %sign3A_15 : i32
    %rem3A = arith.remsi %mul3A_2, %jit3A : i32
    %ne3A_16 = arith.constant 0 : i32
    %ne3A_17 = arith.cmpi ne, %rem3A, %ne3A_16 : i32
    %and3A = arith.andi %ne3A, %ne3A_17 : i1
    %sub3A = arith.constant 1 : i32
    %sub3A_18 = arith.subi %div3A, %sub3A : i32
    %select_n3A = arith.select %and3A, %sub3A_18, %div3A : i32
    %broadcast_in_dim3A = vector.broadcast %select_n3A : i32 to vector<16xi32>
    %gather3A = tpu.vector_load_idx %arg12[%broadcast_in_dim3A] : memref<16xf32, #tpu.memory_space<vmem>>[vector<16xi32>], vector<16xf32>,
    %get3A = arith.constant 0 : index
    %get3A_19 = tpu.vector_load %arg10[%get3A] {strides = array<i32>} : memref<64xi32, #tpu.memory_space<vmem>>, vector<16xi32>,
    %mul3A_20 = arith.constant 2048 : i32
    %mul3A_21 = arith.muli %select_n3A, %mul3A_20 : i32
    %add3A_22 = vector.broadcast %mul3A_21 : i32 to vector<16xi32>
    %add3A_23 = arith.addi %get3A_19, %add3A_22 : vector<16xi32>
    %get3A_24 = arith.constant 16 : index
    %get3A_25 = tpu.vector_load %arg10[%get3A_24] {strides = array<i32>} : memref<64xi32, #tpu.memory_space<vmem>>, vector<16xi32>,
    %mul3A_26 = arith.constant 2048 : i32
    %mul3A_27 = arith.muli %select_n3A, %mul3A_26 : i32
    %add3A_28 = vector.broadcast %mul3A_27 : i32 to vector<16xi32>
    %add3A_29 = arith.addi %get3A_25, %add3A_28 : vector<16xi32>
    %get3A_30 = arith.constant 32 : index
    %get3A_31 = tpu.vector_load %arg10[%get3A_30] {strides = array<i32>} : memref<64xi32, #tpu.memory_space<vmem>>, vector<16xi32>,
    %mul3A_32 = arith.constant 2048 : i32
    %mul3A_33 = arith.muli %select_n3A, %mul3A_32 : i32
    %add3A_34 = vector.broadcast %mul3A_33 : i32 to vector<16xi32>
    %add3A_35 = arith.addi %get3A_31, %add3A_34 : vector<16xi32>
    %get3A_36 = arith.constant 48 : index
    %get3A_37 = tpu.vector_load %arg10[%get3A_36] {strides = array<i32>} : memref<64xi32, #tpu.memory_space<vmem>>, vector<16xi32>,
    %mul3A_38 = arith.constant 2048 : i32
    %mul3A_39 = arith.muli %select_n3A, %mul3A_38 : i32
    %add3A_40 = vector.broadcast %mul3A_39 : i32 to vector<16xi32>
    %add3A_41 = arith.addi %get3A_37, %add3A_40 : vector<16xi32>
    %get3A_42 = arith.constant 0 : index
    %get3A_43 = tpu.vector_load %arg11[%get3A_42] {strides = array<i32>} : memref<64xi32, #tpu.memory_space<vmem>>, vector<16xi32>,
    %get3A_44 = arith.constant 16 : index
    %get3A_45 = tpu.vector_load %arg11[%get3A_44] {strides = array<i32>} : memref<64xi32, #tpu.memory_space<vmem>>, vector<16xi32>,
    %get3A_46 = arith.constant 32 : index
    %get3A_47 = tpu.vector_load %arg11[%get3A_46] {strides = array<i32>} : memref<64xi32, #tpu.memory_space<vmem>>, vector<16xi32>,
    %get3A_48 = arith.constant 48 : index
    %get3A_49 = tpu.vector_load %arg11[%get3A_48] {strides = array<i32>} : memref<64xi32, #tpu.memory_space<vmem>>, vector<16xi32>,
    %add3A_50 = arith.constant 0 : i32
    %add3A_51 = arith.addi %mul3A_2, %add3A_50 : i32
    %dma_start3A = arith.constant 0 : i32
    %dma_start3A_52 = tpu.memref_slice %arg2[%add3A_51, %dma_start3A] : memref<16384x2048xf32, #tpu.memory_space<hbm>> -> memref<16x2048xf32, #tpu.memory_space<hbm>>
    %dma_start3A_53 = arith.constant 0 : i32
    %dma_start3A_54 = tpu.memref_slice %arg2[%add3A_51, %dma_start3A_53] : memref<16384x2048xf32, #tpu.memory_space<hbm>> -> memref<16x2048xf32, #tpu.memory_space<hbm>>
    tpu.enqueue_dma source(%dma_start3A_54 : memref<16x2048xf32, #tpu.memory_space<hbm>>) target(%arg7 : memref<16x2048xf32, #tpu.memory_space<vmem>>) target_semaphore(%arg13 : memref<!tpu.dma_semaphore, #tpu.memory_space<semaphore_mem>>)
    %add3A_55 = arith.constant 16 : i32
    %add3A_56 = arith.addi %mul3A_2, %add3A_55 : i32
    %dma_start3A_57 = arith.constant 0 : i32
    %dma_start3A_58 = tpu.memref_slice %arg2[%add3A_56, %dma_start3A_57] : memref<16384x2048xf32, #tpu.memory_space<hbm>> -> memref<16x2048xf32, #tpu.memory_space<hbm>>
    %dma_start3A_59 = arith.constant 0 : i32
    %dma_start3A_60 = tpu.memref_slice %arg2[%add3A_56, %dma_start3A_59] : memref<16384x2048xf32, #tpu.memory_space<hbm>> -> memref<16x2048xf32, #tpu.memory_space<hbm>>
    tpu.enqueue_dma source(%dma_start3A_60 : memref<16x2048xf32, #tpu.memory_space<hbm>>) target(%arg8 : memref<16x2048xf32, #tpu.memory_space<vmem>>) target_semaphore(%arg14 : memref<!tpu.dma_semaphore, #tpu.memory_space<semaphore_mem>>)
    %add3A_61 = arith.constant 0 : i32
    %add3A_62 = arith.addi %mul3A_2, %add3A_61 : i32
    %dma_wait3A = arith.constant 0 : i32
    %dma_wait3A_63 = tpu.memref_slice %arg2[%add3A_62, %dma_wait3A] : memref<16384x2048xf32, #tpu.memory_space<hbm>> -> memref<16x2048xf32, #tpu.memory_space<hbm>>
    %dma_wait3A_64 = arith.constant 0 : i32
    %dma_wait3A_65 = tpu.memref_slice %arg2[%add3A_62, %dma_wait3A_64] : memref<16384x2048xf32, #tpu.memory_space<hbm>> -> memref<16x2048xf32, #tpu.memory_space<hbm>>
    tpu.wait_dma2 semaphore(%arg13 : memref<!tpu.dma_semaphore, #tpu.memory_space<semaphore_mem>>) src(%dma_wait3A_65 : memref<16x2048xf32, #tpu.memory_space<hbm>>) dst(%arg7 : memref<16x2048xf32, #tpu.memory_space<vmem>>)
    %add3A_66 = arith.constant 0 : i32
    %add3A_67 = arith.addi %mul3A_2, %add3A_66 : i32
    %sub3A_68 = vector.broadcast %add3A_67 : i32 to vector<16xi32>
    %sub3A_69 = arith.subi %add3A_23, %sub3A_68 : vector<16xi32>
    %ge3A = arith.constant 0 : i32
    %ge3A_70 = vector.broadcast %ge3A : i32 to vector<16xi32>
    %ge3A_71 = arith.cmpi sge, %sub3A_69, %ge3A_70 : vector<16xi32>
    %lt3A = arith.constant 16 : i32
    %lt3A_72 = vector.broadcast %lt3A : i32 to vector<16xi32>
    %lt3A_73 = arith.cmpi slt, %sub3A_69, %lt3A_72 : vector<16xi32>
    %and3A_74 = arith.andi %ge3A_71, %lt3A_73 : vector<16xi1>
    %jit3A_75 = arith.constant 0 : i32
    %jit3A_76 = arith.constant 15 : i32
    %max3A = vector.broadcast %jit3A_75 : i32 to vector<16xi32>
    %max3A_77 = arith.maxsi %max3A, %sub3A_69 : vector<16xi32>
    %min3A = vector.broadcast %jit3A_76 : i32 to vector<16xi32>
    %min3A_78 = arith.minsi %min3A, %max3A_77 : vector<16xi32>
    tpu.vector_store_idx %arg7[%min3A_78, %get3A_43], %gather3A masked %and3A_74 {add = true} : memref<16x2048xf32, #tpu.memory_space<vmem>>[vector<16xi32>, vector<16xi32>], vector<16xf32>, vector<16xi1>
    %sub3A_79 = vector.broadcast %add3A_67 : i32 to vector<16xi32>
    %sub3A_80 = arith.subi %add3A_29, %sub3A_79 : vector<16xi32>
    %ge3A_81 = arith.constant 0 : i32
    %ge3A_82 = vector.broadcast %ge3A_81 : i32 to vector<16xi32>
    %ge3A_83 = arith.cmpi sge, %sub3A_80, %ge3A_82 : vector<16xi32>
    %lt3A_84 = arith.constant 16 : i32
    %lt3A_85 = vector.broadcast %lt3A_84 : i32 to vector<16xi32>
    %lt3A_86 = arith.cmpi slt, %sub3A_80, %lt3A_85 : vector<16xi32>
    %and3A_87 = arith.andi %ge3A_83, %lt3A_86 : vector<16xi1>
    %jit3A_88 = arith.constant 0 : i32
    %jit3A_89 = arith.constant 15 : i32
    %max3A_90 = vector.broadcast %jit3A_88 : i32 to vector<16xi32>
    %max3A_91 = arith.maxsi %max3A_90, %sub3A_80 : vector<16xi32>
    %min3A_92 = vector.broadcast %jit3A_89 : i32 to vector<16xi32>
    %min3A_93 = arith.minsi %min3A_92, %max3A_91 : vector<16xi32>
    tpu.vector_store_idx %arg7[%min3A_93, %get3A_45], %gather3A masked %and3A_87 {add = true} : memref<16x2048xf32, #tpu.memory_space<vmem>>[vector<16xi32>, vector<16xi32>], vector<16xf32>, vector<16xi1>
    %sub3A_94 = vector.broadcast %add3A_67 : i32 to vector<16xi32>
    %sub3A_95 = arith.subi %add3A_35, %sub3A_94 : vector<16xi32>
    %ge3A_96 = arith.constant 0 : i32
    %ge3A_97 = vector.broadcast %ge3A_96 : i32 to vector<16xi32>
    %ge3A_98 = arith.cmpi sge, %sub3A_95, %ge3A_97 : vector<16xi32>
    %lt3A_99 = arith.constant 16 : i32
    %lt3A_100 = vector.broadcast %lt3A_99 : i32 to vector<16xi32>
    %lt3A_101 = arith.cmpi slt, %sub3A_95, %lt3A_100 : vector<16xi32>
    %and3A_102 = arith.andi %ge3A_98, %lt3A_101 : vector<16xi1>
    %jit3A_103 = arith.constant 0 : i32
    %jit3A_104 = arith.constant 15 : i32
    %max3A_105 = vector.broadcast %jit3A_103 : i32 to vector<16xi32>
    %max3A_106 = arith.maxsi %max3A_105, %sub3A_95 : vector<16xi32>
    %min3A_107 = vector.broadcast %jit3A_104 : i32 to vector<16xi32>
    %min3A_108 = arith.minsi %min3A_107, %max3A_106 : vector<16xi32>
    tpu.vector_store_idx %arg7[%min3A_108, %get3A_47], %gather3A masked %and3A_102 {add = true} : memref<16x2048xf32, #tpu.memory_space<vmem>>[vector<16xi32>, vector<16xi32>], vector<16xf32>, vector<16xi1>
    %sub3A_109 = vector.broadcast %add3A_67 : i32 to vector<16xi32>
    %sub3A_110 = arith.subi %add3A_41, %sub3A_109 : vector<16xi32>
    %ge3A_111 = arith.constant 0 : i32
    %ge3A_112 = vector.broadcast %ge3A_111 : i32 to vector<16xi32>
    %ge3A_113 = arith.cmpi sge, %sub3A_110, %ge3A_112 : vector<16xi32>
    %lt3A_114 = arith.constant 16 : i32
    %lt3A_115 = vector.broadcast %lt3A_114 : i32 to vector<16xi32>
    %lt3A_116 = arith.cmpi slt, %sub3A_110, %lt3A_115 : vector<16xi32>
    %and3A_117 = arith.andi %ge3A_113, %lt3A_116 : vector<16xi1>
    %jit3A_118 = arith.constant 0 : i32
    %jit3A_119 = arith.constant 15 : i32
    %max3A_120 = vector.broadcast %jit3A_118 : i32 to vector<16xi32>
    %max3A_121 = arith.maxsi %max3A_120, %sub3A_110 : vector<16xi32>
    %min3A_122 = vector.broadcast %jit3A_119 : i32 to vector<16xi32>
    %min3A_123 = arith.minsi %min3A_122, %max3A_121 : vector<16xi32>
    tpu.vector_store_idx %arg7[%min3A_123, %get3A_49], %gather3A masked %and3A_117 {add = true} : memref<16x2048xf32, #tpu.memory_space<vmem>>[vector<16xi32>, vector<16xi32>], vector<16xf32>, vector<16xi1>
    %add3A_124 = arith.constant 0 : i32
    %add3A_125 = arith.addi %mul3A_2, %add3A_124 : i32
    %dma_start3A_126 = arith.constant 0 : i32
    %dma_start3A_127 = tpu.memref_slice %arg6[%add3A_125, %dma_start3A_126] : memref<16384x2048xf32, #tpu.memory_space<hbm>> -> memref<16x2048xf32, #tpu.memory_space<hbm>>
    %dma_start3A_128 = arith.constant 0 : i32
    %dma_start3A_129 = tpu.memref_slice %arg6[%add3A_125, %dma_start3A_128] : memref<16384x2048xf32, #tpu.memory_space<hbm>> -> memref<16x2048xf32, #tpu.memory_space<hbm>>
    tpu.enqueue_dma source(%arg7 : memref<16x2048xf32, #tpu.memory_space<vmem>>) target(%dma_start3A_129 : memref<16x2048xf32, #tpu.memory_space<hbm>>) target_semaphore(%arg16 : memref<!tpu.dma_semaphore, #tpu.memory_space<semaphore_mem>>)
    %add3A_130 = arith.constant 32 : i32
    %add3A_131 = arith.addi %mul3A_2, %add3A_130 : i32
    %dma_start3A_132 = arith.constant 0 : i32
    %dma_start3A_133 = tpu.memref_slice %arg2[%add3A_131, %dma_start3A_132] : memref<16384x2048xf32, #tpu.memory_space<hbm>> -> memref<16x2048xf32, #tpu.memory_space<hbm>>
    %dma_start3A_134 = arith.constant 0 : i32
    %dma_start3A_135 = tpu.memref_slice %arg2[%add3A_131, %dma_start3A_134] : memref<16384x2048xf32, #tpu.memory_space<hbm>> -> memref<16x2048xf32, #tpu.memory_space<hbm>>
    tpu.enqueue_dma source(%dma_start3A_135 : memref<16x2048xf32, #tpu.memory_space<hbm>>) target(%arg9 : memref<16x2048xf32, #tpu.memory_space<vmem>>) target_semaphore(%arg15 : memref<!tpu.dma_semaphore, #tpu.memory_space<semaphore_mem>>)
    %add3A_136 = arith.constant 16 : i32
    %add3A_137 = arith.addi %mul3A_2, %add3A_136 : i32
    %dma_wait3A_138 = arith.constant 0 : i32
    %dma_wait3A_139 = tpu.memref_slice %arg2[%add3A_137, %dma_wait3A_138] : memref<16384x2048xf32, #tpu.memory_space<hbm>> -> memref<16x2048xf32, #tpu.memory_space<hbm>>
    %dma_wait3A_140 = arith.constant 0 : i32
    %dma_wait3A_141 = tpu.memref_slice %arg2[%add3A_137, %dma_wait3A_140] : memref<16384x2048xf32, #tpu.memory_space<hbm>> -> memref<16x2048xf32, #tpu.memory_space<hbm>>
    tpu.wait_dma2 semaphore(%arg14 : memref<!tpu.dma_semaphore, #tpu.memory_space<semaphore_mem>>) src(%dma_wait3A_141 : memref<16x2048xf32, #tpu.memory_space<hbm>>) dst(%arg8 : memref<16x2048xf32, #tpu.memory_space<vmem>>)
    %add3A_142 = arith.constant 16 : i32
    %add3A_143 = arith.addi %mul3A_2, %add3A_142 : i32
    %sub3A_144 = vector.broadcast %add3A_143 : i32 to vector<16xi32>
    %sub3A_145 = arith.subi %add3A_23, %sub3A_144 : vector<16xi32>
    %ge3A_146 = arith.constant 0 : i32
    %ge3A_147 = vector.broadcast %ge3A_146 : i32 to vector<16xi32>
    %ge3A_148 = arith.cmpi sge, %sub3A_145, %ge3A_147 : vector<16xi32>
    %lt3A_149 = arith.constant 16 : i32
    %lt3A_150 = vector.broadcast %lt3A_149 : i32 to vector<16xi32>
    %lt3A_151 = arith.cmpi slt, %sub3A_145, %lt3A_150 : vector<16xi32>
    %and3A_152 = arith.andi %ge3A_148, %lt3A_151 : vector<16xi1>
    %jit3A_153 = arith.constant 0 : i32
    %jit3A_154 = arith.constant 15 : i32
    %max3A_155 = vector.broadcast %jit3A_153 : i32 to vector<16xi32>
    %max3A_156 = arith.maxsi %max3A_155, %sub3A_145 : vector<16xi32>
    %min3A_157 = vector.broadcast %jit3A_154 : i32 to vector<16xi32>
    %min3A_158 = arith.minsi %min3A_157, %max3A_156 : vector<16xi32>
    tpu.vector_store_idx %arg8[%min3A_158, %get3A_43], %gather3A masked %and3A_152 {add = true} : memref<16x2048xf32, #tpu.memory_space<vmem>>[vector<16xi32>, vector<16xi32>], vector<16xf32>, vector<16xi1>
    %sub3A_159 = vector.broadcast %add3A_143 : i32 to vector<16xi32>
    %sub3A_160 = arith.subi %add3A_29, %sub3A_159 : vector<16xi32>
    %ge3A_161 = arith.constant 0 : i32
    %ge3A_162 = vector.broadcast %ge3A_161 : i32 to vector<16xi32>
    %ge3A_163 = arith.cmpi sge, %sub3A_160, %ge3A_162 : vector<16xi32>
    %lt3A_164 = arith.constant 16 : i32
    %lt3A_165 = vector.broadcast %lt3A_164 : i32 to vector<16xi32>
    %lt3A_166 = arith.cmpi slt, %sub3A_160, %lt3A_165 : vector<16xi32>
    %and3A_167 = arith.andi %ge3A_163, %lt3A_166 : vector<16xi1>
    %jit3A_168 = arith.constant 0 : i32
    %jit3A_169 = arith.constant 15 : i32
    %max3A_170 = vector.broadcast %jit3A_168 : i32 to vector<16xi32>
    %max3A_171 = arith.maxsi %max3A_170, %sub3A_160 : vector<16xi32>
    %min3A_172 = vector.broadcast %jit3A_169 : i32 to vector<16xi32>
    %min3A_173 = arith.minsi %min3A_172, %max3A_171 : vector<16xi32>
    tpu.vector_store_idx %arg8[%min3A_173, %get3A_45], %gather3A masked %and3A_167 {add = true} : memref<16x2048xf32, #tpu.memory_space<vmem>>[vector<16xi32>, vector<16xi32>], vector<16xf32>, vector<16xi1>
    %sub3A_174 = vector.broadcast %add3A_143 : i32 to vector<16xi32>
    %sub3A_175 = arith.subi %add3A_35, %sub3A_174 : vector<16xi32>
    %ge3A_176 = arith.constant 0 : i32
    %ge3A_177 = vector.broadcast %ge3A_176 : i32 to vector<16xi32>
    %ge3A_178 = arith.cmpi sge, %sub3A_175, %ge3A_177 : vector<16xi32>
    %lt3A_179 = arith.constant 16 : i32
    %lt3A_180 = vector.broadcast %lt3A_179 : i32 to vector<16xi32>
    %lt3A_181 = arith.cmpi slt, %sub3A_175, %lt3A_180 : vector<16xi32>
    %and3A_182 = arith.andi %ge3A_178, %lt3A_181 : vector<16xi1>
    %jit3A_183 = arith.constant 0 : i32
    %jit3A_184 = arith.constant 15 : i32
    %max3A_185 = vector.broadcast %jit3A_183 : i32 to vector<16xi32>
    %max3A_186 = arith.maxsi %max3A_185, %sub3A_175 : vector<16xi32>
    %min3A_187 = vector.broadcast %jit3A_184 : i32 to vector<16xi32>
    %min3A_188 = arith.minsi %min3A_187, %max3A_186 : vector<16xi32>
    tpu.vector_store_idx %arg8[%min3A_188, %get3A_47], %gather3A masked %and3A_182 {add = true} : memref<16x2048xf32, #tpu.memory_space<vmem>>[vector<16xi32>, vector<16xi32>], vector<16xf32>, vector<16xi1>
    %sub3A_189 = vector.broadcast %add3A_143 : i32 to vector<16xi32>
    %sub3A_190 = arith.subi %add3A_41, %sub3A_189 : vector<16xi32>
    %ge3A_191 = arith.constant 0 : i32
    %ge3A_192 = vector.broadcast %ge3A_191 : i32 to vector<16xi32>
    %ge3A_193 = arith.cmpi sge, %sub3A_190, %ge3A_192 : vector<16xi32>
    %lt3A_194 = arith.constant 16 : i32
    %lt3A_195 = vector.broadcast %lt3A_194 : i32 to vector<16xi32>
    %lt3A_196 = arith.cmpi slt, %sub3A_190, %lt3A_195 : vector<16xi32>
    %and3A_197 = arith.andi %ge3A_193, %lt3A_196 : vector<16xi1>
    %jit3A_198 = arith.constant 0 : i32
    %jit3A_199 = arith.constant 15 : i32
    %max3A_200 = vector.broadcast %jit3A_198 : i32 to vector<16xi32>
    %max3A_201 = arith.maxsi %max3A_200, %sub3A_190 : vector<16xi32>
    %min3A_202 = vector.broadcast %jit3A_199 : i32 to vector<16xi32>
    %min3A_203 = arith.minsi %min3A_202, %max3A_201 : vector<16xi32>
    tpu.vector_store_idx %arg8[%min3A_203, %get3A_49], %gather3A masked %and3A_197 {add = true} : memref<16x2048xf32, #tpu.memory_space<vmem>>[vector<16xi32>, vector<16xi32>], vector<16xf32>, vector<16xi1>
    %add3A_204 = arith.constant 16 : i32
    %add3A_205 = arith.addi %mul3A_2, %add3A_204 : i32
    %dma_start3A_206 = arith.constant 0 : i32
    %dma_start3A_207 = tpu.memref_slice %arg6[%add3A_205, %dma_start3A_206] : memref<16384x2048xf32, #tpu.memory_space<hbm>> -> memref<16x2048xf32, #tpu.memory_space<hbm>>
    %dma_start3A_208 = arith.constant 0 : i32
    %dma_start3A_209 = tpu.memref_slice %arg6[%add3A_205, %dma_start3A_208] : memref<16384x2048xf32, #tpu.memory_space<hbm>> -> memref<16x2048xf32, #tpu.memory_space<hbm>>
    tpu.enqueue_dma source(%arg8 : memref<16x2048xf32, #tpu.memory_space<vmem>>) target(%dma_start3A_209 : memref<16x2048xf32, #tpu.memory_space<hbm>>) target_semaphore(%arg17 : memref<!tpu.dma_semaphore, #tpu.memory_space<semaphore_mem>>)
    %add3A_210 = arith.constant 0 : i32
    %add3A_211 = arith.addi %mul3A_2, %add3A_210 : i32
    %dma_wait3A_212 = arith.constant 0 : i32
    %dma_wait3A_213 = tpu.memref_slice %arg6[%add3A_211, %dma_wait3A_212] : memref<16384x2048xf32, #tpu.memory_space<hbm>> -> memref<16x2048xf32, #tpu.memory_space<hbm>>
    %dma_wait3A_214 = arith.constant 0 : i32
    %dma_wait3A_215 = tpu.memref_slice %arg6[%add3A_211, %dma_wait3A_214] : memref<16384x2048xf32, #tpu.memory_space<hbm>> -> memref<16x2048xf32, #tpu.memory_space<hbm>>
    tpu.wait_dma2 semaphore(%arg16 : memref<!tpu.dma_semaphore, #tpu.memory_space<semaphore_mem>>) src(%arg7 : memref<16x2048xf32, #tpu.memory_space<vmem>>) dst(%dma_wait3A_215 : memref<16x2048xf32, #tpu.memory_space<hbm>>)
    %add3A_216 = arith.constant 48 : i32
    %add3A_217 = arith.addi %mul3A_2, %add3A_216 : i32
    %dma_start3A_218 = arith.constant 0 : i32
    %dma_start3A_219 = tpu.memref_slice %arg2[%add3A_217, %dma_start3A_218] : memref<16384x2048xf32, #tpu.memory_space<hbm>> -> memref<16x2048xf32, #tpu.memory_space<hbm>>
    %dma_start3A_220 = arith.constant 0 : i32
    %dma_start3A_221 = tpu.memref_slice %arg2[%add3A_217, %dma_start3A_220] : memref<16384x2048xf32, #tpu.memory_space<hbm>> -> memref<16x2048xf32, #tpu.memory_space<hbm>>
    tpu.enqueue_dma source(%dma_start3A_221 : memref<16x2048xf32, #tpu.memory_space<hbm>>) target(%arg7 : memref<16x2048xf32, #tpu.memory_space<vmem>>) target_semaphore(%arg13 : memref<!tpu.dma_semaphore, #tpu.memory_space<semaphore_mem>>)
    %add3A_222 = arith.constant 32 : i32
    %add3A_223 = arith.addi %mul3A_2, %add3A_222 : i32
    %dma_wait3A_224 = arith.constant 0 : i32
    %dma_wait3A_225 = tpu.memref_slice %arg2[%add3A_223, %dma_wait3A_224] : memref<16384x2048xf32, #tpu.memory_space<hbm>> -> memref<16x2048xf32, #tpu.memory_space<hbm>>
    %dma_wait3A_226 = arith.constant 0 : i32
    %dma_wait3A_227 = tpu.memref_slice %arg2[%add3A_223, %dma_wait3A_226] : memref<16384x2048xf32, #tpu.memory_space<hbm>> -> memref<16x2048xf32, #tpu.memory_space<hbm>>
    tpu.wait_dma2 semaphore(%arg15 : memref<!tpu.dma_semaphore, #tpu.memory_space<semaphore_mem>>) src(%dma_wait3A_227 : memref<16x2048xf32, #tpu.memory_space<hbm>>) dst(%arg9 : memref<16x2048xf32, #tpu.memory_space<vmem>>)
    %add3A_228 = arith.constant 32 : i32
    %add3A_229 = arith.addi %mul3A_2, %add3A_228 : i32
    %sub3A_230 = vector.broadcast %add3A_229 : i32 to vector<16xi32>
    %sub3A_231 = arith.subi %add3A_23, %sub3A_230 : vector<16xi32>
    %ge3A_232 = arith.constant 0 : i32
    %ge3A_233 = vector.broadcast %ge3A_232 : i32 to vector<16xi32>
    %ge3A_234 = arith.cmpi sge, %sub3A_231, %ge3A_233 : vector<16xi32>
    %lt3A_235 = arith.constant 16 : i32
    %lt3A_236 = vector.broadcast %lt3A_235 : i32 to vector<16xi32>
    %lt3A_237 = arith.cmpi slt, %sub3A_231, %lt3A_236 : vector<16xi32>
    %and3A_238 = arith.andi %ge3A_234, %lt3A_237 : vector<16xi1>
    %jit3A_239 = arith.constant 0 : i32
    %jit3A_240 = arith.constant 15 : i32
    %max3A_241 = vector.broadcast %jit3A_239 : i32 to vector<16xi32>
    %max3A_242 = arith.maxsi %max3A_241, %sub3A_231 : vector<16xi32>
    %min3A_243 = vector.broadcast %jit3A_240 : i32 to vector<16xi32>
    %min3A_244 = arith.minsi %min3A_243, %max3A_242 : vector<16xi32>
    tpu.vector_store_idx %arg9[%min3A_244, %get3A_43], %gather3A masked %and3A_238 {add = true} : memref<16x2048xf32, #tpu.memory_space<vmem>>[vector<16xi32>, vector<16xi32>], vector<16xf32>, vector<16xi1>
    %sub3A_245 = vector.broadcast %add3A_229 : i32 to vector<16xi32>
    %sub3A_246 = arith.subi %add3A_29, %sub3A_245 : vector<16xi32>
    %ge3A_247 = arith.constant 0 : i32
    %ge3A_248 = vector.broadcast %ge3A_247 : i32 to vector<16xi32>
    %ge3A_249 = arith.cmpi sge, %sub3A_246, %ge3A_248 : vector<16xi32>
    %lt3A_250 = arith.constant 16 : i32
    %lt3A_251 = vector.broadcast %lt3A_250 : i32 to vector<16xi32>
    %lt3A_252 = arith.cmpi slt, %sub3A_246, %lt3A_251 : vector<16xi32>
    %and3A_253 = arith.andi %ge3A_249, %lt3A_252 : vector<16xi1>
    %jit3A_254 = arith.constant 0 : i32
    %jit3A_255 = arith.constant 15 : i32
    %max3A_256 = vector.broadcast %jit3A_254 : i32 to vector<16xi32>
    %max3A_257 = arith.maxsi %max3A_256, %sub3A_246 : vector<16xi32>
    %min3A_258 = vector.broadcast %jit3A_255 : i32 to vector<16xi32>
    %min3A_259 = arith.minsi %min3A_258, %max3A_257 : vector<16xi32>
    tpu.vector_store_idx %arg9[%min3A_259, %get3A_45], %gather3A masked %and3A_253 {add = true} : memref<16x2048xf32, #tpu.memory_space<vmem>>[vector<16xi32>, vector<16xi32>], vector<16xf32>, vector<16xi1>
    %sub3A_260 = vector.broadcast %add3A_229 : i32 to vector<16xi32>
    %sub3A_261 = arith.subi %add3A_35, %sub3A_260 : vector<16xi32>
    %ge3A_262 = arith.constant 0 : i32
    %ge3A_263 = vector.broadcast %ge3A_262 : i32 to vector<16xi32>
    %ge3A_264 = arith.cmpi sge, %sub3A_261, %ge3A_263 : vector<16xi32>
    %lt3A_265 = arith.constant 16 : i32
    %lt3A_266 = vector.broadcast %lt3A_265 : i32 to vector<16xi32>
    %lt3A_267 = arith.cmpi slt, %sub3A_261, %lt3A_266 : vector<16xi32>
    %and3A_268 = arith.andi %ge3A_264, %lt3A_267 : vector<16xi1>
    %jit3A_269 = arith.constant 0 : i32
    %jit3A_270 = arith.constant 15 : i32
    %max3A_271 = vector.broadcast %jit3A_269 : i32 to vector<16xi32>
    %max3A_272 = arith.maxsi %max3A_271, %sub3A_261 : vector<16xi32>
    %min3A_273 = vector.broadcast %jit3A_270 : i32 to vector<16xi32>
    %min3A_274 = arith.minsi %min3A_273, %max3A_272 : vector<16xi32>
    tpu.vector_store_idx %arg9[%min3A_274, %get3A_47], %gather3A masked %and3A_268 {add = true} : memref<16x2048xf32, #tpu.memory_space<vmem>>[vector<16xi32>, vector<16xi32>], vector<16xf32>, vector<16xi1>
    %sub3A_275 = vector.broadcast %add3A_229 : i32 to vector<16xi32>
    %sub3A_276 = arith.subi %add3A_41, %sub3A_275 : vector<16xi32>
    %ge3A_277 = arith.constant 0 : i32
    %ge3A_278 = vector.broadcast %ge3A_277 : i32 to vector<16xi32>
    %ge3A_279 = arith.cmpi sge, %sub3A_276, %ge3A_278 : vector<16xi32>
    %lt3A_280 = arith.constant 16 : i32
    %lt3A_281 = vector.broadcast %lt3A_280 : i32 to vector<16xi32>
    %lt3A_282 = arith.cmpi slt, %sub3A_276, %lt3A_281 : vector<16xi32>
    %and3A_283 = arith.andi %ge3A_279, %lt3A_282 : vector<16xi1>
    %jit3A_284 = arith.constant 0 : i32
    %jit3A_285 = arith.constant 15 : i32
    %max3A_286 = vector.broadcast %jit3A_284 : i32 to vector<16xi32>
    %max3A_287 = arith.maxsi %max3A_286, %sub3A_276 : vector<16xi32>
    %min3A_288 = vector.broadcast %jit3A_285 : i32 to vector<16xi32>
    %min3A_289 = arith.minsi %min3A_288, %max3A_287 : vector<16xi32>
    tpu.vector_store_idx %arg9[%min3A_289, %get3A_49], %gather3A masked %and3A_283 {add = true} : memref<16x2048xf32, #tpu.memory_space<vmem>>[vector<16xi32>, vector<16xi32>], vector<16xf32>, vector<16xi1>
    %add3A_290 = arith.constant 32 : i32
    %add3A_291 = arith.addi %mul3A_2, %add3A_290 : i32
    %dma_start3A_292 = arith.constant 0 : i32
    %dma_start3A_293 = tpu.memref_slice %arg6[%add3A_291, %dma_start3A_292] : memref<16384x2048xf32, #tpu.memory_space<hbm>> -> memref<16x2048xf32, #tpu.memory_space<hbm>>
    %dma_start3A_294 = arith.constant 0 : i32
    %dma_start3A_295 = tpu.memref_slice %arg6[%add3A_291, %dma_start3A_294] : memref<16384x2048xf32, #tpu.memory_space<hbm>> -> memref<16x2048xf32, #tpu.memory_space<hbm>>
    tpu.enqueue_dma source(%arg9 : memref<16x2048xf32, #tpu.memory_space<vmem>>) target(%dma_start3A_295 : memref<16x2048xf32, #tpu.memory_space<hbm>>) target_semaphore(%arg18 : memref<!tpu.dma_semaphore, #tpu.memory_space<semaphore_mem>>)
    %add3A_296 = arith.constant 16 : i32
    %add3A_297 = arith.addi %mul3A_2, %add3A_296 : i32
    %dma_wait3A_298 = arith.constant 0 : i32
    %dma_wait3A_299 = tpu.memref_slice %arg6[%add3A_297, %dma_wait3A_298] : memref<16384x2048xf32, #tpu.memory_space<hbm>> -> memref<16x2048xf32, #tpu.memory_space<hbm>>
    %dma_wait3A_300 = arith.constant 0 : i32
    %dma_wait3A_301 = tpu.memref_slice %arg6[%add3A_297, %dma_wait3A_300] : memref<16384x2048xf32, #tpu.memory_space<hbm>> -> memref<16x2048xf32, #tpu.memory_space<hbm>>
    tpu.wait_dma2 semaphore(%arg17 : memref<!tpu.dma_semaphore, #tpu.memory_space<semaphore_mem>>) src(%arg8 : memref<16x2048xf32, #tpu.memory_space<vmem>>) dst(%dma_wait3A_301 : memref<16x2048xf32, #tpu.memory_space<hbm>>)
    %add3A_302 = arith.constant 64 : i32
    %add3A_303 = arith.addi %mul3A_2, %add3A_302 : i32
    %dma_start3A_304 = arith.constant 0 : i32
    %dma_start3A_305 = tpu.memref_slice %arg2[%add3A_303, %dma_start3A_304] : memref<16384x2048xf32, #tpu.memory_space<hbm>> -> memref<16x2048xf32, #tpu.memory_space<hbm>>
    %dma_start3A_306 = arith.constant 0 : i32
    %dma_start3A_307 = tpu.memref_slice %arg2[%add3A_303, %dma_start3A_306] : memref<16384x2048xf32, #tpu.memory_space<hbm>> -> memref<16x2048xf32, #tpu.memory_space<hbm>>
    tpu.enqueue_dma source(%dma_start3A_307 : memref<16x2048xf32, #tpu.memory_space<hbm>>) target(%arg8 : memref<16x2048xf32, #tpu.memory_space<vmem>>) target_semaphore(%arg14 : memref<!tpu.dma_semaphore, #tpu.memory_space<semaphore_mem>>)
    %add3A_308 = arith.constant 48 : i32
    %add3A_309 = arith.addi %mul3A_2, %add3A_308 : i32
    %dma_wait3A_310 = arith.constant 0 : i32
    %dma_wait3A_311 = tpu.memref_slice %arg2[%add3A_309, %dma_wait3A_310] : memref<16384x2048xf32, #tpu.memory_space<hbm>> -> memref<16x2048xf32, #tpu.memory_space<hbm>>
    %dma_wait3A_312 = arith.constant 0 : i32
    %dma_wait3A_313 = tpu.memref_slice %arg2[%add3A_309, %dma_wait3A_312] : memref<16384x2048xf32, #tpu.memory_space<hbm>> -> memref<16x2048xf32, #tpu.memory_space<hbm>>
    tpu.wait_dma2 semaphore(%arg13 : memref<!tpu.dma_semaphore, #tpu.memory_space<semaphore_mem>>) src(%dma_wait3A_313 : memref<16x2048xf32, #tpu.memory_space<hbm>>) dst(%arg7 : memref<16x2048xf32, #tpu.memory_space<vmem>>)
    %add3A_314 = arith.constant 48 : i32
    %add3A_315 = arith.addi %mul3A_2, %add3A_314 : i32
    %sub3A_316 = vector.broadcast %add3A_315 : i32 to vector<16xi32>
    %sub3A_317 = arith.subi %add3A_23, %sub3A_316 : vector<16xi32>
    %ge3A_318 = arith.constant 0 : i32
    %ge3A_319 = vector.broadcast %ge3A_318 : i32 to vector<16xi32>
    %ge3A_320 = arith.cmpi sge, %sub3A_317, %ge3A_319 : vector<16xi32>
    %lt3A_321 = arith.constant 16 : i32
    %lt3A_322 = vector.broadcast %lt3A_321 : i32 to vector<16xi32>
    %lt3A_323 = arith.cmpi slt, %sub3A_317, %lt3A_322 : vector<16xi32>
    %and3A_324 = arith.andi %ge3A_320, %lt3A_323 : vector<16xi1>
    %jit3A_325 = arith.constant 0 : i32
    %jit3A_326 = arith.constant 15 : i32
    %max3A_327 = vector.broadcast %jit3A_325 : i32 to vector<16xi32>
    %max3A_328 = arith.maxsi %max3A_327, %sub3A_317 : vector<16xi32>
    %min3A_329 = vector.broadcast %jit3A_326 : i32 to vector<16xi32>
    %min3A_330 = arith.minsi %min3A_329, %max3A_328 : vector<16xi32>
    tpu.vector_store_idx %arg7[%min3A_330, %get3A_43], %gather3A masked %and3A_324 {add = true} : memref<16x2048xf32, #tpu.memory_space<vmem>>[vector<16xi32>, vector<16xi32>], vector<16xf32>, vector<16xi1>
    %sub3A_331 = vector.broadcast %add3A_315 : i32 to vector<16xi32>
    %sub3A_332 = arith.subi %add3A_29, %sub3A_331 : vector<16xi32>
    %ge3A_333 = arith.constant 0 : i32
    %ge3A_334 = vector.broadcast %ge3A_333 : i32 to vector<16xi32>
    %ge3A_335 = arith.cmpi sge, %sub3A_332, %ge3A_334 : vector<16xi32>
    %lt3A_336 = arith.constant 16 : i32
    %lt3A_337 = vector.broadcast %lt3A_336 : i32 to vector<16xi32>
    %lt3A_338 = arith.cmpi slt, %sub3A_332, %lt3A_337 : vector<16xi32>
    %and3A_339 = arith.andi %ge3A_335, %lt3A_338 : vector<16xi1>
    %jit3A_340 = arith.constant 0 : i32
    %jit3A_341 = arith.constant 15 : i32
    %max3A_342 = vector.broadcast %jit3A_340 : i32 to vector<16xi32>
    %max3A_343 = arith.maxsi %max3A_342, %sub3A_332 : vector<16xi32>
    %min3A_344 = vector.broadcast %jit3A_341 : i32 to vector<16xi32>
    %min3A_345 = arith.minsi %min3A_344, %max3A_343 : vector<16xi32>
    tpu.vector_store_idx %arg7[%min3A_345, %get3A_45], %gather3A masked %and3A_339 {add = true} : memref<16x2048xf32, #tpu.memory_space<vmem>>[vector<16xi32>, vector<16xi32>], vector<16xf32>, vector<16xi1>
    %sub3A_346 = vector.broadcast %add3A_315 : i32 to vector<16xi32>
    %sub3A_347 = arith.subi %add3A_35, %sub3A_346 : vector<16xi32>
    %ge3A_348 = arith.constant 0 : i32
    %ge3A_349 = vector.broadcast %ge3A_348 : i32 to vector<16xi32>
    %ge3A_350 = arith.cmpi sge, %sub3A_347, %ge3A_349 : vector<16xi32>
    %lt3A_351 = arith.constant 16 : i32
    %lt3A_352 = vector.broadcast %lt3A_351 : i32 to vector<16xi32>
    %lt3A_353 = arith.cmpi slt, %sub3A_347, %lt3A_352 : vector<16xi32>
    %and3A_354 = arith.andi %ge3A_350, %lt3A_353 : vector<16xi1>
    %jit3A_355 = arith.constant 0 : i32
    %jit3A_356 = arith.constant 15 : i32
    %max3A_357 = vector.broadcast %jit3A_355 : i32 to vector<16xi32>
    %max3A_358 = arith.maxsi %max3A_357, %sub3A_347 : vector<16xi32>
    %min3A_359 = vector.broadcast %jit3A_356 : i32 to vector<16xi32>
    %min3A_360 = arith.minsi %min3A_359, %max3A_358 : vector<16xi32>
    tpu.vector_store_idx %arg7[%min3A_360, %get3A_47], %gather3A masked %and3A_354 {add = true} : memref<16x2048xf32, #tpu.memory_space<vmem>>[vector<16xi32>, vector<16xi32>], vector<16xf32>, vector<16xi1>
    %sub3A_361 = vector.broadcast %add3A_315 : i32 to vector<16xi32>
    %sub3A_362 = arith.subi %add3A_41, %sub3A_361 : vector<16xi32>
    %ge3A_363 = arith.constant 0 : i32
    %ge3A_364 = vector.broadcast %ge3A_363 : i32 to vector<16xi32>
    %ge3A_365 = arith.cmpi sge, %sub3A_362, %ge3A_364 : vector<16xi32>
    %lt3A_366 = arith.constant 16 : i32
    %lt3A_367 = vector.broadcast %lt3A_366 : i32 to vector<16xi32>
    %lt3A_368 = arith.cmpi slt, %sub3A_362, %lt3A_367 : vector<16xi32>
    %and3A_369 = arith.andi %ge3A_365, %lt3A_368 : vector<16xi1>
    %jit3A_370 = arith.constant 0 : i32
    %jit3A_371 = arith.constant 15 : i32
    %max3A_372 = vector.broadcast %jit3A_370 : i32 to vector<16xi32>
    %max3A_373 = arith.maxsi %max3A_372, %sub3A_362 : vector<16xi32>
    %min3A_374 = vector.broadcast %jit3A_371 : i32 to vector<16xi32>
    %min3A_375 = arith.minsi %min3A_374, %max3A_373 : vector<16xi32>
    tpu.vector_store_idx %arg7[%min3A_375, %get3A_49], %gather3A masked %and3A_369 {add = true} : memref<16x2048xf32, #tpu.memory_space<vmem>>[vector<16xi32>, vector<16xi32>], vector<16xf32>, vector<16xi1>
    %add3A_376 = arith.constant 48 : i32
    %add3A_377 = arith.addi %mul3A_2, %add3A_376 : i32
    %dma_start3A_378 = arith.constant 0 : i32
    %dma_start3A_379 = tpu.memref_slice %arg6[%add3A_377, %dma_start3A_378] : memref<16384x2048xf32, #tpu.memory_space<hbm>> -> memref<16x2048xf32, #tpu.memory_space<hbm>>
    %dma_start3A_380 = arith.constant 0 : i32
    %dma_start3A_381 = tpu.memref_slice %arg6[%add3A_377, %dma_start3A_380] : memref<16384x2048xf32, #tpu.memory_space<hbm>> -> memref<16x2048xf32, #tpu.memory_space<hbm>>
    tpu.enqueue_dma source(%arg7 : memref<16x2048xf32, #tpu.memory_space<vmem>>) target(%dma_start3A_381 : memref<16x2048xf32, #tpu.memory_space<hbm>>) target_semaphore(%arg16 : memref<!tpu.dma_semaphore, #tpu.memory_space<semaphore_mem>>)
    %add3A_382 = arith.constant 32 : i32
    %add3A_383 = arith.addi %mul3A_2, %add3A_382 : i32
    %dma_wait3A_384 = arith.constant 0 : i32
    %dma_wait3A_385 = tpu.memref_slice %arg6[%add3A_383, %dma_wait3A_384] : memref<16384x2048xf32, #tpu.memory_space<hbm>> -> memref<16x2048xf32, #tpu.memory_space<hbm>>
    %dma_wait3A_386 = arith.constant 0 : i32
    %dma_wait3A_387 = tpu.memref_slice %arg6[%add3A_383, %dma_wait3A_386] : memref<16384x2048xf32, #tpu.memory_space<hbm>> -> memref<16x2048xf32, #tpu.memory_space<hbm>>
    tpu.wait_dma2 semaphore(%arg18 : memref<!tpu.dma_semaphore, #tpu.memory_space<semaphore_mem>>) src(%arg9 : memref<16x2048xf32, #tpu.memory_space<vmem>>) dst(%dma_wait3A_387 : memref<16x2048xf32, #tpu.memory_space<hbm>>)
    %add3A_388 = arith.constant 80 : i32
    %add3A_389 = arith.addi %mul3A_2, %add3A_388 : i32
    %dma_start3A_390 = arith.constant 0 : i32
    %dma_start3A_391 = tpu.memref_slice %arg2[%add3A_389, %dma_start3A_390] : memref<16384x2048xf32, #tpu.memory_space<hbm>> -> memref<16x2048xf32, #tpu.memory_space<hbm>>
    %dma_start3A_392 = arith.constant 0 : i32
    %dma_start3A_393 = tpu.memref_slice %arg2[%add3A_389, %dma_start3A_392] : memref<16384x2048xf32, #tpu.memory_space<hbm>> -> memref<16x2048xf32, #tpu.memory_space<hbm>>
    tpu.enqueue_dma source(%dma_start3A_393 : memref<16x2048xf32, #tpu.memory_space<hbm>>) target(%arg9 : memref<16x2048xf32, #tpu.memory_space<vmem>>) target_semaphore(%arg15 : memref<!tpu.dma_semaphore, #tpu.memory_space<semaphore_mem>>)
    %add3A_394 = arith.constant 64 : i32
    %add3A_395 = arith.addi %mul3A_2, %add3A_394 : i32
    %dma_wait3A_396 = arith.constant 0 : i32
    %dma_wait3A_397 = tpu.memref_slice %arg2[%add3A_395, %dma_wait3A_396] : memref<16384x2048xf32, #tpu.memory_space<hbm>> -> memref<16x2048xf32, #tpu.memory_space<hbm>>
    %dma_wait3A_398 = arith.constant 0 : i32
    %dma_wait3A_399 = tpu.memref_slice %arg2[%add3A_395, %dma_wait3A_398] : memref<16384x2048xf32, #tpu.memory_space<hbm>> -> memref<16x2048xf32, #tpu.memory_space<hbm>>
    tpu.wait_dma2 semaphore(%arg14 : memref<!tpu.dma_semaphore, #tpu.memory_space<semaphore_mem>>) src(%dma_wait3A_399 : memref<16x2048xf32, #tpu.memory_space<hbm>>) dst(%arg8 : memref<16x2048xf32, #tpu.memory_space<vmem>>)
    %add3A_400 = arith.constant 64 : i32
    %add3A_401 = arith.addi %mul3A_2, %add3A_400 : i32
    %sub3A_402 = vector.broadcast %add3A_401 : i32 to vector<16xi32>
    %sub3A_403 = arith.subi %add3A_23, %sub3A_402 : vector<16xi32>
    %ge3A_404 = arith.constant 0 : i32
    %ge3A_405 = vector.broadcast %ge3A_404 : i32 to vector<16xi32>
    %ge3A_406 = arith.cmpi sge, %sub3A_403, %ge3A_405 : vector<16xi32>
    %lt3A_407 = arith.constant 16 : i32
    %lt3A_408 = vector.broadcast %lt3A_407 : i32 to vector<16xi32>
    %lt3A_409 = arith.cmpi slt, %sub3A_403, %lt3A_408 : vector<16xi32>
    %and3A_410 = arith.andi %ge3A_406, %lt3A_409 : vector<16xi1>
    %jit3A_411 = arith.constant 0 : i32
    %jit3A_412 = arith.constant 15 : i32
    %max3A_413 = vector.broadcast %jit3A_411 : i32 to vector<16xi32>
    %max3A_414 = arith.maxsi %max3A_413, %sub3A_403 : vector<16xi32>
    %min3A_415 = vector.broadcast %jit3A_412 : i32 to vector<16xi32>
    %min3A_416 = arith.minsi %min3A_415, %max3A_414 : vector<16xi32>
    tpu.vector_store_idx %arg8[%min3A_416, %get3A_43], %gather3A masked %and3A_410 {add = true} : memref<16x2048xf32, #tpu.memory_space<vmem>>[vector<16xi32>, vector<16xi32>], vector<16xf32>, vector<16xi1>
    %sub3A_417 = vector.broadcast %add3A_401 : i32 to vector<16xi32>
    %sub3A_418 = arith.subi %add3A_29, %sub3A_417 : vector<16xi32>
    %ge3A_419 = arith.constant 0 : i32
    %ge3A_420 = vector.broadcast %ge3A_419 : i32 to vector<16xi32>
    %ge3A_421 = arith.cmpi sge, %sub3A_418, %ge3A_420 : vector<16xi32>
    %lt3A_422 = arith.constant 16 : i32
    %lt3A_423 = vector.broadcast %lt3A_422 : i32 to vector<16xi32>
    %lt3A_424 = arith.cmpi slt, %sub3A_418, %lt3A_423 : vector<16xi32>
    %and3A_425 = arith.andi %ge3A_421, %lt3A_424 : vector<16xi1>
    %jit3A_426 = arith.constant 0 : i32
    %jit3A_427 = arith.constant 15 : i32
    %max3A_428 = vector.broadcast %jit3A_426 : i32 to vector<16xi32>
    %max3A_429 = arith.maxsi %max3A_428, %sub3A_418 : vector<16xi32>
    %min3A_430 = vector.broadcast %jit3A_427 : i32 to vector<16xi32>
    %min3A_431 = arith.minsi %min3A_430, %max3A_429 : vector<16xi32>
    tpu.vector_store_idx %arg8[%min3A_431, %get3A_45], %gather3A masked %and3A_425 {add = true} : memref<16x2048xf32, #tpu.memory_space<vmem>>[vector<16xi32>, vector<16xi32>], vector<16xf32>, vector<16xi1>
    %sub3A_432 = vector.broadcast %add3A_401 : i32 to vector<16xi32>
    %sub3A_433 = arith.subi %add3A_35, %sub3A_432 : vector<16xi32>
    %ge3A_434 = arith.constant 0 : i32
    %ge3A_435 = vector.broadcast %ge3A_434 : i32 to vector<16xi32>
    %ge3A_436 = arith.cmpi sge, %sub3A_433, %ge3A_435 : vector<16xi32>
    %lt3A_437 = arith.constant 16 : i32
    %lt3A_438 = vector.broadcast %lt3A_437 : i32 to vector<16xi32>
    %lt3A_439 = arith.cmpi slt, %sub3A_433, %lt3A_438 : vector<16xi32>
    %and3A_440 = arith.andi %ge3A_436, %lt3A_439 : vector<16xi1>
    %jit3A_441 = arith.constant 0 : i32
    %jit3A_442 = arith.constant 15 : i32
    %max3A_443 = vector.broadcast %jit3A_441 : i32 to vector<16xi32>
    %max3A_444 = arith.maxsi %max3A_443, %sub3A_433 : vector<16xi32>
    %min3A_445 = vector.broadcast %jit3A_442 : i32 to vector<16xi32>
    %min3A_446 = arith.minsi %min3A_445, %max3A_444 : vector<16xi32>
    tpu.vector_store_idx %arg8[%min3A_446, %get3A_47], %gather3A masked %and3A_440 {add = true} : memref<16x2048xf32, #tpu.memory_space<vmem>>[vector<16xi32>, vector<16xi32>], vector<16xf32>, vector<16xi1>
    %sub3A_447 = vector.broadcast %add3A_401 : i32 to vector<16xi32>
    %sub3A_448 = arith.subi %add3A_41, %sub3A_447 : vector<16xi32>
    %ge3A_449 = arith.constant 0 : i32
    %ge3A_450 = vector.broadcast %ge3A_449 : i32 to vector<16xi32>
    %ge3A_451 = arith.cmpi sge, %sub3A_448, %ge3A_450 : vector<16xi32>
    %lt3A_452 = arith.constant 16 : i32
    %lt3A_453 = vector.broadcast %lt3A_452 : i32 to vector<16xi32>
    %lt3A_454 = arith.cmpi slt, %sub3A_448, %lt3A_453 : vector<16xi32>
    %and3A_455 = arith.andi %ge3A_451, %lt3A_454 : vector<16xi1>
    %jit3A_456 = arith.constant 0 : i32
    %jit3A_457 = arith.constant 15 : i32
    %max3A_458 = vector.broadcast %jit3A_456 : i32 to vector<16xi32>
    %max3A_459 = arith.maxsi %max3A_458, %sub3A_448 : vector<16xi32>
    %min3A_460 = vector.broadcast %jit3A_457 : i32 to vector<16xi32>
    %min3A_461 = arith.minsi %min3A_460, %max3A_459 : vector<16xi32>
    tpu.vector_store_idx %arg8[%min3A_461, %get3A_49], %gather3A masked %and3A_455 {add = true} : memref<16x2048xf32, #tpu.memory_space<vmem>>[vector<16xi32>, vector<16xi32>], vector<16xf32>, vector<16xi1>
    %add3A_462 = arith.constant 64 : i32
    %add3A_463 = arith.addi %mul3A_2, %add3A_462 : i32
    %dma_start3A_464 = arith.constant 0 : i32
    %dma_start3A_465 = tpu.memref_slice %arg6[%add3A_463, %dma_start3A_464] : memref<16384x2048xf32, #tpu.memory_space<hbm>> -> memref<16x2048xf32, #tpu.memory_space<hbm>>
    %dma_start3A_466 = arith.constant 0 : i32
    %dma_start3A_467 = tpu.memref_slice %arg6[%add3A_463, %dma_start3A_466] : memref<16384x2048xf32, #tpu.memory_space<hbm>> -> memref<16x2048xf32, #tpu.memory_space<hbm>>
    tpu.enqueue_dma source(%arg8 : memref<16x2048xf32, #tpu.memory_space<vmem>>) target(%dma_start3A_467 : memref<16x2048xf32, #tpu.memory_space<hbm>>) target_semaphore(%arg17 : memref<!tpu.dma_semaphore, #tpu.memory_space<semaphore_mem>>)
    %add3A_468 = arith.constant 48 : i32
    %add3A_469 = arith.addi %mul3A_2, %add3A_468 : i32
    %dma_wait3A_470 = arith.constant 0 : i32
    %dma_wait3A_471 = tpu.memref_slice %arg6[%add3A_469, %dma_wait3A_470] : memref<16384x2048xf32, #tpu.memory_space<hbm>> -> memref<16x2048xf32, #tpu.memory_space<hbm>>
    %dma_wait3A_472 = arith.constant 0 : i32
    %dma_wait3A_473 = tpu.memref_slice %arg6[%add3A_469, %dma_wait3A_472] : memref<16384x2048xf32, #tpu.memory_space<hbm>> -> memref<16x2048xf32, #tpu.memory_space<hbm>>
    tpu.wait_dma2 semaphore(%arg16 : memref<!tpu.dma_semaphore, #tpu.memory_space<semaphore_mem>>) src(%arg7 : memref<16x2048xf32, #tpu.memory_space<vmem>>) dst(%dma_wait3A_473 : memref<16x2048xf32, #tpu.memory_space<hbm>>)
    %add3A_474 = arith.constant 96 : i32
    %add3A_475 = arith.addi %mul3A_2, %add3A_474 : i32
    %dma_start3A_476 = arith.constant 0 : i32
    %dma_start3A_477 = tpu.memref_slice %arg2[%add3A_475, %dma_start3A_476] : memref<16384x2048xf32, #tpu.memory_space<hbm>> -> memref<16x2048xf32, #tpu.memory_space<hbm>>
    %dma_start3A_478 = arith.constant 0 : i32
    %dma_start3A_479 = tpu.memref_slice %arg2[%add3A_475, %dma_start3A_478] : memref<16384x2048xf32, #tpu.memory_space<hbm>> -> memref<16x2048xf32, #tpu.memory_space<hbm>>
    tpu.enqueue_dma source(%dma_start3A_479 : memref<16x2048xf32, #tpu.memory_space<hbm>>) target(%arg7 : memref<16x2048xf32, #tpu.memory_space<vmem>>) target_semaphore(%arg13 : memref<!tpu.dma_semaphore, #tpu.memory_space<semaphore_mem>>)
    %add3A_480 = arith.constant 80 : i32
    %add3A_481 = arith.addi %mul3A_2, %add3A_480 : i32
    %dma_wait3A_482 = arith.constant 0 : i32
    %dma_wait3A_483 = tpu.memref_slice %arg2[%add3A_481, %dma_wait3A_482] : memref<16384x2048xf32, #tpu.memory_space<hbm>> -> memref<16x2048xf32, #tpu.memory_space<hbm>>
    %dma_wait3A_484 = arith.constant 0 : i32
    %dma_wait3A_485 = tpu.memref_slice %arg2[%add3A_481, %dma_wait3A_484] : memref<16384x2048xf32, #tpu.memory_space<hbm>> -> memref<16x2048xf32, #tpu.memory_space<hbm>>
    tpu.wait_dma2 semaphore(%arg15 : memref<!tpu.dma_semaphore, #tpu.memory_space<semaphore_mem>>) src(%dma_wait3A_485 : memref<16x2048xf32, #tpu.memory_space<hbm>>) dst(%arg9 : memref<16x2048xf32, #tpu.memory_space<vmem>>)
    %add3A_486 = arith.constant 80 : i32
    %add3A_487 = arith.addi %mul3A_2, %add3A_486 : i32
    %sub3A_488 = vector.broadcast %add3A_487 : i32 to vector<16xi32>
    %sub3A_489 = arith.subi %add3A_23, %sub3A_488 : vector<16xi32>
    %ge3A_490 = arith.constant 0 : i32
    %ge3A_491 = vector.broadcast %ge3A_490 : i32 to vector<16xi32>
    %ge3A_492 = arith.cmpi sge, %sub3A_489, %ge3A_491 : vector<16xi32>
    %lt3A_493 = arith.constant 16 : i32
    %lt3A_494 = vector.broadcast %lt3A_493 : i32 to vector<16xi32>
    %lt3A_495 = arith.cmpi slt, %sub3A_489, %lt3A_494 : vector<16xi32>
    %and3A_496 = arith.andi %ge3A_492, %lt3A_495 : vector<16xi1>
    %jit3A_497 = arith.constant 0 : i32
    %jit3A_498 = arith.constant 15 : i32
    %max3A_499 = vector.broadcast %jit3A_497 : i32 to vector<16xi32>
    %max3A_500 = arith.maxsi %max3A_499, %sub3A_489 : vector<16xi32>
    %min3A_501 = vector.broadcast %jit3A_498 : i32 to vector<16xi32>
    %min3A_502 = arith.minsi %min3A_501, %max3A_500 : vector<16xi32>
    tpu.vector_store_idx %arg9[%min3A_502, %get3A_43], %gather3A masked %and3A_496 {add = true} : memref<16x2048xf32, #tpu.memory_space<vmem>>[vector<16xi32>, vector<16xi32>], vector<16xf32>, vector<16xi1>
    %sub3A_503 = vector.broadcast %add3A_487 : i32 to vector<16xi32>
    %sub3A_504 = arith.subi %add3A_29, %sub3A_503 : vector<16xi32>
    %ge3A_505 = arith.constant 0 : i32
    %ge3A_506 = vector.broadcast %ge3A_505 : i32 to vector<16xi32>
    %ge3A_507 = arith.cmpi sge, %sub3A_504, %ge3A_506 : vector<16xi32>
    %lt3A_508 = arith.constant 16 : i32
    %lt3A_509 = vector.broadcast %lt3A_508 : i32 to vector<16xi32>
    %lt3A_510 = arith.cmpi slt, %sub3A_504, %lt3A_509 : vector<16xi32>
    %and3A_511 = arith.andi %ge3A_507, %lt3A_510 : vector<16xi1>
    %jit3A_512 = arith.constant 0 : i32
    %jit3A_513 = arith.constant 15 : i32
    %max3A_514 = vector.broadcast %jit3A_512 : i32 to vector<16xi32>
    %max3A_515 = arith.maxsi %max3A_514, %sub3A_504 : vector<16xi32>
    %min3A_516 = vector.broadcast %jit3A_513 : i32 to vector<16xi32>
    %min3A_517 = arith.minsi %min3A_516, %max3A_515 : vector<16xi32>
    tpu.vector_store_idx %arg9[%min3A_517, %get3A_45], %gather3A masked %and3A_511 {add = true} : memref<16x2048xf32, #tpu.memory_space<vmem>>[vector<16xi32>, vector<16xi32>], vector<16xf32>, vector<16xi1>
    %sub3A_518 = vector.broadcast %add3A_487 : i32 to vector<16xi32>
    %sub3A_519 = arith.subi %add3A_35, %sub3A_518 : vector<16xi32>
    %ge3A_520 = arith.constant 0 : i32
    %ge3A_521 = vector.broadcast %ge3A_520 : i32 to vector<16xi32>
    %ge3A_522 = arith.cmpi sge, %sub3A_519, %ge3A_521 : vector<16xi32>
    %lt3A_523 = arith.constant 16 : i32
    %lt3A_524 = vector.broadcast %lt3A_523 : i32 to vector<16xi32>
    %lt3A_525 = arith.cmpi slt, %sub3A_519, %lt3A_524 : vector<16xi32>
    %and3A_526 = arith.andi %ge3A_522, %lt3A_525 : vector<16xi1>
    %jit3A_527 = arith.constant 0 : i32
    %jit3A_528 = arith.constant 15 : i32
    %max3A_529 = vector.broadcast %jit3A_527 : i32 to vector<16xi32>
    %max3A_530 = arith.maxsi %max3A_529, %sub3A_519 : vector<16xi32>
    %min3A_531 = vector.broadcast %jit3A_528 : i32 to vector<16xi32>
    %min3A_532 = arith.minsi %min3A_531, %max3A_530 : vector<16xi32>
    tpu.vector_store_idx %arg9[%min3A_532, %get3A_47], %gather3A masked %and3A_526 {add = true} : memref<16x2048xf32, #tpu.memory_space<vmem>>[vector<16xi32>, vector<16xi32>], vector<16xf32>, vector<16xi1>
    %sub3A_533 = vector.broadcast %add3A_487 : i32 to vector<16xi32>
    %sub3A_534 = arith.subi %add3A_41, %sub3A_533 : vector<16xi32>
    %ge3A_535 = arith.constant 0 : i32
    %ge3A_536 = vector.broadcast %ge3A_535 : i32 to vector<16xi32>
    %ge3A_537 = arith.cmpi sge, %sub3A_534, %ge3A_536 : vector<16xi32>
    %lt3A_538 = arith.constant 16 : i32
    %lt3A_539 = vector.broadcast %lt3A_538 : i32 to vector<16xi32>
    %lt3A_540 = arith.cmpi slt, %sub3A_534, %lt3A_539 : vector<16xi32>
    %and3A_541 = arith.andi %ge3A_537, %lt3A_540 : vector<16xi1>
    %jit3A_542 = arith.constant 0 : i32
    %jit3A_543 = arith.constant 15 : i32
    %max3A_544 = vector.broadcast %jit3A_542 : i32 to vector<16xi32>
    %max3A_545 = arith.maxsi %max3A_544, %sub3A_534 : vector<16xi32>
    %min3A_546 = vector.broadcast %jit3A_543 : i32 to vector<16xi32>
    %min3A_547 = arith.minsi %min3A_546, %max3A_545 : vector<16xi32>
    tpu.vector_store_idx %arg9[%min3A_547, %get3A_49], %gather3A masked %and3A_541 {add = true} : memref<16x2048xf32, #tpu.memory_space<vmem>>[vector<16xi32>, vector<16xi32>], vector<16xf32>, vector<16xi1>
    %add3A_548 = arith.constant 80 : i32
    %add3A_549 = arith.addi %mul3A_2, %add3A_548 : i32
    %dma_start3A_550 = arith.constant 0 : i32
    %dma_start3A_551 = tpu.memref_slice %arg6[%add3A_549, %dma_start3A_550] : memref<16384x2048xf32, #tpu.memory_space<hbm>> -> memref<16x2048xf32, #tpu.memory_space<hbm>>
    %dma_start3A_552 = arith.constant 0 : i32
    %dma_start3A_553 = tpu.memref_slice %arg6[%add3A_549, %dma_start3A_552] : memref<16384x2048xf32, #tpu.memory_space<hbm>> -> memref<16x2048xf32, #tpu.memory_space<hbm>>
    tpu.enqueue_dma source(%arg9 : memref<16x2048xf32, #tpu.memory_space<vmem>>) target(%dma_start3A_553 : memref<16x2048xf32, #tpu.memory_space<hbm>>) target_semaphore(%arg18 : memref<!tpu.dma_semaphore, #tpu.memory_space<semaphore_mem>>)
    %add3A_554 = arith.constant 64 : i32
    %add3A_555 = arith.addi %mul3A_2, %add3A_554 : i32
    %dma_wait3A_556 = arith.constant 0 : i32
    %dma_wait3A_557 = tpu.memref_slice %arg6[%add3A_555, %dma_wait3A_556] : memref<16384x2048xf32, #tpu.memory_space<hbm>> -> memref<16x2048xf32, #tpu.memory_space<hbm>>
    %dma_wait3A_558 = arith.constant 0 : i32
    %dma_wait3A_559 = tpu.memref_slice %arg6[%add3A_555, %dma_wait3A_558] : memref<16384x2048xf32, #tpu.memory_space<hbm>> -> memref<16x2048xf32, #tpu.memory_space<hbm>>
    tpu.wait_dma2 semaphore(%arg17 : memref<!tpu.dma_semaphore, #tpu.memory_space<semaphore_mem>>) src(%arg8 : memref<16x2048xf32, #tpu.memory_space<vmem>>) dst(%dma_wait3A_559 : memref<16x2048xf32, #tpu.memory_space<hbm>>)
    %add3A_560 = arith.constant 112 : i32
    %add3A_561 = arith.addi %mul3A_2, %add3A_560 : i32
    %dma_start3A_562 = arith.constant 0 : i32
    %dma_start3A_563 = tpu.memref_slice %arg2[%add3A_561, %dma_start3A_562] : memref<16384x2048xf32, #tpu.memory_space<hbm>> -> memref<16x2048xf32, #tpu.memory_space<hbm>>
    %dma_start3A_564 = arith.constant 0 : i32
    %dma_start3A_565 = tpu.memref_slice %arg2[%add3A_561, %dma_start3A_564] : memref<16384x2048xf32, #tpu.memory_space<hbm>> -> memref<16x2048xf32, #tpu.memory_space<hbm>>
    tpu.enqueue_dma source(%dma_start3A_565 : memref<16x2048xf32, #tpu.memory_space<hbm>>) target(%arg8 : memref<16x2048xf32, #tpu.memory_space<vmem>>) target_semaphore(%arg14 : memref<!tpu.dma_semaphore, #tpu.memory_space<semaphore_mem>>)
    %add3A_566 = arith.constant 96 : i32
    %add3A_567 = arith.addi %mul3A_2, %add3A_566 : i32
    %dma_wait3A_568 = arith.constant 0 : i32
    %dma_wait3A_569 = tpu.memref_slice %arg2[%add3A_567, %dma_wait3A_568] : memref<16384x2048xf32, #tpu.memory_space<hbm>> -> memref<16x2048xf32, #tpu.memory_space<hbm>>
    %dma_wait3A_570 = arith.constant 0 : i32
    %dma_wait3A_571 = tpu.memref_slice %arg2[%add3A_567, %dma_wait3A_570] : memref<16384x2048xf32, #tpu.memory_space<hbm>> -> memref<16x2048xf32, #tpu.memory_space<hbm>>
    tpu.wait_dma2 semaphore(%arg13 : memref<!tpu.dma_semaphore, #tpu.memory_space<semaphore_mem>>) src(%dma_wait3A_571 : memref<16x2048xf32, #tpu.memory_space<hbm>>) dst(%arg7 : memref<16x2048xf32, #tpu.memory_space<vmem>>)
    %add3A_572 = arith.constant 96 : i32
    %add3A_573 = arith.addi %mul3A_2, %add3A_572 : i32
    %sub3A_574 = vector.broadcast %add3A_573 : i32 to vector<16xi32>
    %sub3A_575 = arith.subi %add3A_23, %sub3A_574 : vector<16xi32>
    %ge3A_576 = arith.constant 0 : i32
    %ge3A_577 = vector.broadcast %ge3A_576 : i32 to vector<16xi32>
    %ge3A_578 = arith.cmpi sge, %sub3A_575, %ge3A_577 : vector<16xi32>
    %lt3A_579 = arith.constant 16 : i32
    %lt3A_580 = vector.broadcast %lt3A_579 : i32 to vector<16xi32>
    %lt3A_581 = arith.cmpi slt, %sub3A_575, %lt3A_580 : vector<16xi32>
    %and3A_582 = arith.andi %ge3A_578, %lt3A_581 : vector<16xi1>
    %jit3A_583 = arith.constant 0 : i32
    %jit3A_584 = arith.constant 15 : i32
    %max3A_585 = vector.broadcast %jit3A_583 : i32 to vector<16xi32>
    %max3A_586 = arith.maxsi %max3A_585, %sub3A_575 : vector<16xi32>
    %min3A_587 = vector.broadcast %jit3A_584 : i32 to vector<16xi32>
    %min3A_588 = arith.minsi %min3A_587, %max3A_586 : vector<16xi32>
    tpu.vector_store_idx %arg7[%min3A_588, %get3A_43], %gather3A masked %and3A_582 {add = true} : memref<16x2048xf32, #tpu.memory_space<vmem>>[vector<16xi32>, vector<16xi32>], vector<16xf32>, vector<16xi1>
    %sub3A_589 = vector.broadcast %add3A_573 : i32 to vector<16xi32>
    %sub3A_590 = arith.subi %add3A_29, %sub3A_589 : vector<16xi32>
    %ge3A_591 = arith.constant 0 : i32
    %ge3A_592 = vector.broadcast %ge3A_591 : i32 to vector<16xi32>
    %ge3A_593 = arith.cmpi sge, %sub3A_590, %ge3A_592 : vector<16xi32>
    %lt3A_594 = arith.constant 16 : i32
    %lt3A_595 = vector.broadcast %lt3A_594 : i32 to vector<16xi32>
    %lt3A_596 = arith.cmpi slt, %sub3A_590, %lt3A_595 : vector<16xi32>
    %and3A_597 = arith.andi %ge3A_593, %lt3A_596 : vector<16xi1>
    %jit3A_598 = arith.constant 0 : i32
    %jit3A_599 = arith.constant 15 : i32
    %max3A_600 = vector.broadcast %jit3A_598 : i32 to vector<16xi32>
    %max3A_601 = arith.maxsi %max3A_600, %sub3A_590 : vector<16xi32>
    %min3A_602 = vector.broadcast %jit3A_599 : i32 to vector<16xi32>
    %min3A_603 = arith.minsi %min3A_602, %max3A_601 : vector<16xi32>
    tpu.vector_store_idx %arg7[%min3A_603, %get3A_45], %gather3A masked %and3A_597 {add = true} : memref<16x2048xf32, #tpu.memory_space<vmem>>[vector<16xi32>, vector<16xi32>], vector<16xf32>, vector<16xi1>
    %sub3A_604 = vector.broadcast %add3A_573 : i32 to vector<16xi32>
    %sub3A_605 = arith.subi %add3A_35, %sub3A_604 : vector<16xi32>
    %ge3A_606 = arith.constant 0 : i32
    %ge3A_607 = vector.broadcast %ge3A_606 : i32 to vector<16xi32>
    %ge3A_608 = arith.cmpi sge, %sub3A_605, %ge3A_607 : vector<16xi32>
    %lt3A_609 = arith.constant 16 : i32
    %lt3A_610 = vector.broadcast %lt3A_609 : i32 to vector<16xi32>
    %lt3A_611 = arith.cmpi slt, %sub3A_605, %lt3A_610 : vector<16xi32>
    %and3A_612 = arith.andi %ge3A_608, %lt3A_611 : vector<16xi1>
    %jit3A_613 = arith.constant 0 : i32
    %jit3A_614 = arith.constant 15 : i32
    %max3A_615 = vector.broadcast %jit3A_613 : i32 to vector<16xi32>
    %max3A_616 = arith.maxsi %max3A_615, %sub3A_605 : vector<16xi32>
    %min3A_617 = vector.broadcast %jit3A_614 : i32 to vector<16xi32>
    %min3A_618 = arith.minsi %min3A_617, %max3A_616 : vector<16xi32>
    tpu.vector_store_idx %arg7[%min3A_618, %get3A_47], %gather3A masked %and3A_612 {add = true} : memref<16x2048xf32, #tpu.memory_space<vmem>>[vector<16xi32>, vector<16xi32>], vector<16xf32>, vector<16xi1>
    %sub3A_619 = vector.broadcast %add3A_573 : i32 to vector<16xi32>
    %sub3A_620 = arith.subi %add3A_41, %sub3A_619 : vector<16xi32>
    %ge3A_621 = arith.constant 0 : i32
    %ge3A_622 = vector.broadcast %ge3A_621 : i32 to vector<16xi32>
    %ge3A_623 = arith.cmpi sge, %sub3A_620, %ge3A_622 : vector<16xi32>
    %lt3A_624 = arith.constant 16 : i32
    %lt3A_625 = vector.broadcast %lt3A_624 : i32 to vector<16xi32>
    %lt3A_626 = arith.cmpi slt, %sub3A_620, %lt3A_625 : vector<16xi32>
    %and3A_627 = arith.andi %ge3A_623, %lt3A_626 : vector<16xi1>
    %jit3A_628 = arith.constant 0 : i32
    %jit3A_629 = arith.constant 15 : i32
    %max3A_630 = vector.broadcast %jit3A_628 : i32 to vector<16xi32>
    %max3A_631 = arith.maxsi %max3A_630, %sub3A_620 : vector<16xi32>
    %min3A_632 = vector.broadcast %jit3A_629 : i32 to vector<16xi32>
    %min3A_633 = arith.minsi %min3A_632, %max3A_631 : vector<16xi32>
    tpu.vector_store_idx %arg7[%min3A_633, %get3A_49], %gather3A masked %and3A_627 {add = true} : memref<16x2048xf32, #tpu.memory_space<vmem>>[vector<16xi32>, vector<16xi32>], vector<16xf32>, vector<16xi1>
    %add3A_634 = arith.constant 96 : i32
    %add3A_635 = arith.addi %mul3A_2, %add3A_634 : i32
    %dma_start3A_636 = arith.constant 0 : i32
    %dma_start3A_637 = tpu.memref_slice %arg6[%add3A_635, %dma_start3A_636] : memref<16384x2048xf32, #tpu.memory_space<hbm>> -> memref<16x2048xf32, #tpu.memory_space<hbm>>
    %dma_start3A_638 = arith.constant 0 : i32
    %dma_start3A_639 = tpu.memref_slice %arg6[%add3A_635, %dma_start3A_638] : memref<16384x2048xf32, #tpu.memory_space<hbm>> -> memref<16x2048xf32, #tpu.memory_space<hbm>>
    tpu.enqueue_dma source(%arg7 : memref<16x2048xf32, #tpu.memory_space<vmem>>) target(%dma_start3A_639 : memref<16x2048xf32, #tpu.memory_space<hbm>>) target_semaphore(%arg16 : memref<!tpu.dma_semaphore, #tpu.memory_space<semaphore_mem>>)
    %add3A_640 = arith.constant 80 : i32
    %add3A_641 = arith.addi %mul3A_2, %add3A_640 : i32
    %dma_wait3A_642 = arith.constant 0 : i32
    %dma_wait3A_643 = tpu.memref_slice %arg6[%add3A_641, %dma_wait3A_642] : memref<16384x2048xf32, #tpu.memory_space<hbm>> -> memref<16x2048xf32, #tpu.memory_space<hbm>>
    %dma_wait3A_644 = arith.constant 0 : i32
    %dma_wait3A_645 = tpu.memref_slice %arg6[%add3A_641, %dma_wait3A_644] : memref<16384x2048xf32, #tpu.memory_space<hbm>> -> memref<16x2048xf32, #tpu.memory_space<hbm>>
    tpu.wait_dma2 semaphore(%arg18 : memref<!tpu.dma_semaphore, #tpu.memory_space<semaphore_mem>>) src(%arg9 : memref<16x2048xf32, #tpu.memory_space<vmem>>) dst(%dma_wait3A_645 : memref<16x2048xf32, #tpu.memory_space<hbm>>)
    %add3A_646 = arith.constant 128 : i32
    %add3A_647 = arith.addi %mul3A_2, %add3A_646 : i32
    %dma_start3A_648 = arith.constant 0 : i32
    %dma_start3A_649 = tpu.memref_slice %arg2[%add3A_647, %dma_start3A_648] : memref<16384x2048xf32, #tpu.memory_space<hbm>> -> memref<16x2048xf32, #tpu.memory_space<hbm>>
    %dma_start3A_650 = arith.constant 0 : i32
    %dma_start3A_651 = tpu.memref_slice %arg2[%add3A_647, %dma_start3A_650] : memref<16384x2048xf32, #tpu.memory_space<hbm>> -> memref<16x2048xf32, #tpu.memory_space<hbm>>
    tpu.enqueue_dma source(%dma_start3A_651 : memref<16x2048xf32, #tpu.memory_space<hbm>>) target(%arg9 : memref<16x2048xf32, #tpu.memory_space<vmem>>) target_semaphore(%arg15 : memref<!tpu.dma_semaphore, #tpu.memory_space<semaphore_mem>>)
    %add3A_652 = arith.constant 112 : i32
    %add3A_653 = arith.addi %mul3A_2, %add3A_652 : i32
    %dma_wait3A_654 = arith.constant 0 : i32
    %dma_wait3A_655 = tpu.memref_slice %arg2[%add3A_653, %dma_wait3A_654] : memref<16384x2048xf32, #tpu.memory_space<hbm>> -> memref<16x2048xf32, #tpu.memory_space<hbm>>
    %dma_wait3A_656 = arith.constant 0 : i32
    %dma_wait3A_657 = tpu.memref_slice %arg2[%add3A_653, %dma_wait3A_656] : memref<16384x2048xf32, #tpu.memory_space<hbm>> -> memref<16x2048xf32, #tpu.memory_space<hbm>>
    tpu.wait_dma2 semaphore(%arg14 : memref<!tpu.dma_semaphore, #tpu.memory_space<semaphore_mem>>) src(%dma_wait3A_657 : memref<16x2048xf32, #tpu.memory_space<hbm>>) dst(%arg8 : memref<16x2048xf32, #tpu.memory_space<vmem>>)
    %add3A_658 = arith.constant 112 : i32
    %add3A_659 = arith.addi %mul3A_2, %add3A_658 : i32
    %sub3A_660 = vector.broadcast %add3A_659 : i32 to vector<16xi32>
    %sub3A_661 = arith.subi %add3A_23, %sub3A_660 : vector<16xi32>
    %ge3A_662 = arith.constant 0 : i32
    %ge3A_663 = vector.broadcast %ge3A_662 : i32 to vector<16xi32>
    %ge3A_664 = arith.cmpi sge, %sub3A_661, %ge3A_663 : vector<16xi32>
    %lt3A_665 = arith.constant 16 : i32
    %lt3A_666 = vector.broadcast %lt3A_665 : i32 to vector<16xi32>
    %lt3A_667 = arith.cmpi slt, %sub3A_661, %lt3A_666 : vector<16xi32>
    %and3A_668 = arith.andi %ge3A_664, %lt3A_667 : vector<16xi1>
    %jit3A_669 = arith.constant 0 : i32
    %jit3A_670 = arith.constant 15 : i32
    %max3A_671 = vector.broadcast %jit3A_669 : i32 to vector<16xi32>
    %max3A_672 = arith.maxsi %max3A_671, %sub3A_661 : vector<16xi32>
    %min3A_673 = vector.broadcast %jit3A_670 : i32 to vector<16xi32>
    %min3A_674 = arith.minsi %min3A_673, %max3A_672 : vector<16xi32>
    tpu.vector_store_idx %arg8[%min3A_674, %get3A_43], %gather3A masked %and3A_668 {add = true} : memref<16x2048xf32, #tpu.memory_space<vmem>>[vector<16xi32>, vector<16xi32>], vector<16xf32>, vector<16xi1>
    %sub3A_675 = vector.broadcast %add3A_659 : i32 to vector<16xi32>
    %sub3A_676 = arith.subi %add3A_29, %sub3A_675 : vector<16xi32>
    %ge3A_677 = arith.constant 0 : i32
    %ge3A_678 = vector.broadcast %ge3A_677 : i32 to vector<16xi32>
    %ge3A_679 = arith.cmpi sge, %sub3A_676, %ge3A_678 : vector<16xi32>
    %lt3A_680 = arith.constant 16 : i32
    %lt3A_681 = vector.broadcast %lt3A_680 : i32 to vector<16xi32>
    %lt3A_682 = arith.cmpi slt, %sub3A_676, %lt3A_681 : vector<16xi32>
    %and3A_683 = arith.andi %ge3A_679, %lt3A_682 : vector<16xi1>
    %jit3A_684 = arith.constant 0 : i32
    %jit3A_685 = arith.constant 15 : i32
    %max3A_686 = vector.broadcast %jit3A_684 : i32 to vector<16xi32>
    %max3A_687 = arith.maxsi %max3A_686, %sub3A_676 : vector<16xi32>
    %min3A_688 = vector.broadcast %jit3A_685 : i32 to vector<16xi32>
    %min3A_689 = arith.minsi %min3A_688, %max3A_687 : vector<16xi32>
    tpu.vector_store_idx %arg8[%min3A_689, %get3A_45], %gather3A masked %and3A_683 {add = true} : memref<16x2048xf32, #tpu.memory_space<vmem>>[vector<16xi32>, vector<16xi32>], vector<16xf32>, vector<16xi1>
    %sub3A_690 = vector.broadcast %add3A_659 : i32 to vector<16xi32>
    %sub3A_691 = arith.subi %add3A_35, %sub3A_690 : vector<16xi32>
    %ge3A_692 = arith.constant 0 : i32
    %ge3A_693 = vector.broadcast %ge3A_692 : i32 to vector<16xi32>
    %ge3A_694 = arith.cmpi sge, %sub3A_691, %ge3A_693 : vector<16xi32>
    %lt3A_695 = arith.constant 16 : i32
    %lt3A_696 = vector.broadcast %lt3A_695 : i32 to vector<16xi32>
    %lt3A_697 = arith.cmpi slt, %sub3A_691, %lt3A_696 : vector<16xi32>
    %and3A_698 = arith.andi %ge3A_694, %lt3A_697 : vector<16xi1>
    %jit3A_699 = arith.constant 0 : i32
    %jit3A_700 = arith.constant 15 : i32
    %max3A_701 = vector.broadcast %jit3A_699 : i32 to vector<16xi32>
    %max3A_702 = arith.maxsi %max3A_701, %sub3A_691 : vector<16xi32>
    %min3A_703 = vector.broadcast %jit3A_700 : i32 to vector<16xi32>
    %min3A_704 = arith.minsi %min3A_703, %max3A_702 : vector<16xi32>
    tpu.vector_store_idx %arg8[%min3A_704, %get3A_47], %gather3A masked %and3A_698 {add = true} : memref<16x2048xf32, #tpu.memory_space<vmem>>[vector<16xi32>, vector<16xi32>], vector<16xf32>, vector<16xi1>
    %sub3A_705 = vector.broadcast %add3A_659 : i32 to vector<16xi32>
    %sub3A_706 = arith.subi %add3A_41, %sub3A_705 : vector<16xi32>
    %ge3A_707 = arith.constant 0 : i32
    %ge3A_708 = vector.broadcast %ge3A_707 : i32 to vector<16xi32>
    %ge3A_709 = arith.cmpi sge, %sub3A_706, %ge3A_708 : vector<16xi32>
    %lt3A_710 = arith.constant 16 : i32
    %lt3A_711 = vector.broadcast %lt3A_710 : i32 to vector<16xi32>
    %lt3A_712 = arith.cmpi slt, %sub3A_706, %lt3A_711 : vector<16xi32>
    %and3A_713 = arith.andi %ge3A_709, %lt3A_712 : vector<16xi1>
    %jit3A_714 = arith.constant 0 : i32
    %jit3A_715 = arith.constant 15 : i32
    %max3A_716 = vector.broadcast %jit3A_714 : i32 to vector<16xi32>
    %max3A_717 = arith.maxsi %max3A_716, %sub3A_706 : vector<16xi32>
    %min3A_718 = vector.broadcast %jit3A_715 : i32 to vector<16xi32>
    %min3A_719 = arith.minsi %min3A_718, %max3A_717 : vector<16xi32>
    tpu.vector_store_idx %arg8[%min3A_719, %get3A_49], %gather3A masked %and3A_713 {add = true} : memref<16x2048xf32, #tpu.memory_space<vmem>>[vector<16xi32>, vector<16xi32>], vector<16xf32>, vector<16xi1>
    %add3A_720 = arith.constant 112 : i32
    %add3A_721 = arith.addi %mul3A_2, %add3A_720 : i32
    %dma_start3A_722 = arith.constant 0 : i32
    %dma_start3A_723 = tpu.memref_slice %arg6[%add3A_721, %dma_start3A_722] : memref<16384x2048xf32, #tpu.memory_space<hbm>> -> memref<16x2048xf32, #tpu.memory_space<hbm>>
    %dma_start3A_724 = arith.constant 0 : i32
    %dma_start3A_725 = tpu.memref_slice %arg6[%add3A_721, %dma_start3A_724] : memref<16384x2048xf32, #tpu.memory_space<hbm>> -> memref<16x2048xf32, #tpu.memory_space<hbm>>
    tpu.enqueue_dma source(%arg8 : memref<16x2048xf32, #tpu.memory_space<vmem>>) target(%dma_start3A_725 : memref<16x2048xf32, #tpu.memory_space<hbm>>) target_semaphore(%arg17 : memref<!tpu.dma_semaphore, #tpu.memory_space<semaphore_mem>>)
    %add3A_726 = arith.constant 96 : i32
    %add3A_727 = arith.addi %mul3A_2, %add3A_726 : i32
    %dma_wait3A_728 = arith.constant 0 : i32
    %dma_wait3A_729 = tpu.memref_slice %arg6[%add3A_727, %dma_wait3A_728] : memref<16384x2048xf32, #tpu.memory_space<hbm>> -> memref<16x2048xf32, #tpu.memory_space<hbm>>
    %dma_wait3A_730 = arith.constant 0 : i32
    %dma_wait3A_731 = tpu.memref_slice %arg6[%add3A_727, %dma_wait3A_730] : memref<16384x2048xf32, #tpu.memory_space<hbm>> -> memref<16x2048xf32, #tpu.memory_space<hbm>>
    tpu.wait_dma2 semaphore(%arg16 : memref<!tpu.dma_semaphore, #tpu.memory_space<semaphore_mem>>) src(%arg7 : memref<16x2048xf32, #tpu.memory_space<vmem>>) dst(%dma_wait3A_731 : memref<16x2048xf32, #tpu.memory_space<hbm>>)
    %add3A_732 = arith.constant 144 : i32
    %add3A_733 = arith.addi %mul3A_2, %add3A_732 : i32
    %dma_start3A_734 = arith.constant 0 : i32
    %dma_start3A_735 = tpu.memref_slice %arg2[%add3A_733, %dma_start3A_734] : memref<16384x2048xf32, #tpu.memory_space<hbm>> -> memref<16x2048xf32, #tpu.memory_space<hbm>>
    %dma_start3A_736 = arith.constant 0 : i32
    %dma_start3A_737 = tpu.memref_slice %arg2[%add3A_733, %dma_start3A_736] : memref<16384x2048xf32, #tpu.memory_space<hbm>> -> memref<16x2048xf32, #tpu.memory_space<hbm>>
    tpu.enqueue_dma source(%dma_start3A_737 : memref<16x2048xf32, #tpu.memory_space<hbm>>) target(%arg7 : memref<16x2048xf32, #tpu.memory_space<vmem>>) target_semaphore(%arg13 : memref<!tpu.dma_semaphore, #tpu.memory_space<semaphore_mem>>)
    %add3A_738 = arith.constant 128 : i32
    %add3A_739 = arith.addi %mul3A_2, %add3A_738 : i32
    %dma_wait3A_740 = arith.constant 0 : i32
    %dma_wait3A_741 = tpu.memref_slice %arg2[%add3A_739, %dma_wait3A_740] : memref<16384x2048xf32, #tpu.memory_space<hbm>> -> memref<16x2048xf32, #tpu.memory_space<hbm>>
    %dma_wait3A_742 = arith.constant 0 : i32
    %dma_wait3A_743 = tpu.memref_slice %arg2[%add3A_739, %dma_wait3A_742] : memref<16384x2048xf32, #tpu.memory_space<hbm>> -> memref<16x2048xf32, #tpu.memory_space<hbm>>
    tpu.wait_dma2 semaphore(%arg15 : memref<!tpu.dma_semaphore, #tpu.memory_space<semaphore_mem>>) src(%dma_wait3A_743 : memref<16x2048xf32, #tpu.memory_space<hbm>>) dst(%arg9 : memref<16x2048xf32, #tpu.memory_space<vmem>>)
    %add3A_744 = arith.constant 128 : i32
    %add3A_745 = arith.addi %mul3A_2, %add3A_744 : i32
    %sub3A_746 = vector.broadcast %add3A_745 : i32 to vector<16xi32>
    %sub3A_747 = arith.subi %add3A_23, %sub3A_746 : vector<16xi32>
    %ge3A_748 = arith.constant 0 : i32
    %ge3A_749 = vector.broadcast %ge3A_748 : i32 to vector<16xi32>
    %ge3A_750 = arith.cmpi sge, %sub3A_747, %ge3A_749 : vector<16xi32>
    %lt3A_751 = arith.constant 16 : i32
    %lt3A_752 = vector.broadcast %lt3A_751 : i32 to vector<16xi32>
    %lt3A_753 = arith.cmpi slt, %sub3A_747, %lt3A_752 : vector<16xi32>
    %and3A_754 = arith.andi %ge3A_750, %lt3A_753 : vector<16xi1>
    %jit3A_755 = arith.constant 0 : i32
    %jit3A_756 = arith.constant 15 : i32
    %max3A_757 = vector.broadcast %jit3A_755 : i32 to vector<16xi32>
    %max3A_758 = arith.maxsi %max3A_757, %sub3A_747 : vector<16xi32>
    %min3A_759 = vector.broadcast %jit3A_756 : i32 to vector<16xi32>
    %min3A_760 = arith.minsi %min3A_759, %max3A_758 : vector<16xi32>
    tpu.vector_store_idx %arg9[%min3A_760, %get3A_43], %gather3A masked %and3A_754 {add = true} : memref<16x2048xf32, #tpu.memory_space<vmem>>[vector<16xi32>, vector<16xi32>], vector<16xf32>, vector<16xi1>
    %sub3A_761 = vector.broadcast %add3A_745 : i32 to vector<16xi32>
    %sub3A_762 = arith.subi %add3A_29, %sub3A_761 : vector<16xi32>
    %ge3A_763 = arith.constant 0 : i32
    %ge3A_764 = vector.broadcast %ge3A_763 : i32 to vector<16xi32>
    %ge3A_765 = arith.cmpi sge, %sub3A_762, %ge3A_764 : vector<16xi32>
    %lt3A_766 = arith.constant 16 : i32
    %lt3A_767 = vector.broadcast %lt3A_766 : i32 to vector<16xi32>
    %lt3A_768 = arith.cmpi slt, %sub3A_762, %lt3A_767 : vector<16xi32>
    %and3A_769 = arith.andi %ge3A_765, %lt3A_768 : vector<16xi1>
    %jit3A_770 = arith.constant 0 : i32
    %jit3A_771 = arith.constant 15 : i32
    %max3A_772 = vector.broadcast %jit3A_770 : i32 to vector<16xi32>
    %max3A_773 = arith.maxsi %max3A_772, %sub3A_762 : vector<16xi32>
    %min3A_774 = vector.broadcast %jit3A_771 : i32 to vector<16xi32>
    %min3A_775 = arith.minsi %min3A_774, %max3A_773 : vector<16xi32>
    tpu.vector_store_idx %arg9[%min3A_775, %get3A_45], %gather3A masked %and3A_769 {add = true} : memref<16x2048xf32, #tpu.memory_space<vmem>>[vector<16xi32>, vector<16xi32>], vector<16xf32>, vector<16xi1>
    %sub3A_776 = vector.broadcast %add3A_745 : i32 to vector<16xi32>
    %sub3A_777 = arith.subi %add3A_35, %sub3A_776 : vector<16xi32>
    %ge3A_778 = arith.constant 0 : i32
    %ge3A_779 = vector.broadcast %ge3A_778 : i32 to vector<16xi32>
    %ge3A_780 = arith.cmpi sge, %sub3A_777, %ge3A_779 : vector<16xi32>
    %lt3A_781 = arith.constant 16 : i32
    %lt3A_782 = vector.broadcast %lt3A_781 : i32 to vector<16xi32>
    %lt3A_783 = arith.cmpi slt, %sub3A_777, %lt3A_782 : vector<16xi32>
    %and3A_784 = arith.andi %ge3A_780, %lt3A_783 : vector<16xi1>
    %jit3A_785 = arith.constant 0 : i32
    %jit3A_786 = arith.constant 15 : i32
    %max3A_787 = vector.broadcast %jit3A_785 : i32 to vector<16xi32>
    %max3A_788 = arith.maxsi %max3A_787, %sub3A_777 : vector<16xi32>
    %min3A_789 = vector.broadcast %jit3A_786 : i32 to vector<16xi32>
    %min3A_790 = arith.minsi %min3A_789, %max3A_788 : vector<16xi32>
    tpu.vector_store_idx %arg9[%min3A_790, %get3A_47], %gather3A masked %and3A_784 {add = true} : memref<16x2048xf32, #tpu.memory_space<vmem>>[vector<16xi32>, vector<16xi32>], vector<16xf32>, vector<16xi1>
    %sub3A_791 = vector.broadcast %add3A_745 : i32 to vector<16xi32>
    %sub3A_792 = arith.subi %add3A_41, %sub3A_791 : vector<16xi32>
    %ge3A_793 = arith.constant 0 : i32
    %ge3A_794 = vector.broadcast %ge3A_793 : i32 to vector<16xi32>
    %ge3A_795 = arith.cmpi sge, %sub3A_792, %ge3A_794 : vector<16xi32>
    %lt3A_796 = arith.constant 16 : i32
    %lt3A_797 = vector.broadcast %lt3A_796 : i32 to vector<16xi32>
    %lt3A_798 = arith.cmpi slt, %sub3A_792, %lt3A_797 : vector<16xi32>
    %and3A_799 = arith.andi %ge3A_795, %lt3A_798 : vector<16xi1>
    %jit3A_800 = arith.constant 0 : i32
    %jit3A_801 = arith.constant 15 : i32
    %max3A_802 = vector.broadcast %jit3A_800 : i32 to vector<16xi32>
    %max3A_803 = arith.maxsi %max3A_802, %sub3A_792 : vector<16xi32>
    %min3A_804 = vector.broadcast %jit3A_801 : i32 to vector<16xi32>
    %min3A_805 = arith.minsi %min3A_804, %max3A_803 : vector<16xi32>
    tpu.vector_store_idx %arg9[%min3A_805, %get3A_49], %gather3A masked %and3A_799 {add = true} : memref<16x2048xf32, #tpu.memory_space<vmem>>[vector<16xi32>, vector<16xi32>], vector<16xf32>, vector<16xi1>
    %add3A_806 = arith.constant 128 : i32
    %add3A_807 = arith.addi %mul3A_2, %add3A_806 : i32
    %dma_start3A_808 = arith.constant 0 : i32
    %dma_start3A_809 = tpu.memref_slice %arg6[%add3A_807, %dma_start3A_808] : memref<16384x2048xf32, #tpu.memory_space<hbm>> -> memref<16x2048xf32, #tpu.memory_space<hbm>>
    %dma_start3A_810 = arith.constant 0 : i32
    %dma_start3A_811 = tpu.memref_slice %arg6[%add3A_807, %dma_start3A_810] : memref<16384x2048xf32, #tpu.memory_space<hbm>> -> memref<16x2048xf32, #tpu.memory_space<hbm>>
    tpu.enqueue_dma source(%arg9 : memref<16x2048xf32, #tpu.memory_space<vmem>>) target(%dma_start3A_811 : memref<16x2048xf32, #tpu.memory_space<hbm>>) target_semaphore(%arg18 : memref<!tpu.dma_semaphore, #tpu.memory_space<semaphore_mem>>)
    %add3A_812 = arith.constant 112 : i32
    %add3A_813 = arith.addi %mul3A_2, %add3A_812 : i32
    %dma_wait3A_814 = arith.constant 0 : i32
    %dma_wait3A_815 = tpu.memref_slice %arg6[%add3A_813, %dma_wait3A_814] : memref<16384x2048xf32, #tpu.memory_space<hbm>> -> memref<16x2048xf32, #tpu.memory_space<hbm>>
    %dma_wait3A_816 = arith.constant 0 : i32
    %dma_wait3A_817 = tpu.memref_slice %arg6[%add3A_813, %dma_wait3A_816] : memref<16384x2048xf32, #tpu.memory_space<hbm>> -> memref<16x2048xf32, #tpu.memory_space<hbm>>
    tpu.wait_dma2 semaphore(%arg17 : memref<!tpu.dma_semaphore, #tpu.memory_space<semaphore_mem>>) src(%arg8 : memref<16x2048xf32, #tpu.memory_space<vmem>>) dst(%dma_wait3A_817 : memref<16x2048xf32, #tpu.memory_space<hbm>>)
    %add3A_818 = arith.constant 160 : i32
    %add3A_819 = arith.addi %mul3A_2, %add3A_818 : i32
    %dma_start3A_820 = arith.constant 0 : i32
    %dma_start3A_821 = tpu.memref_slice %arg2[%add3A_819, %dma_start3A_820] : memref<16384x2048xf32, #tpu.memory_space<hbm>> -> memref<16x2048xf32, #tpu.memory_space<hbm>>
    %dma_start3A_822 = arith.constant 0 : i32
    %dma_start3A_823 = tpu.memref_slice %arg2[%add3A_819, %dma_start3A_822] : memref<16384x2048xf32, #tpu.memory_space<hbm>> -> memref<16x2048xf32, #tpu.memory_space<hbm>>
    tpu.enqueue_dma source(%dma_start3A_823 : memref<16x2048xf32, #tpu.memory_space<hbm>>) target(%arg8 : memref<16x2048xf32, #tpu.memory_space<vmem>>) target_semaphore(%arg14 : memref<!tpu.dma_semaphore, #tpu.memory_space<semaphore_mem>>)
    %add3A_824 = arith.constant 144 : i32
    %add3A_825 = arith.addi %mul3A_2, %add3A_824 : i32
    %dma_wait3A_826 = arith.constant 0 : i32
    %dma_wait3A_827 = tpu.memref_slice %arg2[%add3A_825, %dma_wait3A_826] : memref<16384x2048xf32, #tpu.memory_space<hbm>> -> memref<16x2048xf32, #tpu.memory_space<hbm>>
    %dma_wait3A_828 = arith.constant 0 : i32
    %dma_wait3A_829 = tpu.memref_slice %arg2[%add3A_825, %dma_wait3A_828] : memref<16384x2048xf32, #tpu.memory_space<hbm>> -> memref<16x2048xf32, #tpu.memory_space<hbm>>
    tpu.wait_dma2 semaphore(%arg13 : memref<!tpu.dma_semaphore, #tpu.memory_space<semaphore_mem>>) src(%dma_wait3A_829 : memref<16x2048xf32, #tpu.memory_space<hbm>>) dst(%arg7 : memref<16x2048xf32, #tpu.memory_space<vmem>>)
    %add3A_830 = arith.constant 144 : i32
    %add3A_831 = arith.addi %mul3A_2, %add3A_830 : i32
    %sub3A_832 = vector.broadcast %add3A_831 : i32 to vector<16xi32>
    %sub3A_833 = arith.subi %add3A_23, %sub3A_832 : vector<16xi32>
    %ge3A_834 = arith.constant 0 : i32
    %ge3A_835 = vector.broadcast %ge3A_834 : i32 to vector<16xi32>
    %ge3A_836 = arith.cmpi sge, %sub3A_833, %ge3A_835 : vector<16xi32>
    %lt3A_837 = arith.constant 16 : i32
    %lt3A_838 = vector.broadcast %lt3A_837 : i32 to vector<16xi32>
    %lt3A_839 = arith.cmpi slt, %sub3A_833, %lt3A_838 : vector<16xi32>
    %and3A_840 = arith.andi %ge3A_836, %lt3A_839 : vector<16xi1>
    %jit3A_841 = arith.constant 0 : i32
    %jit3A_842 = arith.constant 15 : i32
    %max3A_843 = vector.broadcast %jit3A_841 : i32 to vector<16xi32>
    %max3A_844 = arith.maxsi %max3A_843, %sub3A_833 : vector<16xi32>
    %min3A_845 = vector.broadcast %jit3A_842 : i32 to vector<16xi32>
    %min3A_846 = arith.minsi %min3A_845, %max3A_844 : vector<16xi32>
    tpu.vector_store_idx %arg7[%min3A_846, %get3A_43], %gather3A masked %and3A_840 {add = true} : memref<16x2048xf32, #tpu.memory_space<vmem>>[vector<16xi32>, vector<16xi32>], vector<16xf32>, vector<16xi1>
    %sub3A_847 = vector.broadcast %add3A_831 : i32 to vector<16xi32>
    %sub3A_848 = arith.subi %add3A_29, %sub3A_847 : vector<16xi32>
    %ge3A_849 = arith.constant 0 : i32
    %ge3A_850 = vector.broadcast %ge3A_849 : i32 to vector<16xi32>
    %ge3A_851 = arith.cmpi sge, %sub3A_848, %ge3A_850 : vector<16xi32>
    %lt3A_852 = arith.constant 16 : i32
    %lt3A_853 = vector.broadcast %lt3A_852 : i32 to vector<16xi32>
    %lt3A_854 = arith.cmpi slt, %sub3A_848, %lt3A_853 : vector<16xi32>
    %and3A_855 = arith.andi %ge3A_851, %lt3A_854 : vector<16xi1>
    %jit3A_856 = arith.constant 0 : i32
    %jit3A_857 = arith.constant 15 : i32
    %max3A_858 = vector.broadcast %jit3A_856 : i32 to vector<16xi32>
    %max3A_859 = arith.maxsi %max3A_858, %sub3A_848 : vector<16xi32>
    %min3A_860 = vector.broadcast %jit3A_857 : i32 to vector<16xi32>
    %min3A_861 = arith.minsi %min3A_860, %max3A_859 : vector<16xi32>
    tpu.vector_store_idx %arg7[%min3A_861, %get3A_45], %gather3A masked %and3A_855 {add = true} : memref<16x2048xf32, #tpu.memory_space<vmem>>[vector<16xi32>, vector<16xi32>], vector<16xf32>, vector<16xi1>
    %sub3A_862 = vector.broadcast %add3A_831 : i32 to vector<16xi32>
    %sub3A_863 = arith.subi %add3A_35, %sub3A_862 : vector<16xi32>
    %ge3A_864 = arith.constant 0 : i32
    %ge3A_865 = vector.broadcast %ge3A_864 : i32 to vector<16xi32>
    %ge3A_866 = arith.cmpi sge, %sub3A_863, %ge3A_865 : vector<16xi32>
    %lt3A_867 = arith.constant 16 : i32
    %lt3A_868 = vector.broadcast %lt3A_867 : i32 to vector<16xi32>
    %lt3A_869 = arith.cmpi slt, %sub3A_863, %lt3A_868 : vector<16xi32>
    %and3A_870 = arith.andi %ge3A_866, %lt3A_869 : vector<16xi1>
    %jit3A_871 = arith.constant 0 : i32
    %jit3A_872 = arith.constant 15 : i32
    %max3A_873 = vector.broadcast %jit3A_871 : i32 to vector<16xi32>
    %max3A_874 = arith.maxsi %max3A_873, %sub3A_863 : vector<16xi32>
    %min3A_875 = vector.broadcast %jit3A_872 : i32 to vector<16xi32>
    %min3A_876 = arith.minsi %min3A_875, %max3A_874 : vector<16xi32>
    tpu.vector_store_idx %arg7[%min3A_876, %get3A_47], %gather3A masked %and3A_870 {add = true} : memref<16x2048xf32, #tpu.memory_space<vmem>>[vector<16xi32>, vector<16xi32>], vector<16xf32>, vector<16xi1>
    %sub3A_877 = vector.broadcast %add3A_831 : i32 to vector<16xi32>
    %sub3A_878 = arith.subi %add3A_41, %sub3A_877 : vector<16xi32>
    %ge3A_879 = arith.constant 0 : i32
    %ge3A_880 = vector.broadcast %ge3A_879 : i32 to vector<16xi32>
    %ge3A_881 = arith.cmpi sge, %sub3A_878, %ge3A_880 : vector<16xi32>
    %lt3A_882 = arith.constant 16 : i32
    %lt3A_883 = vector.broadcast %lt3A_882 : i32 to vector<16xi32>
    %lt3A_884 = arith.cmpi slt, %sub3A_878, %lt3A_883 : vector<16xi32>
    %and3A_885 = arith.andi %ge3A_881, %lt3A_884 : vector<16xi1>
    %jit3A_886 = arith.constant 0 : i32
    %jit3A_887 = arith.constant 15 : i32
    %max3A_888 = vector.broadcast %jit3A_886 : i32 to vector<16xi32>
    %max3A_889 = arith.maxsi %max3A_888, %sub3A_878 : vector<16xi32>
    %min3A_890 = vector.broadcast %jit3A_887 : i32 to vector<16xi32>
    %min3A_891 = arith.minsi %min3A_890, %max3A_889 : vector<16xi32>
    tpu.vector_store_idx %arg7[%min3A_891, %get3A_49], %gather3A masked %and3A_885 {add = true} : memref<16x2048xf32, #tpu.memory_space<vmem>>[vector<16xi32>, vector<16xi32>], vector<16xf32>, vector<16xi1>
    %add3A_892 = arith.constant 144 : i32
    %add3A_893 = arith.addi %mul3A_2, %add3A_892 : i32
    %dma_start3A_894 = arith.constant 0 : i32
    %dma_start3A_895 = tpu.memref_slice %arg6[%add3A_893, %dma_start3A_894] : memref<16384x2048xf32, #tpu.memory_space<hbm>> -> memref<16x2048xf32, #tpu.memory_space<hbm>>
    %dma_start3A_896 = arith.constant 0 : i32
    %dma_start3A_897 = tpu.memref_slice %arg6[%add3A_893, %dma_start3A_896] : memref<16384x2048xf32, #tpu.memory_space<hbm>> -> memref<16x2048xf32, #tpu.memory_space<hbm>>
    tpu.enqueue_dma source(%arg7 : memref<16x2048xf32, #tpu.memory_space<vmem>>) target(%dma_start3A_897 : memref<16x2048xf32, #tpu.memory_space<hbm>>) target_semaphore(%arg16 : memref<!tpu.dma_semaphore, #tpu.memory_space<semaphore_mem>>)
    %add3A_898 = arith.constant 128 : i32
    %add3A_899 = arith.addi %mul3A_2, %add3A_898 : i32
    %dma_wait3A_900 = arith.constant 0 : i32
    %dma_wait3A_901 = tpu.memref_slice %arg6[%add3A_899, %dma_wait3A_900] : memref<16384x2048xf32, #tpu.memory_space<hbm>> -> memref<16x2048xf32, #tpu.memory_space<hbm>>
    %dma_wait3A_902 = arith.constant 0 : i32
    %dma_wait3A_903 = tpu.memref_slice %arg6[%add3A_899, %dma_wait3A_902] : memref<16384x2048xf32, #tpu.memory_space<hbm>> -> memref<16x2048xf32, #tpu.memory_space<hbm>>
    tpu.wait_dma2 semaphore(%arg18 : memref<!tpu.dma_semaphore, #tpu.memory_space<semaphore_mem>>) src(%arg9 : memref<16x2048xf32, #tpu.memory_space<vmem>>) dst(%dma_wait3A_903 : memref<16x2048xf32, #tpu.memory_space<hbm>>)
    %add3A_904 = arith.constant 176 : i32
    %add3A_905 = arith.addi %mul3A_2, %add3A_904 : i32
    %dma_start3A_906 = arith.constant 0 : i32
    %dma_start3A_907 = tpu.memref_slice %arg2[%add3A_905, %dma_start3A_906] : memref<16384x2048xf32, #tpu.memory_space<hbm>> -> memref<16x2048xf32, #tpu.memory_space<hbm>>
    %dma_start3A_908 = arith.constant 0 : i32
    %dma_start3A_909 = tpu.memref_slice %arg2[%add3A_905, %dma_start3A_908] : memref<16384x2048xf32, #tpu.memory_space<hbm>> -> memref<16x2048xf32, #tpu.memory_space<hbm>>
    tpu.enqueue_dma source(%dma_start3A_909 : memref<16x2048xf32, #tpu.memory_space<hbm>>) target(%arg9 : memref<16x2048xf32, #tpu.memory_space<vmem>>) target_semaphore(%arg15 : memref<!tpu.dma_semaphore, #tpu.memory_space<semaphore_mem>>)
    %add3A_910 = arith.constant 160 : i32
    %add3A_911 = arith.addi %mul3A_2, %add3A_910 : i32
    %dma_wait3A_912 = arith.constant 0 : i32
    %dma_wait3A_913 = tpu.memref_slice %arg2[%add3A_911, %dma_wait3A_912] : memref<16384x2048xf32, #tpu.memory_space<hbm>> -> memref<16x2048xf32, #tpu.memory_space<hbm>>
    %dma_wait3A_914 = arith.constant 0 : i32
    %dma_wait3A_915 = tpu.memref_slice %arg2[%add3A_911, %dma_wait3A_914] : memref<16384x2048xf32, #tpu.memory_space<hbm>> -> memref<16x2048xf32, #tpu.memory_space<hbm>>
    tpu.wait_dma2 semaphore(%arg14 : memref<!tpu.dma_semaphore, #tpu.memory_space<semaphore_mem>>) src(%dma_wait3A_915 : memref<16x2048xf32, #tpu.memory_space<hbm>>) dst(%arg8 : memref<16x2048xf32, #tpu.memory_space<vmem>>)
    %add3A_916 = arith.constant 160 : i32
    %add3A_917 = arith.addi %mul3A_2, %add3A_916 : i32
    %sub3A_918 = vector.broadcast %add3A_917 : i32 to vector<16xi32>
    %sub3A_919 = arith.subi %add3A_23, %sub3A_918 : vector<16xi32>
    %ge3A_920 = arith.constant 0 : i32
    %ge3A_921 = vector.broadcast %ge3A_920 : i32 to vector<16xi32>
    %ge3A_922 = arith.cmpi sge, %sub3A_919, %ge3A_921 : vector<16xi32>
    %lt3A_923 = arith.constant 16 : i32
    %lt3A_924 = vector.broadcast %lt3A_923 : i32 to vector<16xi32>
    %lt3A_925 = arith.cmpi slt, %sub3A_919, %lt3A_924 : vector<16xi32>
    %and3A_926 = arith.andi %ge3A_922, %lt3A_925 : vector<16xi1>
    %jit3A_927 = arith.constant 0 : i32
    %jit3A_928 = arith.constant 15 : i32
    %max3A_929 = vector.broadcast %jit3A_927 : i32 to vector<16xi32>
    %max3A_930 = arith.maxsi %max3A_929, %sub3A_919 : vector<16xi32>
    %min3A_931 = vector.broadcast %jit3A_928 : i32 to vector<16xi32>
    %min3A_932 = arith.minsi %min3A_931, %max3A_930 : vector<16xi32>
    tpu.vector_store_idx %arg8[%min3A_932, %get3A_43], %gather3A masked %and3A_926 {add = true} : memref<16x2048xf32, #tpu.memory_space<vmem>>[vector<16xi32>, vector<16xi32>], vector<16xf32>, vector<16xi1>
    %sub3A_933 = vector.broadcast %add3A_917 : i32 to vector<16xi32>
    %sub3A_934 = arith.subi %add3A_29, %sub3A_933 : vector<16xi32>
    %ge3A_935 = arith.constant 0 : i32
    %ge3A_936 = vector.broadcast %ge3A_935 : i32 to vector<16xi32>
    %ge3A_937 = arith.cmpi sge, %sub3A_934, %ge3A_936 : vector<16xi32>
    %lt3A_938 = arith.constant 16 : i32
    %lt3A_939 = vector.broadcast %lt3A_938 : i32 to vector<16xi32>
    %lt3A_940 = arith.cmpi slt, %sub3A_934, %lt3A_939 : vector<16xi32>
    %and3A_941 = arith.andi %ge3A_937, %lt3A_940 : vector<16xi1>
    %jit3A_942 = arith.constant 0 : i32
    %jit3A_943 = arith.constant 15 : i32
    %max3A_944 = vector.broadcast %jit3A_942 : i32 to vector<16xi32>
    %max3A_945 = arith.maxsi %max3A_944, %sub3A_934 : vector<16xi32>
    %min3A_946 = vector.broadcast %jit3A_943 : i32 to vector<16xi32>
    %min3A_947 = arith.minsi %min3A_946, %max3A_945 : vector<16xi32>
    tpu.vector_store_idx %arg8[%min3A_947, %get3A_45], %gather3A masked %and3A_941 {add = true} : memref<16x2048xf32, #tpu.memory_space<vmem>>[vector<16xi32>, vector<16xi32>], vector<16xf32>, vector<16xi1>
    %sub3A_948 = vector.broadcast %add3A_917 : i32 to vector<16xi32>
    %sub3A_949 = arith.subi %add3A_35, %sub3A_948 : vector<16xi32>
    %ge3A_950 = arith.constant 0 : i32
    %ge3A_951 = vector.broadcast %ge3A_950 : i32 to vector<16xi32>
    %ge3A_952 = arith.cmpi sge, %sub3A_949, %ge3A_951 : vector<16xi32>
    %lt3A_953 = arith.constant 16 : i32
    %lt3A_954 = vector.broadcast %lt3A_953 : i32 to vector<16xi32>
    %lt3A_955 = arith.cmpi slt, %sub3A_949, %lt3A_954 : vector<16xi32>
    %and3A_956 = arith.andi %ge3A_952, %lt3A_955 : vector<16xi1>
    %jit3A_957 = arith.constant 0 : i32
    %jit3A_958 = arith.constant 15 : i32
    %max3A_959 = vector.broadcast %jit3A_957 : i32 to vector<16xi32>
    %max3A_960 = arith.maxsi %max3A_959, %sub3A_949 : vector<16xi32>
    %min3A_961 = vector.broadcast %jit3A_958 : i32 to vector<16xi32>
    %min3A_962 = arith.minsi %min3A_961, %max3A_960 : vector<16xi32>
    tpu.vector_store_idx %arg8[%min3A_962, %get3A_47], %gather3A masked %and3A_956 {add = true} : memref<16x2048xf32, #tpu.memory_space<vmem>>[vector<16xi32>, vector<16xi32>], vector<16xf32>, vector<16xi1>
    %sub3A_963 = vector.broadcast %add3A_917 : i32 to vector<16xi32>
    %sub3A_964 = arith.subi %add3A_41, %sub3A_963 : vector<16xi32>
    %ge3A_965 = arith.constant 0 : i32
    %ge3A_966 = vector.broadcast %ge3A_965 : i32 to vector<16xi32>
    %ge3A_967 = arith.cmpi sge, %sub3A_964, %ge3A_966 : vector<16xi32>
    %lt3A_968 = arith.constant 16 : i32
    %lt3A_969 = vector.broadcast %lt3A_968 : i32 to vector<16xi32>
    %lt3A_970 = arith.cmpi slt, %sub3A_964, %lt3A_969 : vector<16xi32>
    %and3A_971 = arith.andi %ge3A_967, %lt3A_970 : vector<16xi1>
    %jit3A_972 = arith.constant 0 : i32
    %jit3A_973 = arith.constant 15 : i32
    %max3A_974 = vector.broadcast %jit3A_972 : i32 to vector<16xi32>
    %max3A_975 = arith.maxsi %max3A_974, %sub3A_964 : vector<16xi32>
    %min3A_976 = vector.broadcast %jit3A_973 : i32 to vector<16xi32>
    %min3A_977 = arith.minsi %min3A_976, %max3A_975 : vector<16xi32>
    tpu.vector_store_idx %arg8[%min3A_977, %get3A_49], %gather3A masked %and3A_971 {add = true} : memref<16x2048xf32, #tpu.memory_space<vmem>>[vector<16xi32>, vector<16xi32>], vector<16xf32>, vector<16xi1>
    %add3A_978 = arith.constant 160 : i32
    %add3A_979 = arith.addi %mul3A_2, %add3A_978 : i32
    %dma_start3A_980 = arith.constant 0 : i32
    %dma_start3A_981 = tpu.memref_slice %arg6[%add3A_979, %dma_start3A_980] : memref<16384x2048xf32, #tpu.memory_space<hbm>> -> memref<16x2048xf32, #tpu.memory_space<hbm>>
    %dma_start3A_982 = arith.constant 0 : i32
    %dma_start3A_983 = tpu.memref_slice %arg6[%add3A_979, %dma_start3A_982] : memref<16384x2048xf32, #tpu.memory_space<hbm>> -> memref<16x2048xf32, #tpu.memory_space<hbm>>
    tpu.enqueue_dma source(%arg8 : memref<16x2048xf32, #tpu.memory_space<vmem>>) target(%dma_start3A_983 : memref<16x2048xf32, #tpu.memory_space<hbm>>) target_semaphore(%arg17 : memref<!tpu.dma_semaphore, #tpu.memory_space<semaphore_mem>>)
    %add3A_984 = arith.constant 144 : i32
    %add3A_985 = arith.addi %mul3A_2, %add3A_984 : i32
    %dma_wait3A_986 = arith.constant 0 : i32
    %dma_wait3A_987 = tpu.memref_slice %arg6[%add3A_985, %dma_wait3A_986] : memref<16384x2048xf32, #tpu.memory_space<hbm>> -> memref<16x2048xf32, #tpu.memory_space<hbm>>
    %dma_wait3A_988 = arith.constant 0 : i32
    %dma_wait3A_989 = tpu.memref_slice %arg6[%add3A_985, %dma_wait3A_988] : memref<16384x2048xf32, #tpu.memory_space<hbm>> -> memref<16x2048xf32, #tpu.memory_space<hbm>>
    tpu.wait_dma2 semaphore(%arg16 : memref<!tpu.dma_semaphore, #tpu.memory_space<semaphore_mem>>) src(%arg7 : memref<16x2048xf32, #tpu.memory_space<vmem>>) dst(%dma_wait3A_989 : memref<16x2048xf32, #tpu.memory_space<hbm>>)
    %add3A_990 = arith.constant 192 : i32
    %add3A_991 = arith.addi %mul3A_2, %add3A_990 : i32
    %dma_start3A_992 = arith.constant 0 : i32
    %dma_start3A_993 = tpu.memref_slice %arg2[%add3A_991, %dma_start3A_992] : memref<16384x2048xf32, #tpu.memory_space<hbm>> -> memref<16x2048xf32, #tpu.memory_space<hbm>>
    %dma_start3A_994 = arith.constant 0 : i32
    %dma_start3A_995 = tpu.memref_slice %arg2[%add3A_991, %dma_start3A_994] : memref<16384x2048xf32, #tpu.memory_space<hbm>> -> memref<16x2048xf32, #tpu.memory_space<hbm>>
    tpu.enqueue_dma source(%dma_start3A_995 : memref<16x2048xf32, #tpu.memory_space<hbm>>) target(%arg7 : memref<16x2048xf32, #tpu.memory_space<vmem>>) target_semaphore(%arg13 : memref<!tpu.dma_semaphore, #tpu.memory_space<semaphore_mem>>)
    %add3A_996 = arith.constant 176 : i32
    %add3A_997 = arith.addi %mul3A_2, %add3A_996 : i32
    %dma_wait3A_998 = arith.constant 0 : i32
    %dma_wait3A_999 = tpu.memref_slice %arg2[%add3A_997, %dma_wait3A_998] : memref<16384x2048xf32, #tpu.memory_space<hbm>> -> memref<16x2048xf32, #tpu.memory_space<hbm>>
    %dma_wait3A_1000 = arith.constant 0 : i32
    %dma_wait3A_1001 = tpu.memref_slice %arg2[%add3A_997, %dma_wait3A_1000] : memref<16384x2048xf32, #tpu.memory_space<hbm>> -> memref<16x2048xf32, #tpu.memory_space<hbm>>
    tpu.wait_dma2 semaphore(%arg15 : memref<!tpu.dma_semaphore, #tpu.memory_space<semaphore_mem>>) src(%dma_wait3A_1001 : memref<16x2048xf32, #tpu.memory_space<hbm>>) dst(%arg9 : memref<16x2048xf32, #tpu.memory_space<vmem>>)
    %add3A_1002 = arith.constant 176 : i32
    %add3A_1003 = arith.addi %mul3A_2, %add3A_1002 : i32
    %sub3A_1004 = vector.broadcast %add3A_1003 : i32 to vector<16xi32>
    %sub3A_1005 = arith.subi %add3A_23, %sub3A_1004 : vector<16xi32>
    %ge3A_1006 = arith.constant 0 : i32
    %ge3A_1007 = vector.broadcast %ge3A_1006 : i32 to vector<16xi32>
    %ge3A_1008 = arith.cmpi sge, %sub3A_1005, %ge3A_1007 : vector<16xi32>
    %lt3A_1009 = arith.constant 16 : i32
    %lt3A_1010 = vector.broadcast %lt3A_1009 : i32 to vector<16xi32>
    %lt3A_1011 = arith.cmpi slt, %sub3A_1005, %lt3A_1010 : vector<16xi32>
    %and3A_1012 = arith.andi %ge3A_1008, %lt3A_1011 : vector<16xi1>
    %jit3A_1013 = arith.constant 0 : i32
    %jit3A_1014 = arith.constant 15 : i32
    %max3A_1015 = vector.broadcast %jit3A_1013 : i32 to vector<16xi32>
    %max3A_1016 = arith.maxsi %max3A_1015, %sub3A_1005 : vector<16xi32>
    %min3A_1017 = vector.broadcast %jit3A_1014 : i32 to vector<16xi32>
    %min3A_1018 = arith.minsi %min3A_1017, %max3A_1016 : vector<16xi32>
    tpu.vector_store_idx %arg9[%min3A_1018, %get3A_43], %gather3A masked %and3A_1012 {add = true} : memref<16x2048xf32, #tpu.memory_space<vmem>>[vector<16xi32>, vector<16xi32>], vector<16xf32>, vector<16xi1>
    %sub3A_1019 = vector.broadcast %add3A_1003 : i32 to vector<16xi32>
    %sub3A_1020 = arith.subi %add3A_29, %sub3A_1019 : vector<16xi32>
    %ge3A_1021 = arith.constant 0 : i32
    %ge3A_1022 = vector.broadcast %ge3A_1021 : i32 to vector<16xi32>
    %ge3A_1023 = arith.cmpi sge, %sub3A_1020, %ge3A_1022 : vector<16xi32>
    %lt3A_1024 = arith.constant 16 : i32
    %lt3A_1025 = vector.broadcast %lt3A_1024 : i32 to vector<16xi32>
    %lt3A_1026 = arith.cmpi slt, %sub3A_1020, %lt3A_1025 : vector<16xi32>
    %and3A_1027 = arith.andi %ge3A_1023, %lt3A_1026 : vector<16xi1>
    %jit3A_1028 = arith.constant 0 : i32
    %jit3A_1029 = arith.constant 15 : i32
    %max3A_1030 = vector.broadcast %jit3A_1028 : i32 to vector<16xi32>
    %max3A_1031 = arith.maxsi %max3A_1030, %sub3A_1020 : vector<16xi32>
    %min3A_1032 = vector.broadcast %jit3A_1029 : i32 to vector<16xi32>
    %min3A_1033 = arith.minsi %min3A_1032, %max3A_1031 : vector<16xi32>
    tpu.vector_store_idx %arg9[%min3A_1033, %get3A_45], %gather3A masked %and3A_1027 {add = true} : memref<16x2048xf32, #tpu.memory_space<vmem>>[vector<16xi32>, vector<16xi32>], vector<16xf32>, vector<16xi1>
    %sub3A_1034 = vector.broadcast %add3A_1003 : i32 to vector<16xi32>
    %sub3A_1035 = arith.subi %add3A_35, %sub3A_1034 : vector<16xi32>
    %ge3A_1036 = arith.constant 0 : i32
    %ge3A_1037 = vector.broadcast %ge3A_1036 : i32 to vector<16xi32>
    %ge3A_1038 = arith.cmpi sge, %sub3A_1035, %ge3A_1037 : vector<16xi32>
    %lt3A_1039 = arith.constant 16 : i32
    %lt3A_1040 = vector.broadcast %lt3A_1039 : i32 to vector<16xi32>
    %lt3A_1041 = arith.cmpi slt, %sub3A_1035, %lt3A_1040 : vector<16xi32>
    %and3A_1042 = arith.andi %ge3A_1038, %lt3A_1041 : vector<16xi1>
    %jit3A_1043 = arith.constant 0 : i32
    %jit3A_1044 = arith.constant 15 : i32
    %max3A_1045 = vector.broadcast %jit3A_1043 : i32 to vector<16xi32>
    %max3A_1046 = arith.maxsi %max3A_1045, %sub3A_1035 : vector<16xi32>
    %min3A_1047 = vector.broadcast %jit3A_1044 : i32 to vector<16xi32>
    %min3A_1048 = arith.minsi %min3A_1047, %max3A_1046 : vector<16xi32>
    tpu.vector_store_idx %arg9[%min3A_1048, %get3A_47], %gather3A masked %and3A_1042 {add = true} : memref<16x2048xf32, #tpu.memory_space<vmem>>[vector<16xi32>, vector<16xi32>], vector<16xf32>, vector<16xi1>
    %sub3A_1049 = vector.broadcast %add3A_1003 : i32 to vector<16xi32>
    %sub3A_1050 = arith.subi %add3A_41, %sub3A_1049 : vector<16xi32>
    %ge3A_1051 = arith.constant 0 : i32
    %ge3A_1052 = vector.broadcast %ge3A_1051 : i32 to vector<16xi32>
    %ge3A_1053 = arith.cmpi sge, %sub3A_1050, %ge3A_1052 : vector<16xi32>
    %lt3A_1054 = arith.constant 16 : i32
    %lt3A_1055 = vector.broadcast %lt3A_1054 : i32 to vector<16xi32>
    %lt3A_1056 = arith.cmpi slt, %sub3A_1050, %lt3A_1055 : vector<16xi32>
    %and3A_1057 = arith.andi %ge3A_1053, %lt3A_1056 : vector<16xi1>
    %jit3A_1058 = arith.constant 0 : i32
    %jit3A_1059 = arith.constant 15 : i32
    %max3A_1060 = vector.broadcast %jit3A_1058 : i32 to vector<16xi32>
    %max3A_1061 = arith.maxsi %max3A_1060, %sub3A_1050 : vector<16xi32>
    %min3A_1062 = vector.broadcast %jit3A_1059 : i32 to vector<16xi32>
    %min3A_1063 = arith.minsi %min3A_1062, %max3A_1061 : vector<16xi32>
    tpu.vector_store_idx %arg9[%min3A_1063, %get3A_49], %gather3A masked %and3A_1057 {add = true} : memref<16x2048xf32, #tpu.memory_space<vmem>>[vector<16xi32>, vector<16xi32>], vector<16xf32>, vector<16xi1>
    %add3A_1064 = arith.constant 176 : i32
    %add3A_1065 = arith.addi %mul3A_2, %add3A_1064 : i32
    %dma_start3A_1066 = arith.constant 0 : i32
    %dma_start3A_1067 = tpu.memref_slice %arg6[%add3A_1065, %dma_start3A_1066] : memref<16384x2048xf32, #tpu.memory_space<hbm>> -> memref<16x2048xf32, #tpu.memory_space<hbm>>
    %dma_start3A_1068 = arith.constant 0 : i32
    %dma_start3A_1069 = tpu.memref_slice %arg6[%add3A_1065, %dma_start3A_1068] : memref<16384x2048xf32, #tpu.memory_space<hbm>> -> memref<16x2048xf32, #tpu.memory_space<hbm>>
    tpu.enqueue_dma source(%arg9 : memref<16x2048xf32, #tpu.memory_space<vmem>>) target(%dma_start3A_1069 : memref<16x2048xf32, #tpu.memory_space<hbm>>) target_semaphore(%arg18 : memref<!tpu.dma_semaphore, #tpu.memory_space<semaphore_mem>>)
    %add3A_1070 = arith.constant 160 : i32
    %add3A_1071 = arith.addi %mul3A_2, %add3A_1070 : i32
    %dma_wait3A_1072 = arith.constant 0 : i32
    %dma_wait3A_1073 = tpu.memref_slice %arg6[%add3A_1071, %dma_wait3A_1072] : memref<16384x2048xf32, #tpu.memory_space<hbm>> -> memref<16x2048xf32, #tpu.memory_space<hbm>>
    %dma_wait3A_1074 = arith.constant 0 : i32
    %dma_wait3A_1075 = tpu.memref_slice %arg6[%add3A_1071, %dma_wait3A_1074] : memref<16384x2048xf32, #tpu.memory_space<hbm>> -> memref<16x2048xf32, #tpu.memory_space<hbm>>
    tpu.wait_dma2 semaphore(%arg17 : memref<!tpu.dma_semaphore, #tpu.memory_space<semaphore_mem>>) src(%arg8 : memref<16x2048xf32, #tpu.memory_space<vmem>>) dst(%dma_wait3A_1075 : memref<16x2048xf32, #tpu.memory_space<hbm>>)
    %add3A_1076 = arith.constant 208 : i32
    %add3A_1077 = arith.addi %mul3A_2, %add3A_1076 : i32
    %dma_start3A_1078 = arith.constant 0 : i32
    %dma_start3A_1079 = tpu.memref_slice %arg2[%add3A_1077, %dma_start3A_1078] : memref<16384x2048xf32, #tpu.memory_space<hbm>> -> memref<16x2048xf32, #tpu.memory_space<hbm>>
    %dma_start3A_1080 = arith.constant 0 : i32
    %dma_start3A_1081 = tpu.memref_slice %arg2[%add3A_1077, %dma_start3A_1080] : memref<16384x2048xf32, #tpu.memory_space<hbm>> -> memref<16x2048xf32, #tpu.memory_space<hbm>>
    tpu.enqueue_dma source(%dma_start3A_1081 : memref<16x2048xf32, #tpu.memory_space<hbm>>) target(%arg8 : memref<16x2048xf32, #tpu.memory_space<vmem>>) target_semaphore(%arg14 : memref<!tpu.dma_semaphore, #tpu.memory_space<semaphore_mem>>)
    %add3A_1082 = arith.constant 192 : i32
    %add3A_1083 = arith.addi %mul3A_2, %add3A_1082 : i32
    %dma_wait3A_1084 = arith.constant 0 : i32
    %dma_wait3A_1085 = tpu.memref_slice %arg2[%add3A_1083, %dma_wait3A_1084] : memref<16384x2048xf32, #tpu.memory_space<hbm>> -> memref<16x2048xf32, #tpu.memory_space<hbm>>
    %dma_wait3A_1086 = arith.constant 0 : i32
    %dma_wait3A_1087 = tpu.memref_slice %arg2[%add3A_1083, %dma_wait3A_1086] : memref<16384x2048xf32, #tpu.memory_space<hbm>> -> memref<16x2048xf32, #tpu.memory_space<hbm>>
    tpu.wait_dma2 semaphore(%arg13 : memref<!tpu.dma_semaphore, #tpu.memory_space<semaphore_mem>>) src(%dma_wait3A_1087 : memref<16x2048xf32, #tpu.memory_space<hbm>>) dst(%arg7 : memref<16x2048xf32, #tpu.memory_space<vmem>>)
    %add3A_1088 = arith.constant 192 : i32
    %add3A_1089 = arith.addi %mul3A_2, %add3A_1088 : i32
    %sub3A_1090 = vector.broadcast %add3A_1089 : i32 to vector<16xi32>
    %sub3A_1091 = arith.subi %add3A_23, %sub3A_1090 : vector<16xi32>
    %ge3A_1092 = arith.constant 0 : i32
    %ge3A_1093 = vector.broadcast %ge3A_1092 : i32 to vector<16xi32>
    %ge3A_1094 = arith.cmpi sge, %sub3A_1091, %ge3A_1093 : vector<16xi32>
    %lt3A_1095 = arith.constant 16 : i32
    %lt3A_1096 = vector.broadcast %lt3A_1095 : i32 to vector<16xi32>
    %lt3A_1097 = arith.cmpi slt, %sub3A_1091, %lt3A_1096 : vector<16xi32>
    %and3A_1098 = arith.andi %ge3A_1094, %lt3A_1097 : vector<16xi1>
    %jit3A_1099 = arith.constant 0 : i32
    %jit3A_1100 = arith.constant 15 : i32
    %max3A_1101 = vector.broadcast %jit3A_1099 : i32 to vector<16xi32>
    %max3A_1102 = arith.maxsi %max3A_1101, %sub3A_1091 : vector<16xi32>
    %min3A_1103 = vector.broadcast %jit3A_1100 : i32 to vector<16xi32>
    %min3A_1104 = arith.minsi %min3A_1103, %max3A_1102 : vector<16xi32>
    tpu.vector_store_idx %arg7[%min3A_1104, %get3A_43], %gather3A masked %and3A_1098 {add = true} : memref<16x2048xf32, #tpu.memory_space<vmem>>[vector<16xi32>, vector<16xi32>], vector<16xf32>, vector<16xi1>
    %sub3A_1105 = vector.broadcast %add3A_1089 : i32 to vector<16xi32>
    %sub3A_1106 = arith.subi %add3A_29, %sub3A_1105 : vector<16xi32>
    %ge3A_1107 = arith.constant 0 : i32
    %ge3A_1108 = vector.broadcast %ge3A_1107 : i32 to vector<16xi32>
    %ge3A_1109 = arith.cmpi sge, %sub3A_1106, %ge3A_1108 : vector<16xi32>
    %lt3A_1110 = arith.constant 16 : i32
    %lt3A_1111 = vector.broadcast %lt3A_1110 : i32 to vector<16xi32>
    %lt3A_1112 = arith.cmpi slt, %sub3A_1106, %lt3A_1111 : vector<16xi32>
    %and3A_1113 = arith.andi %ge3A_1109, %lt3A_1112 : vector<16xi1>
    %jit3A_1114 = arith.constant 0 : i32
    %jit3A_1115 = arith.constant 15 : i32
    %max3A_1116 = vector.broadcast %jit3A_1114 : i32 to vector<16xi32>
    %max3A_1117 = arith.maxsi %max3A_1116, %sub3A_1106 : vector<16xi32>
    %min3A_1118 = vector.broadcast %jit3A_1115 : i32 to vector<16xi32>
    %min3A_1119 = arith.minsi %min3A_1118, %max3A_1117 : vector<16xi32>
    tpu.vector_store_idx %arg7[%min3A_1119, %get3A_45], %gather3A masked %and3A_1113 {add = true} : memref<16x2048xf32, #tpu.memory_space<vmem>>[vector<16xi32>, vector<16xi32>], vector<16xf32>, vector<16xi1>
    %sub3A_1120 = vector.broadcast %add3A_1089 : i32 to vector<16xi32>
    %sub3A_1121 = arith.subi %add3A_35, %sub3A_1120 : vector<16xi32>
    %ge3A_1122 = arith.constant 0 : i32
    %ge3A_1123 = vector.broadcast %ge3A_1122 : i32 to vector<16xi32>
    %ge3A_1124 = arith.cmpi sge, %sub3A_1121, %ge3A_1123 : vector<16xi32>
    %lt3A_1125 = arith.constant 16 : i32
    %lt3A_1126 = vector.broadcast %lt3A_1125 : i32 to vector<16xi32>
    %lt3A_1127 = arith.cmpi slt, %sub3A_1121, %lt3A_1126 : vector<16xi32>
    %and3A_1128 = arith.andi %ge3A_1124, %lt3A_1127 : vector<16xi1>
    %jit3A_1129 = arith.constant 0 : i32
    %jit3A_1130 = arith.constant 15 : i32
    %max3A_1131 = vector.broadcast %jit3A_1129 : i32 to vector<16xi32>
    %max3A_1132 = arith.maxsi %max3A_1131, %sub3A_1121 : vector<16xi32>
    %min3A_1133 = vector.broadcast %jit3A_1130 : i32 to vector<16xi32>
    %min3A_1134 = arith.minsi %min3A_1133, %max3A_1132 : vector<16xi32>
    tpu.vector_store_idx %arg7[%min3A_1134, %get3A_47], %gather3A masked %and3A_1128 {add = true} : memref<16x2048xf32, #tpu.memory_space<vmem>>[vector<16xi32>, vector<16xi32>], vector<16xf32>, vector<16xi1>
    %sub3A_1135 = vector.broadcast %add3A_1089 : i32 to vector<16xi32>
    %sub3A_1136 = arith.subi %add3A_41, %sub3A_1135 : vector<16xi32>
    %ge3A_1137 = arith.constant 0 : i32
    %ge3A_1138 = vector.broadcast %ge3A_1137 : i32 to vector<16xi32>
    %ge3A_1139 = arith.cmpi sge, %sub3A_1136, %ge3A_1138 : vector<16xi32>
    %lt3A_1140 = arith.constant 16 : i32
    %lt3A_1141 = vector.broadcast %lt3A_1140 : i32 to vector<16xi32>
    %lt3A_1142 = arith.cmpi slt, %sub3A_1136, %lt3A_1141 : vector<16xi32>
    %and3A_1143 = arith.andi %ge3A_1139, %lt3A_1142 : vector<16xi1>
    %jit3A_1144 = arith.constant 0 : i32
    %jit3A_1145 = arith.constant 15 : i32
    %max3A_1146 = vector.broadcast %jit3A_1144 : i32 to vector<16xi32>
    %max3A_1147 = arith.maxsi %max3A_1146, %sub3A_1136 : vector<16xi32>
    %min3A_1148 = vector.broadcast %jit3A_1145 : i32 to vector<16xi32>
    %min3A_1149 = arith.minsi %min3A_1148, %max3A_1147 : vector<16xi32>
    tpu.vector_store_idx %arg7[%min3A_1149, %get3A_49], %gather3A masked %and3A_1143 {add = true} : memref<16x2048xf32, #tpu.memory_space<vmem>>[vector<16xi32>, vector<16xi32>], vector<16xf32>, vector<16xi1>
    %add3A_1150 = arith.constant 192 : i32
    %add3A_1151 = arith.addi %mul3A_2, %add3A_1150 : i32
    %dma_start3A_1152 = arith.constant 0 : i32
    %dma_start3A_1153 = tpu.memref_slice %arg6[%add3A_1151, %dma_start3A_1152] : memref<16384x2048xf32, #tpu.memory_space<hbm>> -> memref<16x2048xf32, #tpu.memory_space<hbm>>
    %dma_start3A_1154 = arith.constant 0 : i32
    %dma_start3A_1155 = tpu.memref_slice %arg6[%add3A_1151, %dma_start3A_1154] : memref<16384x2048xf32, #tpu.memory_space<hbm>> -> memref<16x2048xf32, #tpu.memory_space<hbm>>
    tpu.enqueue_dma source(%arg7 : memref<16x2048xf32, #tpu.memory_space<vmem>>) target(%dma_start3A_1155 : memref<16x2048xf32, #tpu.memory_space<hbm>>) target_semaphore(%arg16 : memref<!tpu.dma_semaphore, #tpu.memory_space<semaphore_mem>>)
    %add3A_1156 = arith.constant 176 : i32
    %add3A_1157 = arith.addi %mul3A_2, %add3A_1156 : i32
    %dma_wait3A_1158 = arith.constant 0 : i32
    %dma_wait3A_1159 = tpu.memref_slice %arg6[%add3A_1157, %dma_wait3A_1158] : memref<16384x2048xf32, #tpu.memory_space<hbm>> -> memref<16x2048xf32, #tpu.memory_space<hbm>>
    %dma_wait3A_1160 = arith.constant 0 : i32
    %dma_wait3A_1161 = tpu.memref_slice %arg6[%add3A_1157, %dma_wait3A_1160] : memref<16384x2048xf32, #tpu.memory_space<hbm>> -> memref<16x2048xf32, #tpu.memory_space<hbm>>
    tpu.wait_dma2 semaphore(%arg18 : memref<!tpu.dma_semaphore, #tpu.memory_space<semaphore_mem>>) src(%arg9 : memref<16x2048xf32, #tpu.memory_space<vmem>>) dst(%dma_wait3A_1161 : memref<16x2048xf32, #tpu.memory_space<hbm>>)
    %add3A_1162 = arith.constant 224 : i32
    %add3A_1163 = arith.addi %mul3A_2, %add3A_1162 : i32
    %dma_start3A_1164 = arith.constant 0 : i32
    %dma_start3A_1165 = tpu.memref_slice %arg2[%add3A_1163, %dma_start3A_1164] : memref<16384x2048xf32, #tpu.memory_space<hbm>> -> memref<16x2048xf32, #tpu.memory_space<hbm>>
    %dma_start3A_1166 = arith.constant 0 : i32
    %dma_start3A_1167 = tpu.memref_slice %arg2[%add3A_1163, %dma_start3A_1166] : memref<16384x2048xf32, #tpu.memory_space<hbm>> -> memref<16x2048xf32, #tpu.memory_space<hbm>>
    tpu.enqueue_dma source(%dma_start3A_1167 : memref<16x2048xf32, #tpu.memory_space<hbm>>) target(%arg9 : memref<16x2048xf32, #tpu.memory_space<vmem>>) target_semaphore(%arg15 : memref<!tpu.dma_semaphore, #tpu.memory_space<semaphore_mem>>)
    %add3A_1168 = arith.constant 208 : i32
    %add3A_1169 = arith.addi %mul3A_2, %add3A_1168 : i32
    %dma_wait3A_1170 = arith.constant 0 : i32
    %dma_wait3A_1171 = tpu.memref_slice %arg2[%add3A_1169, %dma_wait3A_1170] : memref<16384x2048xf32, #tpu.memory_space<hbm>> -> memref<16x2048xf32, #tpu.memory_space<hbm>>
    %dma_wait3A_1172 = arith.constant 0 : i32
    %dma_wait3A_1173 = tpu.memref_slice %arg2[%add3A_1169, %dma_wait3A_1172] : memref<16384x2048xf32, #tpu.memory_space<hbm>> -> memref<16x2048xf32, #tpu.memory_space<hbm>>
    tpu.wait_dma2 semaphore(%arg14 : memref<!tpu.dma_semaphore, #tpu.memory_space<semaphore_mem>>) src(%dma_wait3A_1173 : memref<16x2048xf32, #tpu.memory_space<hbm>>) dst(%arg8 : memref<16x2048xf32, #tpu.memory_space<vmem>>)
    %add3A_1174 = arith.constant 208 : i32
    %add3A_1175 = arith.addi %mul3A_2, %add3A_1174 : i32
    %sub3A_1176 = vector.broadcast %add3A_1175 : i32 to vector<16xi32>
    %sub3A_1177 = arith.subi %add3A_23, %sub3A_1176 : vector<16xi32>
    %ge3A_1178 = arith.constant 0 : i32
    %ge3A_1179 = vector.broadcast %ge3A_1178 : i32 to vector<16xi32>
    %ge3A_1180 = arith.cmpi sge, %sub3A_1177, %ge3A_1179 : vector<16xi32>
    %lt3A_1181 = arith.constant 16 : i32
    %lt3A_1182 = vector.broadcast %lt3A_1181 : i32 to vector<16xi32>
    %lt3A_1183 = arith.cmpi slt, %sub3A_1177, %lt3A_1182 : vector<16xi32>
    %and3A_1184 = arith.andi %ge3A_1180, %lt3A_1183 : vector<16xi1>
    %jit3A_1185 = arith.constant 0 : i32
    %jit3A_1186 = arith.constant 15 : i32
    %max3A_1187 = vector.broadcast %jit3A_1185 : i32 to vector<16xi32>
    %max3A_1188 = arith.maxsi %max3A_1187, %sub3A_1177 : vector<16xi32>
    %min3A_1189 = vector.broadcast %jit3A_1186 : i32 to vector<16xi32>
    %min3A_1190 = arith.minsi %min3A_1189, %max3A_1188 : vector<16xi32>
    tpu.vector_store_idx %arg8[%min3A_1190, %get3A_43], %gather3A masked %and3A_1184 {add = true} : memref<16x2048xf32, #tpu.memory_space<vmem>>[vector<16xi32>, vector<16xi32>], vector<16xf32>, vector<16xi1>
    %sub3A_1191 = vector.broadcast %add3A_1175 : i32 to vector<16xi32>
    %sub3A_1192 = arith.subi %add3A_29, %sub3A_1191 : vector<16xi32>
    %ge3A_1193 = arith.constant 0 : i32
    %ge3A_1194 = vector.broadcast %ge3A_1193 : i32 to vector<16xi32>
    %ge3A_1195 = arith.cmpi sge, %sub3A_1192, %ge3A_1194 : vector<16xi32>
    %lt3A_1196 = arith.constant 16 : i32
    %lt3A_1197 = vector.broadcast %lt3A_1196 : i32 to vector<16xi32>
    %lt3A_1198 = arith.cmpi slt, %sub3A_1192, %lt3A_1197 : vector<16xi32>
    %and3A_1199 = arith.andi %ge3A_1195, %lt3A_1198 : vector<16xi1>
    %jit3A_1200 = arith.constant 0 : i32
    %jit3A_1201 = arith.constant 15 : i32
    %max3A_1202 = vector.broadcast %jit3A_1200 : i32 to vector<16xi32>
    %max3A_1203 = arith.maxsi %max3A_1202, %sub3A_1192 : vector<16xi32>
    %min3A_1204 = vector.broadcast %jit3A_1201 : i32 to vector<16xi32>
    %min3A_1205 = arith.minsi %min3A_1204, %max3A_1203 : vector<16xi32>
    tpu.vector_store_idx %arg8[%min3A_1205, %get3A_45], %gather3A masked %and3A_1199 {add = true} : memref<16x2048xf32, #tpu.memory_space<vmem>>[vector<16xi32>, vector<16xi32>], vector<16xf32>, vector<16xi1>
    %sub3A_1206 = vector.broadcast %add3A_1175 : i32 to vector<16xi32>
    %sub3A_1207 = arith.subi %add3A_35, %sub3A_1206 : vector<16xi32>
    %ge3A_1208 = arith.constant 0 : i32
    %ge3A_1209 = vector.broadcast %ge3A_1208 : i32 to vector<16xi32>
    %ge3A_1210 = arith.cmpi sge, %sub3A_1207, %ge3A_1209 : vector<16xi32>
    %lt3A_1211 = arith.constant 16 : i32
    %lt3A_1212 = vector.broadcast %lt3A_1211 : i32 to vector<16xi32>
    %lt3A_1213 = arith.cmpi slt, %sub3A_1207, %lt3A_1212 : vector<16xi32>
    %and3A_1214 = arith.andi %ge3A_1210, %lt3A_1213 : vector<16xi1>
    %jit3A_1215 = arith.constant 0 : i32
    %jit3A_1216 = arith.constant 15 : i32
    %max3A_1217 = vector.broadcast %jit3A_1215 : i32 to vector<16xi32>
    %max3A_1218 = arith.maxsi %max3A_1217, %sub3A_1207 : vector<16xi32>
    %min3A_1219 = vector.broadcast %jit3A_1216 : i32 to vector<16xi32>
    %min3A_1220 = arith.minsi %min3A_1219, %max3A_1218 : vector<16xi32>
    tpu.vector_store_idx %arg8[%min3A_1220, %get3A_47], %gather3A masked %and3A_1214 {add = true} : memref<16x2048xf32, #tpu.memory_space<vmem>>[vector<16xi32>, vector<16xi32>], vector<16xf32>, vector<16xi1>
    %sub3A_1221 = vector.broadcast %add3A_1175 : i32 to vector<16xi32>
    %sub3A_1222 = arith.subi %add3A_41, %sub3A_1221 : vector<16xi32>
    %ge3A_1223 = arith.constant 0 : i32
    %ge3A_1224 = vector.broadcast %ge3A_1223 : i32 to vector<16xi32>
    %ge3A_1225 = arith.cmpi sge, %sub3A_1222, %ge3A_1224 : vector<16xi32>
    %lt3A_1226 = arith.constant 16 : i32
    %lt3A_1227 = vector.broadcast %lt3A_1226 : i32 to vector<16xi32>
    %lt3A_1228 = arith.cmpi slt, %sub3A_1222, %lt3A_1227 : vector<16xi32>
    %and3A_1229 = arith.andi %ge3A_1225, %lt3A_1228 : vector<16xi1>
    %jit3A_1230 = arith.constant 0 : i32
    %jit3A_1231 = arith.constant 15 : i32
    %max3A_1232 = vector.broadcast %jit3A_1230 : i32 to vector<16xi32>
    %max3A_1233 = arith.maxsi %max3A_1232, %sub3A_1222 : vector<16xi32>
    %min3A_1234 = vector.broadcast %jit3A_1231 : i32 to vector<16xi32>
    %min3A_1235 = arith.minsi %min3A_1234, %max3A_1233 : vector<16xi32>
    tpu.vector_store_idx %arg8[%min3A_1235, %get3A_49], %gather3A masked %and3A_1229 {add = true} : memref<16x2048xf32, #tpu.memory_space<vmem>>[vector<16xi32>, vector<16xi32>], vector<16xf32>, vector<16xi1>
    %add3A_1236 = arith.constant 208 : i32
    %add3A_1237 = arith.addi %mul3A_2, %add3A_1236 : i32
    %dma_start3A_1238 = arith.constant 0 : i32
    %dma_start3A_1239 = tpu.memref_slice %arg6[%add3A_1237, %dma_start3A_1238] : memref<16384x2048xf32, #tpu.memory_space<hbm>> -> memref<16x2048xf32, #tpu.memory_space<hbm>>
    %dma_start3A_1240 = arith.constant 0 : i32
    %dma_start3A_1241 = tpu.memref_slice %arg6[%add3A_1237, %dma_start3A_1240] : memref<16384x2048xf32, #tpu.memory_space<hbm>> -> memref<16x2048xf32, #tpu.memory_space<hbm>>
    tpu.enqueue_dma source(%arg8 : memref<16x2048xf32, #tpu.memory_space<vmem>>) target(%dma_start3A_1241 : memref<16x2048xf32, #tpu.memory_space<hbm>>) target_semaphore(%arg17 : memref<!tpu.dma_semaphore, #tpu.memory_space<semaphore_mem>>)
    %add3A_1242 = arith.constant 192 : i32
    %add3A_1243 = arith.addi %mul3A_2, %add3A_1242 : i32
    %dma_wait3A_1244 = arith.constant 0 : i32
    %dma_wait3A_1245 = tpu.memref_slice %arg6[%add3A_1243, %dma_wait3A_1244] : memref<16384x2048xf32, #tpu.memory_space<hbm>> -> memref<16x2048xf32, #tpu.memory_space<hbm>>
    %dma_wait3A_1246 = arith.constant 0 : i32
    %dma_wait3A_1247 = tpu.memref_slice %arg6[%add3A_1243, %dma_wait3A_1246] : memref<16384x2048xf32, #tpu.memory_space<hbm>> -> memref<16x2048xf32, #tpu.memory_space<hbm>>
    tpu.wait_dma2 semaphore(%arg16 : memref<!tpu.dma_semaphore, #tpu.memory_space<semaphore_mem>>) src(%arg7 : memref<16x2048xf32, #tpu.memory_space<vmem>>) dst(%dma_wait3A_1247 : memref<16x2048xf32, #tpu.memory_space<hbm>>)
    %add3A_1248 = arith.constant 240 : i32
    %add3A_1249 = arith.addi %mul3A_2, %add3A_1248 : i32
    %dma_start3A_1250 = arith.constant 0 : i32
    %dma_start3A_1251 = tpu.memref_slice %arg2[%add3A_1249, %dma_start3A_1250] : memref<16384x2048xf32, #tpu.memory_space<hbm>> -> memref<16x2048xf32, #tpu.memory_space<hbm>>
    %dma_start3A_1252 = arith.constant 0 : i32
    %dma_start3A_1253 = tpu.memref_slice %arg2[%add3A_1249, %dma_start3A_1252] : memref<16384x2048xf32, #tpu.memory_space<hbm>> -> memref<16x2048xf32, #tpu.memory_space<hbm>>
    tpu.enqueue_dma source(%dma_start3A_1253 : memref<16x2048xf32, #tpu.memory_space<hbm>>) target(%arg7 : memref<16x2048xf32, #tpu.memory_space<vmem>>) target_semaphore(%arg13 : memref<!tpu.dma_semaphore, #tpu.memory_space<semaphore_mem>>)
    %add3A_1254 = arith.constant 224 : i32
    %add3A_1255 = arith.addi %mul3A_2, %add3A_1254 : i32
    %dma_wait3A_1256 = arith.constant 0 : i32
    %dma_wait3A_1257 = tpu.memref_slice %arg2[%add3A_1255, %dma_wait3A_1256] : memref<16384x2048xf32, #tpu.memory_space<hbm>> -> memref<16x2048xf32, #tpu.memory_space<hbm>>
    %dma_wait3A_1258 = arith.constant 0 : i32
    %dma_wait3A_1259 = tpu.memref_slice %arg2[%add3A_1255, %dma_wait3A_1258] : memref<16384x2048xf32, #tpu.memory_space<hbm>> -> memref<16x2048xf32, #tpu.memory_space<hbm>>
    tpu.wait_dma2 semaphore(%arg15 : memref<!tpu.dma_semaphore, #tpu.memory_space<semaphore_mem>>) src(%dma_wait3A_1259 : memref<16x2048xf32, #tpu.memory_space<hbm>>) dst(%arg9 : memref<16x2048xf32, #tpu.memory_space<vmem>>)
    %add3A_1260 = arith.constant 224 : i32
    %add3A_1261 = arith.addi %mul3A_2, %add3A_1260 : i32
    %sub3A_1262 = vector.broadcast %add3A_1261 : i32 to vector<16xi32>
    %sub3A_1263 = arith.subi %add3A_23, %sub3A_1262 : vector<16xi32>
    %ge3A_1264 = arith.constant 0 : i32
    %ge3A_1265 = vector.broadcast %ge3A_1264 : i32 to vector<16xi32>
    %ge3A_1266 = arith.cmpi sge, %sub3A_1263, %ge3A_1265 : vector<16xi32>
    %lt3A_1267 = arith.constant 16 : i32
    %lt3A_1268 = vector.broadcast %lt3A_1267 : i32 to vector<16xi32>
    %lt3A_1269 = arith.cmpi slt, %sub3A_1263, %lt3A_1268 : vector<16xi32>
    %and3A_1270 = arith.andi %ge3A_1266, %lt3A_1269 : vector<16xi1>
    %jit3A_1271 = arith.constant 0 : i32
    %jit3A_1272 = arith.constant 15 : i32
    %max3A_1273 = vector.broadcast %jit3A_1271 : i32 to vector<16xi32>
    %max3A_1274 = arith.maxsi %max3A_1273, %sub3A_1263 : vector<16xi32>
    %min3A_1275 = vector.broadcast %jit3A_1272 : i32 to vector<16xi32>
    %min3A_1276 = arith.minsi %min3A_1275, %max3A_1274 : vector<16xi32>
    tpu.vector_store_idx %arg9[%min3A_1276, %get3A_43], %gather3A masked %and3A_1270 {add = true} : memref<16x2048xf32, #tpu.memory_space<vmem>>[vector<16xi32>, vector<16xi32>], vector<16xf32>, vector<16xi1>
    %sub3A_1277 = vector.broadcast %add3A_1261 : i32 to vector<16xi32>
    %sub3A_1278 = arith.subi %add3A_29, %sub3A_1277 : vector<16xi32>
    %ge3A_1279 = arith.constant 0 : i32
    %ge3A_1280 = vector.broadcast %ge3A_1279 : i32 to vector<16xi32>
    %ge3A_1281 = arith.cmpi sge, %sub3A_1278, %ge3A_1280 : vector<16xi32>
    %lt3A_1282 = arith.constant 16 : i32
    %lt3A_1283 = vector.broadcast %lt3A_1282 : i32 to vector<16xi32>
    %lt3A_1284 = arith.cmpi slt, %sub3A_1278, %lt3A_1283 : vector<16xi32>
    %and3A_1285 = arith.andi %ge3A_1281, %lt3A_1284 : vector<16xi1>
    %jit3A_1286 = arith.constant 0 : i32
    %jit3A_1287 = arith.constant 15 : i32
    %max3A_1288 = vector.broadcast %jit3A_1286 : i32 to vector<16xi32>
    %max3A_1289 = arith.maxsi %max3A_1288, %sub3A_1278 : vector<16xi32>
    %min3A_1290 = vector.broadcast %jit3A_1287 : i32 to vector<16xi32>
    %min3A_1291 = arith.minsi %min3A_1290, %max3A_1289 : vector<16xi32>
    tpu.vector_store_idx %arg9[%min3A_1291, %get3A_45], %gather3A masked %and3A_1285 {add = true} : memref<16x2048xf32, #tpu.memory_space<vmem>>[vector<16xi32>, vector<16xi32>], vector<16xf32>, vector<16xi1>
    %sub3A_1292 = vector.broadcast %add3A_1261 : i32 to vector<16xi32>
    %sub3A_1293 = arith.subi %add3A_35, %sub3A_1292 : vector<16xi32>
    %ge3A_1294 = arith.constant 0 : i32
    %ge3A_1295 = vector.broadcast %ge3A_1294 : i32 to vector<16xi32>
    %ge3A_1296 = arith.cmpi sge, %sub3A_1293, %ge3A_1295 : vector<16xi32>
    %lt3A_1297 = arith.constant 16 : i32
    %lt3A_1298 = vector.broadcast %lt3A_1297 : i32 to vector<16xi32>
    %lt3A_1299 = arith.cmpi slt, %sub3A_1293, %lt3A_1298 : vector<16xi32>
    %and3A_1300 = arith.andi %ge3A_1296, %lt3A_1299 : vector<16xi1>
    %jit3A_1301 = arith.constant 0 : i32
    %jit3A_1302 = arith.constant 15 : i32
    %max3A_1303 = vector.broadcast %jit3A_1301 : i32 to vector<16xi32>
    %max3A_1304 = arith.maxsi %max3A_1303, %sub3A_1293 : vector<16xi32>
    %min3A_1305 = vector.broadcast %jit3A_1302 : i32 to vector<16xi32>
    %min3A_1306 = arith.minsi %min3A_1305, %max3A_1304 : vector<16xi32>
    tpu.vector_store_idx %arg9[%min3A_1306, %get3A_47], %gather3A masked %and3A_1300 {add = true} : memref<16x2048xf32, #tpu.memory_space<vmem>>[vector<16xi32>, vector<16xi32>], vector<16xf32>, vector<16xi1>
    %sub3A_1307 = vector.broadcast %add3A_1261 : i32 to vector<16xi32>
    %sub3A_1308 = arith.subi %add3A_41, %sub3A_1307 : vector<16xi32>
    %ge3A_1309 = arith.constant 0 : i32
    %ge3A_1310 = vector.broadcast %ge3A_1309 : i32 to vector<16xi32>
    %ge3A_1311 = arith.cmpi sge, %sub3A_1308, %ge3A_1310 : vector<16xi32>
    %lt3A_1312 = arith.constant 16 : i32
    %lt3A_1313 = vector.broadcast %lt3A_1312 : i32 to vector<16xi32>
    %lt3A_1314 = arith.cmpi slt, %sub3A_1308, %lt3A_1313 : vector<16xi32>
    %and3A_1315 = arith.andi %ge3A_1311, %lt3A_1314 : vector<16xi1>
    %jit3A_1316 = arith.constant 0 : i32
    %jit3A_1317 = arith.constant 15 : i32
    %max3A_1318 = vector.broadcast %jit3A_1316 : i32 to vector<16xi32>
    %max3A_1319 = arith.maxsi %max3A_1318, %sub3A_1308 : vector<16xi32>
    %min3A_1320 = vector.broadcast %jit3A_1317 : i32 to vector<16xi32>
    %min3A_1321 = arith.minsi %min3A_1320, %max3A_1319 : vector<16xi32>
    tpu.vector_store_idx %arg9[%min3A_1321, %get3A_49], %gather3A masked %and3A_1315 {add = true} : memref<16x2048xf32, #tpu.memory_space<vmem>>[vector<16xi32>, vector<16xi32>], vector<16xf32>, vector<16xi1>
    %add3A_1322 = arith.constant 224 : i32
    %add3A_1323 = arith.addi %mul3A_2, %add3A_1322 : i32
    %dma_start3A_1324 = arith.constant 0 : i32
    %dma_start3A_1325 = tpu.memref_slice %arg6[%add3A_1323, %dma_start3A_1324] : memref<16384x2048xf32, #tpu.memory_space<hbm>> -> memref<16x2048xf32, #tpu.memory_space<hbm>>
    %dma_start3A_1326 = arith.constant 0 : i32
    %dma_start3A_1327 = tpu.memref_slice %arg6[%add3A_1323, %dma_start3A_1326] : memref<16384x2048xf32, #tpu.memory_space<hbm>> -> memref<16x2048xf32, #tpu.memory_space<hbm>>
    tpu.enqueue_dma source(%arg9 : memref<16x2048xf32, #tpu.memory_space<vmem>>) target(%dma_start3A_1327 : memref<16x2048xf32, #tpu.memory_space<hbm>>) target_semaphore(%arg18 : memref<!tpu.dma_semaphore, #tpu.memory_space<semaphore_mem>>)
    %add3A_1328 = arith.constant 208 : i32
    %add3A_1329 = arith.addi %mul3A_2, %add3A_1328 : i32
    %dma_wait3A_1330 = arith.constant 0 : i32
    %dma_wait3A_1331 = tpu.memref_slice %arg6[%add3A_1329, %dma_wait3A_1330] : memref<16384x2048xf32, #tpu.memory_space<hbm>> -> memref<16x2048xf32, #tpu.memory_space<hbm>>
    %dma_wait3A_1332 = arith.constant 0 : i32
    %dma_wait3A_1333 = tpu.memref_slice %arg6[%add3A_1329, %dma_wait3A_1332] : memref<16384x2048xf32, #tpu.memory_space<hbm>> -> memref<16x2048xf32, #tpu.memory_space<hbm>>
    tpu.wait_dma2 semaphore(%arg17 : memref<!tpu.dma_semaphore, #tpu.memory_space<semaphore_mem>>) src(%arg8 : memref<16x2048xf32, #tpu.memory_space<vmem>>) dst(%dma_wait3A_1333 : memref<16x2048xf32, #tpu.memory_space<hbm>>)
    %add3A_1334 = arith.constant 256 : i32
    %add3A_1335 = arith.addi %mul3A_2, %add3A_1334 : i32
    %dma_start3A_1336 = arith.constant 0 : i32
    %dma_start3A_1337 = tpu.memref_slice %arg2[%add3A_1335, %dma_start3A_1336] : memref<16384x2048xf32, #tpu.memory_space<hbm>> -> memref<16x2048xf32, #tpu.memory_space<hbm>>
    %dma_start3A_1338 = arith.constant 0 : i32
    %dma_start3A_1339 = tpu.memref_slice %arg2[%add3A_1335, %dma_start3A_1338] : memref<16384x2048xf32, #tpu.memory_space<hbm>> -> memref<16x2048xf32, #tpu.memory_space<hbm>>
    tpu.enqueue_dma source(%dma_start3A_1339 : memref<16x2048xf32, #tpu.memory_space<hbm>>) target(%arg8 : memref<16x2048xf32, #tpu.memory_space<vmem>>) target_semaphore(%arg14 : memref<!tpu.dma_semaphore, #tpu.memory_space<semaphore_mem>>)
    %add3A_1340 = arith.constant 240 : i32
    %add3A_1341 = arith.addi %mul3A_2, %add3A_1340 : i32
    %dma_wait3A_1342 = arith.constant 0 : i32
    %dma_wait3A_1343 = tpu.memref_slice %arg2[%add3A_1341, %dma_wait3A_1342] : memref<16384x2048xf32, #tpu.memory_space<hbm>> -> memref<16x2048xf32, #tpu.memory_space<hbm>>
    %dma_wait3A_1344 = arith.constant 0 : i32
    %dma_wait3A_1345 = tpu.memref_slice %arg2[%add3A_1341, %dma_wait3A_1344] : memref<16384x2048xf32, #tpu.memory_space<hbm>> -> memref<16x2048xf32, #tpu.memory_space<hbm>>
    tpu.wait_dma2 semaphore(%arg13 : memref<!tpu.dma_semaphore, #tpu.memory_space<semaphore_mem>>) src(%dma_wait3A_1345 : memref<16x2048xf32, #tpu.memory_space<hbm>>) dst(%arg7 : memref<16x2048xf32, #tpu.memory_space<vmem>>)
    %add3A_1346 = arith.constant 240 : i32
    %add3A_1347 = arith.addi %mul3A_2, %add3A_1346 : i32
    %sub3A_1348 = vector.broadcast %add3A_1347 : i32 to vector<16xi32>
    %sub3A_1349 = arith.subi %add3A_23, %sub3A_1348 : vector<16xi32>
    %ge3A_1350 = arith.constant 0 : i32
    %ge3A_1351 = vector.broadcast %ge3A_1350 : i32 to vector<16xi32>
    %ge3A_1352 = arith.cmpi sge, %sub3A_1349, %ge3A_1351 : vector<16xi32>
    %lt3A_1353 = arith.constant 16 : i32
    %lt3A_1354 = vector.broadcast %lt3A_1353 : i32 to vector<16xi32>
    %lt3A_1355 = arith.cmpi slt, %sub3A_1349, %lt3A_1354 : vector<16xi32>
    %and3A_1356 = arith.andi %ge3A_1352, %lt3A_1355 : vector<16xi1>
    %jit3A_1357 = arith.constant 0 : i32
    %jit3A_1358 = arith.constant 15 : i32
    %max3A_1359 = vector.broadcast %jit3A_1357 : i32 to vector<16xi32>
    %max3A_1360 = arith.maxsi %max3A_1359, %sub3A_1349 : vector<16xi32>
    %min3A_1361 = vector.broadcast %jit3A_1358 : i32 to vector<16xi32>
    %min3A_1362 = arith.minsi %min3A_1361, %max3A_1360 : vector<16xi32>
    tpu.vector_store_idx %arg7[%min3A_1362, %get3A_43], %gather3A masked %and3A_1356 {add = true} : memref<16x2048xf32, #tpu.memory_space<vmem>>[vector<16xi32>, vector<16xi32>], vector<16xf32>, vector<16xi1>
    %sub3A_1363 = vector.broadcast %add3A_1347 : i32 to vector<16xi32>
    %sub3A_1364 = arith.subi %add3A_29, %sub3A_1363 : vector<16xi32>
    %ge3A_1365 = arith.constant 0 : i32
    %ge3A_1366 = vector.broadcast %ge3A_1365 : i32 to vector<16xi32>
    %ge3A_1367 = arith.cmpi sge, %sub3A_1364, %ge3A_1366 : vector<16xi32>
    %lt3A_1368 = arith.constant 16 : i32
    %lt3A_1369 = vector.broadcast %lt3A_1368 : i32 to vector<16xi32>
    %lt3A_1370 = arith.cmpi slt, %sub3A_1364, %lt3A_1369 : vector<16xi32>
    %and3A_1371 = arith.andi %ge3A_1367, %lt3A_1370 : vector<16xi1>
    %jit3A_1372 = arith.constant 0 : i32
    %jit3A_1373 = arith.constant 15 : i32
    %max3A_1374 = vector.broadcast %jit3A_1372 : i32 to vector<16xi32>
    %max3A_1375 = arith.maxsi %max3A_1374, %sub3A_1364 : vector<16xi32>
    %min3A_1376 = vector.broadcast %jit3A_1373 : i32 to vector<16xi32>
    %min3A_1377 = arith.minsi %min3A_1376, %max3A_1375 : vector<16xi32>
    tpu.vector_store_idx %arg7[%min3A_1377, %get3A_45], %gather3A masked %and3A_1371 {add = true} : memref<16x2048xf32, #tpu.memory_space<vmem>>[vector<16xi32>, vector<16xi32>], vector<16xf32>, vector<16xi1>
    %sub3A_1378 = vector.broadcast %add3A_1347 : i32 to vector<16xi32>
    %sub3A_1379 = arith.subi %add3A_35, %sub3A_1378 : vector<16xi32>
    %ge3A_1380 = arith.constant 0 : i32
    %ge3A_1381 = vector.broadcast %ge3A_1380 : i32 to vector<16xi32>
    %ge3A_1382 = arith.cmpi sge, %sub3A_1379, %ge3A_1381 : vector<16xi32>
    %lt3A_1383 = arith.constant 16 : i32
    %lt3A_1384 = vector.broadcast %lt3A_1383 : i32 to vector<16xi32>
    %lt3A_1385 = arith.cmpi slt, %sub3A_1379, %lt3A_1384 : vector<16xi32>
    %and3A_1386 = arith.andi %ge3A_1382, %lt3A_1385 : vector<16xi1>
    %jit3A_1387 = arith.constant 0 : i32
    %jit3A_1388 = arith.constant 15 : i32
    %max3A_1389 = vector.broadcast %jit3A_1387 : i32 to vector<16xi32>
    %max3A_1390 = arith.maxsi %max3A_1389, %sub3A_1379 : vector<16xi32>
    %min3A_1391 = vector.broadcast %jit3A_1388 : i32 to vector<16xi32>
    %min3A_1392 = arith.minsi %min3A_1391, %max3A_1390 : vector<16xi32>
    tpu.vector_store_idx %arg7[%min3A_1392, %get3A_47], %gather3A masked %and3A_1386 {add = true} : memref<16x2048xf32, #tpu.memory_space<vmem>>[vector<16xi32>, vector<16xi32>], vector<16xf32>, vector<16xi1>
    %sub3A_1393 = vector.broadcast %add3A_1347 : i32 to vector<16xi32>
    %sub3A_1394 = arith.subi %add3A_41, %sub3A_1393 : vector<16xi32>
    %ge3A_1395 = arith.constant 0 : i32
    %ge3A_1396 = vector.broadcast %ge3A_1395 : i32 to vector<16xi32>
    %ge3A_1397 = arith.cmpi sge, %sub3A_1394, %ge3A_1396 : vector<16xi32>
    %lt3A_1398 = arith.constant 16 : i32
    %lt3A_1399 = vector.broadcast %lt3A_1398 : i32 to vector<16xi32>
    %lt3A_1400 = arith.cmpi slt, %sub3A_1394, %lt3A_1399 : vector<16xi32>
    %and3A_1401 = arith.andi %ge3A_1397, %lt3A_1400 : vector<16xi1>
    %jit3A_1402 = arith.constant 0 : i32
    %jit3A_1403 = arith.constant 15 : i32
    %max3A_1404 = vector.broadcast %jit3A_1402 : i32 to vector<16xi32>
    %max3A_1405 = arith.maxsi %max3A_1404, %sub3A_1394 : vector<16xi32>
    %min3A_1406 = vector.broadcast %jit3A_1403 : i32 to vector<16xi32>
    %min3A_1407 = arith.minsi %min3A_1406, %max3A_1405 : vector<16xi32>
    tpu.vector_store_idx %arg7[%min3A_1407, %get3A_49], %gather3A masked %and3A_1401 {add = true} : memref<16x2048xf32, #tpu.memory_space<vmem>>[vector<16xi32>, vector<16xi32>], vector<16xf32>, vector<16xi1>
    %add3A_1408 = arith.constant 240 : i32
    %add3A_1409 = arith.addi %mul3A_2, %add3A_1408 : i32
    %dma_start3A_1410 = arith.constant 0 : i32
    %dma_start3A_1411 = tpu.memref_slice %arg6[%add3A_1409, %dma_start3A_1410] : memref<16384x2048xf32, #tpu.memory_space<hbm>> -> memref<16x2048xf32, #tpu.memory_space<hbm>>
    %dma_start3A_1412 = arith.constant 0 : i32
    %dma_start3A_1413 = tpu.memref_slice %arg6[%add3A_1409, %dma_start3A_1412] : memref<16384x2048xf32, #tpu.memory_space<hbm>> -> memref<16x2048xf32, #tpu.memory_space<hbm>>
    tpu.enqueue_dma source(%arg7 : memref<16x2048xf32, #tpu.memory_space<vmem>>) target(%dma_start3A_1413 : memref<16x2048xf32, #tpu.memory_space<hbm>>) target_semaphore(%arg16 : memref<!tpu.dma_semaphore, #tpu.memory_space<semaphore_mem>>)
    %add3A_1414 = arith.constant 224 : i32
    %add3A_1415 = arith.addi %mul3A_2, %add3A_1414 : i32
    %dma_wait3A_1416 = arith.constant 0 : i32
    %dma_wait3A_1417 = tpu.memref_slice %arg6[%add3A_1415, %dma_wait3A_1416] : memref<16384x2048xf32, #tpu.memory_space<hbm>> -> memref<16x2048xf32, #tpu.memory_space<hbm>>
    %dma_wait3A_1418 = arith.constant 0 : i32
    %dma_wait3A_1419 = tpu.memref_slice %arg6[%add3A_1415, %dma_wait3A_1418] : memref<16384x2048xf32, #tpu.memory_space<hbm>> -> memref<16x2048xf32, #tpu.memory_space<hbm>>
    tpu.wait_dma2 semaphore(%arg18 : memref<!tpu.dma_semaphore, #tpu.memory_space<semaphore_mem>>) src(%arg9 : memref<16x2048xf32, #tpu.memory_space<vmem>>) dst(%dma_wait3A_1419 : memref<16x2048xf32, #tpu.memory_space<hbm>>)
    %add3A_1420 = arith.constant 272 : i32
    %add3A_1421 = arith.addi %mul3A_2, %add3A_1420 : i32
    %dma_start3A_1422 = arith.constant 0 : i32
    %dma_start3A_1423 = tpu.memref_slice %arg2[%add3A_1421, %dma_start3A_1422] : memref<16384x2048xf32, #tpu.memory_space<hbm>> -> memref<16x2048xf32, #tpu.memory_space<hbm>>
    %dma_start3A_1424 = arith.constant 0 : i32
    %dma_start3A_1425 = tpu.memref_slice %arg2[%add3A_1421, %dma_start3A_1424] : memref<16384x2048xf32, #tpu.memory_space<hbm>> -> memref<16x2048xf32, #tpu.memory_space<hbm>>
    tpu.enqueue_dma source(%dma_start3A_1425 : memref<16x2048xf32, #tpu.memory_space<hbm>>) target(%arg9 : memref<16x2048xf32, #tpu.memory_space<vmem>>) target_semaphore(%arg15 : memref<!tpu.dma_semaphore, #tpu.memory_space<semaphore_mem>>)
    %add3A_1426 = arith.constant 256 : i32
    %add3A_1427 = arith.addi %mul3A_2, %add3A_1426 : i32
    %dma_wait3A_1428 = arith.constant 0 : i32
    %dma_wait3A_1429 = tpu.memref_slice %arg2[%add3A_1427, %dma_wait3A_1428] : memref<16384x2048xf32, #tpu.memory_space<hbm>> -> memref<16x2048xf32, #tpu.memory_space<hbm>>
    %dma_wait3A_1430 = arith.constant 0 : i32
    %dma_wait3A_1431 = tpu.memref_slice %arg2[%add3A_1427, %dma_wait3A_1430] : memref<16384x2048xf32, #tpu.memory_space<hbm>> -> memref<16x2048xf32, #tpu.memory_space<hbm>>
    tpu.wait_dma2 semaphore(%arg14 : memref<!tpu.dma_semaphore, #tpu.memory_space<semaphore_mem>>) src(%dma_wait3A_1431 : memref<16x2048xf32, #tpu.memory_space<hbm>>) dst(%arg8 : memref<16x2048xf32, #tpu.memory_space<vmem>>)
    %add3A_1432 = arith.constant 256 : i32
    %add3A_1433 = arith.addi %mul3A_2, %add3A_1432 : i32
    %sub3A_1434 = vector.broadcast %add3A_1433 : i32 to vector<16xi32>
    %sub3A_1435 = arith.subi %add3A_23, %sub3A_1434 : vector<16xi32>
    %ge3A_1436 = arith.constant 0 : i32
    %ge3A_1437 = vector.broadcast %ge3A_1436 : i32 to vector<16xi32>
    %ge3A_1438 = arith.cmpi sge, %sub3A_1435, %ge3A_1437 : vector<16xi32>
    %lt3A_1439 = arith.constant 16 : i32
    %lt3A_1440 = vector.broadcast %lt3A_1439 : i32 to vector<16xi32>
    %lt3A_1441 = arith.cmpi slt, %sub3A_1435, %lt3A_1440 : vector<16xi32>
    %and3A_1442 = arith.andi %ge3A_1438, %lt3A_1441 : vector<16xi1>
    %jit3A_1443 = arith.constant 0 : i32
    %jit3A_1444 = arith.constant 15 : i32
    %max3A_1445 = vector.broadcast %jit3A_1443 : i32 to vector<16xi32>
    %max3A_1446 = arith.maxsi %max3A_1445, %sub3A_1435 : vector<16xi32>
    %min3A_1447 = vector.broadcast %jit3A_1444 : i32 to vector<16xi32>
    %min3A_1448 = arith.minsi %min3A_1447, %max3A_1446 : vector<16xi32>
    tpu.vector_store_idx %arg8[%min3A_1448, %get3A_43], %gather3A masked %and3A_1442 {add = true} : memref<16x2048xf32, #tpu.memory_space<vmem>>[vector<16xi32>, vector<16xi32>], vector<16xf32>, vector<16xi1>
    %sub3A_1449 = vector.broadcast %add3A_1433 : i32 to vector<16xi32>
    %sub3A_1450 = arith.subi %add3A_29, %sub3A_1449 : vector<16xi32>
    %ge3A_1451 = arith.constant 0 : i32
    %ge3A_1452 = vector.broadcast %ge3A_1451 : i32 to vector<16xi32>
    %ge3A_1453 = arith.cmpi sge, %sub3A_1450, %ge3A_1452 : vector<16xi32>
    %lt3A_1454 = arith.constant 16 : i32
    %lt3A_1455 = vector.broadcast %lt3A_1454 : i32 to vector<16xi32>
    %lt3A_1456 = arith.cmpi slt, %sub3A_1450, %lt3A_1455 : vector<16xi32>
    %and3A_1457 = arith.andi %ge3A_1453, %lt3A_1456 : vector<16xi1>
    %jit3A_1458 = arith.constant 0 : i32
    %jit3A_1459 = arith.constant 15 : i32
    %max3A_1460 = vector.broadcast %jit3A_1458 : i32 to vector<16xi32>
    %max3A_1461 = arith.maxsi %max3A_1460, %sub3A_1450 : vector<16xi32>
    %min3A_1462 = vector.broadcast %jit3A_1459 : i32 to vector<16xi32>
    %min3A_1463 = arith.minsi %min3A_1462, %max3A_1461 : vector<16xi32>
    tpu.vector_store_idx %arg8[%min3A_1463, %get3A_45], %gather3A masked %and3A_1457 {add = true} : memref<16x2048xf32, #tpu.memory_space<vmem>>[vector<16xi32>, vector<16xi32>], vector<16xf32>, vector<16xi1>
    %sub3A_1464 = vector.broadcast %add3A_1433 : i32 to vector<16xi32>
    %sub3A_1465 = arith.subi %add3A_35, %sub3A_1464 : vector<16xi32>
    %ge3A_1466 = arith.constant 0 : i32
    %ge3A_1467 = vector.broadcast %ge3A_1466 : i32 to vector<16xi32>
    %ge3A_1468 = arith.cmpi sge, %sub3A_1465, %ge3A_1467 : vector<16xi32>
    %lt3A_1469 = arith.constant 16 : i32
    %lt3A_1470 = vector.broadcast %lt3A_1469 : i32 to vector<16xi32>
    %lt3A_1471 = arith.cmpi slt, %sub3A_1465, %lt3A_1470 : vector<16xi32>
    %and3A_1472 = arith.andi %ge3A_1468, %lt3A_1471 : vector<16xi1>
    %jit3A_1473 = arith.constant 0 : i32
    %jit3A_1474 = arith.constant 15 : i32
    %max3A_1475 = vector.broadcast %jit3A_1473 : i32 to vector<16xi32>
    %max3A_1476 = arith.maxsi %max3A_1475, %sub3A_1465 : vector<16xi32>
    %min3A_1477 = vector.broadcast %jit3A_1474 : i32 to vector<16xi32>
    %min3A_1478 = arith.minsi %min3A_1477, %max3A_1476 : vector<16xi32>
    tpu.vector_store_idx %arg8[%min3A_1478, %get3A_47], %gather3A masked %and3A_1472 {add = true} : memref<16x2048xf32, #tpu.memory_space<vmem>>[vector<16xi32>, vector<16xi32>], vector<16xf32>, vector<16xi1>
    %sub3A_1479 = vector.broadcast %add3A_1433 : i32 to vector<16xi32>
    %sub3A_1480 = arith.subi %add3A_41, %sub3A_1479 : vector<16xi32>
    %ge3A_1481 = arith.constant 0 : i32
    %ge3A_1482 = vector.broadcast %ge3A_1481 : i32 to vector<16xi32>
    %ge3A_1483 = arith.cmpi sge, %sub3A_1480, %ge3A_1482 : vector<16xi32>
    %lt3A_1484 = arith.constant 16 : i32
    %lt3A_1485 = vector.broadcast %lt3A_1484 : i32 to vector<16xi32>
    %lt3A_1486 = arith.cmpi slt, %sub3A_1480, %lt3A_1485 : vector<16xi32>
    %and3A_1487 = arith.andi %ge3A_1483, %lt3A_1486 : vector<16xi1>
    %jit3A_1488 = arith.constant 0 : i32
    %jit3A_1489 = arith.constant 15 : i32
    %max3A_1490 = vector.broadcast %jit3A_1488 : i32 to vector<16xi32>
    %max3A_1491 = arith.maxsi %max3A_1490, %sub3A_1480 : vector<16xi32>
    %min3A_1492 = vector.broadcast %jit3A_1489 : i32 to vector<16xi32>
    %min3A_1493 = arith.minsi %min3A_1492, %max3A_1491 : vector<16xi32>
    tpu.vector_store_idx %arg8[%min3A_1493, %get3A_49], %gather3A masked %and3A_1487 {add = true} : memref<16x2048xf32, #tpu.memory_space<vmem>>[vector<16xi32>, vector<16xi32>], vector<16xf32>, vector<16xi1>
    %add3A_1494 = arith.constant 256 : i32
    %add3A_1495 = arith.addi %mul3A_2, %add3A_1494 : i32
    %dma_start3A_1496 = arith.constant 0 : i32
    %dma_start3A_1497 = tpu.memref_slice %arg6[%add3A_1495, %dma_start3A_1496] : memref<16384x2048xf32, #tpu.memory_space<hbm>> -> memref<16x2048xf32, #tpu.memory_space<hbm>>
    %dma_start3A_1498 = arith.constant 0 : i32
    %dma_start3A_1499 = tpu.memref_slice %arg6[%add3A_1495, %dma_start3A_1498] : memref<16384x2048xf32, #tpu.memory_space<hbm>> -> memref<16x2048xf32, #tpu.memory_space<hbm>>
    tpu.enqueue_dma source(%arg8 : memref<16x2048xf32, #tpu.memory_space<vmem>>) target(%dma_start3A_1499 : memref<16x2048xf32, #tpu.memory_space<hbm>>) target_semaphore(%arg17 : memref<!tpu.dma_semaphore, #tpu.memory_space<semaphore_mem>>)
    %add3A_1500 = arith.constant 240 : i32
    %add3A_1501 = arith.addi %mul3A_2, %add3A_1500 : i32
    %dma_wait3A_1502 = arith.constant 0 : i32
    %dma_wait3A_1503 = tpu.memref_slice %arg6[%add3A_1501, %dma_wait3A_1502] : memref<16384x2048xf32, #tpu.memory_space<hbm>> -> memref<16x2048xf32, #tpu.memory_space<hbm>>
    %dma_wait3A_1504 = arith.constant 0 : i32
    %dma_wait3A_1505 = tpu.memref_slice %arg6[%add3A_1501, %dma_wait3A_1504] : memref<16384x2048xf32, #tpu.memory_space<hbm>> -> memref<16x2048xf32, #tpu.memory_space<hbm>>
    tpu.wait_dma2 semaphore(%arg16 : memref<!tpu.dma_semaphore, #tpu.memory_space<semaphore_mem>>) src(%arg7 : memref<16x2048xf32, #tpu.memory_space<vmem>>) dst(%dma_wait3A_1505 : memref<16x2048xf32, #tpu.memory_space<hbm>>)
    %add3A_1506 = arith.constant 288 : i32
    %add3A_1507 = arith.addi %mul3A_2, %add3A_1506 : i32
    %dma_start3A_1508 = arith.constant 0 : i32
    %dma_start3A_1509 = tpu.memref_slice %arg2[%add3A_1507, %dma_start3A_1508] : memref<16384x2048xf32, #tpu.memory_space<hbm>> -> memref<16x2048xf32, #tpu.memory_space<hbm>>
    %dma_start3A_1510 = arith.constant 0 : i32
    %dma_start3A_1511 = tpu.memref_slice %arg2[%add3A_1507, %dma_start3A_1510] : memref<16384x2048xf32, #tpu.memory_space<hbm>> -> memref<16x2048xf32, #tpu.memory_space<hbm>>
    tpu.enqueue_dma source(%dma_start3A_1511 : memref<16x2048xf32, #tpu.memory_space<hbm>>) target(%arg7 : memref<16x2048xf32, #tpu.memory_space<vmem>>) target_semaphore(%arg13 : memref<!tpu.dma_semaphore, #tpu.memory_space<semaphore_mem>>)
    %add3A_1512 = arith.constant 272 : i32
    %add3A_1513 = arith.addi %mul3A_2, %add3A_1512 : i32
    %dma_wait3A_1514 = arith.constant 0 : i32
    %dma_wait3A_1515 = tpu.memref_slice %arg2[%add3A_1513, %dma_wait3A_1514] : memref<16384x2048xf32, #tpu.memory_space<hbm>> -> memref<16x2048xf32, #tpu.memory_space<hbm>>
    %dma_wait3A_1516 = arith.constant 0 : i32
    %dma_wait3A_1517 = tpu.memref_slice %arg2[%add3A_1513, %dma_wait3A_1516] : memref<16384x2048xf32, #tpu.memory_space<hbm>> -> memref<16x2048xf32, #tpu.memory_space<hbm>>
    tpu.wait_dma2 semaphore(%arg15 : memref<!tpu.dma_semaphore, #tpu.memory_space<semaphore_mem>>) src(%dma_wait3A_1517 : memref<16x2048xf32, #tpu.memory_space<hbm>>) dst(%arg9 : memref<16x2048xf32, #tpu.memory_space<vmem>>)
    %add3A_1518 = arith.constant 272 : i32
    %add3A_1519 = arith.addi %mul3A_2, %add3A_1518 : i32
    %sub3A_1520 = vector.broadcast %add3A_1519 : i32 to vector<16xi32>
    %sub3A_1521 = arith.subi %add3A_23, %sub3A_1520 : vector<16xi32>
    %ge3A_1522 = arith.constant 0 : i32
    %ge3A_1523 = vector.broadcast %ge3A_1522 : i32 to vector<16xi32>
    %ge3A_1524 = arith.cmpi sge, %sub3A_1521, %ge3A_1523 : vector<16xi32>
    %lt3A_1525 = arith.constant 16 : i32
    %lt3A_1526 = vector.broadcast %lt3A_1525 : i32 to vector<16xi32>
    %lt3A_1527 = arith.cmpi slt, %sub3A_1521, %lt3A_1526 : vector<16xi32>
    %and3A_1528 = arith.andi %ge3A_1524, %lt3A_1527 : vector<16xi1>
    %jit3A_1529 = arith.constant 0 : i32
    %jit3A_1530 = arith.constant 15 : i32
    %max3A_1531 = vector.broadcast %jit3A_1529 : i32 to vector<16xi32>
    %max3A_1532 = arith.maxsi %max3A_1531, %sub3A_1521 : vector<16xi32>
    %min3A_1533 = vector.broadcast %jit3A_1530 : i32 to vector<16xi32>
    %min3A_1534 = arith.minsi %min3A_1533, %max3A_1532 : vector<16xi32>
    tpu.vector_store_idx %arg9[%min3A_1534, %get3A_43], %gather3A masked %and3A_1528 {add = true} : memref<16x2048xf32, #tpu.memory_space<vmem>>[vector<16xi32>, vector<16xi32>], vector<16xf32>, vector<16xi1>
    %sub3A_1535 = vector.broadcast %add3A_1519 : i32 to vector<16xi32>
    %sub3A_1536 = arith.subi %add3A_29, %sub3A_1535 : vector<16xi32>
    %ge3A_1537 = arith.constant 0 : i32
    %ge3A_1538 = vector.broadcast %ge3A_1537 : i32 to vector<16xi32>
    %ge3A_1539 = arith.cmpi sge, %sub3A_1536, %ge3A_1538 : vector<16xi32>
    %lt3A_1540 = arith.constant 16 : i32
    %lt3A_1541 = vector.broadcast %lt3A_1540 : i32 to vector<16xi32>
    %lt3A_1542 = arith.cmpi slt, %sub3A_1536, %lt3A_1541 : vector<16xi32>
    %and3A_1543 = arith.andi %ge3A_1539, %lt3A_1542 : vector<16xi1>
    %jit3A_1544 = arith.constant 0 : i32
    %jit3A_1545 = arith.constant 15 : i32
    %max3A_1546 = vector.broadcast %jit3A_1544 : i32 to vector<16xi32>
    %max3A_1547 = arith.maxsi %max3A_1546, %sub3A_1536 : vector<16xi32>
    %min3A_1548 = vector.broadcast %jit3A_1545 : i32 to vector<16xi32>
    %min3A_1549 = arith.minsi %min3A_1548, %max3A_1547 : vector<16xi32>
    tpu.vector_store_idx %arg9[%min3A_1549, %get3A_45], %gather3A masked %and3A_1543 {add = true} : memref<16x2048xf32, #tpu.memory_space<vmem>>[vector<16xi32>, vector<16xi32>], vector<16xf32>, vector<16xi1>
    %sub3A_1550 = vector.broadcast %add3A_1519 : i32 to vector<16xi32>
    %sub3A_1551 = arith.subi %add3A_35, %sub3A_1550 : vector<16xi32>
    %ge3A_1552 = arith.constant 0 : i32
    %ge3A_1553 = vector.broadcast %ge3A_1552 : i32 to vector<16xi32>
    %ge3A_1554 = arith.cmpi sge, %sub3A_1551, %ge3A_1553 : vector<16xi32>
    %lt3A_1555 = arith.constant 16 : i32
    %lt3A_1556 = vector.broadcast %lt3A_1555 : i32 to vector<16xi32>
    %lt3A_1557 = arith.cmpi slt, %sub3A_1551, %lt3A_1556 : vector<16xi32>
    %and3A_1558 = arith.andi %ge3A_1554, %lt3A_1557 : vector<16xi1>
    %jit3A_1559 = arith.constant 0 : i32
    %jit3A_1560 = arith.constant 15 : i32
    %max3A_1561 = vector.broadcast %jit3A_1559 : i32 to vector<16xi32>
    %max3A_1562 = arith.maxsi %max3A_1561, %sub3A_1551 : vector<16xi32>
    %min3A_1563 = vector.broadcast %jit3A_1560 : i32 to vector<16xi32>
    %min3A_1564 = arith.minsi %min3A_1563, %max3A_1562 : vector<16xi32>
    tpu.vector_store_idx %arg9[%min3A_1564, %get3A_47], %gather3A masked %and3A_1558 {add = true} : memref<16x2048xf32, #tpu.memory_space<vmem>>[vector<16xi32>, vector<16xi32>], vector<16xf32>, vector<16xi1>
    %sub3A_1565 = vector.broadcast %add3A_1519 : i32 to vector<16xi32>
    %sub3A_1566 = arith.subi %add3A_41, %sub3A_1565 : vector<16xi32>
    %ge3A_1567 = arith.constant 0 : i32
    %ge3A_1568 = vector.broadcast %ge3A_1567 : i32 to vector<16xi32>
    %ge3A_1569 = arith.cmpi sge, %sub3A_1566, %ge3A_1568 : vector<16xi32>
    %lt3A_1570 = arith.constant 16 : i32
    %lt3A_1571 = vector.broadcast %lt3A_1570 : i32 to vector<16xi32>
    %lt3A_1572 = arith.cmpi slt, %sub3A_1566, %lt3A_1571 : vector<16xi32>
    %and3A_1573 = arith.andi %ge3A_1569, %lt3A_1572 : vector<16xi1>
    %jit3A_1574 = arith.constant 0 : i32
    %jit3A_1575 = arith.constant 15 : i32
    %max3A_1576 = vector.broadcast %jit3A_1574 : i32 to vector<16xi32>
    %max3A_1577 = arith.maxsi %max3A_1576, %sub3A_1566 : vector<16xi32>
    %min3A_1578 = vector.broadcast %jit3A_1575 : i32 to vector<16xi32>
    %min3A_1579 = arith.minsi %min3A_1578, %max3A_1577 : vector<16xi32>
    tpu.vector_store_idx %arg9[%min3A_1579, %get3A_49], %gather3A masked %and3A_1573 {add = true} : memref<16x2048xf32, #tpu.memory_space<vmem>>[vector<16xi32>, vector<16xi32>], vector<16xf32>, vector<16xi1>
    %add3A_1580 = arith.constant 272 : i32
    %add3A_1581 = arith.addi %mul3A_2, %add3A_1580 : i32
    %dma_start3A_1582 = arith.constant 0 : i32
    %dma_start3A_1583 = tpu.memref_slice %arg6[%add3A_1581, %dma_start3A_1582] : memref<16384x2048xf32, #tpu.memory_space<hbm>> -> memref<16x2048xf32, #tpu.memory_space<hbm>>
    %dma_start3A_1584 = arith.constant 0 : i32
    %dma_start3A_1585 = tpu.memref_slice %arg6[%add3A_1581, %dma_start3A_1584] : memref<16384x2048xf32, #tpu.memory_space<hbm>> -> memref<16x2048xf32, #tpu.memory_space<hbm>>
    tpu.enqueue_dma source(%arg9 : memref<16x2048xf32, #tpu.memory_space<vmem>>) target(%dma_start3A_1585 : memref<16x2048xf32, #tpu.memory_space<hbm>>) target_semaphore(%arg18 : memref<!tpu.dma_semaphore, #tpu.memory_space<semaphore_mem>>)
    %add3A_1586 = arith.constant 256 : i32
    %add3A_1587 = arith.addi %mul3A_2, %add3A_1586 : i32
    %dma_wait3A_1588 = arith.constant 0 : i32
    %dma_wait3A_1589 = tpu.memref_slice %arg6[%add3A_1587, %dma_wait3A_1588] : memref<16384x2048xf32, #tpu.memory_space<hbm>> -> memref<16x2048xf32, #tpu.memory_space<hbm>>
    %dma_wait3A_1590 = arith.constant 0 : i32
    %dma_wait3A_1591 = tpu.memref_slice %arg6[%add3A_1587, %dma_wait3A_1590] : memref<16384x2048xf32, #tpu.memory_space<hbm>> -> memref<16x2048xf32, #tpu.memory_space<hbm>>
    tpu.wait_dma2 semaphore(%arg17 : memref<!tpu.dma_semaphore, #tpu.memory_space<semaphore_mem>>) src(%arg8 : memref<16x2048xf32, #tpu.memory_space<vmem>>) dst(%dma_wait3A_1591 : memref<16x2048xf32, #tpu.memory_space<hbm>>)
    %add3A_1592 = arith.constant 304 : i32
    %add3A_1593 = arith.addi %mul3A_2, %add3A_1592 : i32
    %dma_start3A_1594 = arith.constant 0 : i32
    %dma_start3A_1595 = tpu.memref_slice %arg2[%add3A_1593, %dma_start3A_1594] : memref<16384x2048xf32, #tpu.memory_space<hbm>> -> memref<16x2048xf32, #tpu.memory_space<hbm>>
    %dma_start3A_1596 = arith.constant 0 : i32
    %dma_start3A_1597 = tpu.memref_slice %arg2[%add3A_1593, %dma_start3A_1596] : memref<16384x2048xf32, #tpu.memory_space<hbm>> -> memref<16x2048xf32, #tpu.memory_space<hbm>>
    tpu.enqueue_dma source(%dma_start3A_1597 : memref<16x2048xf32, #tpu.memory_space<hbm>>) target(%arg8 : memref<16x2048xf32, #tpu.memory_space<vmem>>) target_semaphore(%arg14 : memref<!tpu.dma_semaphore, #tpu.memory_space<semaphore_mem>>)
    %add3A_1598 = arith.constant 288 : i32
    %add3A_1599 = arith.addi %mul3A_2, %add3A_1598 : i32
    %dma_wait3A_1600 = arith.constant 0 : i32
    %dma_wait3A_1601 = tpu.memref_slice %arg2[%add3A_1599, %dma_wait3A_1600] : memref<16384x2048xf32, #tpu.memory_space<hbm>> -> memref<16x2048xf32, #tpu.memory_space<hbm>>
    %dma_wait3A_1602 = arith.constant 0 : i32
    %dma_wait3A_1603 = tpu.memref_slice %arg2[%add3A_1599, %dma_wait3A_1602] : memref<16384x2048xf32, #tpu.memory_space<hbm>> -> memref<16x2048xf32, #tpu.memory_space<hbm>>
    tpu.wait_dma2 semaphore(%arg13 : memref<!tpu.dma_semaphore, #tpu.memory_space<semaphore_mem>>) src(%dma_wait3A_1603 : memref<16x2048xf32, #tpu.memory_space<hbm>>) dst(%arg7 : memref<16x2048xf32, #tpu.memory_space<vmem>>)
    %add3A_1604 = arith.constant 288 : i32
    %add3A_1605 = arith.addi %mul3A_2, %add3A_1604 : i32
    %sub3A_1606 = vector.broadcast %add3A_1605 : i32 to vector<16xi32>
    %sub3A_1607 = arith.subi %add3A_23, %sub3A_1606 : vector<16xi32>
    %ge3A_1608 = arith.constant 0 : i32
    %ge3A_1609 = vector.broadcast %ge3A_1608 : i32 to vector<16xi32>
    %ge3A_1610 = arith.cmpi sge, %sub3A_1607, %ge3A_1609 : vector<16xi32>
    %lt3A_1611 = arith.constant 16 : i32
    %lt3A_1612 = vector.broadcast %lt3A_1611 : i32 to vector<16xi32>
    %lt3A_1613 = arith.cmpi slt, %sub3A_1607, %lt3A_1612 : vector<16xi32>
    %and3A_1614 = arith.andi %ge3A_1610, %lt3A_1613 : vector<16xi1>
    %jit3A_1615 = arith.constant 0 : i32
    %jit3A_1616 = arith.constant 15 : i32
    %max3A_1617 = vector.broadcast %jit3A_1615 : i32 to vector<16xi32>
    %max3A_1618 = arith.maxsi %max3A_1617, %sub3A_1607 : vector<16xi32>
    %min3A_1619 = vector.broadcast %jit3A_1616 : i32 to vector<16xi32>
    %min3A_1620 = arith.minsi %min3A_1619, %max3A_1618 : vector<16xi32>
    tpu.vector_store_idx %arg7[%min3A_1620, %get3A_43], %gather3A masked %and3A_1614 {add = true} : memref<16x2048xf32, #tpu.memory_space<vmem>>[vector<16xi32>, vector<16xi32>], vector<16xf32>, vector<16xi1>
    %sub3A_1621 = vector.broadcast %add3A_1605 : i32 to vector<16xi32>
    %sub3A_1622 = arith.subi %add3A_29, %sub3A_1621 : vector<16xi32>
    %ge3A_1623 = arith.constant 0 : i32
    %ge3A_1624 = vector.broadcast %ge3A_1623 : i32 to vector<16xi32>
    %ge3A_1625 = arith.cmpi sge, %sub3A_1622, %ge3A_1624 : vector<16xi32>
    %lt3A_1626 = arith.constant 16 : i32
    %lt3A_1627 = vector.broadcast %lt3A_1626 : i32 to vector<16xi32>
    %lt3A_1628 = arith.cmpi slt, %sub3A_1622, %lt3A_1627 : vector<16xi32>
    %and3A_1629 = arith.andi %ge3A_1625, %lt3A_1628 : vector<16xi1>
    %jit3A_1630 = arith.constant 0 : i32
    %jit3A_1631 = arith.constant 15 : i32
    %max3A_1632 = vector.broadcast %jit3A_1630 : i32 to vector<16xi32>
    %max3A_1633 = arith.maxsi %max3A_1632, %sub3A_1622 : vector<16xi32>
    %min3A_1634 = vector.broadcast %jit3A_1631 : i32 to vector<16xi32>
    %min3A_1635 = arith.minsi %min3A_1634, %max3A_1633 : vector<16xi32>
    tpu.vector_store_idx %arg7[%min3A_1635, %get3A_45], %gather3A masked %and3A_1629 {add = true} : memref<16x2048xf32, #tpu.memory_space<vmem>>[vector<16xi32>, vector<16xi32>], vector<16xf32>, vector<16xi1>
    %sub3A_1636 = vector.broadcast %add3A_1605 : i32 to vector<16xi32>
    %sub3A_1637 = arith.subi %add3A_35, %sub3A_1636 : vector<16xi32>
    %ge3A_1638 = arith.constant 0 : i32
    %ge3A_1639 = vector.broadcast %ge3A_1638 : i32 to vector<16xi32>
    %ge3A_1640 = arith.cmpi sge, %sub3A_1637, %ge3A_1639 : vector<16xi32>
    %lt3A_1641 = arith.constant 16 : i32
    %lt3A_1642 = vector.broadcast %lt3A_1641 : i32 to vector<16xi32>
    %lt3A_1643 = arith.cmpi slt, %sub3A_1637, %lt3A_1642 : vector<16xi32>
    %and3A_1644 = arith.andi %ge3A_1640, %lt3A_1643 : vector<16xi1>
    %jit3A_1645 = arith.constant 0 : i32
    %jit3A_1646 = arith.constant 15 : i32
    %max3A_1647 = vector.broadcast %jit3A_1645 : i32 to vector<16xi32>
    %max3A_1648 = arith.maxsi %max3A_1647, %sub3A_1637 : vector<16xi32>
    %min3A_1649 = vector.broadcast %jit3A_1646 : i32 to vector<16xi32>
    %min3A_1650 = arith.minsi %min3A_1649, %max3A_1648 : vector<16xi32>
    tpu.vector_store_idx %arg7[%min3A_1650, %get3A_47], %gather3A masked %and3A_1644 {add = true} : memref<16x2048xf32, #tpu.memory_space<vmem>>[vector<16xi32>, vector<16xi32>], vector<16xf32>, vector<16xi1>
    %sub3A_1651 = vector.broadcast %add3A_1605 : i32 to vector<16xi32>
    %sub3A_1652 = arith.subi %add3A_41, %sub3A_1651 : vector<16xi32>
    %ge3A_1653 = arith.constant 0 : i32
    %ge3A_1654 = vector.broadcast %ge3A_1653 : i32 to vector<16xi32>
    %ge3A_1655 = arith.cmpi sge, %sub3A_1652, %ge3A_1654 : vector<16xi32>
    %lt3A_1656 = arith.constant 16 : i32
    %lt3A_1657 = vector.broadcast %lt3A_1656 : i32 to vector<16xi32>
    %lt3A_1658 = arith.cmpi slt, %sub3A_1652, %lt3A_1657 : vector<16xi32>
    %and3A_1659 = arith.andi %ge3A_1655, %lt3A_1658 : vector<16xi1>
    %jit3A_1660 = arith.constant 0 : i32
    %jit3A_1661 = arith.constant 15 : i32
    %max3A_1662 = vector.broadcast %jit3A_1660 : i32 to vector<16xi32>
    %max3A_1663 = arith.maxsi %max3A_1662, %sub3A_1652 : vector<16xi32>
    %min3A_1664 = vector.broadcast %jit3A_1661 : i32 to vector<16xi32>
    %min3A_1665 = arith.minsi %min3A_1664, %max3A_1663 : vector<16xi32>
    tpu.vector_store_idx %arg7[%min3A_1665, %get3A_49], %gather3A masked %and3A_1659 {add = true} : memref<16x2048xf32, #tpu.memory_space<vmem>>[vector<16xi32>, vector<16xi32>], vector<16xf32>, vector<16xi1>
    %add3A_1666 = arith.constant 288 : i32
    %add3A_1667 = arith.addi %mul3A_2, %add3A_1666 : i32
    %dma_start3A_1668 = arith.constant 0 : i32
    %dma_start3A_1669 = tpu.memref_slice %arg6[%add3A_1667, %dma_start3A_1668] : memref<16384x2048xf32, #tpu.memory_space<hbm>> -> memref<16x2048xf32, #tpu.memory_space<hbm>>
    %dma_start3A_1670 = arith.constant 0 : i32
    %dma_start3A_1671 = tpu.memref_slice %arg6[%add3A_1667, %dma_start3A_1670] : memref<16384x2048xf32, #tpu.memory_space<hbm>> -> memref<16x2048xf32, #tpu.memory_space<hbm>>
    tpu.enqueue_dma source(%arg7 : memref<16x2048xf32, #tpu.memory_space<vmem>>) target(%dma_start3A_1671 : memref<16x2048xf32, #tpu.memory_space<hbm>>) target_semaphore(%arg16 : memref<!tpu.dma_semaphore, #tpu.memory_space<semaphore_mem>>)
    %add3A_1672 = arith.constant 272 : i32
    %add3A_1673 = arith.addi %mul3A_2, %add3A_1672 : i32
    %dma_wait3A_1674 = arith.constant 0 : i32
    %dma_wait3A_1675 = tpu.memref_slice %arg6[%add3A_1673, %dma_wait3A_1674] : memref<16384x2048xf32, #tpu.memory_space<hbm>> -> memref<16x2048xf32, #tpu.memory_space<hbm>>
    %dma_wait3A_1676 = arith.constant 0 : i32
    %dma_wait3A_1677 = tpu.memref_slice %arg6[%add3A_1673, %dma_wait3A_1676] : memref<16384x2048xf32, #tpu.memory_space<hbm>> -> memref<16x2048xf32, #tpu.memory_space<hbm>>
    tpu.wait_dma2 semaphore(%arg18 : memref<!tpu.dma_semaphore, #tpu.memory_space<semaphore_mem>>) src(%arg9 : memref<16x2048xf32, #tpu.memory_space<vmem>>) dst(%dma_wait3A_1677 : memref<16x2048xf32, #tpu.memory_space<hbm>>)
    %add3A_1678 = arith.constant 320 : i32
    %add3A_1679 = arith.addi %mul3A_2, %add3A_1678 : i32
    %dma_start3A_1680 = arith.constant 0 : i32
    %dma_start3A_1681 = tpu.memref_slice %arg2[%add3A_1679, %dma_start3A_1680] : memref<16384x2048xf32, #tpu.memory_space<hbm>> -> memref<16x2048xf32, #tpu.memory_space<hbm>>
    %dma_start3A_1682 = arith.constant 0 : i32
    %dma_start3A_1683 = tpu.memref_slice %arg2[%add3A_1679, %dma_start3A_1682] : memref<16384x2048xf32, #tpu.memory_space<hbm>> -> memref<16x2048xf32, #tpu.memory_space<hbm>>
    tpu.enqueue_dma source(%dma_start3A_1683 : memref<16x2048xf32, #tpu.memory_space<hbm>>) target(%arg9 : memref<16x2048xf32, #tpu.memory_space<vmem>>) target_semaphore(%arg15 : memref<!tpu.dma_semaphore, #tpu.memory_space<semaphore_mem>>)
    %add3A_1684 = arith.constant 304 : i32
    %add3A_1685 = arith.addi %mul3A_2, %add3A_1684 : i32
    %dma_wait3A_1686 = arith.constant 0 : i32
    %dma_wait3A_1687 = tpu.memref_slice %arg2[%add3A_1685, %dma_wait3A_1686] : memref<16384x2048xf32, #tpu.memory_space<hbm>> -> memref<16x2048xf32, #tpu.memory_space<hbm>>
    %dma_wait3A_1688 = arith.constant 0 : i32
    %dma_wait3A_1689 = tpu.memref_slice %arg2[%add3A_1685, %dma_wait3A_1688] : memref<16384x2048xf32, #tpu.memory_space<hbm>> -> memref<16x2048xf32, #tpu.memory_space<hbm>>
    tpu.wait_dma2 semaphore(%arg14 : memref<!tpu.dma_semaphore, #tpu.memory_space<semaphore_mem>>) src(%dma_wait3A_1689 : memref<16x2048xf32, #tpu.memory_space<hbm>>) dst(%arg8 : memref<16x2048xf32, #tpu.memory_space<vmem>>)
    %add3A_1690 = arith.constant 304 : i32
    %add3A_1691 = arith.addi %mul3A_2, %add3A_1690 : i32
    %sub3A_1692 = vector.broadcast %add3A_1691 : i32 to vector<16xi32>
    %sub3A_1693 = arith.subi %add3A_23, %sub3A_1692 : vector<16xi32>
    %ge3A_1694 = arith.constant 0 : i32
    %ge3A_1695 = vector.broadcast %ge3A_1694 : i32 to vector<16xi32>
    %ge3A_1696 = arith.cmpi sge, %sub3A_1693, %ge3A_1695 : vector<16xi32>
    %lt3A_1697 = arith.constant 16 : i32
    %lt3A_1698 = vector.broadcast %lt3A_1697 : i32 to vector<16xi32>
    %lt3A_1699 = arith.cmpi slt, %sub3A_1693, %lt3A_1698 : vector<16xi32>
    %and3A_1700 = arith.andi %ge3A_1696, %lt3A_1699 : vector<16xi1>
    %jit3A_1701 = arith.constant 0 : i32
    %jit3A_1702 = arith.constant 15 : i32
    %max3A_1703 = vector.broadcast %jit3A_1701 : i32 to vector<16xi32>
    %max3A_1704 = arith.maxsi %max3A_1703, %sub3A_1693 : vector<16xi32>
    %min3A_1705 = vector.broadcast %jit3A_1702 : i32 to vector<16xi32>
    %min3A_1706 = arith.minsi %min3A_1705, %max3A_1704 : vector<16xi32>
    tpu.vector_store_idx %arg8[%min3A_1706, %get3A_43], %gather3A masked %and3A_1700 {add = true} : memref<16x2048xf32, #tpu.memory_space<vmem>>[vector<16xi32>, vector<16xi32>], vector<16xf32>, vector<16xi1>
    %sub3A_1707 = vector.broadcast %add3A_1691 : i32 to vector<16xi32>
    %sub3A_1708 = arith.subi %add3A_29, %sub3A_1707 : vector<16xi32>
    %ge3A_1709 = arith.constant 0 : i32
    %ge3A_1710 = vector.broadcast %ge3A_1709 : i32 to vector<16xi32>
    %ge3A_1711 = arith.cmpi sge, %sub3A_1708, %ge3A_1710 : vector<16xi32>
    %lt3A_1712 = arith.constant 16 : i32
    %lt3A_1713 = vector.broadcast %lt3A_1712 : i32 to vector<16xi32>
    %lt3A_1714 = arith.cmpi slt, %sub3A_1708, %lt3A_1713 : vector<16xi32>
    %and3A_1715 = arith.andi %ge3A_1711, %lt3A_1714 : vector<16xi1>
    %jit3A_1716 = arith.constant 0 : i32
    %jit3A_1717 = arith.constant 15 : i32
    %max3A_1718 = vector.broadcast %jit3A_1716 : i32 to vector<16xi32>
    %max3A_1719 = arith.maxsi %max3A_1718, %sub3A_1708 : vector<16xi32>
    %min3A_1720 = vector.broadcast %jit3A_1717 : i32 to vector<16xi32>
    %min3A_1721 = arith.minsi %min3A_1720, %max3A_1719 : vector<16xi32>
    tpu.vector_store_idx %arg8[%min3A_1721, %get3A_45], %gather3A masked %and3A_1715 {add = true} : memref<16x2048xf32, #tpu.memory_space<vmem>>[vector<16xi32>, vector<16xi32>], vector<16xf32>, vector<16xi1>
    %sub3A_1722 = vector.broadcast %add3A_1691 : i32 to vector<16xi32>
    %sub3A_1723 = arith.subi %add3A_35, %sub3A_1722 : vector<16xi32>
    %ge3A_1724 = arith.constant 0 : i32
    %ge3A_1725 = vector.broadcast %ge3A_1724 : i32 to vector<16xi32>
    %ge3A_1726 = arith.cmpi sge, %sub3A_1723, %ge3A_1725 : vector<16xi32>
    %lt3A_1727 = arith.constant 16 : i32
    %lt3A_1728 = vector.broadcast %lt3A_1727 : i32 to vector<16xi32>
    %lt3A_1729 = arith.cmpi slt, %sub3A_1723, %lt3A_1728 : vector<16xi32>
    %and3A_1730 = arith.andi %ge3A_1726, %lt3A_1729 : vector<16xi1>
    %jit3A_1731 = arith.constant 0 : i32
    %jit3A_1732 = arith.constant 15 : i32
    %max3A_1733 = vector.broadcast %jit3A_1731 : i32 to vector<16xi32>
    %max3A_1734 = arith.maxsi %max3A_1733, %sub3A_1723 : vector<16xi32>
    %min3A_1735 = vector.broadcast %jit3A_1732 : i32 to vector<16xi32>
    %min3A_1736 = arith.minsi %min3A_1735, %max3A_1734 : vector<16xi32>
    tpu.vector_store_idx %arg8[%min3A_1736, %get3A_47], %gather3A masked %and3A_1730 {add = true} : memref<16x2048xf32, #tpu.memory_space<vmem>>[vector<16xi32>, vector<16xi32>], vector<16xf32>, vector<16xi1>
    %sub3A_1737 = vector.broadcast %add3A_1691 : i32 to vector<16xi32>
    %sub3A_1738 = arith.subi %add3A_41, %sub3A_1737 : vector<16xi32>
    %ge3A_1739 = arith.constant 0 : i32
    %ge3A_1740 = vector.broadcast %ge3A_1739 : i32 to vector<16xi32>
    %ge3A_1741 = arith.cmpi sge, %sub3A_1738, %ge3A_1740 : vector<16xi32>
    %lt3A_1742 = arith.constant 16 : i32
    %lt3A_1743 = vector.broadcast %lt3A_1742 : i32 to vector<16xi32>
    %lt3A_1744 = arith.cmpi slt, %sub3A_1738, %lt3A_1743 : vector<16xi32>
    %and3A_1745 = arith.andi %ge3A_1741, %lt3A_1744 : vector<16xi1>
    %jit3A_1746 = arith.constant 0 : i32
    %jit3A_1747 = arith.constant 15 : i32
    %max3A_1748 = vector.broadcast %jit3A_1746 : i32 to vector<16xi32>
    %max3A_1749 = arith.maxsi %max3A_1748, %sub3A_1738 : vector<16xi32>
    %min3A_1750 = vector.broadcast %jit3A_1747 : i32 to vector<16xi32>
    %min3A_1751 = arith.minsi %min3A_1750, %max3A_1749 : vector<16xi32>
    tpu.vector_store_idx %arg8[%min3A_1751, %get3A_49], %gather3A masked %and3A_1745 {add = true} : memref<16x2048xf32, #tpu.memory_space<vmem>>[vector<16xi32>, vector<16xi32>], vector<16xf32>, vector<16xi1>
    %add3A_1752 = arith.constant 304 : i32
    %add3A_1753 = arith.addi %mul3A_2, %add3A_1752 : i32
    %dma_start3A_1754 = arith.constant 0 : i32
    %dma_start3A_1755 = tpu.memref_slice %arg6[%add3A_1753, %dma_start3A_1754] : memref<16384x2048xf32, #tpu.memory_space<hbm>> -> memref<16x2048xf32, #tpu.memory_space<hbm>>
    %dma_start3A_1756 = arith.constant 0 : i32
    %dma_start3A_1757 = tpu.memref_slice %arg6[%add3A_1753, %dma_start3A_1756] : memref<16384x2048xf32, #tpu.memory_space<hbm>> -> memref<16x2048xf32, #tpu.memory_space<hbm>>
    tpu.enqueue_dma source(%arg8 : memref<16x2048xf32, #tpu.memory_space<vmem>>) target(%dma_start3A_1757 : memref<16x2048xf32, #tpu.memory_space<hbm>>) target_semaphore(%arg17 : memref<!tpu.dma_semaphore, #tpu.memory_space<semaphore_mem>>)
    %add3A_1758 = arith.constant 288 : i32
    %add3A_1759 = arith.addi %mul3A_2, %add3A_1758 : i32
    %dma_wait3A_1760 = arith.constant 0 : i32
    %dma_wait3A_1761 = tpu.memref_slice %arg6[%add3A_1759, %dma_wait3A_1760] : memref<16384x2048xf32, #tpu.memory_space<hbm>> -> memref<16x2048xf32, #tpu.memory_space<hbm>>
    %dma_wait3A_1762 = arith.constant 0 : i32
    %dma_wait3A_1763 = tpu.memref_slice %arg6[%add3A_1759, %dma_wait3A_1762] : memref<16384x2048xf32, #tpu.memory_space<hbm>> -> memref<16x2048xf32, #tpu.memory_space<hbm>>
    tpu.wait_dma2 semaphore(%arg16 : memref<!tpu.dma_semaphore, #tpu.memory_space<semaphore_mem>>) src(%arg7 : memref<16x2048xf32, #tpu.memory_space<vmem>>) dst(%dma_wait3A_1763 : memref<16x2048xf32, #tpu.memory_space<hbm>>)
    %add3A_1764 = arith.constant 336 : i32
    %add3A_1765 = arith.addi %mul3A_2, %add3A_1764 : i32
    %dma_start3A_1766 = arith.constant 0 : i32
    %dma_start3A_1767 = tpu.memref_slice %arg2[%add3A_1765, %dma_start3A_1766] : memref<16384x2048xf32, #tpu.memory_space<hbm>> -> memref<16x2048xf32, #tpu.memory_space<hbm>>
    %dma_start3A_1768 = arith.constant 0 : i32
    %dma_start3A_1769 = tpu.memref_slice %arg2[%add3A_1765, %dma_start3A_1768] : memref<16384x2048xf32, #tpu.memory_space<hbm>> -> memref<16x2048xf32, #tpu.memory_space<hbm>>
    tpu.enqueue_dma source(%dma_start3A_1769 : memref<16x2048xf32, #tpu.memory_space<hbm>>) target(%arg7 : memref<16x2048xf32, #tpu.memory_space<vmem>>) target_semaphore(%arg13 : memref<!tpu.dma_semaphore, #tpu.memory_space<semaphore_mem>>)
    %add3A_1770 = arith.constant 320 : i32
    %add3A_1771 = arith.addi %mul3A_2, %add3A_1770 : i32
    %dma_wait3A_1772 = arith.constant 0 : i32
    %dma_wait3A_1773 = tpu.memref_slice %arg2[%add3A_1771, %dma_wait3A_1772] : memref<16384x2048xf32, #tpu.memory_space<hbm>> -> memref<16x2048xf32, #tpu.memory_space<hbm>>
    %dma_wait3A_1774 = arith.constant 0 : i32
    %dma_wait3A_1775 = tpu.memref_slice %arg2[%add3A_1771, %dma_wait3A_1774] : memref<16384x2048xf32, #tpu.memory_space<hbm>> -> memref<16x2048xf32, #tpu.memory_space<hbm>>
    tpu.wait_dma2 semaphore(%arg15 : memref<!tpu.dma_semaphore, #tpu.memory_space<semaphore_mem>>) src(%dma_wait3A_1775 : memref<16x2048xf32, #tpu.memory_space<hbm>>) dst(%arg9 : memref<16x2048xf32, #tpu.memory_space<vmem>>)
    %add3A_1776 = arith.constant 320 : i32
    %add3A_1777 = arith.addi %mul3A_2, %add3A_1776 : i32
    %sub3A_1778 = vector.broadcast %add3A_1777 : i32 to vector<16xi32>
    %sub3A_1779 = arith.subi %add3A_23, %sub3A_1778 : vector<16xi32>
    %ge3A_1780 = arith.constant 0 : i32
    %ge3A_1781 = vector.broadcast %ge3A_1780 : i32 to vector<16xi32>
    %ge3A_1782 = arith.cmpi sge, %sub3A_1779, %ge3A_1781 : vector<16xi32>
    %lt3A_1783 = arith.constant 16 : i32
    %lt3A_1784 = vector.broadcast %lt3A_1783 : i32 to vector<16xi32>
    %lt3A_1785 = arith.cmpi slt, %sub3A_1779, %lt3A_1784 : vector<16xi32>
    %and3A_1786 = arith.andi %ge3A_1782, %lt3A_1785 : vector<16xi1>
    %jit3A_1787 = arith.constant 0 : i32
    %jit3A_1788 = arith.constant 15 : i32
    %max3A_1789 = vector.broadcast %jit3A_1787 : i32 to vector<16xi32>
    %max3A_1790 = arith.maxsi %max3A_1789, %sub3A_1779 : vector<16xi32>
    %min3A_1791 = vector.broadcast %jit3A_1788 : i32 to vector<16xi32>
    %min3A_1792 = arith.minsi %min3A_1791, %max3A_1790 : vector<16xi32>
    tpu.vector_store_idx %arg9[%min3A_1792, %get3A_43], %gather3A masked %and3A_1786 {add = true} : memref<16x2048xf32, #tpu.memory_space<vmem>>[vector<16xi32>, vector<16xi32>], vector<16xf32>, vector<16xi1>
    %sub3A_1793 = vector.broadcast %add3A_1777 : i32 to vector<16xi32>
    %sub3A_1794 = arith.subi %add3A_29, %sub3A_1793 : vector<16xi32>
    %ge3A_1795 = arith.constant 0 : i32
    %ge3A_1796 = vector.broadcast %ge3A_1795 : i32 to vector<16xi32>
    %ge3A_1797 = arith.cmpi sge, %sub3A_1794, %ge3A_1796 : vector<16xi32>
    %lt3A_1798 = arith.constant 16 : i32
    %lt3A_1799 = vector.broadcast %lt3A_1798 : i32 to vector<16xi32>
    %lt3A_1800 = arith.cmpi slt, %sub3A_1794, %lt3A_1799 : vector<16xi32>
    %and3A_1801 = arith.andi %ge3A_1797, %lt3A_1800 : vector<16xi1>
    %jit3A_1802 = arith.constant 0 : i32
    %jit3A_1803 = arith.constant 15 : i32
    %max3A_1804 = vector.broadcast %jit3A_1802 : i32 to vector<16xi32>
    %max3A_1805 = arith.maxsi %max3A_1804, %sub3A_1794 : vector<16xi32>
    %min3A_1806 = vector.broadcast %jit3A_1803 : i32 to vector<16xi32>
    %min3A_1807 = arith.minsi %min3A_1806, %max3A_1805 : vector<16xi32>
    tpu.vector_store_idx %arg9[%min3A_1807, %get3A_45], %gather3A masked %and3A_1801 {add = true} : memref<16x2048xf32, #tpu.memory_space<vmem>>[vector<16xi32>, vector<16xi32>], vector<16xf32>, vector<16xi1>
    %sub3A_1808 = vector.broadcast %add3A_1777 : i32 to vector<16xi32>
    %sub3A_1809 = arith.subi %add3A_35, %sub3A_1808 : vector<16xi32>
    %ge3A_1810 = arith.constant 0 : i32
    %ge3A_1811 = vector.broadcast %ge3A_1810 : i32 to vector<16xi32>
    %ge3A_1812 = arith.cmpi sge, %sub3A_1809, %ge3A_1811 : vector<16xi32>
    %lt3A_1813 = arith.constant 16 : i32
    %lt3A_1814 = vector.broadcast %lt3A_1813 : i32 to vector<16xi32>
    %lt3A_1815 = arith.cmpi slt, %sub3A_1809, %lt3A_1814 : vector<16xi32>
    %and3A_1816 = arith.andi %ge3A_1812, %lt3A_1815 : vector<16xi1>
    %jit3A_1817 = arith.constant 0 : i32
    %jit3A_1818 = arith.constant 15 : i32
    %max3A_1819 = vector.broadcast %jit3A_1817 : i32 to vector<16xi32>
    %max3A_1820 = arith.maxsi %max3A_1819, %sub3A_1809 : vector<16xi32>
    %min3A_1821 = vector.broadcast %jit3A_1818 : i32 to vector<16xi32>
    %min3A_1822 = arith.minsi %min3A_1821, %max3A_1820 : vector<16xi32>
    tpu.vector_store_idx %arg9[%min3A_1822, %get3A_47], %gather3A masked %and3A_1816 {add = true} : memref<16x2048xf32, #tpu.memory_space<vmem>>[vector<16xi32>, vector<16xi32>], vector<16xf32>, vector<16xi1>
    %sub3A_1823 = vector.broadcast %add3A_1777 : i32 to vector<16xi32>
    %sub3A_1824 = arith.subi %add3A_41, %sub3A_1823 : vector<16xi32>
    %ge3A_1825 = arith.constant 0 : i32
    %ge3A_1826 = vector.broadcast %ge3A_1825 : i32 to vector<16xi32>
    %ge3A_1827 = arith.cmpi sge, %sub3A_1824, %ge3A_1826 : vector<16xi32>
    %lt3A_1828 = arith.constant 16 : i32
    %lt3A_1829 = vector.broadcast %lt3A_1828 : i32 to vector<16xi32>
    %lt3A_1830 = arith.cmpi slt, %sub3A_1824, %lt3A_1829 : vector<16xi32>
    %and3A_1831 = arith.andi %ge3A_1827, %lt3A_1830 : vector<16xi1>
    %jit3A_1832 = arith.constant 0 : i32
    %jit3A_1833 = arith.constant 15 : i32
    %max3A_1834 = vector.broadcast %jit3A_1832 : i32 to vector<16xi32>
    %max3A_1835 = arith.maxsi %max3A_1834, %sub3A_1824 : vector<16xi32>
    %min3A_1836 = vector.broadcast %jit3A_1833 : i32 to vector<16xi32>
    %min3A_1837 = arith.minsi %min3A_1836, %max3A_1835 : vector<16xi32>
    tpu.vector_store_idx %arg9[%min3A_1837, %get3A_49], %gather3A masked %and3A_1831 {add = true} : memref<16x2048xf32, #tpu.memory_space<vmem>>[vector<16xi32>, vector<16xi32>], vector<16xf32>, vector<16xi1>
    %add3A_1838 = arith.constant 320 : i32
    %add3A_1839 = arith.addi %mul3A_2, %add3A_1838 : i32
    %dma_start3A_1840 = arith.constant 0 : i32
    %dma_start3A_1841 = tpu.memref_slice %arg6[%add3A_1839, %dma_start3A_1840] : memref<16384x2048xf32, #tpu.memory_space<hbm>> -> memref<16x2048xf32, #tpu.memory_space<hbm>>
    %dma_start3A_1842 = arith.constant 0 : i32
    %dma_start3A_1843 = tpu.memref_slice %arg6[%add3A_1839, %dma_start3A_1842] : memref<16384x2048xf32, #tpu.memory_space<hbm>> -> memref<16x2048xf32, #tpu.memory_space<hbm>>
    tpu.enqueue_dma source(%arg9 : memref<16x2048xf32, #tpu.memory_space<vmem>>) target(%dma_start3A_1843 : memref<16x2048xf32, #tpu.memory_space<hbm>>) target_semaphore(%arg18 : memref<!tpu.dma_semaphore, #tpu.memory_space<semaphore_mem>>)
    %add3A_1844 = arith.constant 304 : i32
    %add3A_1845 = arith.addi %mul3A_2, %add3A_1844 : i32
    %dma_wait3A_1846 = arith.constant 0 : i32
    %dma_wait3A_1847 = tpu.memref_slice %arg6[%add3A_1845, %dma_wait3A_1846] : memref<16384x2048xf32, #tpu.memory_space<hbm>> -> memref<16x2048xf32, #tpu.memory_space<hbm>>
    %dma_wait3A_1848 = arith.constant 0 : i32
    %dma_wait3A_1849 = tpu.memref_slice %arg6[%add3A_1845, %dma_wait3A_1848] : memref<16384x2048xf32, #tpu.memory_space<hbm>> -> memref<16x2048xf32, #tpu.memory_space<hbm>>
    tpu.wait_dma2 semaphore(%arg17 : memref<!tpu.dma_semaphore, #tpu.memory_space<semaphore_mem>>) src(%arg8 : memref<16x2048xf32, #tpu.memory_space<vmem>>) dst(%dma_wait3A_1849 : memref<16x2048xf32, #tpu.memory_space<hbm>>)
    %add3A_1850 = arith.constant 352 : i32
    %add3A_1851 = arith.addi %mul3A_2, %add3A_1850 : i32
    %dma_start3A_1852 = arith.constant 0 : i32
    %dma_start3A_1853 = tpu.memref_slice %arg2[%add3A_1851, %dma_start3A_1852] : memref<16384x2048xf32, #tpu.memory_space<hbm>> -> memref<16x2048xf32, #tpu.memory_space<hbm>>
    %dma_start3A_1854 = arith.constant 0 : i32
    %dma_start3A_1855 = tpu.memref_slice %arg2[%add3A_1851, %dma_start3A_1854] : memref<16384x2048xf32, #tpu.memory_space<hbm>> -> memref<16x2048xf32, #tpu.memory_space<hbm>>
    tpu.enqueue_dma source(%dma_start3A_1855 : memref<16x2048xf32, #tpu.memory_space<hbm>>) target(%arg8 : memref<16x2048xf32, #tpu.memory_space<vmem>>) target_semaphore(%arg14 : memref<!tpu.dma_semaphore, #tpu.memory_space<semaphore_mem>>)
    %add3A_1856 = arith.constant 336 : i32
    %add3A_1857 = arith.addi %mul3A_2, %add3A_1856 : i32
    %dma_wait3A_1858 = arith.constant 0 : i32
    %dma_wait3A_1859 = tpu.memref_slice %arg2[%add3A_1857, %dma_wait3A_1858] : memref<16384x2048xf32, #tpu.memory_space<hbm>> -> memref<16x2048xf32, #tpu.memory_space<hbm>>
    %dma_wait3A_1860 = arith.constant 0 : i32
    %dma_wait3A_1861 = tpu.memref_slice %arg2[%add3A_1857, %dma_wait3A_1860] : memref<16384x2048xf32, #tpu.memory_space<hbm>> -> memref<16x2048xf32, #tpu.memory_space<hbm>>
    tpu.wait_dma2 semaphore(%arg13 : memref<!tpu.dma_semaphore, #tpu.memory_space<semaphore_mem>>) src(%dma_wait3A_1861 : memref<16x2048xf32, #tpu.memory_space<hbm>>) dst(%arg7 : memref<16x2048xf32, #tpu.memory_space<vmem>>)
    %add3A_1862 = arith.constant 336 : i32
    %add3A_1863 = arith.addi %mul3A_2, %add3A_1862 : i32
    %sub3A_1864 = vector.broadcast %add3A_1863 : i32 to vector<16xi32>
    %sub3A_1865 = arith.subi %add3A_23, %sub3A_1864 : vector<16xi32>
    %ge3A_1866 = arith.constant 0 : i32
    %ge3A_1867 = vector.broadcast %ge3A_1866 : i32 to vector<16xi32>
    %ge3A_1868 = arith.cmpi sge, %sub3A_1865, %ge3A_1867 : vector<16xi32>
    %lt3A_1869 = arith.constant 16 : i32
    %lt3A_1870 = vector.broadcast %lt3A_1869 : i32 to vector<16xi32>
    %lt3A_1871 = arith.cmpi slt, %sub3A_1865, %lt3A_1870 : vector<16xi32>
    %and3A_1872 = arith.andi %ge3A_1868, %lt3A_1871 : vector<16xi1>
    %jit3A_1873 = arith.constant 0 : i32
    %jit3A_1874 = arith.constant 15 : i32
    %max3A_1875 = vector.broadcast %jit3A_1873 : i32 to vector<16xi32>
    %max3A_1876 = arith.maxsi %max3A_1875, %sub3A_1865 : vector<16xi32>
    %min3A_1877 = vector.broadcast %jit3A_1874 : i32 to vector<16xi32>
    %min3A_1878 = arith.minsi %min3A_1877, %max3A_1876 : vector<16xi32>
    tpu.vector_store_idx %arg7[%min3A_1878, %get3A_43], %gather3A masked %and3A_1872 {add = true} : memref<16x2048xf32, #tpu.memory_space<vmem>>[vector<16xi32>, vector<16xi32>], vector<16xf32>, vector<16xi1>
    %sub3A_1879 = vector.broadcast %add3A_1863 : i32 to vector<16xi32>
    %sub3A_1880 = arith.subi %add3A_29, %sub3A_1879 : vector<16xi32>
    %ge3A_1881 = arith.constant 0 : i32
    %ge3A_1882 = vector.broadcast %ge3A_1881 : i32 to vector<16xi32>
    %ge3A_1883 = arith.cmpi sge, %sub3A_1880, %ge3A_1882 : vector<16xi32>
    %lt3A_1884 = arith.constant 16 : i32
    %lt3A_1885 = vector.broadcast %lt3A_1884 : i32 to vector<16xi32>
    %lt3A_1886 = arith.cmpi slt, %sub3A_1880, %lt3A_1885 : vector<16xi32>
    %and3A_1887 = arith.andi %ge3A_1883, %lt3A_1886 : vector<16xi1>
    %jit3A_1888 = arith.constant 0 : i32
    %jit3A_1889 = arith.constant 15 : i32
    %max3A_1890 = vector.broadcast %jit3A_1888 : i32 to vector<16xi32>
    %max3A_1891 = arith.maxsi %max3A_1890, %sub3A_1880 : vector<16xi32>
    %min3A_1892 = vector.broadcast %jit3A_1889 : i32 to vector<16xi32>
    %min3A_1893 = arith.minsi %min3A_1892, %max3A_1891 : vector<16xi32>
    tpu.vector_store_idx %arg7[%min3A_1893, %get3A_45], %gather3A masked %and3A_1887 {add = true} : memref<16x2048xf32, #tpu.memory_space<vmem>>[vector<16xi32>, vector<16xi32>], vector<16xf32>, vector<16xi1>
    %sub3A_1894 = vector.broadcast %add3A_1863 : i32 to vector<16xi32>
    %sub3A_1895 = arith.subi %add3A_35, %sub3A_1894 : vector<16xi32>
    %ge3A_1896 = arith.constant 0 : i32
    %ge3A_1897 = vector.broadcast %ge3A_1896 : i32 to vector<16xi32>
    %ge3A_1898 = arith.cmpi sge, %sub3A_1895, %ge3A_1897 : vector<16xi32>
    %lt3A_1899 = arith.constant 16 : i32
    %lt3A_1900 = vector.broadcast %lt3A_1899 : i32 to vector<16xi32>
    %lt3A_1901 = arith.cmpi slt, %sub3A_1895, %lt3A_1900 : vector<16xi32>
    %and3A_1902 = arith.andi %ge3A_1898, %lt3A_1901 : vector<16xi1>
    %jit3A_1903 = arith.constant 0 : i32
    %jit3A_1904 = arith.constant 15 : i32
    %max3A_1905 = vector.broadcast %jit3A_1903 : i32 to vector<16xi32>
    %max3A_1906 = arith.maxsi %max3A_1905, %sub3A_1895 : vector<16xi32>
    %min3A_1907 = vector.broadcast %jit3A_1904 : i32 to vector<16xi32>
    %min3A_1908 = arith.minsi %min3A_1907, %max3A_1906 : vector<16xi32>
    tpu.vector_store_idx %arg7[%min3A_1908, %get3A_47], %gather3A masked %and3A_1902 {add = true} : memref<16x2048xf32, #tpu.memory_space<vmem>>[vector<16xi32>, vector<16xi32>], vector<16xf32>, vector<16xi1>
    %sub3A_1909 = vector.broadcast %add3A_1863 : i32 to vector<16xi32>
    %sub3A_1910 = arith.subi %add3A_41, %sub3A_1909 : vector<16xi32>
    %ge3A_1911 = arith.constant 0 : i32
    %ge3A_1912 = vector.broadcast %ge3A_1911 : i32 to vector<16xi32>
    %ge3A_1913 = arith.cmpi sge, %sub3A_1910, %ge3A_1912 : vector<16xi32>
    %lt3A_1914 = arith.constant 16 : i32
    %lt3A_1915 = vector.broadcast %lt3A_1914 : i32 to vector<16xi32>
    %lt3A_1916 = arith.cmpi slt, %sub3A_1910, %lt3A_1915 : vector<16xi32>
    %and3A_1917 = arith.andi %ge3A_1913, %lt3A_1916 : vector<16xi1>
    %jit3A_1918 = arith.constant 0 : i32
    %jit3A_1919 = arith.constant 15 : i32
    %max3A_1920 = vector.broadcast %jit3A_1918 : i32 to vector<16xi32>
    %max3A_1921 = arith.maxsi %max3A_1920, %sub3A_1910 : vector<16xi32>
    %min3A_1922 = vector.broadcast %jit3A_1919 : i32 to vector<16xi32>
    %min3A_1923 = arith.minsi %min3A_1922, %max3A_1921 : vector<16xi32>
    tpu.vector_store_idx %arg7[%min3A_1923, %get3A_49], %gather3A masked %and3A_1917 {add = true} : memref<16x2048xf32, #tpu.memory_space<vmem>>[vector<16xi32>, vector<16xi32>], vector<16xf32>, vector<16xi1>
    %add3A_1924 = arith.constant 336 : i32
    %add3A_1925 = arith.addi %mul3A_2, %add3A_1924 : i32
    %dma_start3A_1926 = arith.constant 0 : i32
    %dma_start3A_1927 = tpu.memref_slice %arg6[%add3A_1925, %dma_start3A_1926] : memref<16384x2048xf32, #tpu.memory_space<hbm>> -> memref<16x2048xf32, #tpu.memory_space<hbm>>
    %dma_start3A_1928 = arith.constant 0 : i32
    %dma_start3A_1929 = tpu.memref_slice %arg6[%add3A_1925, %dma_start3A_1928] : memref<16384x2048xf32, #tpu.memory_space<hbm>> -> memref<16x2048xf32, #tpu.memory_space<hbm>>
    tpu.enqueue_dma source(%arg7 : memref<16x2048xf32, #tpu.memory_space<vmem>>) target(%dma_start3A_1929 : memref<16x2048xf32, #tpu.memory_space<hbm>>) target_semaphore(%arg16 : memref<!tpu.dma_semaphore, #tpu.memory_space<semaphore_mem>>)
    %add3A_1930 = arith.constant 320 : i32
    %add3A_1931 = arith.addi %mul3A_2, %add3A_1930 : i32
    %dma_wait3A_1932 = arith.constant 0 : i32
    %dma_wait3A_1933 = tpu.memref_slice %arg6[%add3A_1931, %dma_wait3A_1932] : memref<16384x2048xf32, #tpu.memory_space<hbm>> -> memref<16x2048xf32, #tpu.memory_space<hbm>>
    %dma_wait3A_1934 = arith.constant 0 : i32
    %dma_wait3A_1935 = tpu.memref_slice %arg6[%add3A_1931, %dma_wait3A_1934] : memref<16384x2048xf32, #tpu.memory_space<hbm>> -> memref<16x2048xf32, #tpu.memory_space<hbm>>
    tpu.wait_dma2 semaphore(%arg18 : memref<!tpu.dma_semaphore, #tpu.memory_space<semaphore_mem>>) src(%arg9 : memref<16x2048xf32, #tpu.memory_space<vmem>>) dst(%dma_wait3A_1935 : memref<16x2048xf32, #tpu.memory_space<hbm>>)
    %add3A_1936 = arith.constant 368 : i32
    %add3A_1937 = arith.addi %mul3A_2, %add3A_1936 : i32
    %dma_start3A_1938 = arith.constant 0 : i32
    %dma_start3A_1939 = tpu.memref_slice %arg2[%add3A_1937, %dma_start3A_1938] : memref<16384x2048xf32, #tpu.memory_space<hbm>> -> memref<16x2048xf32, #tpu.memory_space<hbm>>
    %dma_start3A_1940 = arith.constant 0 : i32
    %dma_start3A_1941 = tpu.memref_slice %arg2[%add3A_1937, %dma_start3A_1940] : memref<16384x2048xf32, #tpu.memory_space<hbm>> -> memref<16x2048xf32, #tpu.memory_space<hbm>>
    tpu.enqueue_dma source(%dma_start3A_1941 : memref<16x2048xf32, #tpu.memory_space<hbm>>) target(%arg9 : memref<16x2048xf32, #tpu.memory_space<vmem>>) target_semaphore(%arg15 : memref<!tpu.dma_semaphore, #tpu.memory_space<semaphore_mem>>)
    %add3A_1942 = arith.constant 352 : i32
    %add3A_1943 = arith.addi %mul3A_2, %add3A_1942 : i32
    %dma_wait3A_1944 = arith.constant 0 : i32
    %dma_wait3A_1945 = tpu.memref_slice %arg2[%add3A_1943, %dma_wait3A_1944] : memref<16384x2048xf32, #tpu.memory_space<hbm>> -> memref<16x2048xf32, #tpu.memory_space<hbm>>
    %dma_wait3A_1946 = arith.constant 0 : i32
    %dma_wait3A_1947 = tpu.memref_slice %arg2[%add3A_1943, %dma_wait3A_1946] : memref<16384x2048xf32, #tpu.memory_space<hbm>> -> memref<16x2048xf32, #tpu.memory_space<hbm>>
    tpu.wait_dma2 semaphore(%arg14 : memref<!tpu.dma_semaphore, #tpu.memory_space<semaphore_mem>>) src(%dma_wait3A_1947 : memref<16x2048xf32, #tpu.memory_space<hbm>>) dst(%arg8 : memref<16x2048xf32, #tpu.memory_space<vmem>>)
    %add3A_1948 = arith.constant 352 : i32
    %add3A_1949 = arith.addi %mul3A_2, %add3A_1948 : i32
    %sub3A_1950 = vector.broadcast %add3A_1949 : i32 to vector<16xi32>
    %sub3A_1951 = arith.subi %add3A_23, %sub3A_1950 : vector<16xi32>
    %ge3A_1952 = arith.constant 0 : i32
    %ge3A_1953 = vector.broadcast %ge3A_1952 : i32 to vector<16xi32>
    %ge3A_1954 = arith.cmpi sge, %sub3A_1951, %ge3A_1953 : vector<16xi32>
    %lt3A_1955 = arith.constant 16 : i32
    %lt3A_1956 = vector.broadcast %lt3A_1955 : i32 to vector<16xi32>
    %lt3A_1957 = arith.cmpi slt, %sub3A_1951, %lt3A_1956 : vector<16xi32>
    %and3A_1958 = arith.andi %ge3A_1954, %lt3A_1957 : vector<16xi1>
    %jit3A_1959 = arith.constant 0 : i32
    %jit3A_1960 = arith.constant 15 : i32
    %max3A_1961 = vector.broadcast %jit3A_1959 : i32 to vector<16xi32>
    %max3A_1962 = arith.maxsi %max3A_1961, %sub3A_1951 : vector<16xi32>
    %min3A_1963 = vector.broadcast %jit3A_1960 : i32 to vector<16xi32>
    %min3A_1964 = arith.minsi %min3A_1963, %max3A_1962 : vector<16xi32>
    tpu.vector_store_idx %arg8[%min3A_1964, %get3A_43], %gather3A masked %and3A_1958 {add = true} : memref<16x2048xf32, #tpu.memory_space<vmem>>[vector<16xi32>, vector<16xi32>], vector<16xf32>, vector<16xi1>
    %sub3A_1965 = vector.broadcast %add3A_1949 : i32 to vector<16xi32>
    %sub3A_1966 = arith.subi %add3A_29, %sub3A_1965 : vector<16xi32>
    %ge3A_1967 = arith.constant 0 : i32
    %ge3A_1968 = vector.broadcast %ge3A_1967 : i32 to vector<16xi32>
    %ge3A_1969 = arith.cmpi sge, %sub3A_1966, %ge3A_1968 : vector<16xi32>
    %lt3A_1970 = arith.constant 16 : i32
    %lt3A_1971 = vector.broadcast %lt3A_1970 : i32 to vector<16xi32>
    %lt3A_1972 = arith.cmpi slt, %sub3A_1966, %lt3A_1971 : vector<16xi32>
    %and3A_1973 = arith.andi %ge3A_1969, %lt3A_1972 : vector<16xi1>
    %jit3A_1974 = arith.constant 0 : i32
    %jit3A_1975 = arith.constant 15 : i32
    %max3A_1976 = vector.broadcast %jit3A_1974 : i32 to vector<16xi32>
    %max3A_1977 = arith.maxsi %max3A_1976, %sub3A_1966 : vector<16xi32>
    %min3A_1978 = vector.broadcast %jit3A_1975 : i32 to vector<16xi32>
    %min3A_1979 = arith.minsi %min3A_1978, %max3A_1977 : vector<16xi32>
    tpu.vector_store_idx %arg8[%min3A_1979, %get3A_45], %gather3A masked %and3A_1973 {add = true} : memref<16x2048xf32, #tpu.memory_space<vmem>>[vector<16xi32>, vector<16xi32>], vector<16xf32>, vector<16xi1>
    %sub3A_1980 = vector.broadcast %add3A_1949 : i32 to vector<16xi32>
    %sub3A_1981 = arith.subi %add3A_35, %sub3A_1980 : vector<16xi32>
    %ge3A_1982 = arith.constant 0 : i32
    %ge3A_1983 = vector.broadcast %ge3A_1982 : i32 to vector<16xi32>
    %ge3A_1984 = arith.cmpi sge, %sub3A_1981, %ge3A_1983 : vector<16xi32>
    %lt3A_1985 = arith.constant 16 : i32
    %lt3A_1986 = vector.broadcast %lt3A_1985 : i32 to vector<16xi32>
    %lt3A_1987 = arith.cmpi slt, %sub3A_1981, %lt3A_1986 : vector<16xi32>
    %and3A_1988 = arith.andi %ge3A_1984, %lt3A_1987 : vector<16xi1>
    %jit3A_1989 = arith.constant 0 : i32
    %jit3A_1990 = arith.constant 15 : i32
    %max3A_1991 = vector.broadcast %jit3A_1989 : i32 to vector<16xi32>
    %max3A_1992 = arith.maxsi %max3A_1991, %sub3A_1981 : vector<16xi32>
    %min3A_1993 = vector.broadcast %jit3A_1990 : i32 to vector<16xi32>
    %min3A_1994 = arith.minsi %min3A_1993, %max3A_1992 : vector<16xi32>
    tpu.vector_store_idx %arg8[%min3A_1994, %get3A_47], %gather3A masked %and3A_1988 {add = true} : memref<16x2048xf32, #tpu.memory_space<vmem>>[vector<16xi32>, vector<16xi32>], vector<16xf32>, vector<16xi1>
    %sub3A_1995 = vector.broadcast %add3A_1949 : i32 to vector<16xi32>
    %sub3A_1996 = arith.subi %add3A_41, %sub3A_1995 : vector<16xi32>
    %ge3A_1997 = arith.constant 0 : i32
    %ge3A_1998 = vector.broadcast %ge3A_1997 : i32 to vector<16xi32>
    %ge3A_1999 = arith.cmpi sge, %sub3A_1996, %ge3A_1998 : vector<16xi32>
    %lt3A_2000 = arith.constant 16 : i32
    %lt3A_2001 = vector.broadcast %lt3A_2000 : i32 to vector<16xi32>
    %lt3A_2002 = arith.cmpi slt, %sub3A_1996, %lt3A_2001 : vector<16xi32>
    %and3A_2003 = arith.andi %ge3A_1999, %lt3A_2002 : vector<16xi1>
    %jit3A_2004 = arith.constant 0 : i32
    %jit3A_2005 = arith.constant 15 : i32
    %max3A_2006 = vector.broadcast %jit3A_2004 : i32 to vector<16xi32>
    %max3A_2007 = arith.maxsi %max3A_2006, %sub3A_1996 : vector<16xi32>
    %min3A_2008 = vector.broadcast %jit3A_2005 : i32 to vector<16xi32>
    %min3A_2009 = arith.minsi %min3A_2008, %max3A_2007 : vector<16xi32>
    tpu.vector_store_idx %arg8[%min3A_2009, %get3A_49], %gather3A masked %and3A_2003 {add = true} : memref<16x2048xf32, #tpu.memory_space<vmem>>[vector<16xi32>, vector<16xi32>], vector<16xf32>, vector<16xi1>
    %add3A_2010 = arith.constant 352 : i32
    %add3A_2011 = arith.addi %mul3A_2, %add3A_2010 : i32
    %dma_start3A_2012 = arith.constant 0 : i32
    %dma_start3A_2013 = tpu.memref_slice %arg6[%add3A_2011, %dma_start3A_2012] : memref<16384x2048xf32, #tpu.memory_space<hbm>> -> memref<16x2048xf32, #tpu.memory_space<hbm>>
    %dma_start3A_2014 = arith.constant 0 : i32
    %dma_start3A_2015 = tpu.memref_slice %arg6[%add3A_2011, %dma_start3A_2014] : memref<16384x2048xf32, #tpu.memory_space<hbm>> -> memref<16x2048xf32, #tpu.memory_space<hbm>>
    tpu.enqueue_dma source(%arg8 : memref<16x2048xf32, #tpu.memory_space<vmem>>) target(%dma_start3A_2015 : memref<16x2048xf32, #tpu.memory_space<hbm>>) target_semaphore(%arg17 : memref<!tpu.dma_semaphore, #tpu.memory_space<semaphore_mem>>)
    %add3A_2016 = arith.constant 336 : i32
    %add3A_2017 = arith.addi %mul3A_2, %add3A_2016 : i32
    %dma_wait3A_2018 = arith.constant 0 : i32
    %dma_wait3A_2019 = tpu.memref_slice %arg6[%add3A_2017, %dma_wait3A_2018] : memref<16384x2048xf32, #tpu.memory_space<hbm>> -> memref<16x2048xf32, #tpu.memory_space<hbm>>
    %dma_wait3A_2020 = arith.constant 0 : i32
    %dma_wait3A_2021 = tpu.memref_slice %arg6[%add3A_2017, %dma_wait3A_2020] : memref<16384x2048xf32, #tpu.memory_space<hbm>> -> memref<16x2048xf32, #tpu.memory_space<hbm>>
    tpu.wait_dma2 semaphore(%arg16 : memref<!tpu.dma_semaphore, #tpu.memory_space<semaphore_mem>>) src(%arg7 : memref<16x2048xf32, #tpu.memory_space<vmem>>) dst(%dma_wait3A_2021 : memref<16x2048xf32, #tpu.memory_space<hbm>>)
    %add3A_2022 = arith.constant 384 : i32
    %add3A_2023 = arith.addi %mul3A_2, %add3A_2022 : i32
    %dma_start3A_2024 = arith.constant 0 : i32
    %dma_start3A_2025 = tpu.memref_slice %arg2[%add3A_2023, %dma_start3A_2024] : memref<16384x2048xf32, #tpu.memory_space<hbm>> -> memref<16x2048xf32, #tpu.memory_space<hbm>>
    %dma_start3A_2026 = arith.constant 0 : i32
    %dma_start3A_2027 = tpu.memref_slice %arg2[%add3A_2023, %dma_start3A_2026] : memref<16384x2048xf32, #tpu.memory_space<hbm>> -> memref<16x2048xf32, #tpu.memory_space<hbm>>
    tpu.enqueue_dma source(%dma_start3A_2027 : memref<16x2048xf32, #tpu.memory_space<hbm>>) target(%arg7 : memref<16x2048xf32, #tpu.memory_space<vmem>>) target_semaphore(%arg13 : memref<!tpu.dma_semaphore, #tpu.memory_space<semaphore_mem>>)
    %add3A_2028 = arith.constant 368 : i32
    %add3A_2029 = arith.addi %mul3A_2, %add3A_2028 : i32
    %dma_wait3A_2030 = arith.constant 0 : i32
    %dma_wait3A_2031 = tpu.memref_slice %arg2[%add3A_2029, %dma_wait3A_2030] : memref<16384x2048xf32, #tpu.memory_space<hbm>> -> memref<16x2048xf32, #tpu.memory_space<hbm>>
    %dma_wait3A_2032 = arith.constant 0 : i32
    %dma_wait3A_2033 = tpu.memref_slice %arg2[%add3A_2029, %dma_wait3A_2032] : memref<16384x2048xf32, #tpu.memory_space<hbm>> -> memref<16x2048xf32, #tpu.memory_space<hbm>>
    tpu.wait_dma2 semaphore(%arg15 : memref<!tpu.dma_semaphore, #tpu.memory_space<semaphore_mem>>) src(%dma_wait3A_2033 : memref<16x2048xf32, #tpu.memory_space<hbm>>) dst(%arg9 : memref<16x2048xf32, #tpu.memory_space<vmem>>)
    %add3A_2034 = arith.constant 368 : i32
    %add3A_2035 = arith.addi %mul3A_2, %add3A_2034 : i32
    %sub3A_2036 = vector.broadcast %add3A_2035 : i32 to vector<16xi32>
    %sub3A_2037 = arith.subi %add3A_23, %sub3A_2036 : vector<16xi32>
    %ge3A_2038 = arith.constant 0 : i32
    %ge3A_2039 = vector.broadcast %ge3A_2038 : i32 to vector<16xi32>
    %ge3A_2040 = arith.cmpi sge, %sub3A_2037, %ge3A_2039 : vector<16xi32>
    %lt3A_2041 = arith.constant 16 : i32
    %lt3A_2042 = vector.broadcast %lt3A_2041 : i32 to vector<16xi32>
    %lt3A_2043 = arith.cmpi slt, %sub3A_2037, %lt3A_2042 : vector<16xi32>
    %and3A_2044 = arith.andi %ge3A_2040, %lt3A_2043 : vector<16xi1>
    %jit3A_2045 = arith.constant 0 : i32
    %jit3A_2046 = arith.constant 15 : i32
    %max3A_2047 = vector.broadcast %jit3A_2045 : i32 to vector<16xi32>
    %max3A_2048 = arith.maxsi %max3A_2047, %sub3A_2037 : vector<16xi32>
    %min3A_2049 = vector.broadcast %jit3A_2046 : i32 to vector<16xi32>
    %min3A_2050 = arith.minsi %min3A_2049, %max3A_2048 : vector<16xi32>
    tpu.vector_store_idx %arg9[%min3A_2050, %get3A_43], %gather3A masked %and3A_2044 {add = true} : memref<16x2048xf32, #tpu.memory_space<vmem>>[vector<16xi32>, vector<16xi32>], vector<16xf32>, vector<16xi1>
    %sub3A_2051 = vector.broadcast %add3A_2035 : i32 to vector<16xi32>
    %sub3A_2052 = arith.subi %add3A_29, %sub3A_2051 : vector<16xi32>
    %ge3A_2053 = arith.constant 0 : i32
    %ge3A_2054 = vector.broadcast %ge3A_2053 : i32 to vector<16xi32>
    %ge3A_2055 = arith.cmpi sge, %sub3A_2052, %ge3A_2054 : vector<16xi32>
    %lt3A_2056 = arith.constant 16 : i32
    %lt3A_2057 = vector.broadcast %lt3A_2056 : i32 to vector<16xi32>
    %lt3A_2058 = arith.cmpi slt, %sub3A_2052, %lt3A_2057 : vector<16xi32>
    %and3A_2059 = arith.andi %ge3A_2055, %lt3A_2058 : vector<16xi1>
    %jit3A_2060 = arith.constant 0 : i32
    %jit3A_2061 = arith.constant 15 : i32
    %max3A_2062 = vector.broadcast %jit3A_2060 : i32 to vector<16xi32>
    %max3A_2063 = arith.maxsi %max3A_2062, %sub3A_2052 : vector<16xi32>
    %min3A_2064 = vector.broadcast %jit3A_2061 : i32 to vector<16xi32>
    %min3A_2065 = arith.minsi %min3A_2064, %max3A_2063 : vector<16xi32>
    tpu.vector_store_idx %arg9[%min3A_2065, %get3A_45], %gather3A masked %and3A_2059 {add = true} : memref<16x2048xf32, #tpu.memory_space<vmem>>[vector<16xi32>, vector<16xi32>], vector<16xf32>, vector<16xi1>
    %sub3A_2066 = vector.broadcast %add3A_2035 : i32 to vector<16xi32>
    %sub3A_2067 = arith.subi %add3A_35, %sub3A_2066 : vector<16xi32>
    %ge3A_2068 = arith.constant 0 : i32
    %ge3A_2069 = vector.broadcast %ge3A_2068 : i32 to vector<16xi32>
    %ge3A_2070 = arith.cmpi sge, %sub3A_2067, %ge3A_2069 : vector<16xi32>
    %lt3A_2071 = arith.constant 16 : i32
    %lt3A_2072 = vector.broadcast %lt3A_2071 : i32 to vector<16xi32>
    %lt3A_2073 = arith.cmpi slt, %sub3A_2067, %lt3A_2072 : vector<16xi32>
    %and3A_2074 = arith.andi %ge3A_2070, %lt3A_2073 : vector<16xi1>
    %jit3A_2075 = arith.constant 0 : i32
    %jit3A_2076 = arith.constant 15 : i32
    %max3A_2077 = vector.broadcast %jit3A_2075 : i32 to vector<16xi32>
    %max3A_2078 = arith.maxsi %max3A_2077, %sub3A_2067 : vector<16xi32>
    %min3A_2079 = vector.broadcast %jit3A_2076 : i32 to vector<16xi32>
    %min3A_2080 = arith.minsi %min3A_2079, %max3A_2078 : vector<16xi32>
    tpu.vector_store_idx %arg9[%min3A_2080, %get3A_47], %gather3A masked %and3A_2074 {add = true} : memref<16x2048xf32, #tpu.memory_space<vmem>>[vector<16xi32>, vector<16xi32>], vector<16xf32>, vector<16xi1>
    %sub3A_2081 = vector.broadcast %add3A_2035 : i32 to vector<16xi32>
    %sub3A_2082 = arith.subi %add3A_41, %sub3A_2081 : vector<16xi32>
    %ge3A_2083 = arith.constant 0 : i32
    %ge3A_2084 = vector.broadcast %ge3A_2083 : i32 to vector<16xi32>
    %ge3A_2085 = arith.cmpi sge, %sub3A_2082, %ge3A_2084 : vector<16xi32>
    %lt3A_2086 = arith.constant 16 : i32
    %lt3A_2087 = vector.broadcast %lt3A_2086 : i32 to vector<16xi32>
    %lt3A_2088 = arith.cmpi slt, %sub3A_2082, %lt3A_2087 : vector<16xi32>
    %and3A_2089 = arith.andi %ge3A_2085, %lt3A_2088 : vector<16xi1>
    %jit3A_2090 = arith.constant 0 : i32
    %jit3A_2091 = arith.constant 15 : i32
    %max3A_2092 = vector.broadcast %jit3A_2090 : i32 to vector<16xi32>
    %max3A_2093 = arith.maxsi %max3A_2092, %sub3A_2082 : vector<16xi32>
    %min3A_2094 = vector.broadcast %jit3A_2091 : i32 to vector<16xi32>
    %min3A_2095 = arith.minsi %min3A_2094, %max3A_2093 : vector<16xi32>
    tpu.vector_store_idx %arg9[%min3A_2095, %get3A_49], %gather3A masked %and3A_2089 {add = true} : memref<16x2048xf32, #tpu.memory_space<vmem>>[vector<16xi32>, vector<16xi32>], vector<16xf32>, vector<16xi1>
    %add3A_2096 = arith.constant 368 : i32
    %add3A_2097 = arith.addi %mul3A_2, %add3A_2096 : i32
    %dma_start3A_2098 = arith.constant 0 : i32
    %dma_start3A_2099 = tpu.memref_slice %arg6[%add3A_2097, %dma_start3A_2098] : memref<16384x2048xf32, #tpu.memory_space<hbm>> -> memref<16x2048xf32, #tpu.memory_space<hbm>>
    %dma_start3A_2100 = arith.constant 0 : i32
    %dma_start3A_2101 = tpu.memref_slice %arg6[%add3A_2097, %dma_start3A_2100] : memref<16384x2048xf32, #tpu.memory_space<hbm>> -> memref<16x2048xf32, #tpu.memory_space<hbm>>
    tpu.enqueue_dma source(%arg9 : memref<16x2048xf32, #tpu.memory_space<vmem>>) target(%dma_start3A_2101 : memref<16x2048xf32, #tpu.memory_space<hbm>>) target_semaphore(%arg18 : memref<!tpu.dma_semaphore, #tpu.memory_space<semaphore_mem>>)
    %add3A_2102 = arith.constant 352 : i32
    %add3A_2103 = arith.addi %mul3A_2, %add3A_2102 : i32
    %dma_wait3A_2104 = arith.constant 0 : i32
    %dma_wait3A_2105 = tpu.memref_slice %arg6[%add3A_2103, %dma_wait3A_2104] : memref<16384x2048xf32, #tpu.memory_space<hbm>> -> memref<16x2048xf32, #tpu.memory_space<hbm>>
    %dma_wait3A_2106 = arith.constant 0 : i32
    %dma_wait3A_2107 = tpu.memref_slice %arg6[%add3A_2103, %dma_wait3A_2106] : memref<16384x2048xf32, #tpu.memory_space<hbm>> -> memref<16x2048xf32, #tpu.memory_space<hbm>>
    tpu.wait_dma2 semaphore(%arg17 : memref<!tpu.dma_semaphore, #tpu.memory_space<semaphore_mem>>) src(%arg8 : memref<16x2048xf32, #tpu.memory_space<vmem>>) dst(%dma_wait3A_2107 : memref<16x2048xf32, #tpu.memory_space<hbm>>)
    %add3A_2108 = arith.constant 400 : i32
    %add3A_2109 = arith.addi %mul3A_2, %add3A_2108 : i32
    %dma_start3A_2110 = arith.constant 0 : i32
    %dma_start3A_2111 = tpu.memref_slice %arg2[%add3A_2109, %dma_start3A_2110] : memref<16384x2048xf32, #tpu.memory_space<hbm>> -> memref<16x2048xf32, #tpu.memory_space<hbm>>
    %dma_start3A_2112 = arith.constant 0 : i32
    %dma_start3A_2113 = tpu.memref_slice %arg2[%add3A_2109, %dma_start3A_2112] : memref<16384x2048xf32, #tpu.memory_space<hbm>> -> memref<16x2048xf32, #tpu.memory_space<hbm>>
    tpu.enqueue_dma source(%dma_start3A_2113 : memref<16x2048xf32, #tpu.memory_space<hbm>>) target(%arg8 : memref<16x2048xf32, #tpu.memory_space<vmem>>) target_semaphore(%arg14 : memref<!tpu.dma_semaphore, #tpu.memory_space<semaphore_mem>>)
    %add3A_2114 = arith.constant 384 : i32
    %add3A_2115 = arith.addi %mul3A_2, %add3A_2114 : i32
    %dma_wait3A_2116 = arith.constant 0 : i32
    %dma_wait3A_2117 = tpu.memref_slice %arg2[%add3A_2115, %dma_wait3A_2116] : memref<16384x2048xf32, #tpu.memory_space<hbm>> -> memref<16x2048xf32, #tpu.memory_space<hbm>>
    %dma_wait3A_2118 = arith.constant 0 : i32
    %dma_wait3A_2119 = tpu.memref_slice %arg2[%add3A_2115, %dma_wait3A_2118] : memref<16384x2048xf32, #tpu.memory_space<hbm>> -> memref<16x2048xf32, #tpu.memory_space<hbm>>
    tpu.wait_dma2 semaphore(%arg13 : memref<!tpu.dma_semaphore, #tpu.memory_space<semaphore_mem>>) src(%dma_wait3A_2119 : memref<16x2048xf32, #tpu.memory_space<hbm>>) dst(%arg7 : memref<16x2048xf32, #tpu.memory_space<vmem>>)
    %add3A_2120 = arith.constant 384 : i32
    %add3A_2121 = arith.addi %mul3A_2, %add3A_2120 : i32
    %sub3A_2122 = vector.broadcast %add3A_2121 : i32 to vector<16xi32>
    %sub3A_2123 = arith.subi %add3A_23, %sub3A_2122 : vector<16xi32>
    %ge3A_2124 = arith.constant 0 : i32
    %ge3A_2125 = vector.broadcast %ge3A_2124 : i32 to vector<16xi32>
    %ge3A_2126 = arith.cmpi sge, %sub3A_2123, %ge3A_2125 : vector<16xi32>
    %lt3A_2127 = arith.constant 16 : i32
    %lt3A_2128 = vector.broadcast %lt3A_2127 : i32 to vector<16xi32>
    %lt3A_2129 = arith.cmpi slt, %sub3A_2123, %lt3A_2128 : vector<16xi32>
    %and3A_2130 = arith.andi %ge3A_2126, %lt3A_2129 : vector<16xi1>
    %jit3A_2131 = arith.constant 0 : i32
    %jit3A_2132 = arith.constant 15 : i32
    %max3A_2133 = vector.broadcast %jit3A_2131 : i32 to vector<16xi32>
    %max3A_2134 = arith.maxsi %max3A_2133, %sub3A_2123 : vector<16xi32>
    %min3A_2135 = vector.broadcast %jit3A_2132 : i32 to vector<16xi32>
    %min3A_2136 = arith.minsi %min3A_2135, %max3A_2134 : vector<16xi32>
    tpu.vector_store_idx %arg7[%min3A_2136, %get3A_43], %gather3A masked %and3A_2130 {add = true} : memref<16x2048xf32, #tpu.memory_space<vmem>>[vector<16xi32>, vector<16xi32>], vector<16xf32>, vector<16xi1>
    %sub3A_2137 = vector.broadcast %add3A_2121 : i32 to vector<16xi32>
    %sub3A_2138 = arith.subi %add3A_29, %sub3A_2137 : vector<16xi32>
    %ge3A_2139 = arith.constant 0 : i32
    %ge3A_2140 = vector.broadcast %ge3A_2139 : i32 to vector<16xi32>
    %ge3A_2141 = arith.cmpi sge, %sub3A_2138, %ge3A_2140 : vector<16xi32>
    %lt3A_2142 = arith.constant 16 : i32
    %lt3A_2143 = vector.broadcast %lt3A_2142 : i32 to vector<16xi32>
    %lt3A_2144 = arith.cmpi slt, %sub3A_2138, %lt3A_2143 : vector<16xi32>
    %and3A_2145 = arith.andi %ge3A_2141, %lt3A_2144 : vector<16xi1>
    %jit3A_2146 = arith.constant 0 : i32
    %jit3A_2147 = arith.constant 15 : i32
    %max3A_2148 = vector.broadcast %jit3A_2146 : i32 to vector<16xi32>
    %max3A_2149 = arith.maxsi %max3A_2148, %sub3A_2138 : vector<16xi32>
    %min3A_2150 = vector.broadcast %jit3A_2147 : i32 to vector<16xi32>
    %min3A_2151 = arith.minsi %min3A_2150, %max3A_2149 : vector<16xi32>
    tpu.vector_store_idx %arg7[%min3A_2151, %get3A_45], %gather3A masked %and3A_2145 {add = true} : memref<16x2048xf32, #tpu.memory_space<vmem>>[vector<16xi32>, vector<16xi32>], vector<16xf32>, vector<16xi1>
    %sub3A_2152 = vector.broadcast %add3A_2121 : i32 to vector<16xi32>
    %sub3A_2153 = arith.subi %add3A_35, %sub3A_2152 : vector<16xi32>
    %ge3A_2154 = arith.constant 0 : i32
    %ge3A_2155 = vector.broadcast %ge3A_2154 : i32 to vector<16xi32>
    %ge3A_2156 = arith.cmpi sge, %sub3A_2153, %ge3A_2155 : vector<16xi32>
    %lt3A_2157 = arith.constant 16 : i32
    %lt3A_2158 = vector.broadcast %lt3A_2157 : i32 to vector<16xi32>
    %lt3A_2159 = arith.cmpi slt, %sub3A_2153, %lt3A_2158 : vector<16xi32>
    %and3A_2160 = arith.andi %ge3A_2156, %lt3A_2159 : vector<16xi1>
    %jit3A_2161 = arith.constant 0 : i32
    %jit3A_2162 = arith.constant 15 : i32
    %max3A_2163 = vector.broadcast %jit3A_2161 : i32 to vector<16xi32>
    %max3A_2164 = arith.maxsi %max3A_2163, %sub3A_2153 : vector<16xi32>
    %min3A_2165 = vector.broadcast %jit3A_2162 : i32 to vector<16xi32>
    %min3A_2166 = arith.minsi %min3A_2165, %max3A_2164 : vector<16xi32>
    tpu.vector_store_idx %arg7[%min3A_2166, %get3A_47], %gather3A masked %and3A_2160 {add = true} : memref<16x2048xf32, #tpu.memory_space<vmem>>[vector<16xi32>, vector<16xi32>], vector<16xf32>, vector<16xi1>
    %sub3A_2167 = vector.broadcast %add3A_2121 : i32 to vector<16xi32>
    %sub3A_2168 = arith.subi %add3A_41, %sub3A_2167 : vector<16xi32>
    %ge3A_2169 = arith.constant 0 : i32
    %ge3A_2170 = vector.broadcast %ge3A_2169 : i32 to vector<16xi32>
    %ge3A_2171 = arith.cmpi sge, %sub3A_2168, %ge3A_2170 : vector<16xi32>
    %lt3A_2172 = arith.constant 16 : i32
    %lt3A_2173 = vector.broadcast %lt3A_2172 : i32 to vector<16xi32>
    %lt3A_2174 = arith.cmpi slt, %sub3A_2168, %lt3A_2173 : vector<16xi32>
    %and3A_2175 = arith.andi %ge3A_2171, %lt3A_2174 : vector<16xi1>
    %jit3A_2176 = arith.constant 0 : i32
    %jit3A_2177 = arith.constant 15 : i32
    %max3A_2178 = vector.broadcast %jit3A_2176 : i32 to vector<16xi32>
    %max3A_2179 = arith.maxsi %max3A_2178, %sub3A_2168 : vector<16xi32>
    %min3A_2180 = vector.broadcast %jit3A_2177 : i32 to vector<16xi32>
    %min3A_2181 = arith.minsi %min3A_2180, %max3A_2179 : vector<16xi32>
    tpu.vector_store_idx %arg7[%min3A_2181, %get3A_49], %gather3A masked %and3A_2175 {add = true} : memref<16x2048xf32, #tpu.memory_space<vmem>>[vector<16xi32>, vector<16xi32>], vector<16xf32>, vector<16xi1>
    %add3A_2182 = arith.constant 384 : i32
    %add3A_2183 = arith.addi %mul3A_2, %add3A_2182 : i32
    %dma_start3A_2184 = arith.constant 0 : i32
    %dma_start3A_2185 = tpu.memref_slice %arg6[%add3A_2183, %dma_start3A_2184] : memref<16384x2048xf32, #tpu.memory_space<hbm>> -> memref<16x2048xf32, #tpu.memory_space<hbm>>
    %dma_start3A_2186 = arith.constant 0 : i32
    %dma_start3A_2187 = tpu.memref_slice %arg6[%add3A_2183, %dma_start3A_2186] : memref<16384x2048xf32, #tpu.memory_space<hbm>> -> memref<16x2048xf32, #tpu.memory_space<hbm>>
    tpu.enqueue_dma source(%arg7 : memref<16x2048xf32, #tpu.memory_space<vmem>>) target(%dma_start3A_2187 : memref<16x2048xf32, #tpu.memory_space<hbm>>) target_semaphore(%arg16 : memref<!tpu.dma_semaphore, #tpu.memory_space<semaphore_mem>>)
    %add3A_2188 = arith.constant 368 : i32
    %add3A_2189 = arith.addi %mul3A_2, %add3A_2188 : i32
    %dma_wait3A_2190 = arith.constant 0 : i32
    %dma_wait3A_2191 = tpu.memref_slice %arg6[%add3A_2189, %dma_wait3A_2190] : memref<16384x2048xf32, #tpu.memory_space<hbm>> -> memref<16x2048xf32, #tpu.memory_space<hbm>>
    %dma_wait3A_2192 = arith.constant 0 : i32
    %dma_wait3A_2193 = tpu.memref_slice %arg6[%add3A_2189, %dma_wait3A_2192] : memref<16384x2048xf32, #tpu.memory_space<hbm>> -> memref<16x2048xf32, #tpu.memory_space<hbm>>
    tpu.wait_dma2 semaphore(%arg18 : memref<!tpu.dma_semaphore, #tpu.memory_space<semaphore_mem>>) src(%arg9 : memref<16x2048xf32, #tpu.memory_space<vmem>>) dst(%dma_wait3A_2193 : memref<16x2048xf32, #tpu.memory_space<hbm>>)
    %add3A_2194 = arith.constant 416 : i32
    %add3A_2195 = arith.addi %mul3A_2, %add3A_2194 : i32
    %dma_start3A_2196 = arith.constant 0 : i32
    %dma_start3A_2197 = tpu.memref_slice %arg2[%add3A_2195, %dma_start3A_2196] : memref<16384x2048xf32, #tpu.memory_space<hbm>> -> memref<16x2048xf32, #tpu.memory_space<hbm>>
    %dma_start3A_2198 = arith.constant 0 : i32
    %dma_start3A_2199 = tpu.memref_slice %arg2[%add3A_2195, %dma_start3A_2198] : memref<16384x2048xf32, #tpu.memory_space<hbm>> -> memref<16x2048xf32, #tpu.memory_space<hbm>>
    tpu.enqueue_dma source(%dma_start3A_2199 : memref<16x2048xf32, #tpu.memory_space<hbm>>) target(%arg9 : memref<16x2048xf32, #tpu.memory_space<vmem>>) target_semaphore(%arg15 : memref<!tpu.dma_semaphore, #tpu.memory_space<semaphore_mem>>)
    %add3A_2200 = arith.constant 400 : i32
    %add3A_2201 = arith.addi %mul3A_2, %add3A_2200 : i32
    %dma_wait3A_2202 = arith.constant 0 : i32
    %dma_wait3A_2203 = tpu.memref_slice %arg2[%add3A_2201, %dma_wait3A_2202] : memref<16384x2048xf32, #tpu.memory_space<hbm>> -> memref<16x2048xf32, #tpu.memory_space<hbm>>
    %dma_wait3A_2204 = arith.constant 0 : i32
    %dma_wait3A_2205 = tpu.memref_slice %arg2[%add3A_2201, %dma_wait3A_2204] : memref<16384x2048xf32, #tpu.memory_space<hbm>> -> memref<16x2048xf32, #tpu.memory_space<hbm>>
    tpu.wait_dma2 semaphore(%arg14 : memref<!tpu.dma_semaphore, #tpu.memory_space<semaphore_mem>>) src(%dma_wait3A_2205 : memref<16x2048xf32, #tpu.memory_space<hbm>>) dst(%arg8 : memref<16x2048xf32, #tpu.memory_space<vmem>>)
    %add3A_2206 = arith.constant 400 : i32
    %add3A_2207 = arith.addi %mul3A_2, %add3A_2206 : i32
    %sub3A_2208 = vector.broadcast %add3A_2207 : i32 to vector<16xi32>
    %sub3A_2209 = arith.subi %add3A_23, %sub3A_2208 : vector<16xi32>
    %ge3A_2210 = arith.constant 0 : i32
    %ge3A_2211 = vector.broadcast %ge3A_2210 : i32 to vector<16xi32>
    %ge3A_2212 = arith.cmpi sge, %sub3A_2209, %ge3A_2211 : vector<16xi32>
    %lt3A_2213 = arith.constant 16 : i32
    %lt3A_2214 = vector.broadcast %lt3A_2213 : i32 to vector<16xi32>
    %lt3A_2215 = arith.cmpi slt, %sub3A_2209, %lt3A_2214 : vector<16xi32>
    %and3A_2216 = arith.andi %ge3A_2212, %lt3A_2215 : vector<16xi1>
    %jit3A_2217 = arith.constant 0 : i32
    %jit3A_2218 = arith.constant 15 : i32
    %max3A_2219 = vector.broadcast %jit3A_2217 : i32 to vector<16xi32>
    %max3A_2220 = arith.maxsi %max3A_2219, %sub3A_2209 : vector<16xi32>
    %min3A_2221 = vector.broadcast %jit3A_2218 : i32 to vector<16xi32>
    %min3A_2222 = arith.minsi %min3A_2221, %max3A_2220 : vector<16xi32>
    tpu.vector_store_idx %arg8[%min3A_2222, %get3A_43], %gather3A masked %and3A_2216 {add = true} : memref<16x2048xf32, #tpu.memory_space<vmem>>[vector<16xi32>, vector<16xi32>], vector<16xf32>, vector<16xi1>
    %sub3A_2223 = vector.broadcast %add3A_2207 : i32 to vector<16xi32>
    %sub3A_2224 = arith.subi %add3A_29, %sub3A_2223 : vector<16xi32>
    %ge3A_2225 = arith.constant 0 : i32
    %ge3A_2226 = vector.broadcast %ge3A_2225 : i32 to vector<16xi32>
    %ge3A_2227 = arith.cmpi sge, %sub3A_2224, %ge3A_2226 : vector<16xi32>
    %lt3A_2228 = arith.constant 16 : i32
    %lt3A_2229 = vector.broadcast %lt3A_2228 : i32 to vector<16xi32>
    %lt3A_2230 = arith.cmpi slt, %sub3A_2224, %lt3A_2229 : vector<16xi32>
    %and3A_2231 = arith.andi %ge3A_2227, %lt3A_2230 : vector<16xi1>
    %jit3A_2232 = arith.constant 0 : i32
    %jit3A_2233 = arith.constant 15 : i32
    %max3A_2234 = vector.broadcast %jit3A_2232 : i32 to vector<16xi32>
    %max3A_2235 = arith.maxsi %max3A_2234, %sub3A_2224 : vector<16xi32>
    %min3A_2236 = vector.broadcast %jit3A_2233 : i32 to vector<16xi32>
    %min3A_2237 = arith.minsi %min3A_2236, %max3A_2235 : vector<16xi32>
    tpu.vector_store_idx %arg8[%min3A_2237, %get3A_45], %gather3A masked %and3A_2231 {add = true} : memref<16x2048xf32, #tpu.memory_space<vmem>>[vector<16xi32>, vector<16xi32>], vector<16xf32>, vector<16xi1>
    %sub3A_2238 = vector.broadcast %add3A_2207 : i32 to vector<16xi32>
    %sub3A_2239 = arith.subi %add3A_35, %sub3A_2238 : vector<16xi32>
    %ge3A_2240 = arith.constant 0 : i32
    %ge3A_2241 = vector.broadcast %ge3A_2240 : i32 to vector<16xi32>
    %ge3A_2242 = arith.cmpi sge, %sub3A_2239, %ge3A_2241 : vector<16xi32>
    %lt3A_2243 = arith.constant 16 : i32
    %lt3A_2244 = vector.broadcast %lt3A_2243 : i32 to vector<16xi32>
    %lt3A_2245 = arith.cmpi slt, %sub3A_2239, %lt3A_2244 : vector<16xi32>
    %and3A_2246 = arith.andi %ge3A_2242, %lt3A_2245 : vector<16xi1>
    %jit3A_2247 = arith.constant 0 : i32
    %jit3A_2248 = arith.constant 15 : i32
    %max3A_2249 = vector.broadcast %jit3A_2247 : i32 to vector<16xi32>
    %max3A_2250 = arith.maxsi %max3A_2249, %sub3A_2239 : vector<16xi32>
    %min3A_2251 = vector.broadcast %jit3A_2248 : i32 to vector<16xi32>
    %min3A_2252 = arith.minsi %min3A_2251, %max3A_2250 : vector<16xi32>
    tpu.vector_store_idx %arg8[%min3A_2252, %get3A_47], %gather3A masked %and3A_2246 {add = true} : memref<16x2048xf32, #tpu.memory_space<vmem>>[vector<16xi32>, vector<16xi32>], vector<16xf32>, vector<16xi1>
    %sub3A_2253 = vector.broadcast %add3A_2207 : i32 to vector<16xi32>
    %sub3A_2254 = arith.subi %add3A_41, %sub3A_2253 : vector<16xi32>
    %ge3A_2255 = arith.constant 0 : i32
    %ge3A_2256 = vector.broadcast %ge3A_2255 : i32 to vector<16xi32>
    %ge3A_2257 = arith.cmpi sge, %sub3A_2254, %ge3A_2256 : vector<16xi32>
    %lt3A_2258 = arith.constant 16 : i32
    %lt3A_2259 = vector.broadcast %lt3A_2258 : i32 to vector<16xi32>
    %lt3A_2260 = arith.cmpi slt, %sub3A_2254, %lt3A_2259 : vector<16xi32>
    %and3A_2261 = arith.andi %ge3A_2257, %lt3A_2260 : vector<16xi1>
    %jit3A_2262 = arith.constant 0 : i32
    %jit3A_2263 = arith.constant 15 : i32
    %max3A_2264 = vector.broadcast %jit3A_2262 : i32 to vector<16xi32>
    %max3A_2265 = arith.maxsi %max3A_2264, %sub3A_2254 : vector<16xi32>
    %min3A_2266 = vector.broadcast %jit3A_2263 : i32 to vector<16xi32>
    %min3A_2267 = arith.minsi %min3A_2266, %max3A_2265 : vector<16xi32>
    tpu.vector_store_idx %arg8[%min3A_2267, %get3A_49], %gather3A masked %and3A_2261 {add = true} : memref<16x2048xf32, #tpu.memory_space<vmem>>[vector<16xi32>, vector<16xi32>], vector<16xf32>, vector<16xi1>
    %add3A_2268 = arith.constant 400 : i32
    %add3A_2269 = arith.addi %mul3A_2, %add3A_2268 : i32
    %dma_start3A_2270 = arith.constant 0 : i32
    %dma_start3A_2271 = tpu.memref_slice %arg6[%add3A_2269, %dma_start3A_2270] : memref<16384x2048xf32, #tpu.memory_space<hbm>> -> memref<16x2048xf32, #tpu.memory_space<hbm>>
    %dma_start3A_2272 = arith.constant 0 : i32
    %dma_start3A_2273 = tpu.memref_slice %arg6[%add3A_2269, %dma_start3A_2272] : memref<16384x2048xf32, #tpu.memory_space<hbm>> -> memref<16x2048xf32, #tpu.memory_space<hbm>>
    tpu.enqueue_dma source(%arg8 : memref<16x2048xf32, #tpu.memory_space<vmem>>) target(%dma_start3A_2273 : memref<16x2048xf32, #tpu.memory_space<hbm>>) target_semaphore(%arg17 : memref<!tpu.dma_semaphore, #tpu.memory_space<semaphore_mem>>)
    %add3A_2274 = arith.constant 384 : i32
    %add3A_2275 = arith.addi %mul3A_2, %add3A_2274 : i32
    %dma_wait3A_2276 = arith.constant 0 : i32
    %dma_wait3A_2277 = tpu.memref_slice %arg6[%add3A_2275, %dma_wait3A_2276] : memref<16384x2048xf32, #tpu.memory_space<hbm>> -> memref<16x2048xf32, #tpu.memory_space<hbm>>
    %dma_wait3A_2278 = arith.constant 0 : i32
    %dma_wait3A_2279 = tpu.memref_slice %arg6[%add3A_2275, %dma_wait3A_2278] : memref<16384x2048xf32, #tpu.memory_space<hbm>> -> memref<16x2048xf32, #tpu.memory_space<hbm>>
    tpu.wait_dma2 semaphore(%arg16 : memref<!tpu.dma_semaphore, #tpu.memory_space<semaphore_mem>>) src(%arg7 : memref<16x2048xf32, #tpu.memory_space<vmem>>) dst(%dma_wait3A_2279 : memref<16x2048xf32, #tpu.memory_space<hbm>>)
    %add3A_2280 = arith.constant 432 : i32
    %add3A_2281 = arith.addi %mul3A_2, %add3A_2280 : i32
    %dma_start3A_2282 = arith.constant 0 : i32
    %dma_start3A_2283 = tpu.memref_slice %arg2[%add3A_2281, %dma_start3A_2282] : memref<16384x2048xf32, #tpu.memory_space<hbm>> -> memref<16x2048xf32, #tpu.memory_space<hbm>>
    %dma_start3A_2284 = arith.constant 0 : i32
    %dma_start3A_2285 = tpu.memref_slice %arg2[%add3A_2281, %dma_start3A_2284] : memref<16384x2048xf32, #tpu.memory_space<hbm>> -> memref<16x2048xf32, #tpu.memory_space<hbm>>
    tpu.enqueue_dma source(%dma_start3A_2285 : memref<16x2048xf32, #tpu.memory_space<hbm>>) target(%arg7 : memref<16x2048xf32, #tpu.memory_space<vmem>>) target_semaphore(%arg13 : memref<!tpu.dma_semaphore, #tpu.memory_space<semaphore_mem>>)
    %add3A_2286 = arith.constant 416 : i32
    %add3A_2287 = arith.addi %mul3A_2, %add3A_2286 : i32
    %dma_wait3A_2288 = arith.constant 0 : i32
    %dma_wait3A_2289 = tpu.memref_slice %arg2[%add3A_2287, %dma_wait3A_2288] : memref<16384x2048xf32, #tpu.memory_space<hbm>> -> memref<16x2048xf32, #tpu.memory_space<hbm>>
    %dma_wait3A_2290 = arith.constant 0 : i32
    %dma_wait3A_2291 = tpu.memref_slice %arg2[%add3A_2287, %dma_wait3A_2290] : memref<16384x2048xf32, #tpu.memory_space<hbm>> -> memref<16x2048xf32, #tpu.memory_space<hbm>>
    tpu.wait_dma2 semaphore(%arg15 : memref<!tpu.dma_semaphore, #tpu.memory_space<semaphore_mem>>) src(%dma_wait3A_2291 : memref<16x2048xf32, #tpu.memory_space<hbm>>) dst(%arg9 : memref<16x2048xf32, #tpu.memory_space<vmem>>)
    %add3A_2292 = arith.constant 416 : i32
    %add3A_2293 = arith.addi %mul3A_2, %add3A_2292 : i32
    %sub3A_2294 = vector.broadcast %add3A_2293 : i32 to vector<16xi32>
    %sub3A_2295 = arith.subi %add3A_23, %sub3A_2294 : vector<16xi32>
    %ge3A_2296 = arith.constant 0 : i32
    %ge3A_2297 = vector.broadcast %ge3A_2296 : i32 to vector<16xi32>
    %ge3A_2298 = arith.cmpi sge, %sub3A_2295, %ge3A_2297 : vector<16xi32>
    %lt3A_2299 = arith.constant 16 : i32
    %lt3A_2300 = vector.broadcast %lt3A_2299 : i32 to vector<16xi32>
    %lt3A_2301 = arith.cmpi slt, %sub3A_2295, %lt3A_2300 : vector<16xi32>
    %and3A_2302 = arith.andi %ge3A_2298, %lt3A_2301 : vector<16xi1>
    %jit3A_2303 = arith.constant 0 : i32
    %jit3A_2304 = arith.constant 15 : i32
    %max3A_2305 = vector.broadcast %jit3A_2303 : i32 to vector<16xi32>
    %max3A_2306 = arith.maxsi %max3A_2305, %sub3A_2295 : vector<16xi32>
    %min3A_2307 = vector.broadcast %jit3A_2304 : i32 to vector<16xi32>
    %min3A_2308 = arith.minsi %min3A_2307, %max3A_2306 : vector<16xi32>
    tpu.vector_store_idx %arg9[%min3A_2308, %get3A_43], %gather3A masked %and3A_2302 {add = true} : memref<16x2048xf32, #tpu.memory_space<vmem>>[vector<16xi32>, vector<16xi32>], vector<16xf32>, vector<16xi1>
    %sub3A_2309 = vector.broadcast %add3A_2293 : i32 to vector<16xi32>
    %sub3A_2310 = arith.subi %add3A_29, %sub3A_2309 : vector<16xi32>
    %ge3A_2311 = arith.constant 0 : i32
    %ge3A_2312 = vector.broadcast %ge3A_2311 : i32 to vector<16xi32>
    %ge3A_2313 = arith.cmpi sge, %sub3A_2310, %ge3A_2312 : vector<16xi32>
    %lt3A_2314 = arith.constant 16 : i32
    %lt3A_2315 = vector.broadcast %lt3A_2314 : i32 to vector<16xi32>
    %lt3A_2316 = arith.cmpi slt, %sub3A_2310, %lt3A_2315 : vector<16xi32>
    %and3A_2317 = arith.andi %ge3A_2313, %lt3A_2316 : vector<16xi1>
    %jit3A_2318 = arith.constant 0 : i32
    %jit3A_2319 = arith.constant 15 : i32
    %max3A_2320 = vector.broadcast %jit3A_2318 : i32 to vector<16xi32>
    %max3A_2321 = arith.maxsi %max3A_2320, %sub3A_2310 : vector<16xi32>
    %min3A_2322 = vector.broadcast %jit3A_2319 : i32 to vector<16xi32>
    %min3A_2323 = arith.minsi %min3A_2322, %max3A_2321 : vector<16xi32>
    tpu.vector_store_idx %arg9[%min3A_2323, %get3A_45], %gather3A masked %and3A_2317 {add = true} : memref<16x2048xf32, #tpu.memory_space<vmem>>[vector<16xi32>, vector<16xi32>], vector<16xf32>, vector<16xi1>
    %sub3A_2324 = vector.broadcast %add3A_2293 : i32 to vector<16xi32>
    %sub3A_2325 = arith.subi %add3A_35, %sub3A_2324 : vector<16xi32>
    %ge3A_2326 = arith.constant 0 : i32
    %ge3A_2327 = vector.broadcast %ge3A_2326 : i32 to vector<16xi32>
    %ge3A_2328 = arith.cmpi sge, %sub3A_2325, %ge3A_2327 : vector<16xi32>
    %lt3A_2329 = arith.constant 16 : i32
    %lt3A_2330 = vector.broadcast %lt3A_2329 : i32 to vector<16xi32>
    %lt3A_2331 = arith.cmpi slt, %sub3A_2325, %lt3A_2330 : vector<16xi32>
    %and3A_2332 = arith.andi %ge3A_2328, %lt3A_2331 : vector<16xi1>
    %jit3A_2333 = arith.constant 0 : i32
    %jit3A_2334 = arith.constant 15 : i32
    %max3A_2335 = vector.broadcast %jit3A_2333 : i32 to vector<16xi32>
    %max3A_2336 = arith.maxsi %max3A_2335, %sub3A_2325 : vector<16xi32>
    %min3A_2337 = vector.broadcast %jit3A_2334 : i32 to vector<16xi32>
    %min3A_2338 = arith.minsi %min3A_2337, %max3A_2336 : vector<16xi32>
    tpu.vector_store_idx %arg9[%min3A_2338, %get3A_47], %gather3A masked %and3A_2332 {add = true} : memref<16x2048xf32, #tpu.memory_space<vmem>>[vector<16xi32>, vector<16xi32>], vector<16xf32>, vector<16xi1>
    %sub3A_2339 = vector.broadcast %add3A_2293 : i32 to vector<16xi32>
    %sub3A_2340 = arith.subi %add3A_41, %sub3A_2339 : vector<16xi32>
    %ge3A_2341 = arith.constant 0 : i32
    %ge3A_2342 = vector.broadcast %ge3A_2341 : i32 to vector<16xi32>
    %ge3A_2343 = arith.cmpi sge, %sub3A_2340, %ge3A_2342 : vector<16xi32>
    %lt3A_2344 = arith.constant 16 : i32
    %lt3A_2345 = vector.broadcast %lt3A_2344 : i32 to vector<16xi32>
    %lt3A_2346 = arith.cmpi slt, %sub3A_2340, %lt3A_2345 : vector<16xi32>
    %and3A_2347 = arith.andi %ge3A_2343, %lt3A_2346 : vector<16xi1>
    %jit3A_2348 = arith.constant 0 : i32
    %jit3A_2349 = arith.constant 15 : i32
    %max3A_2350 = vector.broadcast %jit3A_2348 : i32 to vector<16xi32>
    %max3A_2351 = arith.maxsi %max3A_2350, %sub3A_2340 : vector<16xi32>
    %min3A_2352 = vector.broadcast %jit3A_2349 : i32 to vector<16xi32>
    %min3A_2353 = arith.minsi %min3A_2352, %max3A_2351 : vector<16xi32>
    tpu.vector_store_idx %arg9[%min3A_2353, %get3A_49], %gather3A masked %and3A_2347 {add = true} : memref<16x2048xf32, #tpu.memory_space<vmem>>[vector<16xi32>, vector<16xi32>], vector<16xf32>, vector<16xi1>
    %add3A_2354 = arith.constant 416 : i32
    %add3A_2355 = arith.addi %mul3A_2, %add3A_2354 : i32
    %dma_start3A_2356 = arith.constant 0 : i32
    %dma_start3A_2357 = tpu.memref_slice %arg6[%add3A_2355, %dma_start3A_2356] : memref<16384x2048xf32, #tpu.memory_space<hbm>> -> memref<16x2048xf32, #tpu.memory_space<hbm>>
    %dma_start3A_2358 = arith.constant 0 : i32
    %dma_start3A_2359 = tpu.memref_slice %arg6[%add3A_2355, %dma_start3A_2358] : memref<16384x2048xf32, #tpu.memory_space<hbm>> -> memref<16x2048xf32, #tpu.memory_space<hbm>>
    tpu.enqueue_dma source(%arg9 : memref<16x2048xf32, #tpu.memory_space<vmem>>) target(%dma_start3A_2359 : memref<16x2048xf32, #tpu.memory_space<hbm>>) target_semaphore(%arg18 : memref<!tpu.dma_semaphore, #tpu.memory_space<semaphore_mem>>)
    %add3A_2360 = arith.constant 400 : i32
    %add3A_2361 = arith.addi %mul3A_2, %add3A_2360 : i32
    %dma_wait3A_2362 = arith.constant 0 : i32
    %dma_wait3A_2363 = tpu.memref_slice %arg6[%add3A_2361, %dma_wait3A_2362] : memref<16384x2048xf32, #tpu.memory_space<hbm>> -> memref<16x2048xf32, #tpu.memory_space<hbm>>
    %dma_wait3A_2364 = arith.constant 0 : i32
    %dma_wait3A_2365 = tpu.memref_slice %arg6[%add3A_2361, %dma_wait3A_2364] : memref<16384x2048xf32, #tpu.memory_space<hbm>> -> memref<16x2048xf32, #tpu.memory_space<hbm>>
    tpu.wait_dma2 semaphore(%arg17 : memref<!tpu.dma_semaphore, #tpu.memory_space<semaphore_mem>>) src(%arg8 : memref<16x2048xf32, #tpu.memory_space<vmem>>) dst(%dma_wait3A_2365 : memref<16x2048xf32, #tpu.memory_space<hbm>>)
    %add3A_2366 = arith.constant 448 : i32
    %add3A_2367 = arith.addi %mul3A_2, %add3A_2366 : i32
    %dma_start3A_2368 = arith.constant 0 : i32
    %dma_start3A_2369 = tpu.memref_slice %arg2[%add3A_2367, %dma_start3A_2368] : memref<16384x2048xf32, #tpu.memory_space<hbm>> -> memref<16x2048xf32, #tpu.memory_space<hbm>>
    %dma_start3A_2370 = arith.constant 0 : i32
    %dma_start3A_2371 = tpu.memref_slice %arg2[%add3A_2367, %dma_start3A_2370] : memref<16384x2048xf32, #tpu.memory_space<hbm>> -> memref<16x2048xf32, #tpu.memory_space<hbm>>
    tpu.enqueue_dma source(%dma_start3A_2371 : memref<16x2048xf32, #tpu.memory_space<hbm>>) target(%arg8 : memref<16x2048xf32, #tpu.memory_space<vmem>>) target_semaphore(%arg14 : memref<!tpu.dma_semaphore, #tpu.memory_space<semaphore_mem>>)
    %add3A_2372 = arith.constant 432 : i32
    %add3A_2373 = arith.addi %mul3A_2, %add3A_2372 : i32
    %dma_wait3A_2374 = arith.constant 0 : i32
    %dma_wait3A_2375 = tpu.memref_slice %arg2[%add3A_2373, %dma_wait3A_2374] : memref<16384x2048xf32, #tpu.memory_space<hbm>> -> memref<16x2048xf32, #tpu.memory_space<hbm>>
    %dma_wait3A_2376 = arith.constant 0 : i32
    %dma_wait3A_2377 = tpu.memref_slice %arg2[%add3A_2373, %dma_wait3A_2376] : memref<16384x2048xf32, #tpu.memory_space<hbm>> -> memref<16x2048xf32, #tpu.memory_space<hbm>>
    tpu.wait_dma2 semaphore(%arg13 : memref<!tpu.dma_semaphore, #tpu.memory_space<semaphore_mem>>) src(%dma_wait3A_2377 : memref<16x2048xf32, #tpu.memory_space<hbm>>) dst(%arg7 : memref<16x2048xf32, #tpu.memory_space<vmem>>)
    %add3A_2378 = arith.constant 432 : i32
    %add3A_2379 = arith.addi %mul3A_2, %add3A_2378 : i32
    %sub3A_2380 = vector.broadcast %add3A_2379 : i32 to vector<16xi32>
    %sub3A_2381 = arith.subi %add3A_23, %sub3A_2380 : vector<16xi32>
    %ge3A_2382 = arith.constant 0 : i32
    %ge3A_2383 = vector.broadcast %ge3A_2382 : i32 to vector<16xi32>
    %ge3A_2384 = arith.cmpi sge, %sub3A_2381, %ge3A_2383 : vector<16xi32>
    %lt3A_2385 = arith.constant 16 : i32
    %lt3A_2386 = vector.broadcast %lt3A_2385 : i32 to vector<16xi32>
    %lt3A_2387 = arith.cmpi slt, %sub3A_2381, %lt3A_2386 : vector<16xi32>
    %and3A_2388 = arith.andi %ge3A_2384, %lt3A_2387 : vector<16xi1>
    %jit3A_2389 = arith.constant 0 : i32
    %jit3A_2390 = arith.constant 15 : i32
    %max3A_2391 = vector.broadcast %jit3A_2389 : i32 to vector<16xi32>
    %max3A_2392 = arith.maxsi %max3A_2391, %sub3A_2381 : vector<16xi32>
    %min3A_2393 = vector.broadcast %jit3A_2390 : i32 to vector<16xi32>
    %min3A_2394 = arith.minsi %min3A_2393, %max3A_2392 : vector<16xi32>
    tpu.vector_store_idx %arg7[%min3A_2394, %get3A_43], %gather3A masked %and3A_2388 {add = true} : memref<16x2048xf32, #tpu.memory_space<vmem>>[vector<16xi32>, vector<16xi32>], vector<16xf32>, vector<16xi1>
    %sub3A_2395 = vector.broadcast %add3A_2379 : i32 to vector<16xi32>
    %sub3A_2396 = arith.subi %add3A_29, %sub3A_2395 : vector<16xi32>
    %ge3A_2397 = arith.constant 0 : i32
    %ge3A_2398 = vector.broadcast %ge3A_2397 : i32 to vector<16xi32>
    %ge3A_2399 = arith.cmpi sge, %sub3A_2396, %ge3A_2398 : vector<16xi32>
    %lt3A_2400 = arith.constant 16 : i32
    %lt3A_2401 = vector.broadcast %lt3A_2400 : i32 to vector<16xi32>
    %lt3A_2402 = arith.cmpi slt, %sub3A_2396, %lt3A_2401 : vector<16xi32>
    %and3A_2403 = arith.andi %ge3A_2399, %lt3A_2402 : vector<16xi1>
    %jit3A_2404 = arith.constant 0 : i32
    %jit3A_2405 = arith.constant 15 : i32
    %max3A_2406 = vector.broadcast %jit3A_2404 : i32 to vector<16xi32>
    %max3A_2407 = arith.maxsi %max3A_2406, %sub3A_2396 : vector<16xi32>
    %min3A_2408 = vector.broadcast %jit3A_2405 : i32 to vector<16xi32>
    %min3A_2409 = arith.minsi %min3A_2408, %max3A_2407 : vector<16xi32>
    tpu.vector_store_idx %arg7[%min3A_2409, %get3A_45], %gather3A masked %and3A_2403 {add = true} : memref<16x2048xf32, #tpu.memory_space<vmem>>[vector<16xi32>, vector<16xi32>], vector<16xf32>, vector<16xi1>
    %sub3A_2410 = vector.broadcast %add3A_2379 : i32 to vector<16xi32>
    %sub3A_2411 = arith.subi %add3A_35, %sub3A_2410 : vector<16xi32>
    %ge3A_2412 = arith.constant 0 : i32
    %ge3A_2413 = vector.broadcast %ge3A_2412 : i32 to vector<16xi32>
    %ge3A_2414 = arith.cmpi sge, %sub3A_2411, %ge3A_2413 : vector<16xi32>
    %lt3A_2415 = arith.constant 16 : i32
    %lt3A_2416 = vector.broadcast %lt3A_2415 : i32 to vector<16xi32>
    %lt3A_2417 = arith.cmpi slt, %sub3A_2411, %lt3A_2416 : vector<16xi32>
    %and3A_2418 = arith.andi %ge3A_2414, %lt3A_2417 : vector<16xi1>
    %jit3A_2419 = arith.constant 0 : i32
    %jit3A_2420 = arith.constant 15 : i32
    %max3A_2421 = vector.broadcast %jit3A_2419 : i32 to vector<16xi32>
    %max3A_2422 = arith.maxsi %max3A_2421, %sub3A_2411 : vector<16xi32>
    %min3A_2423 = vector.broadcast %jit3A_2420 : i32 to vector<16xi32>
    %min3A_2424 = arith.minsi %min3A_2423, %max3A_2422 : vector<16xi32>
    tpu.vector_store_idx %arg7[%min3A_2424, %get3A_47], %gather3A masked %and3A_2418 {add = true} : memref<16x2048xf32, #tpu.memory_space<vmem>>[vector<16xi32>, vector<16xi32>], vector<16xf32>, vector<16xi1>
    %sub3A_2425 = vector.broadcast %add3A_2379 : i32 to vector<16xi32>
    %sub3A_2426 = arith.subi %add3A_41, %sub3A_2425 : vector<16xi32>
    %ge3A_2427 = arith.constant 0 : i32
    %ge3A_2428 = vector.broadcast %ge3A_2427 : i32 to vector<16xi32>
    %ge3A_2429 = arith.cmpi sge, %sub3A_2426, %ge3A_2428 : vector<16xi32>
    %lt3A_2430 = arith.constant 16 : i32
    %lt3A_2431 = vector.broadcast %lt3A_2430 : i32 to vector<16xi32>
    %lt3A_2432 = arith.cmpi slt, %sub3A_2426, %lt3A_2431 : vector<16xi32>
    %and3A_2433 = arith.andi %ge3A_2429, %lt3A_2432 : vector<16xi1>
    %jit3A_2434 = arith.constant 0 : i32
    %jit3A_2435 = arith.constant 15 : i32
    %max3A_2436 = vector.broadcast %jit3A_2434 : i32 to vector<16xi32>
    %max3A_2437 = arith.maxsi %max3A_2436, %sub3A_2426 : vector<16xi32>
    %min3A_2438 = vector.broadcast %jit3A_2435 : i32 to vector<16xi32>
    %min3A_2439 = arith.minsi %min3A_2438, %max3A_2437 : vector<16xi32>
    tpu.vector_store_idx %arg7[%min3A_2439, %get3A_49], %gather3A masked %and3A_2433 {add = true} : memref<16x2048xf32, #tpu.memory_space<vmem>>[vector<16xi32>, vector<16xi32>], vector<16xf32>, vector<16xi1>
    %add3A_2440 = arith.constant 432 : i32
    %add3A_2441 = arith.addi %mul3A_2, %add3A_2440 : i32
    %dma_start3A_2442 = arith.constant 0 : i32
    %dma_start3A_2443 = tpu.memref_slice %arg6[%add3A_2441, %dma_start3A_2442] : memref<16384x2048xf32, #tpu.memory_space<hbm>> -> memref<16x2048xf32, #tpu.memory_space<hbm>>
    %dma_start3A_2444 = arith.constant 0 : i32
    %dma_start3A_2445 = tpu.memref_slice %arg6[%add3A_2441, %dma_start3A_2444] : memref<16384x2048xf32, #tpu.memory_space<hbm>> -> memref<16x2048xf32, #tpu.memory_space<hbm>>
    tpu.enqueue_dma source(%arg7 : memref<16x2048xf32, #tpu.memory_space<vmem>>) target(%dma_start3A_2445 : memref<16x2048xf32, #tpu.memory_space<hbm>>) target_semaphore(%arg16 : memref<!tpu.dma_semaphore, #tpu.memory_space<semaphore_mem>>)
    %add3A_2446 = arith.constant 416 : i32
    %add3A_2447 = arith.addi %mul3A_2, %add3A_2446 : i32
    %dma_wait3A_2448 = arith.constant 0 : i32
    %dma_wait3A_2449 = tpu.memref_slice %arg6[%add3A_2447, %dma_wait3A_2448] : memref<16384x2048xf32, #tpu.memory_space<hbm>> -> memref<16x2048xf32, #tpu.memory_space<hbm>>
    %dma_wait3A_2450 = arith.constant 0 : i32
    %dma_wait3A_2451 = tpu.memref_slice %arg6[%add3A_2447, %dma_wait3A_2450] : memref<16384x2048xf32, #tpu.memory_space<hbm>> -> memref<16x2048xf32, #tpu.memory_space<hbm>>
    tpu.wait_dma2 semaphore(%arg18 : memref<!tpu.dma_semaphore, #tpu.memory_space<semaphore_mem>>) src(%arg9 : memref<16x2048xf32, #tpu.memory_space<vmem>>) dst(%dma_wait3A_2451 : memref<16x2048xf32, #tpu.memory_space<hbm>>)
    %add3A_2452 = arith.constant 464 : i32
    %add3A_2453 = arith.addi %mul3A_2, %add3A_2452 : i32
    %dma_start3A_2454 = arith.constant 0 : i32
    %dma_start3A_2455 = tpu.memref_slice %arg2[%add3A_2453, %dma_start3A_2454] : memref<16384x2048xf32, #tpu.memory_space<hbm>> -> memref<16x2048xf32, #tpu.memory_space<hbm>>
    %dma_start3A_2456 = arith.constant 0 : i32
    %dma_start3A_2457 = tpu.memref_slice %arg2[%add3A_2453, %dma_start3A_2456] : memref<16384x2048xf32, #tpu.memory_space<hbm>> -> memref<16x2048xf32, #tpu.memory_space<hbm>>
    tpu.enqueue_dma source(%dma_start3A_2457 : memref<16x2048xf32, #tpu.memory_space<hbm>>) target(%arg9 : memref<16x2048xf32, #tpu.memory_space<vmem>>) target_semaphore(%arg15 : memref<!tpu.dma_semaphore, #tpu.memory_space<semaphore_mem>>)
    %add3A_2458 = arith.constant 448 : i32
    %add3A_2459 = arith.addi %mul3A_2, %add3A_2458 : i32
    %dma_wait3A_2460 = arith.constant 0 : i32
    %dma_wait3A_2461 = tpu.memref_slice %arg2[%add3A_2459, %dma_wait3A_2460] : memref<16384x2048xf32, #tpu.memory_space<hbm>> -> memref<16x2048xf32, #tpu.memory_space<hbm>>
    %dma_wait3A_2462 = arith.constant 0 : i32
    %dma_wait3A_2463 = tpu.memref_slice %arg2[%add3A_2459, %dma_wait3A_2462] : memref<16384x2048xf32, #tpu.memory_space<hbm>> -> memref<16x2048xf32, #tpu.memory_space<hbm>>
    tpu.wait_dma2 semaphore(%arg14 : memref<!tpu.dma_semaphore, #tpu.memory_space<semaphore_mem>>) src(%dma_wait3A_2463 : memref<16x2048xf32, #tpu.memory_space<hbm>>) dst(%arg8 : memref<16x2048xf32, #tpu.memory_space<vmem>>)
    %add3A_2464 = arith.constant 448 : i32
    %add3A_2465 = arith.addi %mul3A_2, %add3A_2464 : i32
    %sub3A_2466 = vector.broadcast %add3A_2465 : i32 to vector<16xi32>
    %sub3A_2467 = arith.subi %add3A_23, %sub3A_2466 : vector<16xi32>
    %ge3A_2468 = arith.constant 0 : i32
    %ge3A_2469 = vector.broadcast %ge3A_2468 : i32 to vector<16xi32>
    %ge3A_2470 = arith.cmpi sge, %sub3A_2467, %ge3A_2469 : vector<16xi32>
    %lt3A_2471 = arith.constant 16 : i32
    %lt3A_2472 = vector.broadcast %lt3A_2471 : i32 to vector<16xi32>
    %lt3A_2473 = arith.cmpi slt, %sub3A_2467, %lt3A_2472 : vector<16xi32>
    %and3A_2474 = arith.andi %ge3A_2470, %lt3A_2473 : vector<16xi1>
    %jit3A_2475 = arith.constant 0 : i32
    %jit3A_2476 = arith.constant 15 : i32
    %max3A_2477 = vector.broadcast %jit3A_2475 : i32 to vector<16xi32>
    %max3A_2478 = arith.maxsi %max3A_2477, %sub3A_2467 : vector<16xi32>
    %min3A_2479 = vector.broadcast %jit3A_2476 : i32 to vector<16xi32>
    %min3A_2480 = arith.minsi %min3A_2479, %max3A_2478 : vector<16xi32>
    tpu.vector_store_idx %arg8[%min3A_2480, %get3A_43], %gather3A masked %and3A_2474 {add = true} : memref<16x2048xf32, #tpu.memory_space<vmem>>[vector<16xi32>, vector<16xi32>], vector<16xf32>, vector<16xi1>
    %sub3A_2481 = vector.broadcast %add3A_2465 : i32 to vector<16xi32>
    %sub3A_2482 = arith.subi %add3A_29, %sub3A_2481 : vector<16xi32>
    %ge3A_2483 = arith.constant 0 : i32
    %ge3A_2484 = vector.broadcast %ge3A_2483 : i32 to vector<16xi32>
    %ge3A_2485 = arith.cmpi sge, %sub3A_2482, %ge3A_2484 : vector<16xi32>
    %lt3A_2486 = arith.constant 16 : i32
    %lt3A_2487 = vector.broadcast %lt3A_2486 : i32 to vector<16xi32>
    %lt3A_2488 = arith.cmpi slt, %sub3A_2482, %lt3A_2487 : vector<16xi32>
    %and3A_2489 = arith.andi %ge3A_2485, %lt3A_2488 : vector<16xi1>
    %jit3A_2490 = arith.constant 0 : i32
    %jit3A_2491 = arith.constant 15 : i32
    %max3A_2492 = vector.broadcast %jit3A_2490 : i32 to vector<16xi32>
    %max3A_2493 = arith.maxsi %max3A_2492, %sub3A_2482 : vector<16xi32>
    %min3A_2494 = vector.broadcast %jit3A_2491 : i32 to vector<16xi32>
    %min3A_2495 = arith.minsi %min3A_2494, %max3A_2493 : vector<16xi32>
    tpu.vector_store_idx %arg8[%min3A_2495, %get3A_45], %gather3A masked %and3A_2489 {add = true} : memref<16x2048xf32, #tpu.memory_space<vmem>>[vector<16xi32>, vector<16xi32>], vector<16xf32>, vector<16xi1>
    %sub3A_2496 = vector.broadcast %add3A_2465 : i32 to vector<16xi32>
    %sub3A_2497 = arith.subi %add3A_35, %sub3A_2496 : vector<16xi32>
    %ge3A_2498 = arith.constant 0 : i32
    %ge3A_2499 = vector.broadcast %ge3A_2498 : i32 to vector<16xi32>
    %ge3A_2500 = arith.cmpi sge, %sub3A_2497, %ge3A_2499 : vector<16xi32>
    %lt3A_2501 = arith.constant 16 : i32
    %lt3A_2502 = vector.broadcast %lt3A_2501 : i32 to vector<16xi32>
    %lt3A_2503 = arith.cmpi slt, %sub3A_2497, %lt3A_2502 : vector<16xi32>
    %and3A_2504 = arith.andi %ge3A_2500, %lt3A_2503 : vector<16xi1>
    %jit3A_2505 = arith.constant 0 : i32
    %jit3A_2506 = arith.constant 15 : i32
    %max3A_2507 = vector.broadcast %jit3A_2505 : i32 to vector<16xi32>
    %max3A_2508 = arith.maxsi %max3A_2507, %sub3A_2497 : vector<16xi32>
    %min3A_2509 = vector.broadcast %jit3A_2506 : i32 to vector<16xi32>
    %min3A_2510 = arith.minsi %min3A_2509, %max3A_2508 : vector<16xi32>
    tpu.vector_store_idx %arg8[%min3A_2510, %get3A_47], %gather3A masked %and3A_2504 {add = true} : memref<16x2048xf32, #tpu.memory_space<vmem>>[vector<16xi32>, vector<16xi32>], vector<16xf32>, vector<16xi1>
    %sub3A_2511 = vector.broadcast %add3A_2465 : i32 to vector<16xi32>
    %sub3A_2512 = arith.subi %add3A_41, %sub3A_2511 : vector<16xi32>
    %ge3A_2513 = arith.constant 0 : i32
    %ge3A_2514 = vector.broadcast %ge3A_2513 : i32 to vector<16xi32>
    %ge3A_2515 = arith.cmpi sge, %sub3A_2512, %ge3A_2514 : vector<16xi32>
    %lt3A_2516 = arith.constant 16 : i32
    %lt3A_2517 = vector.broadcast %lt3A_2516 : i32 to vector<16xi32>
    %lt3A_2518 = arith.cmpi slt, %sub3A_2512, %lt3A_2517 : vector<16xi32>
    %and3A_2519 = arith.andi %ge3A_2515, %lt3A_2518 : vector<16xi1>
    %jit3A_2520 = arith.constant 0 : i32
    %jit3A_2521 = arith.constant 15 : i32
    %max3A_2522 = vector.broadcast %jit3A_2520 : i32 to vector<16xi32>
    %max3A_2523 = arith.maxsi %max3A_2522, %sub3A_2512 : vector<16xi32>
    %min3A_2524 = vector.broadcast %jit3A_2521 : i32 to vector<16xi32>
    %min3A_2525 = arith.minsi %min3A_2524, %max3A_2523 : vector<16xi32>
    tpu.vector_store_idx %arg8[%min3A_2525, %get3A_49], %gather3A masked %and3A_2519 {add = true} : memref<16x2048xf32, #tpu.memory_space<vmem>>[vector<16xi32>, vector<16xi32>], vector<16xf32>, vector<16xi1>
    %add3A_2526 = arith.constant 448 : i32
    %add3A_2527 = arith.addi %mul3A_2, %add3A_2526 : i32
    %dma_start3A_2528 = arith.constant 0 : i32
    %dma_start3A_2529 = tpu.memref_slice %arg6[%add3A_2527, %dma_start3A_2528] : memref<16384x2048xf32, #tpu.memory_space<hbm>> -> memref<16x2048xf32, #tpu.memory_space<hbm>>
    %dma_start3A_2530 = arith.constant 0 : i32
    %dma_start3A_2531 = tpu.memref_slice %arg6[%add3A_2527, %dma_start3A_2530] : memref<16384x2048xf32, #tpu.memory_space<hbm>> -> memref<16x2048xf32, #tpu.memory_space<hbm>>
    tpu.enqueue_dma source(%arg8 : memref<16x2048xf32, #tpu.memory_space<vmem>>) target(%dma_start3A_2531 : memref<16x2048xf32, #tpu.memory_space<hbm>>) target_semaphore(%arg17 : memref<!tpu.dma_semaphore, #tpu.memory_space<semaphore_mem>>)
    %add3A_2532 = arith.constant 432 : i32
    %add3A_2533 = arith.addi %mul3A_2, %add3A_2532 : i32
    %dma_wait3A_2534 = arith.constant 0 : i32
    %dma_wait3A_2535 = tpu.memref_slice %arg6[%add3A_2533, %dma_wait3A_2534] : memref<16384x2048xf32, #tpu.memory_space<hbm>> -> memref<16x2048xf32, #tpu.memory_space<hbm>>
    %dma_wait3A_2536 = arith.constant 0 : i32
    %dma_wait3A_2537 = tpu.memref_slice %arg6[%add3A_2533, %dma_wait3A_2536] : memref<16384x2048xf32, #tpu.memory_space<hbm>> -> memref<16x2048xf32, #tpu.memory_space<hbm>>
    tpu.wait_dma2 semaphore(%arg16 : memref<!tpu.dma_semaphore, #tpu.memory_space<semaphore_mem>>) src(%arg7 : memref<16x2048xf32, #tpu.memory_space<vmem>>) dst(%dma_wait3A_2537 : memref<16x2048xf32, #tpu.memory_space<hbm>>)
    %add3A_2538 = arith.constant 480 : i32
    %add3A_2539 = arith.addi %mul3A_2, %add3A_2538 : i32
    %dma_start3A_2540 = arith.constant 0 : i32
    %dma_start3A_2541 = tpu.memref_slice %arg2[%add3A_2539, %dma_start3A_2540] : memref<16384x2048xf32, #tpu.memory_space<hbm>> -> memref<16x2048xf32, #tpu.memory_space<hbm>>
    %dma_start3A_2542 = arith.constant 0 : i32
    %dma_start3A_2543 = tpu.memref_slice %arg2[%add3A_2539, %dma_start3A_2542] : memref<16384x2048xf32, #tpu.memory_space<hbm>> -> memref<16x2048xf32, #tpu.memory_space<hbm>>
    tpu.enqueue_dma source(%dma_start3A_2543 : memref<16x2048xf32, #tpu.memory_space<hbm>>) target(%arg7 : memref<16x2048xf32, #tpu.memory_space<vmem>>) target_semaphore(%arg13 : memref<!tpu.dma_semaphore, #tpu.memory_space<semaphore_mem>>)
    %add3A_2544 = arith.constant 464 : i32
    %add3A_2545 = arith.addi %mul3A_2, %add3A_2544 : i32
    %dma_wait3A_2546 = arith.constant 0 : i32
    %dma_wait3A_2547 = tpu.memref_slice %arg2[%add3A_2545, %dma_wait3A_2546] : memref<16384x2048xf32, #tpu.memory_space<hbm>> -> memref<16x2048xf32, #tpu.memory_space<hbm>>
    %dma_wait3A_2548 = arith.constant 0 : i32
    %dma_wait3A_2549 = tpu.memref_slice %arg2[%add3A_2545, %dma_wait3A_2548] : memref<16384x2048xf32, #tpu.memory_space<hbm>> -> memref<16x2048xf32, #tpu.memory_space<hbm>>
    tpu.wait_dma2 semaphore(%arg15 : memref<!tpu.dma_semaphore, #tpu.memory_space<semaphore_mem>>) src(%dma_wait3A_2549 : memref<16x2048xf32, #tpu.memory_space<hbm>>) dst(%arg9 : memref<16x2048xf32, #tpu.memory_space<vmem>>)
    %add3A_2550 = arith.constant 464 : i32
    %add3A_2551 = arith.addi %mul3A_2, %add3A_2550 : i32
    %sub3A_2552 = vector.broadcast %add3A_2551 : i32 to vector<16xi32>
    %sub3A_2553 = arith.subi %add3A_23, %sub3A_2552 : vector<16xi32>
    %ge3A_2554 = arith.constant 0 : i32
    %ge3A_2555 = vector.broadcast %ge3A_2554 : i32 to vector<16xi32>
    %ge3A_2556 = arith.cmpi sge, %sub3A_2553, %ge3A_2555 : vector<16xi32>
    %lt3A_2557 = arith.constant 16 : i32
    %lt3A_2558 = vector.broadcast %lt3A_2557 : i32 to vector<16xi32>
    %lt3A_2559 = arith.cmpi slt, %sub3A_2553, %lt3A_2558 : vector<16xi32>
    %and3A_2560 = arith.andi %ge3A_2556, %lt3A_2559 : vector<16xi1>
    %jit3A_2561 = arith.constant 0 : i32
    %jit3A_2562 = arith.constant 15 : i32
    %max3A_2563 = vector.broadcast %jit3A_2561 : i32 to vector<16xi32>
    %max3A_2564 = arith.maxsi %max3A_2563, %sub3A_2553 : vector<16xi32>
    %min3A_2565 = vector.broadcast %jit3A_2562 : i32 to vector<16xi32>
    %min3A_2566 = arith.minsi %min3A_2565, %max3A_2564 : vector<16xi32>
    tpu.vector_store_idx %arg9[%min3A_2566, %get3A_43], %gather3A masked %and3A_2560 {add = true} : memref<16x2048xf32, #tpu.memory_space<vmem>>[vector<16xi32>, vector<16xi32>], vector<16xf32>, vector<16xi1>
    %sub3A_2567 = vector.broadcast %add3A_2551 : i32 to vector<16xi32>
    %sub3A_2568 = arith.subi %add3A_29, %sub3A_2567 : vector<16xi32>
    %ge3A_2569 = arith.constant 0 : i32
    %ge3A_2570 = vector.broadcast %ge3A_2569 : i32 to vector<16xi32>
    %ge3A_2571 = arith.cmpi sge, %sub3A_2568, %ge3A_2570 : vector<16xi32>
    %lt3A_2572 = arith.constant 16 : i32
    %lt3A_2573 = vector.broadcast %lt3A_2572 : i32 to vector<16xi32>
    %lt3A_2574 = arith.cmpi slt, %sub3A_2568, %lt3A_2573 : vector<16xi32>
    %and3A_2575 = arith.andi %ge3A_2571, %lt3A_2574 : vector<16xi1>
    %jit3A_2576 = arith.constant 0 : i32
    %jit3A_2577 = arith.constant 15 : i32
    %max3A_2578 = vector.broadcast %jit3A_2576 : i32 to vector<16xi32>
    %max3A_2579 = arith.maxsi %max3A_2578, %sub3A_2568 : vector<16xi32>
    %min3A_2580 = vector.broadcast %jit3A_2577 : i32 to vector<16xi32>
    %min3A_2581 = arith.minsi %min3A_2580, %max3A_2579 : vector<16xi32>
    tpu.vector_store_idx %arg9[%min3A_2581, %get3A_45], %gather3A masked %and3A_2575 {add = true} : memref<16x2048xf32, #tpu.memory_space<vmem>>[vector<16xi32>, vector<16xi32>], vector<16xf32>, vector<16xi1>
    %sub3A_2582 = vector.broadcast %add3A_2551 : i32 to vector<16xi32>
    %sub3A_2583 = arith.subi %add3A_35, %sub3A_2582 : vector<16xi32>
    %ge3A_2584 = arith.constant 0 : i32
    %ge3A_2585 = vector.broadcast %ge3A_2584 : i32 to vector<16xi32>
    %ge3A_2586 = arith.cmpi sge, %sub3A_2583, %ge3A_2585 : vector<16xi32>
    %lt3A_2587 = arith.constant 16 : i32
    %lt3A_2588 = vector.broadcast %lt3A_2587 : i32 to vector<16xi32>
    %lt3A_2589 = arith.cmpi slt, %sub3A_2583, %lt3A_2588 : vector<16xi32>
    %and3A_2590 = arith.andi %ge3A_2586, %lt3A_2589 : vector<16xi1>
    %jit3A_2591 = arith.constant 0 : i32
    %jit3A_2592 = arith.constant 15 : i32
    %max3A_2593 = vector.broadcast %jit3A_2591 : i32 to vector<16xi32>
    %max3A_2594 = arith.maxsi %max3A_2593, %sub3A_2583 : vector<16xi32>
    %min3A_2595 = vector.broadcast %jit3A_2592 : i32 to vector<16xi32>
    %min3A_2596 = arith.minsi %min3A_2595, %max3A_2594 : vector<16xi32>
    tpu.vector_store_idx %arg9[%min3A_2596, %get3A_47], %gather3A masked %and3A_2590 {add = true} : memref<16x2048xf32, #tpu.memory_space<vmem>>[vector<16xi32>, vector<16xi32>], vector<16xf32>, vector<16xi1>
    %sub3A_2597 = vector.broadcast %add3A_2551 : i32 to vector<16xi32>
    %sub3A_2598 = arith.subi %add3A_41, %sub3A_2597 : vector<16xi32>
    %ge3A_2599 = arith.constant 0 : i32
    %ge3A_2600 = vector.broadcast %ge3A_2599 : i32 to vector<16xi32>
    %ge3A_2601 = arith.cmpi sge, %sub3A_2598, %ge3A_2600 : vector<16xi32>
    %lt3A_2602 = arith.constant 16 : i32
    %lt3A_2603 = vector.broadcast %lt3A_2602 : i32 to vector<16xi32>
    %lt3A_2604 = arith.cmpi slt, %sub3A_2598, %lt3A_2603 : vector<16xi32>
    %and3A_2605 = arith.andi %ge3A_2601, %lt3A_2604 : vector<16xi1>
    %jit3A_2606 = arith.constant 0 : i32
    %jit3A_2607 = arith.constant 15 : i32
    %max3A_2608 = vector.broadcast %jit3A_2606 : i32 to vector<16xi32>
    %max3A_2609 = arith.maxsi %max3A_2608, %sub3A_2598 : vector<16xi32>
    %min3A_2610 = vector.broadcast %jit3A_2607 : i32 to vector<16xi32>
    %min3A_2611 = arith.minsi %min3A_2610, %max3A_2609 : vector<16xi32>
    tpu.vector_store_idx %arg9[%min3A_2611, %get3A_49], %gather3A masked %and3A_2605 {add = true} : memref<16x2048xf32, #tpu.memory_space<vmem>>[vector<16xi32>, vector<16xi32>], vector<16xf32>, vector<16xi1>
    %add3A_2612 = arith.constant 464 : i32
    %add3A_2613 = arith.addi %mul3A_2, %add3A_2612 : i32
    %dma_start3A_2614 = arith.constant 0 : i32
    %dma_start3A_2615 = tpu.memref_slice %arg6[%add3A_2613, %dma_start3A_2614] : memref<16384x2048xf32, #tpu.memory_space<hbm>> -> memref<16x2048xf32, #tpu.memory_space<hbm>>
    %dma_start3A_2616 = arith.constant 0 : i32
    %dma_start3A_2617 = tpu.memref_slice %arg6[%add3A_2613, %dma_start3A_2616] : memref<16384x2048xf32, #tpu.memory_space<hbm>> -> memref<16x2048xf32, #tpu.memory_space<hbm>>
    tpu.enqueue_dma source(%arg9 : memref<16x2048xf32, #tpu.memory_space<vmem>>) target(%dma_start3A_2617 : memref<16x2048xf32, #tpu.memory_space<hbm>>) target_semaphore(%arg18 : memref<!tpu.dma_semaphore, #tpu.memory_space<semaphore_mem>>)
    %add3A_2618 = arith.constant 448 : i32
    %add3A_2619 = arith.addi %mul3A_2, %add3A_2618 : i32
    %dma_wait3A_2620 = arith.constant 0 : i32
    %dma_wait3A_2621 = tpu.memref_slice %arg6[%add3A_2619, %dma_wait3A_2620] : memref<16384x2048xf32, #tpu.memory_space<hbm>> -> memref<16x2048xf32, #tpu.memory_space<hbm>>
    %dma_wait3A_2622 = arith.constant 0 : i32
    %dma_wait3A_2623 = tpu.memref_slice %arg6[%add3A_2619, %dma_wait3A_2622] : memref<16384x2048xf32, #tpu.memory_space<hbm>> -> memref<16x2048xf32, #tpu.memory_space<hbm>>
    tpu.wait_dma2 semaphore(%arg17 : memref<!tpu.dma_semaphore, #tpu.memory_space<semaphore_mem>>) src(%arg8 : memref<16x2048xf32, #tpu.memory_space<vmem>>) dst(%dma_wait3A_2623 : memref<16x2048xf32, #tpu.memory_space<hbm>>)
    %add3A_2624 = arith.constant 496 : i32
    %add3A_2625 = arith.addi %mul3A_2, %add3A_2624 : i32
    %dma_start3A_2626 = arith.constant 0 : i32
    %dma_start3A_2627 = tpu.memref_slice %arg2[%add3A_2625, %dma_start3A_2626] : memref<16384x2048xf32, #tpu.memory_space<hbm>> -> memref<16x2048xf32, #tpu.memory_space<hbm>>
    %dma_start3A_2628 = arith.constant 0 : i32
    %dma_start3A_2629 = tpu.memref_slice %arg2[%add3A_2625, %dma_start3A_2628] : memref<16384x2048xf32, #tpu.memory_space<hbm>> -> memref<16x2048xf32, #tpu.memory_space<hbm>>
    tpu.enqueue_dma source(%dma_start3A_2629 : memref<16x2048xf32, #tpu.memory_space<hbm>>) target(%arg8 : memref<16x2048xf32, #tpu.memory_space<vmem>>) target_semaphore(%arg14 : memref<!tpu.dma_semaphore, #tpu.memory_space<semaphore_mem>>)
    %add3A_2630 = arith.constant 480 : i32
    %add3A_2631 = arith.addi %mul3A_2, %add3A_2630 : i32
    %dma_wait3A_2632 = arith.constant 0 : i32
    %dma_wait3A_2633 = tpu.memref_slice %arg2[%add3A_2631, %dma_wait3A_2632] : memref<16384x2048xf32, #tpu.memory_space<hbm>> -> memref<16x2048xf32, #tpu.memory_space<hbm>>
    %dma_wait3A_2634 = arith.constant 0 : i32
    %dma_wait3A_2635 = tpu.memref_slice %arg2[%add3A_2631, %dma_wait3A_2634] : memref<16384x2048xf32, #tpu.memory_space<hbm>> -> memref<16x2048xf32, #tpu.memory_space<hbm>>
    tpu.wait_dma2 semaphore(%arg13 : memref<!tpu.dma_semaphore, #tpu.memory_space<semaphore_mem>>) src(%dma_wait3A_2635 : memref<16x2048xf32, #tpu.memory_space<hbm>>) dst(%arg7 : memref<16x2048xf32, #tpu.memory_space<vmem>>)
    %add3A_2636 = arith.constant 480 : i32
    %add3A_2637 = arith.addi %mul3A_2, %add3A_2636 : i32
    %sub3A_2638 = vector.broadcast %add3A_2637 : i32 to vector<16xi32>
    %sub3A_2639 = arith.subi %add3A_23, %sub3A_2638 : vector<16xi32>
    %ge3A_2640 = arith.constant 0 : i32
    %ge3A_2641 = vector.broadcast %ge3A_2640 : i32 to vector<16xi32>
    %ge3A_2642 = arith.cmpi sge, %sub3A_2639, %ge3A_2641 : vector<16xi32>
    %lt3A_2643 = arith.constant 16 : i32
    %lt3A_2644 = vector.broadcast %lt3A_2643 : i32 to vector<16xi32>
    %lt3A_2645 = arith.cmpi slt, %sub3A_2639, %lt3A_2644 : vector<16xi32>
    %and3A_2646 = arith.andi %ge3A_2642, %lt3A_2645 : vector<16xi1>
    %jit3A_2647 = arith.constant 0 : i32
    %jit3A_2648 = arith.constant 15 : i32
    %max3A_2649 = vector.broadcast %jit3A_2647 : i32 to vector<16xi32>
    %max3A_2650 = arith.maxsi %max3A_2649, %sub3A_2639 : vector<16xi32>
    %min3A_2651 = vector.broadcast %jit3A_2648 : i32 to vector<16xi32>
    %min3A_2652 = arith.minsi %min3A_2651, %max3A_2650 : vector<16xi32>
    tpu.vector_store_idx %arg7[%min3A_2652, %get3A_43], %gather3A masked %and3A_2646 {add = true} : memref<16x2048xf32, #tpu.memory_space<vmem>>[vector<16xi32>, vector<16xi32>], vector<16xf32>, vector<16xi1>
    %sub3A_2653 = vector.broadcast %add3A_2637 : i32 to vector<16xi32>
    %sub3A_2654 = arith.subi %add3A_29, %sub3A_2653 : vector<16xi32>
    %ge3A_2655 = arith.constant 0 : i32
    %ge3A_2656 = vector.broadcast %ge3A_2655 : i32 to vector<16xi32>
    %ge3A_2657 = arith.cmpi sge, %sub3A_2654, %ge3A_2656 : vector<16xi32>
    %lt3A_2658 = arith.constant 16 : i32
    %lt3A_2659 = vector.broadcast %lt3A_2658 : i32 to vector<16xi32>
    %lt3A_2660 = arith.cmpi slt, %sub3A_2654, %lt3A_2659 : vector<16xi32>
    %and3A_2661 = arith.andi %ge3A_2657, %lt3A_2660 : vector<16xi1>
    %jit3A_2662 = arith.constant 0 : i32
    %jit3A_2663 = arith.constant 15 : i32
    %max3A_2664 = vector.broadcast %jit3A_2662 : i32 to vector<16xi32>
    %max3A_2665 = arith.maxsi %max3A_2664, %sub3A_2654 : vector<16xi32>
    %min3A_2666 = vector.broadcast %jit3A_2663 : i32 to vector<16xi32>
    %min3A_2667 = arith.minsi %min3A_2666, %max3A_2665 : vector<16xi32>
    tpu.vector_store_idx %arg7[%min3A_2667, %get3A_45], %gather3A masked %and3A_2661 {add = true} : memref<16x2048xf32, #tpu.memory_space<vmem>>[vector<16xi32>, vector<16xi32>], vector<16xf32>, vector<16xi1>
    %sub3A_2668 = vector.broadcast %add3A_2637 : i32 to vector<16xi32>
    %sub3A_2669 = arith.subi %add3A_35, %sub3A_2668 : vector<16xi32>
    %ge3A_2670 = arith.constant 0 : i32
    %ge3A_2671 = vector.broadcast %ge3A_2670 : i32 to vector<16xi32>
    %ge3A_2672 = arith.cmpi sge, %sub3A_2669, %ge3A_2671 : vector<16xi32>
    %lt3A_2673 = arith.constant 16 : i32
    %lt3A_2674 = vector.broadcast %lt3A_2673 : i32 to vector<16xi32>
    %lt3A_2675 = arith.cmpi slt, %sub3A_2669, %lt3A_2674 : vector<16xi32>
    %and3A_2676 = arith.andi %ge3A_2672, %lt3A_2675 : vector<16xi1>
    %jit3A_2677 = arith.constant 0 : i32
    %jit3A_2678 = arith.constant 15 : i32
    %max3A_2679 = vector.broadcast %jit3A_2677 : i32 to vector<16xi32>
    %max3A_2680 = arith.maxsi %max3A_2679, %sub3A_2669 : vector<16xi32>
    %min3A_2681 = vector.broadcast %jit3A_2678 : i32 to vector<16xi32>
    %min3A_2682 = arith.minsi %min3A_2681, %max3A_2680 : vector<16xi32>
    tpu.vector_store_idx %arg7[%min3A_2682, %get3A_47], %gather3A masked %and3A_2676 {add = true} : memref<16x2048xf32, #tpu.memory_space<vmem>>[vector<16xi32>, vector<16xi32>], vector<16xf32>, vector<16xi1>
    %sub3A_2683 = vector.broadcast %add3A_2637 : i32 to vector<16xi32>
    %sub3A_2684 = arith.subi %add3A_41, %sub3A_2683 : vector<16xi32>
    %ge3A_2685 = arith.constant 0 : i32
    %ge3A_2686 = vector.broadcast %ge3A_2685 : i32 to vector<16xi32>
    %ge3A_2687 = arith.cmpi sge, %sub3A_2684, %ge3A_2686 : vector<16xi32>
    %lt3A_2688 = arith.constant 16 : i32
    %lt3A_2689 = vector.broadcast %lt3A_2688 : i32 to vector<16xi32>
    %lt3A_2690 = arith.cmpi slt, %sub3A_2684, %lt3A_2689 : vector<16xi32>
    %and3A_2691 = arith.andi %ge3A_2687, %lt3A_2690 : vector<16xi1>
    %jit3A_2692 = arith.constant 0 : i32
    %jit3A_2693 = arith.constant 15 : i32
    %max3A_2694 = vector.broadcast %jit3A_2692 : i32 to vector<16xi32>
    %max3A_2695 = arith.maxsi %max3A_2694, %sub3A_2684 : vector<16xi32>
    %min3A_2696 = vector.broadcast %jit3A_2693 : i32 to vector<16xi32>
    %min3A_2697 = arith.minsi %min3A_2696, %max3A_2695 : vector<16xi32>
    tpu.vector_store_idx %arg7[%min3A_2697, %get3A_49], %gather3A masked %and3A_2691 {add = true} : memref<16x2048xf32, #tpu.memory_space<vmem>>[vector<16xi32>, vector<16xi32>], vector<16xf32>, vector<16xi1>
    %add3A_2698 = arith.constant 480 : i32
    %add3A_2699 = arith.addi %mul3A_2, %add3A_2698 : i32
    %dma_start3A_2700 = arith.constant 0 : i32
    %dma_start3A_2701 = tpu.memref_slice %arg6[%add3A_2699, %dma_start3A_2700] : memref<16384x2048xf32, #tpu.memory_space<hbm>> -> memref<16x2048xf32, #tpu.memory_space<hbm>>
    %dma_start3A_2702 = arith.constant 0 : i32
    %dma_start3A_2703 = tpu.memref_slice %arg6[%add3A_2699, %dma_start3A_2702] : memref<16384x2048xf32, #tpu.memory_space<hbm>> -> memref<16x2048xf32, #tpu.memory_space<hbm>>
    tpu.enqueue_dma source(%arg7 : memref<16x2048xf32, #tpu.memory_space<vmem>>) target(%dma_start3A_2703 : memref<16x2048xf32, #tpu.memory_space<hbm>>) target_semaphore(%arg16 : memref<!tpu.dma_semaphore, #tpu.memory_space<semaphore_mem>>)
    %add3A_2704 = arith.constant 496 : i32
    %add3A_2705 = arith.addi %mul3A_2, %add3A_2704 : i32
    %dma_wait3A_2706 = arith.constant 0 : i32
    %dma_wait3A_2707 = tpu.memref_slice %arg2[%add3A_2705, %dma_wait3A_2706] : memref<16384x2048xf32, #tpu.memory_space<hbm>> -> memref<16x2048xf32, #tpu.memory_space<hbm>>
    %dma_wait3A_2708 = arith.constant 0 : i32
    %dma_wait3A_2709 = tpu.memref_slice %arg2[%add3A_2705, %dma_wait3A_2708] : memref<16384x2048xf32, #tpu.memory_space<hbm>> -> memref<16x2048xf32, #tpu.memory_space<hbm>>
    tpu.wait_dma2 semaphore(%arg14 : memref<!tpu.dma_semaphore, #tpu.memory_space<semaphore_mem>>) src(%dma_wait3A_2709 : memref<16x2048xf32, #tpu.memory_space<hbm>>) dst(%arg8 : memref<16x2048xf32, #tpu.memory_space<vmem>>)
    %add3A_2710 = arith.constant 496 : i32
    %add3A_2711 = arith.addi %mul3A_2, %add3A_2710 : i32
    %sub3A_2712 = vector.broadcast %add3A_2711 : i32 to vector<16xi32>
    %sub3A_2713 = arith.subi %add3A_23, %sub3A_2712 : vector<16xi32>
    %ge3A_2714 = arith.constant 0 : i32
    %ge3A_2715 = vector.broadcast %ge3A_2714 : i32 to vector<16xi32>
    %ge3A_2716 = arith.cmpi sge, %sub3A_2713, %ge3A_2715 : vector<16xi32>
    %lt3A_2717 = arith.constant 16 : i32
    %lt3A_2718 = vector.broadcast %lt3A_2717 : i32 to vector<16xi32>
    %lt3A_2719 = arith.cmpi slt, %sub3A_2713, %lt3A_2718 : vector<16xi32>
    %and3A_2720 = arith.andi %ge3A_2716, %lt3A_2719 : vector<16xi1>
    %jit3A_2721 = arith.constant 0 : i32
    %jit3A_2722 = arith.constant 15 : i32
    %max3A_2723 = vector.broadcast %jit3A_2721 : i32 to vector<16xi32>
    %max3A_2724 = arith.maxsi %max3A_2723, %sub3A_2713 : vector<16xi32>
    %min3A_2725 = vector.broadcast %jit3A_2722 : i32 to vector<16xi32>
    %min3A_2726 = arith.minsi %min3A_2725, %max3A_2724 : vector<16xi32>
    tpu.vector_store_idx %arg8[%min3A_2726, %get3A_43], %gather3A masked %and3A_2720 {add = true} : memref<16x2048xf32, #tpu.memory_space<vmem>>[vector<16xi32>, vector<16xi32>], vector<16xf32>, vector<16xi1>
    %sub3A_2727 = vector.broadcast %add3A_2711 : i32 to vector<16xi32>
    %sub3A_2728 = arith.subi %add3A_29, %sub3A_2727 : vector<16xi32>
    %ge3A_2729 = arith.constant 0 : i32
    %ge3A_2730 = vector.broadcast %ge3A_2729 : i32 to vector<16xi32>
    %ge3A_2731 = arith.cmpi sge, %sub3A_2728, %ge3A_2730 : vector<16xi32>
    %lt3A_2732 = arith.constant 16 : i32
    %lt3A_2733 = vector.broadcast %lt3A_2732 : i32 to vector<16xi32>
    %lt3A_2734 = arith.cmpi slt, %sub3A_2728, %lt3A_2733 : vector<16xi32>
    %and3A_2735 = arith.andi %ge3A_2731, %lt3A_2734 : vector<16xi1>
    %jit3A_2736 = arith.constant 0 : i32
    %jit3A_2737 = arith.constant 15 : i32
    %max3A_2738 = vector.broadcast %jit3A_2736 : i32 to vector<16xi32>
    %max3A_2739 = arith.maxsi %max3A_2738, %sub3A_2728 : vector<16xi32>
    %min3A_2740 = vector.broadcast %jit3A_2737 : i32 to vector<16xi32>
    %min3A_2741 = arith.minsi %min3A_2740, %max3A_2739 : vector<16xi32>
    tpu.vector_store_idx %arg8[%min3A_2741, %get3A_45], %gather3A masked %and3A_2735 {add = true} : memref<16x2048xf32, #tpu.memory_space<vmem>>[vector<16xi32>, vector<16xi32>], vector<16xf32>, vector<16xi1>
    %sub3A_2742 = vector.broadcast %add3A_2711 : i32 to vector<16xi32>
    %sub3A_2743 = arith.subi %add3A_35, %sub3A_2742 : vector<16xi32>
    %ge3A_2744 = arith.constant 0 : i32
    %ge3A_2745 = vector.broadcast %ge3A_2744 : i32 to vector<16xi32>
    %ge3A_2746 = arith.cmpi sge, %sub3A_2743, %ge3A_2745 : vector<16xi32>
    %lt3A_2747 = arith.constant 16 : i32
    %lt3A_2748 = vector.broadcast %lt3A_2747 : i32 to vector<16xi32>
    %lt3A_2749 = arith.cmpi slt, %sub3A_2743, %lt3A_2748 : vector<16xi32>
    %and3A_2750 = arith.andi %ge3A_2746, %lt3A_2749 : vector<16xi1>
    %jit3A_2751 = arith.constant 0 : i32
    %jit3A_2752 = arith.constant 15 : i32
    %max3A_2753 = vector.broadcast %jit3A_2751 : i32 to vector<16xi32>
    %max3A_2754 = arith.maxsi %max3A_2753, %sub3A_2743 : vector<16xi32>
    %min3A_2755 = vector.broadcast %jit3A_2752 : i32 to vector<16xi32>
    %min3A_2756 = arith.minsi %min3A_2755, %max3A_2754 : vector<16xi32>
    tpu.vector_store_idx %arg8[%min3A_2756, %get3A_47], %gather3A masked %and3A_2750 {add = true} : memref<16x2048xf32, #tpu.memory_space<vmem>>[vector<16xi32>, vector<16xi32>], vector<16xf32>, vector<16xi1>
    %sub3A_2757 = vector.broadcast %add3A_2711 : i32 to vector<16xi32>
    %sub3A_2758 = arith.subi %add3A_41, %sub3A_2757 : vector<16xi32>
    %ge3A_2759 = arith.constant 0 : i32
    %ge3A_2760 = vector.broadcast %ge3A_2759 : i32 to vector<16xi32>
    %ge3A_2761 = arith.cmpi sge, %sub3A_2758, %ge3A_2760 : vector<16xi32>
    %lt3A_2762 = arith.constant 16 : i32
    %lt3A_2763 = vector.broadcast %lt3A_2762 : i32 to vector<16xi32>
    %lt3A_2764 = arith.cmpi slt, %sub3A_2758, %lt3A_2763 : vector<16xi32>
    %and3A_2765 = arith.andi %ge3A_2761, %lt3A_2764 : vector<16xi1>
    %jit3A_2766 = arith.constant 0 : i32
    %jit3A_2767 = arith.constant 15 : i32
    %max3A_2768 = vector.broadcast %jit3A_2766 : i32 to vector<16xi32>
    %max3A_2769 = arith.maxsi %max3A_2768, %sub3A_2758 : vector<16xi32>
    %min3A_2770 = vector.broadcast %jit3A_2767 : i32 to vector<16xi32>
    %min3A_2771 = arith.minsi %min3A_2770, %max3A_2769 : vector<16xi32>
    tpu.vector_store_idx %arg8[%min3A_2771, %get3A_49], %gather3A masked %and3A_2765 {add = true} : memref<16x2048xf32, #tpu.memory_space<vmem>>[vector<16xi32>, vector<16xi32>], vector<16xf32>, vector<16xi1>
    %add3A_2772 = arith.constant 496 : i32
    %add3A_2773 = arith.addi %mul3A_2, %add3A_2772 : i32
    %dma_start3A_2774 = arith.constant 0 : i32
    %dma_start3A_2775 = tpu.memref_slice %arg6[%add3A_2773, %dma_start3A_2774] : memref<16384x2048xf32, #tpu.memory_space<hbm>> -> memref<16x2048xf32, #tpu.memory_space<hbm>>
    %dma_start3A_2776 = arith.constant 0 : i32
    %dma_start3A_2777 = tpu.memref_slice %arg6[%add3A_2773, %dma_start3A_2776] : memref<16384x2048xf32, #tpu.memory_space<hbm>> -> memref<16x2048xf32, #tpu.memory_space<hbm>>
    tpu.enqueue_dma source(%arg8 : memref<16x2048xf32, #tpu.memory_space<vmem>>) target(%dma_start3A_2777 : memref<16x2048xf32, #tpu.memory_space<hbm>>) target_semaphore(%arg17 : memref<!tpu.dma_semaphore, #tpu.memory_space<semaphore_mem>>)
    %add3A_2778 = arith.constant 464 : i32
    %add3A_2779 = arith.addi %mul3A_2, %add3A_2778 : i32
    %dma_wait3A_2780 = arith.constant 0 : i32
    %dma_wait3A_2781 = tpu.memref_slice %arg6[%add3A_2779, %dma_wait3A_2780] : memref<16384x2048xf32, #tpu.memory_space<hbm>> -> memref<16x2048xf32, #tpu.memory_space<hbm>>
    %dma_wait3A_2782 = arith.constant 0 : i32
    %dma_wait3A_2783 = tpu.memref_slice %arg6[%add3A_2779, %dma_wait3A_2782] : memref<16384x2048xf32, #tpu.memory_space<hbm>> -> memref<16x2048xf32, #tpu.memory_space<hbm>>
    tpu.wait_dma2 semaphore(%arg18 : memref<!tpu.dma_semaphore, #tpu.memory_space<semaphore_mem>>) src(%arg9 : memref<16x2048xf32, #tpu.memory_space<vmem>>) dst(%dma_wait3A_2783 : memref<16x2048xf32, #tpu.memory_space<hbm>>)
    %add3A_2784 = arith.constant 480 : i32
    %add3A_2785 = arith.addi %mul3A_2, %add3A_2784 : i32
    %dma_wait3A_2786 = arith.constant 0 : i32
    %dma_wait3A_2787 = tpu.memref_slice %arg6[%add3A_2785, %dma_wait3A_2786] : memref<16384x2048xf32, #tpu.memory_space<hbm>> -> memref<16x2048xf32, #tpu.memory_space<hbm>>
    %dma_wait3A_2788 = arith.constant 0 : i32
    %dma_wait3A_2789 = tpu.memref_slice %arg6[%add3A_2785, %dma_wait3A_2788] : memref<16384x2048xf32, #tpu.memory_space<hbm>> -> memref<16x2048xf32, #tpu.memory_space<hbm>>
    tpu.wait_dma2 semaphore(%arg16 : memref<!tpu.dma_semaphore, #tpu.memory_space<semaphore_mem>>) src(%arg7 : memref<16x2048xf32, #tpu.memory_space<vmem>>) dst(%dma_wait3A_2789 : memref<16x2048xf32, #tpu.memory_space<hbm>>)
    %add3A_2790 = arith.constant 496 : i32
    %add3A_2791 = arith.addi %mul3A_2, %add3A_2790 : i32
    %dma_wait3A_2792 = arith.constant 0 : i32
    %dma_wait3A_2793 = tpu.memref_slice %arg6[%add3A_2791, %dma_wait3A_2792] : memref<16384x2048xf32, #tpu.memory_space<hbm>> -> memref<16x2048xf32, #tpu.memory_space<hbm>>
    %dma_wait3A_2794 = arith.constant 0 : i32
    %dma_wait3A_2795 = tpu.memref_slice %arg6[%add3A_2791, %dma_wait3A_2794] : memref<16384x2048xf32, #tpu.memory_space<hbm>> -> memref<16x2048xf32, #tpu.memory_space<hbm>>
    tpu.wait_dma2 semaphore(%arg17 : memref<!tpu.dma_semaphore, #tpu.memory_space<semaphore_mem>>) src(%arg8 : memref<16x2048xf32, #tpu.memory_space<vmem>>) dst(%dma_wait3A_2795 : memref<16x2048xf32, #tpu.memory_space<hbm>>)
    return
  }
}

</mosaic_0001>

<sc_bundles>
// kernel: kernel.3.cloned.1.call-start
scs
__scs_entry_jumppad:
0x0: {  	(pc) =	sbr.rel $0x88, $3  }
0x1: {  	(tag) =	ssettag $0x0;
	lr =	simm.s32 $0x1  }
0x2: {  	[smem:$0x3F9D] =	sst lr;
	_ =	strace $0xD0000000  }
0x3: {  	_ = 	snop  }
0x4: {  	_ = 	snop  }
0x5: {  	_ = 	snop  }
0x6: {  	_ = 	snop  }
0x7: {  	_ = 	snop  }
__scs_overlays_trampoline_lowered:
0x8: {  	[smem:$0x3FAC] =	sst s0  }
0x9: {  	[smem:$0x3FAD] =	sst s1  }
0xa: {  	[smem:$0x3FAE] =	sst s2  }
0xb: {  	[smem:$0x3FAF] =	sst s3  }
0xc: {  	[smem:$0x3FB0] =	sst s4  }
0xd: {  	[smem:$0x3FB1] =	sst s5  }
0xe: {  	[smem:$0x3FB2] =	sst s6  }
0xf: {  	[smem:$0x3FB3] =	sst s7  }
0x10: {  	[smem:$0x3FB4] =	sst s8  }
0x11: {  	[smem:$0x3FB5] =	sst s9;
	s0 =	simm.s32 @!p0 $0x0  }
0x12: {  	s1 =	sld [smem:$0x3F9B];
	s0 =	simm.s32 @p0 $0x1  }
0x13: {  	[smem:$0x3FB6] =	sst s0;
	s0 =	simm.s32 @!p1 $0x0  }
0x14: {  	s2 =	sld [smem:$0x3F9A];
	s0 =	simm.s32 @p1 $0x1  }
0x15: {  	[smem:$0x3FB7] =	sst s0;
	s0 =	simm.s32 @!p2 $0x0  }
0x16: {  	s3 =	sld [smem:$0x3FDB];
	s0 =	simm.s32 @p2 $0x1  }
0x17: {  	s4 =	simm.s32 $0x1BF5;
	[smem:$0x3FB9] =	sst s0  }
0x18: {  	s0 =	sld [smem:$0x3F9C];
	_ =	swait.ge [sflag:s4], $0x0  }
0x19: {  	s7 =	sld [smem:$0x3F9D]  }
0x1a: {  	s8 =	sadd.s32 $0xFFFFE003, lr  }
0x1b: {  	s9 =	sadd.s32 $0xFFFFFEF7, lr;
	s5 =	simm.s32 $0xFFFFFFFF;
	p2 =	slt.u32 s8, $0xFFFFF086  }
0x1c: {  	p1 =	slt.u32 s9, $0xF7A;
	s5 =	simm.s32 @!p2 $0x0  }
0x1d: {  	s5 =	simm.s32 @p1 $0x1;
	p0 =	seq.s32 s7, s2  }
0x1e: {  	s7 =	smul.u32 @!p0 $0xF7A, s2;
	p2 =	seq.s32 @!p0 s5, $0x0  }
0x1f: {  	s9 =	smul.u32 $0xF7A, s1;
	s8 =	simm.s32 @!p0 $0x1BF5;
	p2 =	por !p2, p0  }
0x20: {  	[sflag:s8] =	ssyncset.s32 @!p0 $0xFFFFF086;
	s6 =	sadd.s32 @!p0 s3, s7;
	s7 =	simm.s32 @!p0 $0x108  }
0x21: {  	s3 =	sadd.s32 s3, s9;
	s6 =	sadd.s32 @!p0 $0x88, s6;
	s7 =	simm.s32 @p2 $0x1082  }
0x22: {  	[simem:s7], [sflag:s8] =	dma.local @!p0 [hbm:s6], $0xF7A  }
0x23: {  	s9 =	sor.u32 $0xD0000000, s2;
	s6 =	simm.s32 $0x108;
	_ =	swait.ge @!p0 [sflag:s8], $0x0  }
0x24: {  	s3 =	sadd.s32 $0x88, s3;
	s6 =	simm.s32 @!p1 $0x1082;
	[sflag:s4] =	ssyncset.s32 $0xFFFFF086  }
0x25: {  	[simem:s6], [sflag:s4] =	dma.local [hbm:s3], $0xF7A  }
0x26: {  	[smem:$0x3F9D] =	sst s1;
	(tag) =	ssettag s2;
	_ =	strace s9  }
0x27: {  	s1 =	sld [smem:$0x3FAD]  }
0x28: {  	s2 =	sld [smem:$0x3FAE]  }
0x29: {  	s4 =	sld [smem:$0x3FB0]  }
0x2a: {  	p0 =	seq.s32 s5, $0x0;
	s5 =	sld [smem:$0x3FB1]  }
0x2b: {  	s6 =	sld [smem:$0x3FB2]  }
0x2c: {  	s7 =	sld [smem:$0x3FB3]  }
0x2d: {  	s3 =	simm.s32 $0x108;
	s8 =	sld [smem:$0x3FB4]  }
0x2e: {  	s3 =	simm.s32 @!p0 $0x1082;
	s9 =	sld [smem:$0x3FB5]  }
0x2f: {  	lr =	sadd.s32 s0, s3;
	s0 =	sld [smem:$0x3FAC]  }
0x30: {  	s3 =	sld [smem:$0x3FAF]  }
0x31: {  	[smem:$0x3FB8] =	sst s10  }
0x32: {  	s10 =	sld [smem:$0x3FB6];
	_ =	sdelay $0x3  }
0x33: {  	p0 =	seq.s32 s10, $0x1;
	s10 =	sld [smem:$0x3FB8];
	_ =	sdelay $0x3  }
0x34: {  	[smem:$0x3FB8] =	sst s10  }
0x35: {  	s10 =	sld [smem:$0x3FB7];
	_ =	sdelay $0x3  }
0x36: {  	p1 =	seq.s32 s10, $0x1;
	s10 =	sld [smem:$0x3FB8];
	_ =	sdelay $0x3  }
0x37: {  	[smem:$0x3FB8] =	sst s10  }
0x38: {  	s10 =	sld [smem:$0x3FB9]  }
0x39: {  	_ = 	snop;
	(pc) =	sbr.ind lr, $3  }
0x3a: {  	_ = 	snop  }
0x3b: {  	_ = 	snop  }
0x3c: {  	p2 =	seq.s32 s10, $0x1;
	s10 =	sld [smem:$0x3FB8]  }
0x3d: {  	_ =	shalt  }
0x3e: {  	_ =	shalt  }
0x3f: {  	_ =	shalt  }
0x40: {  	_ =	shalt  }
0x41: {  	_ =	shalt  }
0x42: {  	_ =	shalt  }
0x43: {  	_ =	shalt  }
0x44: {  	_ =	shalt  }
0x45: {  	_ =	shalt  }
0x46: {  	_ =	shalt  }
0x47: {  	_ =	shalt  }
0x48: {  	_ =	shalt  }
0x49: {  	_ =	shalt  }
0x4a: {  	_ =	shalt  }
0x4b: {  	_ =	shalt  }
0x4c: {  	_ =	shalt  }
0x4d: {  	_ =	shalt  }
0x4e: {  	_ =	shalt  }
0x4f: {  	_ =	shalt  }
0x50: {  	_ =	shalt  }
0x51: {  	_ =	shalt  }
0x52: {  	_ =	shalt  }
0x53: {  	_ =	shalt  }
0x54: {  	_ =	shalt  }
0x55: {  	_ =	shalt  }
0x56: {  	_ =	shalt  }
0x57: {  	_ =	shalt  }
0x58: {  	_ =	shalt  }
0x59: {  	_ =	shalt  }
0x5a: {  	_ =	shalt  }
0x5b: {  	_ =	shalt  }
0x5c: {  	_ =	shalt  }
0x5d: {  	_ =	shalt  }
0x5e: {  	_ =	shalt  }
0x5f: {  	_ =	shalt  }
0x60: {  	_ =	shalt  }
0x61: {  	_ =	shalt  }
0x62: {  	_ =	shalt  }
0x63: {  	_ =	shalt  }
0x64: {  	_ =	shalt  }
0x65: {  	_ =	shalt  }
0x66: {  	_ =	shalt  }
0x67: {  	_ =	shalt  }
0x68: {  	_ =	shalt  }
0x69: {  	_ =	shalt  }
0x6a: {  	_ =	shalt  }
0x6b: {  	_ =	shalt  }
0x6c: {  	_ =	shalt  }
0x6d: {  	_ =	shalt  }
0x6e: {  	_ =	shalt  }
0x6f: {  	_ =	shalt  }
0x70: {  	_ =	shalt  }
0x71: {  	_ =	shalt  }
0x72: {  	_ =	shalt  }
0x73: {  	_ =	shalt  }
0x74: {  	_ =	shalt  }
0x75: {  	_ =	shalt  }
0x76: {  	_ =	shalt  }
0x77: {  	_ =	shalt  }
0x78: {  	_ =	shalt  }
0x79: {  	_ =	shalt  }
0x7a: {  	_ =	shalt  }
0x7b: {  	_ =	shalt  }
0x7c: {  	_ =	shalt  }
0x7d: {  	_ =	shalt  }
0x7e: {  	_ =	shalt  }
0x7f: {  	_ =	shalt  }
0x80: {  	_ =	shalt  }
0x81: {  	_ =	shalt  }
0x82: {  	_ =	shalt  }
0x83: {  	_ =	shalt  }
0x84: {  	_ =	shalt  }
0x85: {  	_ =	shalt  }
0x86: {  	_ =	shalt  }
0x87: {  	_ =	shalt  }
.Lfunc_end0:
.L_simem_size_0:
called_computation_lowered:
.L_overlay_start_0:
0x88: {  	s2 =	sld [smem:$0x3FD9]  }
0x89: {  	s3 =	sld [smem:$0x3FFE];
	_ =	sdelay $0x1  }
0x8a: {  	s1 =	srdreg.scid  }
0x8b: {  	s0 =	sand.u32 $0x1, s1  }
0x8c: {  	s17 =	sshll.u32 s0, $0xA;
	s2 =	sadd.s32 s3, s2  }
0x8d: {  	s2 =	sadd.s32 s2, s17  }
0x8e: {  	[smem:$0x3FC4] =	sst s2  }
0x8f: {  	_ = 	snop  }
0x90: {  	s2 =	sld [smem:$0x3FC9]  }
0x91: {  	s18 =	sld [smem:$0x3FC7]  }
0x92: {  	s4 =	sld [smem:$0x3FC6]  }
0x93: {  	s5 =	sld [smem:$0x3FD0];
	(tm) =	ssettm $0x1  }
0x94: {  	s6 =	sld [smem:$0x3FFB];
	_ =	sdelay $0x3  }
0x95: {  	_ =	strace s6  }
0x96: {  	s6 =	sld [smem:$0x3FFC];
	_ =	sdelay $0x3  }
0x97: {  	_ =	strace s6  }
0x98: {  	s6 =	sld [smem:$0x3FFD];
	_ =	sdelay $0x3  }
0x99: {  	_ =	strace s6  }
0x9a: {  	_ =	strace $0x8FFFFFFF  }
0x9b: {  	s19 =	sld [smem:$0x3FDB];
	_ =	sdelay $0x1  }
0x9c: {  	s7 =	simm.s32 $_scs_section_size  }
0x9d: {  	s8 =	simm.s32 $_size__tile_overlayer_lowered;
	s9 =	simm.s32 $_tile_overlayer_lowered  }
0x9e: {  	s22 =	simm.s32 $0x1BFF;
	s21 =	sshll.u32 s9, $0x1;
	s6 =	sadd.s32 s7, s19  }
0x9f: {  	s10 =	simm.s32 $0x0;
	s20 =	sshll.u32 s8, $0x1;
	s8 =	sadd.s32 s21, s6  }
0xa0: {  	[timem:s10], [sflag:s22] =	dma.local [hbm:s8], s20  }
0xa1: {  	_ =	swait.ge [sflag:s22], s20  }
0xa2: {  	s7 =	ssub.s32 $0x0, s20;
	[sflag:s22] =	ssyncset.done $0x0  }
0xa3: {  	[sflag:s22] =	ssyncadd.s32 s7;
	_ =	sdelay $0x1  }
0xa4: {  	s23 =	simm.s32 $0x1B8B  }
0xa5: {  	_ =	swait.ge [sflag:s23], $0x1  }
0xa6: {  	[sflag:s23] =	ssyncset.done $0x0  }
0xa7: {  	s25 =	simm.s32 $0x1B8E;
	s24 =	sld [smem:$0x3FFE];
	[sflag:s23] =	ssyncadd.s32 $0xFFFFFFFF  }
0xa8: {  	s26 =	simm.s32 $execute0_lowered;
	[smem:$0x3FD2] =	sst s25  }
0xa9: {  	s8 =	sshll.u32 s26, $0x1;
	_ =	strace $0x80000046;
	[dreg:$0x1] =	wrdreg $0xFFFFFFFF  }
0xaa: {  	s28 =	simm.s32 $_size_execute0_lowered;
	s6 =	sadd.s32 s6, s8;
	[dreg:$0x0] =	wrdreg $0x0  }
0xab: {  	s8 =	sshll.u32 s28, $0x1;
	[dreg:$0x2] =	wrdreg s6  }
0xac: {  	[dreg:$0x3] =	wrdreg s8  }
0xad: {  	[dreg:$0x4] =	wrdreg $0xC0  }
0xae: {  	_ =	task [dreg:s10], $0x5FFFF  }
0xaf: {  	[dreg:$0x1] =	wrdreg $0xFFFFFFFF  }
0xb0: {  	[dreg:$0x0] =	wrdreg $0x60  }
0xb1: {  	[dreg:$0x2] =	wrdreg s2  }
0xb2: {  	[dreg:$0x3] =	wrdreg s24  }
0xb3: {  	[dreg:$0x4] =	wrdreg s18  }
0xb4: {  	[dreg:$0x5] =	wrdreg s4  }
0xb5: {  	[dreg:$0x6] =	wrdreg s5  }
0xb6: {  	[dreg:$0x7] =	wrdreg $0x9  }
0xb7: {  	_ =	task.clear_ibuf [dreg:s10], $0x8FFFF;
	_ =	strace $0x90000046  }
0xb8: {  	s29 =	simm.s32 $0x9;
	_ =	strace $0x80000048  }
0xb9: {  	_ =	swait.ge [sflag:s29], $0x1  }
0xba: {  	[sflag:s29] =	ssyncadd.s32 $0xFFFFFFFF  }
0xbb: {  	_ =	strace $0x90000048  }
0xbc: {  	_ =	sfence  }
0xbd: {  	s30 =	sld [smem:$0x0];
	_ =	sdelay $0x2  }
0xbe: {  	s31 =	sshll.u32 s1, $0xD;
	s1 =	sshrl.u32 s1, $0x2  }
0xbf: {  	s3 =	sand.u32 $0x4000, s31;
	s1 =	sadd.s32 s1, s30  }
0xc0: {  	s0 =	sor.u32 s3, s0;
	s1 =	sshll.u32 s1, $0x11  }
0xc1: {  	s0 =	sor.u32 s1, s0  }
0xc2: {  	s0 =	sadd.s32 $0x8F2B, s0  }
0xc3: {  	[sflag:s0] =	ssyncadd.remote.s32 $0x1  }
0xc4: {  	_ =	sfence.sel $0xFFFF  }
0xc5: {  	[dreg:$0x0] =	wrdreg $0xFFFFFFFF;
	(pc) =	sbr.abs _section_cstart, $3  }
0xc6: {  	[dreg:$0x1] =	wrdreg $0xFFFFFFFF  }
0xc7: {  	_ =	task.clear_ibuf [dreg:s10], $0x2FFFF;
	_ =	strace $0x9FFFFFFF  }
0xc8: {  	(tm) =	ssettm $0x7FFFFFFF  }
0xc9: {  	_ =	shalt  }
tec
execute0_lowered:
.L_overlay_start_1:
0x0: {  	(tag) =	ssettag $0x1  }
0x1: {  	s3 =	rddreg [dreg:$0x0]  }
0x2: {  	s1 =	rddreg [dreg:$0x1]  }
0x3: {  	s2 =	rddreg [dreg:$0x2]  }
0x4: {  	s22 =	rddreg [dreg:$0x3]  }
0x5: {  	s18 =	rddreg [dreg:$0x4]  }
0x6: {  	s0 =	srdreg.scid;
	[dreg:$0x7] =	wrdreg s2  }
0x7: {  	s11 =	stileid.u32;
	[dreg:$0x8] =	wrdreg s22;
	s4 =	sand.u32 $0x1, s0  }
0x8: {  	s2 =	simm.s32 $0x0;
	s10 =	sshll.u32 s11, $0xA;
	s5 =	sshll.u32 s4, $0x9  }
0x9: {  	s1 =	sadd.s32 $0x400, s1;
	[smem:$0x7FF] =	sst s2;
	s13 =	sor.u32 s5, s10  }
0xa: {  	_ =	strace $0x80000047;
	[dreg:$0x6] =	wrdreg s1;
	s5 =	sshll.u32 s13, $0x8  }
0xb: {  	s15 =	sor.u32 $0x10, s13;
	s16 =	sor.u32 $0x20, s13;
	s23 =	sadd.s32 s3, s5  }
0xc: {  	s6 =	sshll.u32 s15, $0x8;
	s25 =	sadd.s32 s18, s5;
	[dreg:$0x9] =	wrdreg s23  }
0xd: {  	s26 =	sshll.u32 s16, $0x8;
	s24 =	sadd.s32 s3, s6;
	[dreg:$0xb] =	wrdreg s25  }
0xe: {  	s20 =	sor.u32 $0x30, s13;
	s0 =	sadd.s32 s3, s26;
	[dreg:$0xa] =	wrdreg s24  }
0xf: {  	s8 =	sshll.u32 s20, $0x8;
	s7 =	sadd.s32 s18, s6;
	[dreg:$0xc] =	wrdreg s0  }
0x10: {  	s22 =	sor.u32 $0x40, s13;
	s9 =	sadd.s32 s3, s8;
	[dreg:$0xd] =	wrdreg s7  }
0x11: {  	s14 =	sshll.u32 s22, $0x8;
	s12 =	sadd.s32 s18, s26;
	[dreg:$0xe] =	wrdreg s9  }
0x12: {  	s17 =	sadd.s32 s3, s14;
	[dreg:$0xf] =	wrdreg s12  }
0x13: {  	s19 =	sadd.s32 s18, s8;
	[dreg:$0x10] =	wrdreg s17  }
0x14: {  	s25 =	sadd.s32 s18, s14;
	[dreg:$0x11] =	wrdreg s19  }
0x15: {  	s8 =	sor.u32 $0x70, s13;
	[dreg:$0x13] =	wrdreg s25  }
0x16: {  	s24 =	sor.u32 $0x60, s13;
	[smem:$0x7F4] =	sst s8  }
0x17: {  	s19 =	sor.u32 $0x80, s13;
	[smem:$0x7F3] =	sst s24  }
0x18: {  	s25 =	sor.u32 $0x90, s13;
	[smem:$0x7F5] =	sst s19  }
0x19: {  	s14 =	sshll.u32 s8, $0x8;
	[smem:$0x7F6] =	sst s25  }
0x1a: {  	v35 =	vmov s22;
	s12 =	sor.u32 $0x50, s13;
	s17 =	sadd.s32 s3, s14;
	s22 =	sld [smem:$0x7F4]  }
0x1b: {  	s21 =	sshll.u32 s12, $0x8;
	[dreg:$0x16] =	wrdreg s17  }
0x1c: {  	v34 =	vmov s20;
	s26 =	sshll.u32 s24, $0x8;
	s23 =	sadd.s32 s3, s21;
	s20 =	sld [smem:$0x7F3]  }
0x1d: {  	s7 =	sadd.s32 s3, s26;
	[dreg:$0x12] =	wrdreg s23  }
0x1e: {  	s9 =	sadd.s32 s18, s21;
	[dreg:$0x14] =	wrdreg s7  }
0x1f: {  	s21 =	sadd.s32 s18, s26;
	[dreg:$0x15] =	wrdreg s9  }
0x20: {  	s0 =	sshll.u32 s25, $0x8;
	s26 =	sadd.s32 s18, s14;
	[dreg:$0x17] =	wrdreg s21  }
0x21: {  	[dreg:$0x19] =	wrdreg s26;
	s7 =	sadd.s32 s3, s0  }
0x22: {  	s23 =	sshll.u32 s19, $0x8;
	s19 =	sor.u32 $0xB0, s13;
	[dreg:$0x1a] =	wrdreg s7  }
0x23: {  	s21 =	sadd.s32 s18, s0;
	[smem:$0x7F7] =	sst s19  }
0x24: {  	s14 =	sor.u32 $0xA0, s13;
	s24 =	sadd.s32 s3, s23;
	[dreg:$0x1d] =	wrdreg s21  }
0x25: {  	s9 =	sshll.u32 s14, $0x8;
	s8 =	sadd.s32 s18, s23;
	[dreg:$0x18] =	wrdreg s24  }
0x26: {  	s17 =	sadd.s32 s3, s9;
	[dreg:$0x1b] =	wrdreg s8  }
0x27: {  	s11 =	sshrl.u32 s11, $0x1;
	s25 =	sadd.s32 s18, s9;
	[dreg:$0x1c] =	wrdreg s17  }
0x28: {  	s4 =	ssub.s32 $0x2, s4;
	s21 =	sor.u32 $0xE0, s13;
	[dreg:$0x1f] =	wrdreg s25  }
0x29: {  	s28 =	sor.u32 $0x120, s13;
	s23 =	sshll.u32 s19, $0x8;
	[smem:$0x7F8] =	sst s21  }
0x2a: {  	s19 =	sor.u32 $0xC0, s13;
	v38 =	vmov s22;
	s24 =	sadd.s32 s3, s23;
	s22 =	sld [smem:$0x7F7]  }
0x2b: {  	s26 =	sshll.u32 s19, $0x8;
	s7 =	sadd.s32 s18, s23;
	[dreg:$0x1e] =	wrdreg s24  }
0x2c: {  	s29 =	sor.u32 $0x130, s13;
	s0 =	sadd.s32 s3, s26;
	[smem:$0x7DB] =	sst s7  }
0x2d: {  	s17 =	sor.u32 $0xD0, s13;
	s23 =	sadd.s32 s18, s26;
	[smem:$0x7DA] =	sst s0  }
0x2e: {  	s8 =	sshll.u32 s17, $0x8;
	s26 =	sor.u32 $0xF0, s13;
	[smem:$0x7DD] =	sst s23  }
0x2f: {  	s24 =	sshll.u32 s21, $0x8;
	s9 =	sadd.s32 s3, s8;
	[smem:$0x7F9] =	sst s26  }
0x30: {  	s30 =	sor.u32 $0x140, s13;
	s25 =	sadd.s32 s3, s24;
	[smem:$0x7DC] =	sst s9  }
0x31: {  	s6 =	sadd.s32 s18, s8;
	s7 =	sshll.u32 s26, $0x8;
	[smem:$0x7DE] =	sst s25  }
0x32: {  	s26 =	sor.u32 $0x110, s13;
	[smem:$0x7DF] =	sst s6;
	s8 =	sadd.s32 s3, s7  }
0x33: {  	s25 =	sor.u32 $0x100, s13;
	s9 =	sadd.s32 s18, s24;
	[smem:$0x7E0] =	sst s8  }
0x34: {  	s24 =	sadd.s32 s18, s7;
	s0 =	sshll.u32 s26, $0x8;
	[smem:$0x7E1] =	sst s9  }
0x35: {  	v0 =	vmov s11;
	s21 =	sshll.u32 s25, $0x8;
	[smem:$0x7E3] =	sst s24;
	s7 =	sadd.s32 s3, s0  }
0x36: {  	[tilespmem:$0x1FDE0] =	vst v0;
	s31 =	sor.u32 $0x150, s13;
	v42 =	vmov s13;
	s23 =	sadd.s32 s3, s21;
	[smem:$0x7E4] =	sst s7  }
0x37: {  	v32 =	vmov s15;
	[tilespmem:$0x1FEA0] =	vst v42;
	s9 =	sshll.u32 s28, $0x8;
	s8 =	sadd.s32 s18, s21;
	[smem:$0x7E2] =	sst s23  }
0x38: {  	v33 =	vmov s16;
	[tilespmem:$0x1FE00] =	vst v32;
	v49 =	vmov s26;
	s26 =	simm.s32 $0x10000;
	s21 =	sadd.s32 s3, s9;
	[smem:$0x7E5] =	sst s8  }
0x39: {  	[tilespmem:$0x1FE10] =	vst v33;
	s24 =	sshll.u32 s29, $0x8;
	s7 =	sadd.s32 s18, s9;
	[smem:$0x7E6] =	sst s21  }
0x3a: {  	v50 =	vmov s28;
	[tilespmem:$0x1FE20] =	vst v34;
	s28 =	simm.s32 $0x2;
	s23 =	sadd.s32 s18, s0;
	[smem:$0x7E9] =	sst s7  }
0x3b: {  	[tilespmem:$0x1FE30] =	vst v35;
	s0 =	sadd.s32 s3, s24;
	s8 =	sshll.u32 s30, $0x8;
	[smem:$0x7E7] =	sst s23  }
0x3c: {  	v51 =	vmov s29;
	[tilespmem:$0x1FF20] =	vst v50;
	s21 =	sadd.s32 s18, s24;
	[smem:$0x7E8] =	sst s0;
	s9 =	sadd.s32 s3, s8  }
0x3d: {  	v52 =	vmov s30;
	[tilespmem:$0x1FF30] =	vst v51;
	s23 =	sshll.u32 s31, $0x8;
	[smem:$0x7EB] =	sst s21;
	s5 =	sadd.s32 s18, s8  }
0x3e: {  	v53 =	vmov s31;
	[tilespmem:$0x1FF40] =	vst v52;
	s8 =	sor.u32 $0x170, s13;
	[smem:$0x7EA] =	sst s9;
	s7 =	sadd.s32 s3, s23  }
0x3f: {  	[tilespmem:$0x1FF50] =	vst v53;
	v36 =	vmov s12;
	s9 =	sor.u32 $0x160, s13;
	[smem:$0x7ED] =	sst s5;
	s5 =	sadd.s32 s18, s23  }
0x40: {  	[tilespmem:$0x1FE40] =	vst v36;
	v41 =	vmov s14;
	s6 =	sshll.u32 s8, $0x8;
	s23 =	sshrl.u32 s4, $0x1;
	[smem:$0x7EC] =	sst s7  }
0x41: {  	[tilespmem:$0x1FE90] =	vst v41;
	s24 =	sshll.u32 s9, $0x8;
	[smem:$0x7EF] =	sst s5;
	s21 =	sadd.s32 s3, s6  }
0x42: {  	v37 =	vmov s20;
	[tilespmem:$0x1FE60] =	vst v38;
	s5 =	sor.u32 $0x180, s13;
	s1 =	sadd.s32 s3, s24;
	[smem:$0x7F0] =	sst s21  }
0x43: {  	v44 =	vmov s19;
	[tilespmem:$0x1FE50] =	vst v37;
	s7 =	sadd.s32 s18, s24;
	s0 =	sshll.u32 s5, $0x8;
	s21 =	ssub.s32 s4, s23  }
0x44: {  	[tilespmem:$0x1FEC0] =	vst v44;
	v45 =	vmov s17;
	s4 =	sand.u32 $0x3800, s10;
	s10 =	sadd.s32 s18, s6;
	[smem:$0x7EE] =	sst s1  }
0x45: {  	[tilespmem:$0x1FED0] =	vst v45;
	v43 =	vmov s22;
	s6 =	sor.u32 $0x1A0, s13;
	[smem:$0x7F1] =	sst s7;
	s24 =	sadd.s32 s3, s0  }
0x46: {  	[tilespmem:$0x1FEB0] =	vst v43;
	[smem:$0x7FC] =	sst s10;
	s7 =	sor.u32 $0x190, s13;
	s1 =	sshll.u32 s6, $0x8  }
0x47: {  	v48 =	vmov s25;
	[tilespmem:$0x1FF10] =	vst v49;
	[smem:$0x7F2] =	sst s24;
	s24 =	sadd.s32 s18, s0;
	s0 =	sshll.u32 s7, $0x8  }
0x48: {  	[tilespmem:$0x1FF00] =	vst v48;
	v55 =	vmov s8;
	s10 =	sld [smem:$0x7F5];
	s11 =	sadd.s32 s3, s1;
	s23 =	sadd.s32 s3, s0  }
0x49: {  	v54 =	vmov s9;
	[tilespmem:$0x1FF70] =	vst v55;
	[smem:$0x7FA] =	sst s23;
	s23 =	sadd.s32 s18, s0;
	s0 =	sor.u32 $0x1B0, s13  }
0x4a: {  	s29 =	simm.s32 $0x4;
	[tilespmem:$0x1FF60] =	vst v54;
	v56 =	vmov s5;
	[smem:$0x7FB] =	sst s11;
	s15 =	sshll.u32 s0, $0x8  }
0x4b: {  	v31 =	vmov s4;
	[tilespmem:$0x1FF80] =	vst v56;
	s11 =	sadd.s32 s18, s1;
	s1 =	sor.u32 $0x1C0, s13;
	s16 =	sadd.s32 s3, s15  }
0x4c: {  	s4 =	sor.u32 $0x1E0, s13;
	v58 =	vmov s6;
	[tilespmem:$0x1FDF0] =	vst v31;
	s12 =	sshll.u32 s1, $0x8;
	[smem:$0x7FD] =	sst s16  }
0x4d: {  	v57 =	vmov s7;
	[tilespmem:$0x1FFA0] =	vst v58;
	s20 =	sadd.s32 s18, s12;
	s16 =	sadd.s32 s3, s12;
	s12 =	sld [smem:$0x7F6]  }
0x4e: {  	s30 =	simm.s32 $0x3;
	s31 =	simm.s32 $0x5;
	s9 =	simm.s32 $0x18080;
	v62 =	vmov s4;
	[tilespmem:$0x1FF90] =	vst v57  }
0x4f: {  	s17 =	sshll.u32 s4, $0x8;
	s7 =	simm.s32 $0x18100;
	s4 =	sld [smem:$0x7FC];
	[tilespmem:$0x1FFE0] =	vst v62;
	v39 =	vmov s10  }
0x50: {  	s10 =	sor.u32 $0x1D0, s13;
	v60 =	vmov s1;
	[tilespmem:$0x1FE70] =	vst v39;
	v40 =	vmov s12;
	s12 =	sor.u32 $0x1F0, s13;
	s13 =	sld [smem:$0x7F8]  }
0x51: {  	s5 =	smov.u32 s24;
	s24 =	simm.s32 $0x8000;
	s6 =	sld [smem:$0x7FA];
	v59 =	vmov s0;
	[tilespmem:$0x1FFC0] =	vst v60  }
0x52: {  	s14 =	sshll.u32 s10, $0x8;
	s8 =	smov.u32 s23;
	v61 =	vmov s10;
	s10 =	sld [smem:$0x7FB];
	[tilespmem:$0x1FFB0] =	vst v59  }
0x53: {  	s0 =	simm.s32 $0x6;
	s15 =	sadd.s32 s18, s15;
	[tilespmem:$0x1FFD0] =	vst v61;
	v46 =	vmov s13;
	s13 =	sld [smem:$0x7F9]  }
0x54: {  	s22 =	sadd.s32 s3, s14;
	s25 =	sadd.s32 s18, s14;
	s14 =	sadd.s32 s3, s17;
	[tilespmem:$0x1FE80] =	vst v40;
	v63 =	vmov s12  }
0x55: {  	s17 =	sadd.s32 s18, s17;
	s23 =	smov.u32 s25;
	s19 =	sshll.u32 s12, $0x8;
	[tilespmem:$0x1FFF0] =	vst v63  }
0x56: {  	s25 =	simm.s32 $0x1;
	s12 =	sld [smem:$0x7FD];
	s18 =	sadd.s32 s18, s19;
	[tilespmem:$0x1FEE0] =	vst v46;
	v47 =	vmov s13  }
0x57: {  	s13 =	sadd.s32 s3, s19;
	s19 =	smax.u32 s21, $0x1;
	s21 =	simm.s32 $0x7;
	[tilespmem:$0x1FEF0] =	vst v47  }
.LBB2_1:
0x58: {  	s1 =	rddreg [dreg:$0x7];
	s3 =	simm.s32 $0x18000  }
0x59: {  	[tilespmem:s3], [sflag:$0x7] =	stream.linear.gather [hbm4b:s1+s2], $0x80, $0x38;
	[tilespmem:$0x18180] =	vst v63  }
0x5a: {  	_ =	swait.ge [sflag:s21], $0x80  }
0x5b: {  	[sflag:s21] =	ssyncset.done $0x0  }
0x5c: {  	s3 =	rddreg [dreg:$0x8];
	[sflag:s21] =	ssyncadd.s32 $0xFFFFFF80  }
0x5d: {  	[tilespmem:s9], [sflag:$0x7] =	stream.linear.gather [hbm4b:s3+s2], $0x80, $0x38;
	[tilespmem:$0x18180] =	vst v63  }
0x5e: {  	_ =	swait.ge [sflag:s21], $0x80  }
0x5f: {  	[sflag:s21] =	ssyncset.done $0x0  }
0x60: {  	s3 =	rddreg [dreg:$0x6];
	[sflag:s21] =	ssyncadd.s32 $0xFFFFFF80  }
0x61: {  	[tilespmem:s7], [sflag:$0x7] =	stream.linear.gather [hbm4b:s3+s2], $0x80, $0x38;
	[tilespmem:$0x18180] =	vst v63  }
0x62: {  	_ =	swait.ge [sflag:s21], $0x80  }
0x63: {  	[sflag:s21] =	ssyncset.done $0x0  }
0x64: {  	v5 =	vld [tilespmem:$0x1FDF0];
	[sflag:s21] =	ssyncadd.s32 $0xFFFFFF80  }
0x65: {  	v0 =	vld [tilespmem:$0x18000]  }
0x66: {  	v1 =	vld [tilespmem:$0x18010]  }
0x67: {  	v2 =	vld [tilespmem:$0x18020]  }
0x68: {  	v30 =	vld [tilespmem:$0x18030]  }
0x69: {  	v46 =	vld [tilespmem:$0x18080]  }
0x6a: {  	v45 =	vld [tilespmem:$0x18090]  }
0x6b: {  	v44 =	vld [tilespmem:$0x180A0]  }
0x6c: {  	v43 =	vld [tilespmem:$0x180B0]  }
0x6d: {  	v6 =	vld [tilespmem:$0x1FEA0]  }
0x6e: {  	v60 =	vld [tilespmem:$0x1FE00]  }
0x6f: {  	v24 =	vimm.s32 $0x0;
	v41 =	vadd.s32 v5, v0;
	v39 =	vadd.s32 v5, v1  }
0x70: {  	v19 =	vld [tilespmem:$0x1FE10];
	v40 =	vadd.s32 v5, v2;
	v38 =	vadd.s32 v5, v30;
	v36 =	vshll.u32 v46, $0x3  }
0x71: {  	v47 =	vld [tilespmem:$0x1FE20];
	v52 =	vshll.u32 v45, $0x3;
	v56 =	vshll.u32 v44, $0x3;
	v59 =	vshll.u32 v43, $0x3  }
0x72: {  	v3 =	vsub.s32 v41, v6;
	v37 =	vsub.s32 v39, v6;
	v51 =	vsub.s32 v40, v6  }
0x73: {  	v55 =	vsub.s32 v38, v6;
	v34 =	vand.u32 $0xFFFFFC00, v56;
	v61 =	vsub.s32 v41, v60  }
0x74: {  	v8 =	vsub.s32 v39, v60;
	v11 =	vsub.s32 v40, v60;
	v15 =	vsub.s32 v38, v60  }
0x75: {  	v20 =	vsub.s32 v41, v19;
	v23 =	vsub.s32 v39, v19;
	v28 =	vsub.s32 v40, v19  }
0x76: {  	v32 =	vsub.s32 v38, v19;
	v56 =	vsub.s32 v40, v47;
	vm0 =	vgt.s32 v3, $0x0  }
0x77: {  	vm6 =	vgt.s32 v37, $0x0;
	vm3 =	vlt.u32 v3, $0x10;
	vm4 =	vlt.u32 v37, $0x10  }
0x78: {  	vm7 =	vgt.s32 v51, $0x0;
	vm8 =	vgt.s32 v55, $0x0;
	vm11 =	vlt.u32 v51, $0x10  }
0x79: {  	vm9 =	vgt.s32 v61, $0x0;
	vm14 =	vlt.u32 v55, $0x10;
	vm10 =	vgt.s32 v8, $0x0  }
0x7a: {  	vm12 =	vgt.s32 v11, $0x0;
	vm13 =	vgt.s32 v15, $0x0;
	vm15 =	vgt.s32 v20, $0x0  }
0x7b: {  	vm5 =	vlt.u32 v20, $0x10;
	v4 =	vnsel vm0, $0x0, v3;
	v48 =	vnsel vm6, $0x0, v37  }
0x7c: {  	v37 =	vand.u32 $0xFFFFFC00, v52;
	v53 =	vnsel vm7, $0x0, v51;
	v57 =	vnsel vm8, $0x0, v55  }
0x7d: {  	v63 =	vnsel vm9, $0x0, v61;
	vm6 =	vlt.u32 v61, $0x10;
	v9 =	vnsel vm10, $0x0, v8  }
0x7e: {  	vm9 =	vlt.u32 v8, $0x10;
	v13 =	vnsel vm12, $0x0, v11;
	v16 =	vnsel vm13, $0x0, v15  }
0x7f: {  	vm13 =	vlt.u32 v11, $0x10;
	vm12 =	vlt.u32 v15, $0x10;
	v21 =	vnsel vm15, $0x0, v20  }
0x80: {  	vm7 =	vgt.s32 v23, $0x0;
	vm8 =	vgt.s32 v28, $0x0;
	vm10 =	vgt.s32 v32, $0x0  }
0x81: {  	v52 =	vsub.s32 v39, v47;
	v61 =	vimm.s32 $0x0;
	v31 =	vmin.u32 v4, $0xF  }
0x82: {  	v49 =	vmin.u32 v48, $0xF;
	v3 =	vmin.u32 v53, $0xF;
	v4 =	vmin.u32 v57, $0xF  }
0x83: {  	v10 =	vmin.u32 v9, $0xF;
	v17 =	vmin.u32 v16, $0xF;
	v35 =	vshll.u32 v31, $0xB  }
0x84: {  	v1 =	vshll.u32 v31, $0x7;
	v0 =	vand.u32 $0x4000, v35;
	v35 =	vand.u32 $0xFFFFFC00, v36  }
0x85: {  	v22 =	vmin.u32 v21, $0xF;
	v1 =	vand.u32 $0x380, v1;
	v0 =	vadd.s32 v35, v0  }
0x86: {  	v26 =	vnsel vm7, $0x0, v23;
	v50 =	vshll.u32 v49, $0xB;
	v0 =	vor.u32 v1, v0  }
0x87: {  	v29 =	vnsel vm8, $0x0, v28;
	v1 =	vand.u32 $0x4000, v50;
	[tilespmem:$0x1F730] =	vst v0;
	v0 =	vshll.u32 v49, $0x7  }
0x88: {  	vm8 =	vlt.u32 v23, $0x10;
	v1 =	vadd.s32 v37, v1;
	v0 =	vand.u32 $0x380, v0  }
0x89: {  	vm7 =	vlt.u32 v28, $0x10;
	v54 =	vshll.u32 v3, $0xB;
	v0 =	vor.u32 v0, v1  }
0x8a: {  	v3 =	vshll.u32 v3, $0x7;
	v58 =	vshll.u32 v4, $0xB;
	[tilespmem:$0x1F740] =	vst v0;
	v0 =	vand.u32 $0x4000, v54  }
0x8b: {  	v62 =	vshll.u32 v4, $0x7;
	v3 =	vand.u32 $0x380, v3;
	v0 =	vadd.s32 v34, v0  }
0x8c: {  	v36 =	vand.u32 $0xFFFFFC00, v59;
	v6 =	vor.u32 v3, v0;
	v0 =	vand.u32 $0x4000, v58  }
0x8d: {  	v4 =	vmin.u32 v63, $0xF;
	v2 =	vand.u32 $0x380, v62;
	v0 =	vadd.s32 v36, v0  }
0x8e: {  	v33 =	vnsel vm10, $0x0, v32;
	v7 =	vshll.u32 v4, $0xB;
	v0 =	vor.u32 v2, v0  }
0x8f: {  	v48 =	vsub.s32 v41, v47;
	v1 =	vand.u32 $0x4000, v7;
	[tilespmem:$0x1F750] =	vst v0;
	v0 =	vshll.u32 v4, $0x7  }
0x90: {  	vm10 =	vlt.u32 v32, $0x10;
	v1 =	vadd.s32 v35, v1;
	v0 =	vand.u32 $0x380, v0  }
0x91: {  	v53 =	vimm.s32 $0x0;
	v12 =	vshll.u32 v10, $0xB;
	v0 =	vor.u32 v0, v1  }
0x92: {  	v5 =	vld [tilespmem:$0x1FE50];
	v18 =	vshll.u32 v17, $0xB;
	v2 =	vand.u32 $0x4000, v12;
	[tilespmem:$0x1F760] =	vst v0;
	v0 =	vshll.u32 v10, $0x7  }
0x93: {  	v3 =	vmin.u32 v13, $0xF;
	v2 =	vadd.s32 v37, v2;
	v0 =	vand.u32 $0x380, v0  }
0x94: {  	v25 =	vshll.u32 v22, $0xB;
	v14 =	vshll.u32 v3, $0xB;
	v0 =	vor.u32 v0, v2  }
0x95: {  	v30 =	vmin.u32 v29, $0xF;
	v3 =	vshll.u32 v3, $0x7;
	[tilespmem:$0x1F770] =	vst v0;
	v0 =	vand.u32 $0x4000, v14  }
0x96: {  	v42 =	vmin.u32 v33, $0xF;
	v3 =	vand.u32 $0x380, v3;
	v0 =	vadd.s32 v34, v0  }
0x97: {  	vm15 =	vgt.s32 v48, $0x0;
	v15 =	vsub.s32 v41, v5;
	v0 =	vor.u32 v3, v0  }
0x98: {  	v16 =	vsub.s32 v39, v5;
	v1 =	vand.u32 $0x4000, v18;
	[tilespmem:$0x1F780] =	vst v0;
	v0 =	vshll.u32 v17, $0x7  }
0x99: {  	v1 =	vadd.s32 v36, v1;
	v2 =	vsel vm5, $0xFFFFFFFF, v24;
	v0 =	vand.u32 $0x380, v0  }
0x9a: {  	v19 =	vsub.s32 v38, v5;
	v31 =	vshll.u32 v30, $0xB;
	[tilespmem:$0x1F800] =	vst v2;
	v0 =	vor.u32 v0, v1  }
0x9b: {  	v63 =	vld [tilespmem:$0x1FE30];
	v50 =	vnsel vm15, $0x0, v48;
	v2 =	vand.u32 $0x4000, v25;
	[tilespmem:$0x1F790] =	vst v0;
	v0 =	vshll.u32 v22, $0x7  }
0x9c: {  	v2 =	vadd.s32 v35, v2;
	v3 =	vmin.u32 v26, $0xF;
	v0 =	vand.u32 $0x380, v0  }
0x9d: {  	vm15 =	vgt.s32 v52, $0x0;
	v27 =	vshll.u32 v3, $0xB;
	v0 =	vor.u32 v0, v2  }
0x9e: {  	v49 =	vshll.u32 v42, $0xB;
	v3 =	vshll.u32 v3, $0x7;
	[tilespmem:$0x1F7A0] =	vst v0;
	v0 =	vand.u32 $0x4000, v27  }
0x9f: {  	v55 =	vnsel vm15, $0x0, v52;
	v3 =	vand.u32 $0x380, v3;
	v0 =	vadd.s32 v37, v0  }
0xa0: {  	vm15 =	vlt.u32 v56, $0x10;
	v8 =	vsub.s32 v39, v63;
	v0 =	vor.u32 v3, v0  }
0xa1: {  	v9 =	vsub.s32 v40, v63;
	v1 =	vand.u32 $0x4000, v31;
	[tilespmem:$0x1F7C0] =	vst v0;
	v0 =	vshll.u32 v30, $0x7  }
0xa2: {  	v7 =	vsub.s32 v41, v63;
	v1 =	vadd.s32 v34, v1;
	v0 =	vand.u32 $0x380, v0  }
0xa3: {  	v18 =	vsub.s32 v40, v5;
	v10 =	vsub.s32 v38, v63;
	v0 =	vor.u32 v0, v1  }
0xa4: {  	v4 =	vld [tilespmem:$0x1FE40];
	vm5 =	vlt.u32 v48, $0x10;
	v2 =	vand.u32 $0x4000, v49;
	[tilespmem:$0x1F7D0] =	vst v0;
	v0 =	vshll.u32 v42, $0x7  }
0xa5: {  	v2 =	vadd.s32 v36, v2;
	v3 =	vmin.u32 v50, $0xF;
	v0 =	vand.u32 $0x380, v0  }
0xa6: {  	v24 =	vsub.s32 v38, v47;
	v51 =	vshll.u32 v3, $0xB;
	v0 =	vor.u32 v0, v2  }
0xa7: {  	v54 =	vshll.u32 v3, $0x7;
	v1 =	vsel vm5, $0xFFFFFFFF, v53;
	[tilespmem:$0x1F7E0] =	vst v0;
	v0 =	vand.u32 $0x4000, v51  }
0xa8: {  	v3 =	vmin.u32 v55, $0xF;
	[tilespmem:$0x1F880] =	vst v1;
	v1 =	vand.u32 $0x380, v54;
	v0 =	vadd.s32 v35, v0  }
0xa9: {  	v11 =	vsub.s32 v41, v4;
	v57 =	vshll.u32 v3, $0xB;
	v0 =	vor.u32 v1, v0  }
0xaa: {  	v12 =	vsub.s32 v39, v4;
	v58 =	vshll.u32 v3, $0x7;
	[tilespmem:$0x1F830] =	vst v0;
	v0 =	vand.u32 $0x4000, v57  }
0xab: {  	v13 =	vsub.s32 v40, v4;
	v1 =	vand.u32 $0x380, v58;
	v0 =	vadd.s32 v37, v0  }
0xac: {  	v0 =	vor.u32 v1, v0;
	v1 =	vsel vm15, $0xFFFFFFFF, v61;
	vm15 =	vgt.s32 v24, $0x0  }
0xad: {  	v14 =	vsub.s32 v38, v4;
	v17 =	vnsel vm15, $0x0, v24;
	vm15 =	vgt.s32 v7, $0x0  }
0xae: {  	vm5 =	vgt.s32 v56, $0x0;
	v42 =	vnsel vm15, $0x0, v7;
	vm15 =	vgt.s32 v8, $0x0  }
0xaf: {  	v59 =	vnsel vm5, $0x0, v56;
	v25 =	vnsel vm15, $0x0, v8;
	vm15 =	vgt.s32 v9, $0x0  }
0xb0: {  	v3 =	vmin.u32 v59, $0xF;
	v21 =	vnsel vm15, $0x0, v9;
	vm15 =	vgt.s32 v10, $0x0  }
0xb1: {  	v60 =	vshll.u32 v3, $0xB;
	v27 =	vnsel vm15, $0x0, v10;
	vm15 =	vgt.s32 v11, $0x0  }
0xb2: {  	v26 =	vld [tilespmem:$0x1FE60];
	v62 =	vshll.u32 v3, $0x7;
	v32 =	vnsel vm15, $0x0, v11;
	vm15 =	vgt.s32 v12, $0x0  }
0xb3: {  	[tilespmem:$0x1F850] =	vst v0;
	v0 =	vand.u32 $0x4000, v60;
	v58 =	vnsel vm15, $0x0, v12;
	vm15 =	vgt.s32 v13, $0x0  }
0xb4: {  	[tilespmem:$0x1F890] =	vst v1;
	v1 =	vand.u32 $0x380, v62;
	v54 =	vnsel vm15, $0x0, v13;
	vm15 =	vgt.s32 v14, $0x0  }
0xb5: {  	v0 =	vadd.s32 v34, v0;
	v59 =	vnsel vm15, $0x0, v14;
	vm15 =	vgt.s32 v15, $0x0  }
0xb6: {  	v0 =	vor.u32 v1, v0;
	v61 =	vnsel vm15, $0x0, v15;
	vm15 =	vgt.s32 v16, $0x0  }
0xb7: {  	v33 =	vld [tilespmem:$0x1FE70];
	v20 =	vsub.s32 v41, v26;
	[tilespmem:$0x1F860] =	vst v0;
	v22 =	vnsel vm15, $0x0, v16;
	vm15 =	vgt.s32 v18, $0x0  }
0xb8: {  	vm5 =	vlt.u32 v52, $0x10;
	[tilespmem:$0x1F7B0] =	vst v22;
	v23 =	vnsel vm15, $0x0, v18;
	vm15 =	vgt.s32 v19, $0x0  }
0xb9: {  	v22 =	vsub.s32 v39, v26;
	[tilespmem:$0x1F7F0] =	vst v23;
	v28 =	vnsel vm15, $0x0, v19;
	vm15 =	vgt.s32 v20, $0x0  }
0xba: {  	v23 =	vsub.s32 v40, v26;
	[tilespmem:$0x1F810] =	vst v28;
	v29 =	vnsel vm15, $0x0, v20;
	vm15 =	vgt.s32 v22, $0x0  }
0xbb: {  	v51 =	vld [tilespmem:$0x1FE80];
	v26 =	vsub.s32 v38, v26;
	[tilespmem:$0x1F820] =	vst v29;
	v30 =	vnsel vm15, $0x0, v22;
	vm15 =	vgt.s32 v23, $0x0  }
0xbc: {  	v28 =	vsub.s32 v41, v33;
	[tilespmem:$0x1F840] =	vst v30;
	v31 =	vnsel vm15, $0x0, v23;
	vm15 =	vgt.s32 v26, $0x0  }
0xbd: {  	v29 =	vsub.s32 v39, v33;
	[tilespmem:$0x1F870] =	vst v31;
	v47 =	vnsel vm15, $0x0, v26;
	vm15 =	vgt.s32 v28, $0x0  }
0xbe: {  	v30 =	vsub.s32 v40, v33;
	[tilespmem:$0x1F8A0] =	vst v47;
	v48 =	vnsel vm15, $0x0, v28;
	vm15 =	vgt.s32 v29, $0x0  }
0xbf: {  	v57 =	vld [tilespmem:$0x1FE90];
	v31 =	vsub.s32 v38, v33;
	[tilespmem:$0x1F8B0] =	vst v48;
	v49 =	vnsel vm15, $0x0, v29;
	vm15 =	vgt.s32 v30, $0x0  }
0xc0: {  	v33 =	vsub.s32 v41, v51;
	[tilespmem:$0x1F8C0] =	vst v49;
	v50 =	vnsel vm15, $0x0, v30;
	vm15 =	vgt.s32 v31, $0x0  }
0xc1: {  	v47 =	vsub.s32 v39, v51;
	[tilespmem:$0x1F8D0] =	vst v50;
	v52 =	vnsel vm15, $0x0, v31;
	vm15 =	vgt.s32 v33, $0x0  }
0xc2: {  	v60 =	vsub.s32 v40, v51;
	[tilespmem:$0x1F8E0] =	vst v52;
	v53 =	vnsel vm15, $0x0, v33;
	vm15 =	vgt.s32 v47, $0x0  }
0xc3: {  	v48 =	vsub.s32 v38, v51;
	[tilespmem:$0x1F8F0] =	vst v53;
	v55 =	vnsel vm15, $0x0, v47;
	vm15 =	vgt.s32 v60, $0x0  }
0xc4: {  	v49 =	vsub.s32 v41, v57;
	v50 =	vld [tilespmem:$0x1FEB0];
	[tilespmem:$0x1F900] =	vst v55;
	v56 =	vnsel vm15, $0x0, v60;
	vm15 =	vgt.s32 v48, $0x0  }
0xc5: {  	v51 =	vsub.s32 v39, v57;
	[tilespmem:$0x1F910] =	vst v56;
	v62 =	vnsel vm15, $0x0, v48;
	vm15 =	vgt.s32 v49, $0x0  }
0xc6: {  	v52 =	vsub.s32 v40, v57;
	[tilespmem:$0x1F930] =	vst v62;
	v63 =	vnsel vm15, $0x0, v49;
	vm15 =	vgt.s32 v51, $0x0  }
0xc7: {  	[tilespmem:$0x1F940] =	vst v63;
	v4 =	vnsel vm15, $0x0, v51;
	vm15 =	vgt.s32 v52, $0x0  }
0xc8: {  	v0 =	vld [tilespmem:$0x1FEC0];
	v53 =	vsub.s32 v38, v57;
	[tilespmem:$0x1F950] =	vst v4;
	v5 =	vnsel vm15, $0x0, v52  }
0xc9: {  	v55 =	vsub.s32 v41, v50;
	vm15 =	vgt.s32 v53, $0x0;
	v4 =	vsub.s32 v38, v50;
	[tilespmem:$0x1F960] =	vst v5  }
0xca: {  	v56 =	vsub.s32 v39, v50;
	v57 =	vnsel vm15, $0x0, v53;
	vm15 =	vgt.s32 v55, $0x0;
	[tilespmem:$0x1F9E0] =	vst v4  }
0xcb: {  	[tilespmem:$0x1F980] =	vst v57;
	v62 =	vnsel vm15, $0x0, v55;
	vm15 =	vgt.s32 v56, $0x0;
	v57 =	vsub.s32 v40, v50  }
0xcc: {  	[tilespmem:$0x1F990] =	vst v62;
	v63 =	vnsel vm15, $0x0, v56;
	vm15 =	vgt.s32 v57, $0x0  }
0xcd: {  	v62 =	vsub.s32 v41, v0;
	[tilespmem:$0x1F9A0] =	vst v63;
	v5 =	vnsel vm15, $0x0, v57;
	vm15 =	vgt.s32 v4, $0x0  }
0xce: {  	[tilespmem:$0x1F9B0] =	vst v5;
	v1 =	vnsel vm15, $0x0, v4;
	vm15 =	vgt.s32 v62, $0x0  }
0xcf: {  	v63 =	vsub.s32 v39, v0;
	[tilespmem:$0x1F9D0] =	vst v1;
	v50 =	vnsel vm15, $0x0, v62  }
0xd0: {  	v4 =	vsub.s32 v40, v0;
	vm15 =	vgt.s32 v63, $0x0;
	[tilespmem:$0x1F9F0] =	vst v50;
	v50 =	vsub.s32 v38, v0;
	v0 =	vld [tilespmem:$0x1FED0]  }
0xd1: {  	[tilespmem:$0x1FA30] =	vst v4;
	v5 =	vnsel vm15, $0x0, v63  }
0xd2: {  	vm15 =	vgt.s32 v4, $0x0;
	[tilespmem:$0x1FA00] =	vst v5  }
0xd3: {  	[tilespmem:$0x1FA50] =	vst v50;
	v4 =	vnsel vm15, $0x0, v4;
	vm15 =	vgt.s32 v50, $0x0  }
0xd4: {  	[tilespmem:$0x1FA10] =	vst v4;
	v2 =	vnsel vm15, $0x0, v50  }
0xd5: {  	[tilespmem:$0x1FA40] =	vst v2;
	v5 =	vsub.s32 v41, v0  }
0xd6: {  	v50 =	vsub.s32 v39, v0;
	[tilespmem:$0x1FA90] =	vst v5  }
0xd7: {  	v4 =	vsub.s32 v40, v0;
	vm15 =	vgt.s32 v5, $0x0;
	[tilespmem:$0x1FAA0] =	vst v50  }
0xd8: {  	[tilespmem:$0x1FAB0] =	vst v4;
	v1 =	vnsel vm15, $0x0, v5;
	v5 =	vsub.s32 v38, v0;
	v0 =	vld [tilespmem:$0x1FEE0]  }
0xd9: {  	vm15 =	vgt.s32 v50, $0x0;
	[tilespmem:$0x1FA60] =	vst v1  }
0xda: {  	v2 =	vnsel vm15, $0x0, v50;
	vm15 =	vgt.s32 v4, $0x0;
	[tilespmem:$0x1FAD0] =	vst v5  }
0xdb: {  	[tilespmem:$0x1FA70] =	vst v2;
	v50 =	vnsel vm15, $0x0, v4;
	vm15 =	vgt.s32 v5, $0x0  }
0xdc: {  	[tilespmem:$0x1FA80] =	vst v50;
	v2 =	vnsel vm15, $0x0, v5  }
0xdd: {  	[tilespmem:$0x1FAC0] =	vst v2;
	v4 =	vsub.s32 v41, v0  }
0xde: {  	v5 =	vsub.s32 v39, v0;
	[tilespmem:$0x1FB10] =	vst v4;
	vm15 =	vgt.s32 v4, $0x0  }
0xdf: {  	v50 =	vsub.s32 v40, v0;
	[tilespmem:$0x1FB20] =	vst v5;
	v1 =	vnsel vm15, $0x0, v4;
	v4 =	vsub.s32 v38, v0;
	v0 =	vld [tilespmem:$0x1FEF0]  }
0xe0: {  	[tilespmem:$0x1FB30] =	vst v50  }
0xe1: {  	vm15 =	vgt.s32 v5, $0x0;
	[tilespmem:$0x1FAE0] =	vst v1  }
0xe2: {  	v2 =	vnsel vm15, $0x0, v5;
	vm15 =	vgt.s32 v50, $0x0;
	[tilespmem:$0x1FB60] =	vst v4  }
0xe3: {  	[tilespmem:$0x1FAF0] =	vst v2;
	v5 =	vnsel vm15, $0x0, v50;
	vm15 =	vgt.s32 v4, $0x0  }
0xe4: {  	[tilespmem:$0x1FB00] =	vst v5;
	v2 =	vnsel vm15, $0x0, v4;
	v50 =	vsub.s32 v41, v0  }
0xe5: {  	[tilespmem:$0x1FB50] =	vst v2;
	v4 =	vsub.s32 v39, v0;
	vm15 =	vgt.s32 v50, $0x0  }
0xe6: {  	v5 =	vsub.s32 v40, v0;
	[tilespmem:$0x1FBA0] =	vst v50;
	v1 =	vnsel vm15, $0x0, v50;
	v50 =	vsub.s32 v38, v0;
	v0 =	vld [tilespmem:$0x1FF00]  }
0xe7: {  	[tilespmem:$0x1FBB0] =	vst v4  }
0xe8: {  	[tilespmem:$0x1FBC0] =	vst v5  }
0xe9: {  	vm15 =	vgt.s32 v4, $0x0;
	[tilespmem:$0x1FB70] =	vst v1  }
0xea: {  	v2 =	vnsel vm15, $0x0, v4;
	vm15 =	vgt.s32 v5, $0x0;
	[tilespmem:$0x1FBE0] =	vst v50  }
0xeb: {  	[tilespmem:$0x1FB80] =	vst v2;
	v4 =	vnsel vm15, $0x0, v5;
	vm15 =	vgt.s32 v50, $0x0;
	v5 =	vsub.s32 v41, v0  }
0xec: {  	[tilespmem:$0x1FB90] =	vst v4;
	v2 =	vnsel vm15, $0x0, v50;
	v50 =	vsub.s32 v39, v0;
	vm15 =	vgt.s32 v5, $0x0  }
0xed: {  	v4 =	vsub.s32 v40, v0;
	[tilespmem:$0x1FC20] =	vst v5;
	v1 =	vnsel vm15, $0x0, v5;
	v5 =	vsub.s32 v38, v0;
	v0 =	vld [tilespmem:$0x1FF10]  }
0xee: {  	[tilespmem:$0x1FBD0] =	vst v2  }
0xef: {  	[tilespmem:$0x1FC30] =	vst v50  }
0xf0: {  	[tilespmem:$0x1FC60] =	vst v4;
	vm15 =	vgt.s32 v50, $0x0  }
0xf1: {  	[tilespmem:$0x1FBF0] =	vst v1;
	v2 =	vnsel vm15, $0x0, v50;
	vm15 =	vgt.s32 v4, $0x0  }
0xf2: {  	[tilespmem:$0x1FC70] =	vst v5;
	v50 =	vnsel vm15, $0x0, v4;
	vm15 =	vgt.s32 v5, $0x0;
	v4 =	vsub.s32 v41, v0  }
0xf3: {  	[tilespmem:$0x1FC00] =	vst v2;
	v2 =	vnsel vm15, $0x0, v5;
	v5 =	vsub.s32 v39, v0;
	vm15 =	vgt.s32 v4, $0x0  }
0xf4: {  	[tilespmem:$0x1FC50] =	vst v2;
	v1 =	vnsel vm15, $0x0, v4;
	vm15 =	vgt.s32 v5, $0x0  }
0xf5: {  	[tilespmem:$0x1FCC0] =	vst v5;
	v2 =	vnsel vm15, $0x0, v5;
	v5 =	vld [tilespmem:$0x1FF20]  }
0xf6: {  	[tilespmem:$0x1FC10] =	vst v50  }
0xf7: {  	v50 =	vsub.s32 v40, v0;
	[tilespmem:$0x1FCB0] =	vst v4  }
0xf8: {  	v0 =	vsub.s32 v38, v0;
	[tilespmem:$0x1FCE0] =	vst v50  }
0xf9: {  	[tilespmem:$0x1FD00] =	vst v0;
	vm15 =	vgt.s32 v50, $0x0  }
0xfa: {  	[tilespmem:$0x1FC80] =	vst v1;
	v1 =	vnsel vm15, $0x0, v50;
	vm15 =	vgt.s32 v0, $0x0;
	v4 =	vsub.s32 v41, v5  }
0xfb: {  	[tilespmem:$0x1FCA0] =	vst v1;
	v0 =	vnsel vm15, $0x0, v0;
	v50 =	vsub.s32 v39, v5;
	vm15 =	vgt.s32 v4, $0x0  }
0xfc: {  	v42 =	vmin.u32 v42, $0xF;
	[tilespmem:$0x1FCD0] =	vst v0;
	v1 =	vnsel vm15, $0x0, v4;
	vm15 =	vgt.s32 v50, $0x0  }
0xfd: {  	[tilespmem:$0x1FD40] =	vst v4;
	v4 =	vshll.u32 v42, $0xB;
	v0 =	vnsel vm15, $0x0, v50  }
0xfe: {  	v17 =	vmin.u32 v17, $0xF;
	[tilespmem:$0x1FD20] =	vst v0;
	v0 =	vand.u32 $0x4000, v4;
	v4 =	vld [tilespmem:$0x1FDE0]  }
0xff: {  	v3 =	vshll.u32 v17, $0xB;
	v17 =	vshll.u32 v17, $0x7  }
0x100: {  	v17 =	vand.u32 $0x380, v17;
	[tilespmem:$0x1FC90] =	vst v2;
	vm15 =	vlt.u32 v24, $0x10;
	v24 =	vand.u32 $0x4000, v3  }
0x101: {  	v2 =	vshll.u32 v42, $0x7;
	[tilespmem:$0x1FD50] =	vst v50;
	v50 =	vmin.u32 v25, $0xF;
	v24 =	vadd.s32 v36, v24  }
0x102: {  	v25 =	vand.u32 $0x380, v2;
	v3 =	vshll.u32 v50, $0xB;
	v17 =	vor.u32 v17, v24  }
0x103: {  	v0 =	vadd.s32 v35, v0;
	v42 =	vand.u32 $0x4000, v3;
	v24 =	vshll.u32 v50, $0x7  }
0x104: {  	v50 =	vor.u32 v25, v0;
	v0 =	vadd.s32 v37, v42;
	v24 =	vand.u32 $0x380, v24  }
0x105: {  	s1 =	rddreg [dreg:$0x9];
	v25 =	vor.u32 v24, v0;
	v24 =	vld [tilespmem:$0x1F730]  }
0x106: {  	v42 =	vld.idx.msk [tilespmem:v4+s7+$0x0], $0xffff;
	[tilespmem:s2], [sflag:$0x1] =	stream.linear.gather [hbm4b:s1+s2], $0x8000, $0x38  }
0x107: {  	s3 =	rddreg [dreg:$0xa];
	[tilespmem:$0x1FD10] =	vst v1  }
0x108: {  	v4 =	vld [tilespmem:$0x1F740];
	[tilespmem:s24], [sflag:$0x2] =	stream.linear.gather [hbm4b:s3+s2], $0x8000, $0x38  }
0x109: {  	v44 =	vand.u32 $0x7F, v44;
	_ =	swait.ge [sflag:s25], $0x8000  }
0x10a: {  	v46 =	vand.u32 $0x7F, v46;
	v3 =	vor.u32 v44, v6;
	v6 =	vld [tilespmem:$0x1F750]  }
0x10b: {  	v2 =	vor.u32 v46, v24  }
0x10c: {  	v45 =	vand.u32 $0x7F, v45  }
0x10d: {  	v4 =	vor.u32 v45, v4  }
0x10e: {  	v43 =	vand.u32 $0x7F, v43;
	vm1 =	vlt.u32 v8, $0x10;
	[sflag:s25] =	ssyncset.done $0x0;
	v8 =	vld [tilespmem:$0x1F760]  }
0x10f: {  	vm2 =	vlt.u32 v9, $0x10;
	v9 =	vld [tilespmem:$0x1F770];
	[sflag:s25] =	ssyncadd.s32 $0xFFFF8000;
	v6 =	vor.u32 v43, v6  }
0x110: {  	vm0 =	vlt.u32 v7, $0x10;
	v21 =	vmin.u32 v21, $0xF;
	[tilespmem:v2+s2+$0x0] =	vst.idx.add.f32.msk vm3, v42  }
0x111: {  	v24 =	vshll.u32 v21, $0xB;
	v21 =	vshll.u32 v21, $0x7;
	vm3 =	vlt.u32 v10, $0x10;
	v10 =	vld [tilespmem:$0x1F780]  }
0x112: {  	v27 =	vmin.u32 v27, $0xF;
	v0 =	vand.u32 $0x4000, v24;
	v21 =	vand.u32 $0x380, v21;
	[tilespmem:v4+s2+$0x0] =	vst.idx.add.f32.msk vm4, v42  }
0x113: {  	v1 =	vadd.s32 v34, v0;
	v0 =	vshll.u32 v27, $0xB;
	v27 =	vshll.u32 v27, $0x7;
	[tilespmem:v3+s2+$0x0] =	vst.idx.add.f32.msk vm11, v42  }
0x114: {  	v24 =	vor.u32 v21, v1;
	v0 =	vand.u32 $0x4000, v0;
	s1 =	rddreg [dreg:$0xb];
	v21 =	vmin.u32 v32, $0xF;
	[tilespmem:v6+s2+$0x0] =	vst.idx.add.f32.msk vm14, v42  }
0x115: {  	v0 =	vadd.s32 v36, v0;
	v1 =	vshll.u32 v21, $0x7;
	v2 =	vand.u32 $0x380, v27;
	[hbm4b:s1+s2] =	stream.linear.scatter [tilespmem:s2], [sflag:$0x4], $0x8000, $0x38;
	[tilespmem:$0x18180] =	vst v63  }
0x116: {  	s3 =	rddreg [dreg:$0xc];
	v32 =	vshll.u32 v21, $0xB;
	v1 =	vand.u32 $0x380, v1;
	v21 =	vor.u32 v2, v0  }
0x117: {  	v0 =	vor.u32 v46, v8;
	vm4 =	vlt.u32 v12, $0x10;
	v3 =	vand.u32 $0x4000, v32;
	[tilespmem:s26], [sflag:$0x3] =	stream.linear.gather [hbm4b:s3+s2], $0x8000, $0x38;
	[tilespmem:$0x18180] =	vst v63  }
0x118: {  	v12 =	vsub.s32 v40, v5;
	v7 =	vadd.s32 v35, v3;
	v3 =	vor.u32 v45, v9;
	_ =	swait.ge [sflag:s28], $0x8000  }
0x119: {  	v6 =	vor.u32 v44, v10;
	v2 =	vor.u32 v1, v7;
	v1 =	vmin.u32 v58, $0xF;
	v32 =	vld [tilespmem:$0x1F790]  }
0x11a: {  	vm14 =	vgt.s32 v12, $0x0;
	v58 =	vmin.u32 v54, $0xF;
	v27 =	vshll.u32 v1, $0xB  }
0x11b: {  	v1 =	vshll.u32 v1, $0x7;
	v4 =	vand.u32 $0x4000, v27;
	v27 =	vshll.u32 v58, $0xB  }
0x11c: {  	v1 =	vand.u32 $0x380, v1;
	v58 =	vshll.u32 v58, $0x7;
	v4 =	vadd.s32 v37, v4  }
0x11d: {  	[sflag:s28] =	ssyncset.done $0x0;
	v4 =	vor.u32 v1, v4;
	[tilespmem:$0x1FD60] =	vst v12;
	v1 =	vand.u32 $0x380, v58;
	v58 =	vnsel vm14, $0x0, v12  }
0x11e: {  	[sflag:s28] =	ssyncadd.s32 $0xFFFF8000;
	[tilespmem:$0x1FD30] =	vst v58;
	v7 =	vor.u32 v43, v32  }
0x11f: {  	[tilespmem:v0+s24+$0x0] =	vst.idx.add.f32.msk vm6, v42  }
0x120: {  	vm11 =	vlt.u32 v11, $0x10;
	[tilespmem:v3+s24+$0x0] =	vst.idx.add.f32.msk vm9, v42;
	v32 =	vimm.s32 $0x0  }
0x121: {  	[tilespmem:v6+s24+$0x0] =	vst.idx.add.f32.msk vm13, v42;
	v10 =	vsel vm11, $0xFFFFFFFF, v32  }
0x122: {  	[tilespmem:$0x1F920] =	vst v10  }
0x123: {  	s3 =	rddreg [dreg:$0xd];
	[tilespmem:v7+s24+$0x0] =	vst.idx.add.f32.msk vm12, v42  }
0x124: {  	[hbm4b:s3+s2] =	stream.linear.scatter [tilespmem:s24], [sflag:$0x5], $0x8000, $0x38;
	[tilespmem:$0x18180] =	vst v63  }
0x125: {  	_ =	swait.ge [sflag:s29], $0x8000  }
0x126: {  	v9 =	vand.u32 $0x4000, v27;
	[sflag:s29] =	ssyncset.done $0x0;
	v8 =	vld [tilespmem:$0x1F7A0]  }
0x127: {  	v54 =	vadd.s32 v34, v9;
	s3 =	rddreg [dreg:$0xe];
	v9 =	vld [tilespmem:$0x1F7B0];
	[sflag:s29] =	ssyncadd.s32 $0xFFFF8000  }
0x128: {  	v27 =	vmin.u32 v59, $0xF;
	v10 =	vld [tilespmem:$0x1F7C0];
	[tilespmem:s2], [sflag:$0x1] =	stream.linear.gather [hbm4b:s3+s2], $0x8000, $0x38  }
0x129: {  	v32 =	vor.u32 v1, v54;
	v54 =	vshll.u32 v27, $0xB;
	v11 =	vld [tilespmem:$0x1F7D0];
	_ =	swait.ge [sflag:s30], $0x8000  }
0x12a: {  	v59 =	vmin.u32 v61, $0xF;
	v0 =	vand.u32 $0x4000, v54;
	v54 =	vld [tilespmem:$0x1F800]  }
0x12b: {  	v61 =	vshll.u32 v59, $0xB;
	vm14 =	vlt.u32 v16, $0x10;
	v3 =	vshll.u32 v27, $0x7  }
0x12c: {  	vm6 =	vlt.u32 v13, $0x10;
	vm13 =	vlt.u32 v14, $0x10;
	v3 =	vand.u32 $0x380, v3  }
0x12d: {  	v6 =	vand.u32 $0x4000, v61;
	v61 =	vimm.s32 $0x0;
	v1 =	vshll.u32 v59, $0x7  }
0x12e: {  	v6 =	vadd.s32 v35, v6;
	v1 =	vand.u32 $0x380, v1;
	v0 =	vadd.s32 v36, v0;
	v13 =	vld [tilespmem:$0x1F7E0]  }
0x12f: {  	v58 =	vor.u32 v1, v6;
	v1 =	vmin.u32 v9, $0xF;
	vm12 =	vnez.u8 v54  }
0x130: {  	v7 =	vor.u32 v3, v0;
	v0 =	vor.u32 v46, v8;
	v12 =	vshll.u32 v1, $0xB  }
0x131: {  	v14 =	vld [tilespmem:$0x1F7F0];
	v3 =	vor.u32 v45, v10;
	v1 =	vshll.u32 v1, $0x7;
	v6 =	vand.u32 $0x4000, v12  }
0x132: {  	v8 =	vor.u32 v44, v11;
	v1 =	vand.u32 $0x380, v1;
	v6 =	vadd.s32 v37, v6  }
0x133: {  	[sflag:s30] =	ssyncset.done $0x0;
	v9 =	vor.u32 v43, v13;
	v6 =	vor.u32 v1, v6;
	v1 =	vsel vm14, $0xFFFFFFFF, v61  }
0x134: {  	[sflag:s30] =	ssyncadd.s32 $0xFFFF8000;
	v13 =	vld [tilespmem:$0x1F820];
	[tilespmem:$0x1F970] =	vst v1  }
0x135: {  	[tilespmem:v0+s26+$0x0] =	vst.idx.add.f32.msk vm12, v42  }
0x136: {  	v10 =	vmin.u32 v14, $0xF;
	[tilespmem:v3+s26+$0x0] =	vst.idx.add.f32.msk vm8, v42  }
0x137: {  	v27 =	vshll.u32 v10, $0xB;
	[tilespmem:v8+s26+$0x0] =	vst.idx.add.f32.msk vm7, v42  }
0x138: {  	s3 =	rddreg [dreg:$0xf];
	v11 =	vand.u32 $0x4000, v27;
	[tilespmem:v9+s26+$0x0] =	vst.idx.add.f32.msk vm10, v42  }
0x139: {  	v59 =	vadd.s32 v34, v11;
	v11 =	vld [tilespmem:$0x1F810];
	[hbm4b:s3+s2] =	stream.linear.scatter [tilespmem:s26], [sflag:$0x6], $0x8000, $0x38  }
0x13a: {  	v10 =	vshll.u32 v10, $0x7;
	_ =	swait.ge [sflag:s31], $0x8000  }
0x13b: {  	vm14 =	vlt.u32 v19, $0x10;
	v1 =	vand.u32 $0x380, v10;
	v19 =	vld [tilespmem:$0x1F850]  }
0x13c: {  	v10 =	vor.u32 v1, v59;
	v1 =	vmin.u32 v13, $0xF;
	[sflag:s31] =	ssyncset.done $0x0  }
0x13d: {  	v14 =	vshll.u32 v1, $0xB;
	s3 =	rddreg [dreg:$0x10];
	v16 =	vld [tilespmem:$0x1F830];
	[sflag:s31] =	ssyncadd.s32 $0xFFFF8000  }
0x13e: {  	vm9 =	vlt.u32 v15, $0x10;
	vm8 =	vlt.u32 v18, $0x10;
	v3 =	vmin.u32 v11, $0xF;
	v18 =	vld [tilespmem:$0x1F840];
	[tilespmem:s24], [sflag:$0x2] =	stream.linear.gather [hbm4b:s3+s2], $0x8000, $0x38  }
0x13f: {  	v8 =	vand.u32 $0x4000, v14;
	v12 =	vshll.u32 v3, $0xB;
	v3 =	vshll.u32 v3, $0x7;
	v59 =	vld [tilespmem:$0x1F860];
	_ =	swait.ge [sflag:s25], $0x8000  }
0x140: {  	v15 =	vadd.s32 v35, v8;
	v0 =	vand.u32 $0x4000, v12;
	v8 =	vor.u32 v45, v19;
	v19 =	vld [tilespmem:$0x1F880]  }
0x141: {  	v3 =	vand.u32 $0x380, v3;
	v0 =	vadd.s32 v36, v0  }
0x142: {  	v27 =	vor.u32 v3, v0;
	v0 =	vor.u32 v46, v16;
	v16 =	vld [tilespmem:$0x1F870];
	_ =	sdelay $0x2  }
0x143: {  	vm12 =	vnez.u8 v19;
	_ =	sdelay $0x1  }
0x144: {  	v13 =	vor.u32 v43, v17;
	v17 =	vmin.u32 v16, $0xF;
	v16 =	vld [tilespmem:$0x1F890]  }
0x145: {  	v3 =	vmin.u32 v18, $0xF  }
0x146: {  	v54 =	vsub.s32 v38, v5;
	[sflag:s25] =	ssyncset.done $0x0;
	v11 =	vor.u32 v44, v59;
	v5 =	vshll.u32 v3, $0xB  }
0x147: {  	[sflag:s25] =	ssyncadd.s32 $0xFFFF8000;
	v59 =	vimm.s32 $0x0;
	v3 =	vshll.u32 v3, $0x7;
	v9 =	vand.u32 $0x4000, v5  }
0x148: {  	v3 =	vand.u32 $0x380, v3;
	v9 =	vadd.s32 v37, v9;
	[tilespmem:v0+s2+$0x0] =	vst.idx.add.f32.msk vm12, v42;
	vm12 =	vlt.u32 v22, $0x10  }
0x149: {  	v9 =	vor.u32 v3, v9;
	v3 =	vsel vm12, $0xFFFFFFFF, v59;
	v59 =	vld [tilespmem:$0x1FF30];
	vm12 =	vnez.u8 v16;
	_ =	sdelay $0x2  }
0x14a: {  	[tilespmem:v8+s2+$0x0] =	vst.idx.add.f32.msk vm5, v42  }
0x14b: {  	v18 =	vshll.u32 v17, $0xB;
	v8 =	vshll.u32 v17, $0x7;
	v17 =	vld [tilespmem:$0x1F8A0]  }
0x14c: {  	vm7 =	vlt.u32 v20, $0x10;
	v14 =	vand.u32 $0x4000, v18;
	[tilespmem:$0x1F9C0] =	vst v3;
	v12 =	vsub.s32 v41, v59  }
0x14d: {  	v20 =	vadd.s32 v34, v14;
	v3 =	vand.u32 $0x380, v8;
	[tilespmem:v11+s2+$0x0] =	vst.idx.add.f32.msk vm12, v42;
	vm12 =	vgt.s32 v12, $0x0  }
0x14e: {  	[tilespmem:v13+s2+$0x0] =	vst.idx.add.f32.msk vm15, v42;
	v13 =	vor.u32 v3, v20;
	v20 =	vnsel vm12, $0x0, v12  }
0x14f: {  	s3 =	rddreg [dreg:$0x11];
	[tilespmem:$0x1FD70] =	vst v20  }
0x150: {  	v22 =	vld [tilespmem:$0x1F8B0];
	v18 =	vmin.u32 v17, $0xF;
	[hbm4b:s3+s2] =	stream.linear.scatter [tilespmem:s2], [sflag:$0x4], $0x8000, $0x38  }
0x151: {  	v19 =	vshll.u32 v18, $0xB;
	_ =	swait.ge [sflag:s0], $0x8000  }
0x152: {  	v0 =	vand.u32 $0x4000, v19;
	v19 =	vld [tilespmem:$0x1F8C0]  }
0x153: {  	[sflag:s0] =	ssyncset.done $0x0  }
0x154: {  	v50 =	vor.u32 v46, v50;
	v14 =	vor.u32 v45, v25;
	s3 =	rddreg [dreg:$0x12];
	[sflag:s0] =	ssyncadd.s32 $0xFFFF8000  }
0x155: {  	vm5 =	vlt.u32 v23, $0x10;
	v8 =	vshll.u32 v18, $0x7;
	v3 =	vmin.u32 v22, $0xF;
	[tilespmem:s26], [sflag:$0x3] =	stream.linear.gather [hbm4b:s3+s2], $0x8000, $0x38;
	[tilespmem:$0x18180] =	vst v63  }
0x156: {  	v22 =	vor.u32 v44, v24;
	vm12 =	vlt.u32 v28, $0x10;
	v28 =	vimm.s32 $0x0;
	_ =	swait.ge [sflag:s28], $0x8000  }
0x157: {  	vm15 =	vlt.u32 v26, $0x10;
	v25 =	vld [tilespmem:$0x1F8D0];
	[sflag:s28] =	ssyncset.done $0x0;
	v20 =	vmin.u32 v19, $0xF;
	v19 =	vsel vm12, $0xFFFFFFFF, v28  }
0x158: {  	v8 =	vand.u32 $0x380, v8;
	v24 =	vor.u32 v43, v21;
	v0 =	vadd.s32 v36, v0;
	[sflag:s28] =	ssyncadd.s32 $0xFFFF8000;
	[tilespmem:$0x1FA20] =	vst v19  }
0x159: {  	v23 =	vshll.u32 v3, $0xB;
	v3 =	vshll.u32 v3, $0x7;
	v28 =	vsub.s32 v39, v59;
	[tilespmem:v50+s24+$0x0] =	vst.idx.add.f32.msk vm0, v42  }
0x15a: {  	v11 =	vand.u32 $0x4000, v23;
	v17 =	vor.u32 v8, v0;
	vm12 =	vgt.s32 v28, $0x0;
	[tilespmem:v14+s24+$0x0] =	vst.idx.add.f32.msk vm1, v42  }
0x15b: {  	v23 =	vshll.u32 v20, $0xB;
	v8 =	vshll.u32 v20, $0x7;
	v20 =	vnsel vm12, $0x0, v28;
	[tilespmem:v22+s24+$0x0] =	vst.idx.add.f32.msk vm2, v42  }
0x15c: {  	v3 =	vand.u32 $0x380, v3;
	v26 =	vadd.s32 v35, v11;
	[tilespmem:$0x1FD80] =	vst v20;
	v16 =	vmin.u32 v25, $0xF  }
0x15d: {  	v3 =	vor.u32 v3, v26;
	s3 =	rddreg [dreg:$0x13];
	[tilespmem:v24+s24+$0x0] =	vst.idx.add.f32.msk vm3, v42;
	v26 =	vshll.u32 v16, $0xB  }
0x15e: {  	v21 =	vld [tilespmem:$0x1F8F0];
	[hbm4b:s3+s2] =	stream.linear.scatter [tilespmem:s24], [sflag:$0x5], $0x8000, $0x38;
	v18 =	vand.u32 $0x4000, v26  }
0x15f: {  	v50 =	vadd.s32 v34, v18;
	v18 =	vld [tilespmem:$0x1F8E0];
	_ =	swait.ge [sflag:s29], $0x8000  }
0x160: {  	[sflag:s29] =	ssyncset.done $0x0  }
0x161: {  	s3 =	rddreg [dreg:$0x14];
	[sflag:s29] =	ssyncadd.s32 $0xFFFF8000  }
0x162: {  	v14 =	vshll.u32 v16, $0x7;
	[tilespmem:s2], [sflag:$0x1] =	stream.linear.gather [hbm4b:s3+s2], $0x8000, $0x38;
	[tilespmem:$0x18180] =	vst v63  }
0x163: {  	v16 =	vand.u32 $0x380, v14;
	v25 =	vld [tilespmem:$0x1F900];
	_ =	swait.ge [sflag:s30], $0x8000  }
0x164: {  	v14 =	vor.u32 v16, v50;
	v50 =	vld [tilespmem:$0x1F920];
	_ =	sdelay $0x4  }
0x165: {  	vm1 =	vnez.u8 v50  }
0x166: {  	v24 =	vor.u32 v46, v2  }
0x167: {  	v4 =	vor.u32 v45, v4  }
0x168: {  	vm11 =	vgt.s32 v54, $0x0;
	v26 =	vor.u32 v44, v32  }
0x169: {  	v7 =	vor.u32 v43, v7;
	v61 =	vnsel vm11, $0x0, v54;
	v1 =	vshll.u32 v1, $0x7;
	[sflag:s30] =	ssyncset.done $0x0  }
0x16a: {  	vm11 =	vlt.u32 v30, $0x10;
	v1 =	vand.u32 $0x380, v1;
	vm10 =	vlt.u32 v29, $0x10;
	v30 =	vld [tilespmem:$0x1F910];
	[sflag:s30] =	ssyncadd.s32 $0xFFFF8000  }
0x16b: {  	v1 =	vor.u32 v1, v15;
	v11 =	vand.u32 $0x4000, v23;
	v5 =	vmin.u32 v21, $0xF;
	[tilespmem:v24+s26+$0x0] =	vst.idx.add.f32.msk vm1, v42  }
0x16c: {  	v8 =	vand.u32 $0x380, v8;
	v11 =	vadd.s32 v37, v11;
	v22 =	vshll.u32 v5, $0xB;
	[tilespmem:v4+s26+$0x0] =	vst.idx.add.f32.msk vm4, v42  }
0x16d: {  	v11 =	vor.u32 v8, v11;
	v15 =	vand.u32 $0x4000, v22;
	v8 =	vmin.u32 v18, $0xF;
	[tilespmem:v26+s26+$0x0] =	vst.idx.add.f32.msk vm6, v42  }
0x16e: {  	vm0 =	vlt.u32 v31, $0x10;
	v23 =	vadd.s32 v35, v15;
	s3 =	rddreg [dreg:$0x15];
	v19 =	vshll.u32 v8, $0xB;
	[tilespmem:v7+s26+$0x0] =	vst.idx.add.f32.msk vm13, v42  }
0x16f: {  	v22 =	vld [tilespmem:$0x1F930];
	v8 =	vshll.u32 v8, $0x7;
	v2 =	vmin.u32 v25, $0xF;
	v0 =	vand.u32 $0x4000, v19;
	[hbm4b:s3+s2] =	stream.linear.scatter [tilespmem:s26], [sflag:$0x6], $0x8000, $0x38  }
0x170: {  	v8 =	vand.u32 $0x380, v8;
	v29 =	vshll.u32 v2, $0xB;
	v2 =	vshll.u32 v2, $0x7;
	v24 =	vld [tilespmem:$0x1F940];
	_ =	swait.ge [sflag:s31], $0x8000  }
0x171: {  	v0 =	vadd.s32 v36, v0;
	v2 =	vand.u32 $0x380, v2;
	v31 =	vmin.u32 v30, $0xF;
	[sflag:s31] =	ssyncset.done $0x0  }
0x172: {  	v18 =	vor.u32 v8, v0;
	v8 =	vand.u32 $0x4000, v29;
	v15 =	vshll.u32 v31, $0xB;
	s3 =	rddreg [dreg:$0x16];
	[sflag:s31] =	ssyncadd.s32 $0xFFFF8000  }
0x173: {  	v8 =	vadd.s32 v37, v8;
	v21 =	vshll.u32 v31, $0x7;
	v32 =	vand.u32 $0x4000, v15;
	[tilespmem:s24], [sflag:$0x2] =	stream.linear.gather [hbm4b:s3+s2], $0x8000, $0x38;
	[tilespmem:$0x18180] =	vst v63  }
0x174: {  	v15 =	vor.u32 v2, v8;
	v2 =	vand.u32 $0x380, v21;
	v20 =	vadd.s32 v34, v32;
	v30 =	vld [tilespmem:$0x1F950];
	_ =	swait.ge [sflag:s25], $0x8000  }
0x175: {  	v19 =	vor.u32 v2, v20;
	v2 =	vmin.u32 v24, $0xF;
	v24 =	vld [tilespmem:$0x1F970];
	_ =	sdelay $0x3  }
0x176: {  	vm12 =	vlt.u32 v33, $0x10;
	vm3 =	vlt.u32 v47, $0x10;
	v29 =	vor.u32 v46, v58  }
0x177: {  	vm1 =	vlt.u32 v48, $0x10;
	v25 =	vshll.u32 v2, $0xB;
	v48 =	vld [tilespmem:$0x1F960];
	vm13 =	vnez.u8 v24  }
0x178: {  	v31 =	vor.u32 v45, v6;
	v2 =	vshll.u32 v2, $0x7;
	v7 =	vand.u32 $0x4000, v25  }
0x179: {  	v32 =	vor.u32 v44, v10;
	v2 =	vand.u32 $0x380, v2;
	v26 =	vadd.s32 v35, v7  }
0x17a: {  	v47 =	vor.u32 v43, v27;
	v7 =	vor.u32 v2, v26;
	[sflag:s25] =	ssyncset.done $0x0;
	v2 =	vmin.u32 v30, $0xF  }
0x17b: {  	v27 =	vimm.s32 $0x0;
	[sflag:s25] =	ssyncadd.s32 $0xFFFF8000;
	v33 =	vshll.u32 v2, $0xB;
	v2 =	vshll.u32 v2, $0x7  }
0x17c: {  	[tilespmem:v29+s2+$0x0] =	vst.idx.add.f32.msk vm9, v42;
	v10 =	vand.u32 $0x4000, v33;
	v2 =	vand.u32 $0x380, v2;
	v50 =	vmin.u32 v48, $0xF  }
0x17d: {  	v10 =	vadd.s32 v37, v10;
	v16 =	vshll.u32 v50, $0xB;
	[tilespmem:v31+s2+$0x0] =	vst.idx.add.f32.msk vm13, v42;
	vm13 =	vlt.u32 v52, $0x10  }
0x17e: {  	v58 =	vand.u32 $0x4000, v16;
	v16 =	vor.u32 v2, v10;
	v10 =	vsel vm13, $0xFFFFFFFF, v27;
	[tilespmem:v32+s2+$0x0] =	vst.idx.add.f32.msk vm8, v42  }
0x17f: {  	[tilespmem:$0x1FB40] =	vst v10  }
0x180: {  	s3 =	rddreg [dreg:$0x17];
	[tilespmem:v47+s2+$0x0] =	vst.idx.add.f32.msk vm14, v42  }
0x181: {  	v29 =	vld [tilespmem:$0x1F980];
	[hbm4b:s3+s2] =	stream.linear.scatter [tilespmem:s2], [sflag:$0x4], $0x8000, $0x38  }
0x182: {  	v31 =	vld [tilespmem:$0x1F990];
	_ =	swait.ge [sflag:s0], $0x8000  }
0x183: {  	[sflag:s0] =	ssyncset.done $0x0  }
0x184: {  	s3 =	rddreg [dreg:$0x18];
	[sflag:s0] =	ssyncadd.s32 $0xFFFF8000  }
0x185: {  	v5 =	vshll.u32 v5, $0x7;
	[tilespmem:s26], [sflag:$0x3] =	stream.linear.gather [hbm4b:s3+s2], $0x8000, $0x38;
	[tilespmem:$0x18180] =	vst v63  }
0x186: {  	v5 =	vand.u32 $0x380, v5;
	v48 =	vld [tilespmem:$0x1F9A0];
	_ =	swait.ge [sflag:s28], $0x8000  }
0x187: {  	v5 =	vor.u32 v5, v23;
	v8 =	vsub.s32 v40, v59;
	v4 =	vmin.u32 v22, $0xF;
	v27 =	vld [tilespmem:$0x1F9C0]  }
0x188: {  	vm4 =	vlt.u32 v60, $0x10;
	vm6 =	vgt.s32 v8, $0x0;
	v23 =	vshll.u32 v4, $0xB  }
0x189: {  	v4 =	vshll.u32 v4, $0x7;
	v60 =	vnsel vm6, $0x0, v8;
	v0 =	vand.u32 $0x4000, v23  }
0x18a: {  	v4 =	vand.u32 $0x380, v4;
	vm6 =	vlt.u32 v49, $0x10;
	v0 =	vadd.s32 v36, v0  }
0x18b: {  	v25 =	vor.u32 v4, v0;
	v26 =	vshll.u32 v50, $0x7;
	v47 =	vor.u32 v46, v1  }
0x18c: {  	v4 =	vand.u32 $0x380, v26;
	v23 =	vadd.s32 v34, v58;
	vm13 =	vnez.u8 v27  }
0x18d: {  	v49 =	vor.u32 v45, v9;
	v20 =	vor.u32 v4, v23;
	v4 =	vmin.u32 v31, $0xF  }
0x18e: {  	v50 =	vor.u32 v44, v13;
	vm14 =	vlt.u32 v53, $0x10;
	v32 =	vshll.u32 v4, $0xB;
	v53 =	vld [tilespmem:$0x1F9B0];
	[sflag:s28] =	ssyncset.done $0x0  }
0x18f: {  	v52 =	vor.u32 v43, v17;
	v10 =	vand.u32 $0x4000, v32;
	v32 =	vld [tilespmem:$0x1FF40];
	[sflag:s28] =	ssyncadd.s32 $0xFFFF8000  }
0x190: {  	[tilespmem:v47+s24+$0x0] =	vst.idx.add.f32.msk vm7, v42  }
0x191: {  	v47 =	vld [tilespmem:$0x1F9D0]  }
0x192: {  	[tilespmem:v49+s24+$0x0] =	vst.idx.add.f32.msk vm13, v42  }
0x193: {  	[tilespmem:v50+s24+$0x0] =	vst.idx.add.f32.msk vm5, v42  }
0x194: {  	s3 =	rddreg [dreg:$0x19];
	[tilespmem:v52+s24+$0x0] =	vst.idx.add.f32.msk vm15, v42  }
0x195: {  	v49 =	vld [tilespmem:$0x1F9E0];
	[hbm4b:s3+s2] =	stream.linear.scatter [tilespmem:s24], [sflag:$0x5], $0x8000, $0x38  }
0x196: {  	v50 =	vld [tilespmem:$0x1F9F0];
	_ =	swait.ge [sflag:s29], $0x8000  }
0x197: {  	v2 =	vsub.s32 v38, v59;
	[sflag:s29] =	ssyncset.done $0x0  }
0x198: {  	vm8 =	vgt.s32 v2, $0x0;
	s3 =	rddreg [dreg:$0x1a];
	[sflag:s29] =	ssyncadd.s32 $0xFFFF8000  }
0x199: {  	v6 =	vmin.u32 v29, $0xF;
	v22 =	vnsel vm8, $0x0, v2;
	v4 =	vshll.u32 v4, $0x7;
	[tilespmem:s2], [sflag:$0x1] =	stream.linear.gather [hbm4b:s3+s2], $0x8000, $0x38;
	[tilespmem:$0x18180] =	vst v63  }
0x19a: {  	vm8 =	vlt.u32 v55, $0x10;
	v4 =	vand.u32 $0x380, v4;
	v33 =	vadd.s32 v35, v10;
	v55 =	vld [tilespmem:$0x1FA00];
	_ =	swait.ge [sflag:s30], $0x8000  }
0x19b: {  	v30 =	vshll.u32 v6, $0xB;
	v10 =	vor.u32 v4, v33;
	v33 =	vld [tilespmem:$0x1FA20]  }
0x19c: {  	v3 =	vor.u32 v46, v3;
	v6 =	vshll.u32 v6, $0x7;
	v0 =	vand.u32 $0x4000, v30  }
0x19d: {  	v6 =	vand.u32 $0x380, v6;
	v0 =	vadd.s32 v36, v0;
	v1 =	vmin.u32 v48, $0xF  }
0x19e: {  	vm9 =	vlt.u32 v51, $0x10;
	v26 =	vor.u32 v6, v0;
	v51 =	vshll.u32 v1, $0xB  }
0x19f: {  	v1 =	vshll.u32 v1, $0x7;
	vm7 =	vlt.u32 v56, $0x10;
	v56 =	vor.u32 v45, v11  }
0x1a0: {  	v9 =	vand.u32 $0x4000, v51;
	v58 =	vmin.u32 v53, $0xF;
	vm2 =	vnez.u8 v33  }
0x1a1: {  	v1 =	vand.u32 $0x380, v1;
	v9 =	vadd.s32 v37, v9;
	v17 =	vshll.u32 v58, $0xB  }
0x1a2: {  	v29 =	vshll.u32 v58, $0x7;
	v59 =	vand.u32 $0x4000, v17;
	v17 =	vor.u32 v1, v9  }
0x1a3: {  	v4 =	vand.u32 $0x380, v29;
	v6 =	vmin.u32 v47, $0xF;
	v24 =	vadd.s32 v34, v59  }
0x1a4: {  	v48 =	vshll.u32 v6, $0xB;
	vm13 =	vlt.u32 v57, $0x10;
	v57 =	vor.u32 v44, v14;
	v29 =	vld [tilespmem:$0x1FA10];
	[sflag:s30] =	ssyncset.done $0x0  }
0x1a5: {  	v59 =	vor.u32 v43, v18;
	v23 =	vor.u32 v4, v24;
	v9 =	vmin.u32 v50, $0xF;
	v50 =	vld [tilespmem:$0x1FA30];
	[sflag:s30] =	ssyncadd.s32 $0xFFFF8000  }
0x1a6: {  	v4 =	vand.u32 $0x4000, v48;
	v48 =	vimm.s32 $0x0;
	[tilespmem:v3+s26+$0x0] =	vst.idx.add.f32.msk vm2, v42;
	vm2 =	vlt.u32 v63, $0x10  }
0x1a7: {  	v51 =	vshll.u32 v9, $0xB;
	v3 =	vsel vm2, $0xFFFFFFFF, v48;
	[tilespmem:v56+s26+$0x0] =	vst.idx.add.f32.msk vm10, v42  }
0x1a8: {  	v13 =	vand.u32 $0x4000, v51;
	v51 =	vld [tilespmem:$0x1FA40];
	[tilespmem:$0x1FC40] =	vst v3  }
0x1a9: {  	v9 =	vshll.u32 v9, $0x7;
	[tilespmem:v57+s26+$0x0] =	vst.idx.add.f32.msk vm11, v42  }
0x1aa: {  	v6 =	vshll.u32 v6, $0x7;
	v53 =	vand.u32 $0x380, v9;
	v52 =	vadd.s32 v35, v13;
	s3 =	rddreg [dreg:$0x1b];
	[tilespmem:v59+s26+$0x0] =	vst.idx.add.f32.msk vm0, v42  }
0x1ab: {  	v6 =	vand.u32 $0x380, v6;
	v4 =	vadd.s32 v36, v4;
	v13 =	vor.u32 v53, v52;
	v53 =	vld [tilespmem:$0x1FA50];
	[hbm4b:s3+s2] =	stream.linear.scatter [tilespmem:s26], [sflag:$0x6], $0x8000, $0x38  }
0x1ac: {  	v1 =	vsub.s32 v41, v32;
	v27 =	vor.u32 v6, v4;
	v4 =	vmin.u32 v55, $0xF;
	v55 =	vld [tilespmem:$0x1FA60];
	_ =	swait.ge [sflag:s31], $0x8000  }
0x1ad: {  	vm5 =	vgt.s32 v1, $0x0;
	v30 =	vmin.u32 v29, $0xF;
	[sflag:s31] =	ssyncset.done $0x0  }
0x1ae: {  	v5 =	vor.u32 v46, v5;
	v0 =	vnsel vm5, $0x0, v1;
	v18 =	vshll.u32 v30, $0xB;
	s3 =	rddreg [dreg:$0x1c];
	[sflag:s31] =	ssyncadd.s32 $0xFFFF8000  }
0x1af: {  	vm15 =	vlt.u32 v49, $0x10;
	v49 =	vshll.u32 v30, $0x7;
	v31 =	vand.u32 $0x4000, v18;
	[tilespmem:s24], [sflag:$0x2] =	stream.linear.gather [hbm4b:s3+s2], $0x8000, $0x38;
	[tilespmem:$0x18180] =	vst v63  }
0x1b0: {  	vm5 =	vlt.u32 v62, $0x10;
	v6 =	vand.u32 $0x380, v49;
	v47 =	vadd.s32 v34, v31;
	v59 =	vld [tilespmem:$0x1FA70];
	_ =	swait.ge [sflag:s25], $0x8000  }
0x1b1: {  	v62 =	vor.u32 v45, v15;
	v58 =	vshll.u32 v4, $0xB;
	v24 =	vor.u32 v6, v47;
	v47 =	vld [tilespmem:$0x1FA80]  }
0x1b2: {  	v4 =	vshll.u32 v4, $0x7;
	v11 =	vand.u32 $0x4000, v58;
	v63 =	vor.u32 v44, v19;
	v49 =	vld [tilespmem:$0x1FA90]  }
0x1b3: {  	v9 =	vmin.u32 v51, $0xF;
	v33 =	vor.u32 v43, v25;
	vm0 =	vlt.u32 v53, $0x10;
	[sflag:s25] =	ssyncset.done $0x0;
	v53 =	vld [tilespmem:$0x1FAB0]  }
0x1b4: {  	v4 =	vand.u32 $0x380, v4;
	v11 =	vadd.s32 v37, v11;
	v52 =	vshll.u32 v9, $0xB;
	v51 =	vld [tilespmem:$0x1FAA0];
	[sflag:s25] =	ssyncadd.s32 $0xFFFF8000  }
0x1b5: {  	v9 =	vshll.u32 v9, $0x7;
	v18 =	vor.u32 v4, v11;
	v11 =	vmin.u32 v55, $0xF;
	[tilespmem:v5+s2+$0x0] =	vst.idx.add.f32.msk vm12, v42  }
0x1b6: {  	v55 =	vimm.s32 $0x0;
	v56 =	vshll.u32 v11, $0xB;
	v11 =	vshll.u32 v11, $0x7;
	[tilespmem:v62+s2+$0x0] =	vst.idx.add.f32.msk vm3, v42  }
0x1b7: {  	v6 =	vand.u32 $0x4000, v52;
	v14 =	vand.u32 $0x4000, v56;
	v58 =	vand.u32 $0x380, v11;
	[tilespmem:v63+s2+$0x0] =	vst.idx.add.f32.msk vm4, v42  }
0x1b8: {  	v57 =	vadd.s32 v35, v14;
	s3 =	rddreg [dreg:$0x1d];
	v21 =	vmin.u32 v47, $0xF;
	vm2 =	vlt.u32 v53, $0x10;
	[tilespmem:v33+s2+$0x0] =	vst.idx.add.f32.msk vm1, v42  }
0x1b9: {  	v56 =	vld [tilespmem:$0x1FAC0];
	v48 =	vshll.u32 v21, $0xB;
	v52 =	vshll.u32 v21, $0x7;
	v21 =	vsel vm2, $0xFFFFFFFF, v55;
	[hbm4b:s3+s2] =	stream.linear.scatter [tilespmem:s2], [sflag:$0x4], $0x8000, $0x38  }
0x1ba: {  	v9 =	vand.u32 $0x380, v9;
	v6 =	vadd.s32 v36, v6;
	v14 =	vor.u32 v58, v57;
	v58 =	vld [tilespmem:$0x1FAD0];
	[tilespmem:$0x1FCF0] =	vst v21  }
0x1bb: {  	v29 =	vor.u32 v9, v6;
	v6 =	vmin.u32 v59, $0xF;
	v59 =	vld [tilespmem:$0x1FAE0];
	_ =	swait.ge [sflag:s0], $0x8000  }
0x1bc: {  	[sflag:s0] =	ssyncset.done $0x0  }
0x1bd: {  	s3 =	rddreg [dreg:$0x1e];
	[sflag:s0] =	ssyncadd.s32 $0xFFFF8000  }
0x1be: {  	[tilespmem:s26], [sflag:$0x3] =	stream.linear.gather [hbm4b:s3+s2], $0x8000, $0x38;
	[tilespmem:$0x18180] =	vst v63  }
0x1bf: {  	v47 =	vld [tilespmem:$0x1FAF0];
	_ =	swait.ge [sflag:s28], $0x8000  }
0x1c0: {  	v21 =	vmin.u32 v59, $0xF;
	v59 =	vld [tilespmem:$0x1FB40];
	_ =	sdelay $0x1  }
0x1c1: {  	v3 =	vsub.s32 v39, v32  }
0x1c2: {  	vm11 =	vgt.s32 v3, $0x0  }
0x1c3: {  	v7 =	vor.u32 v46, v7;
	v4 =	vnsel vm11, $0x0, v3;
	vm12 =	vlt.u32 v51, $0x10;
	v51 =	vld [tilespmem:$0x1FB00]  }
0x1c4: {  	v25 =	vand.u32 $0x4000, v48;
	v48 =	vor.u32 v45, v16;
	v53 =	vld [tilespmem:$0x1FB10];
	vm2 =	vnez.u8 v59  }
0x1c5: {  	vm11 =	vlt.u32 v49, $0x10;
	v11 =	vmin.u32 v56, $0xF;
	v49 =	vor.u32 v44, v20;
	v56 =	vld [tilespmem:$0x1FB20]  }
0x1c6: {  	v26 =	vor.u32 v43, v26;
	vm1 =	vlt.u32 v58, $0x10;
	v62 =	vshll.u32 v21, $0xB;
	[sflag:s28] =	ssyncset.done $0x0;
	v58 =	vld [tilespmem:$0x1FB30]  }
0x1c7: {  	vm10 =	vlt.u32 v50, $0x10;
	v50 =	vadd.s32 v34, v25;
	v25 =	vand.u32 $0x4000, v62;
	v62 =	vld [tilespmem:$0x1FB50];
	[sflag:s28] =	ssyncadd.s32 $0xFFFF8000  }
0x1c8: {  	v31 =	vshll.u32 v6, $0xB;
	v5 =	vsub.s32 v40, v32;
	[tilespmem:v7+s24+$0x0] =	vst.idx.add.f32.msk vm6, v42  }
0x1c9: {  	v15 =	vand.u32 $0x4000, v31;
	v57 =	vshll.u32 v11, $0xB;
	v9 =	vand.u32 $0x380, v52;
	[tilespmem:v48+s24+$0x0] =	vst.idx.add.f32.msk vm9, v42  }
0x1ca: {  	v11 =	vshll.u32 v11, $0x7;
	v63 =	vshll.u32 v21, $0x7;
	v19 =	vor.u32 v9, v50;
	[tilespmem:v49+s24+$0x0] =	vst.idx.add.f32.msk vm2, v42  }
0x1cb: {  	v9 =	vand.u32 $0x4000, v57;
	v33 =	vand.u32 $0x380, v63;
	v31 =	vadd.s32 v35, v25;
	s3 =	rddreg [dreg:$0x1f];
	[tilespmem:v26+s24+$0x0] =	vst.idx.add.f32.msk vm14, v42  }
0x1cc: {  	v11 =	vand.u32 $0x380, v11;
	v9 =	vadd.s32 v36, v9;
	v25 =	vor.u32 v33, v31;
	v33 =	vld [tilespmem:$0x1FB70];
	[hbm4b:s3+s2] =	stream.linear.scatter [tilespmem:s24], [sflag:$0x5], $0x8000, $0x38  }
0x1cd: {  	v21 =	vor.u32 v11, v9;
	v9 =	vmin.u32 v47, $0xF;
	v7 =	vsub.s32 v38, v32;
	v32 =	vld [tilespmem:$0x1FB60];
	_ =	swait.ge [sflag:s29], $0x8000  }
0x1ce: {  	v10 =	vor.u32 v46, v10;
	v50 =	vshll.u32 v9, $0xB;
	s3 =	sld [smem:$0x7DA]  }
0x1cf: {  	v20 =	vand.u32 $0x4000, v50;
	v30 =	vmin.u32 v51, $0xF;
	v63 =	vmin.u32 v62, $0xF;
	[sflag:s29] =	ssyncset.done $0x0  }
0x1d0: {  	v52 =	vshll.u32 v30, $0xB;
	v57 =	vshll.u32 v30, $0x7;
	v30 =	vshll.u32 v63, $0x7;
	[sflag:s29] =	ssyncadd.s32 $0xFFFF8000  }
0x1d1: {  	v31 =	vand.u32 $0x4000, v52;
	v11 =	vand.u32 $0x380, v57;
	v30 =	vand.u32 $0x380, v30;
	[tilespmem:s2], [sflag:$0x1] =	stream.linear.gather [hbm4b:s3+s2], $0x8000, $0x38;
	[tilespmem:$0x18180] =	vst v63  }
0x1d2: {  	v52 =	vor.u32 v45, v17;
	v55 =	vadd.s32 v34, v31;
	v26 =	vmin.u32 v33, $0xF;
	v51 =	vld [tilespmem:$0x1FB80];
	_ =	swait.ge [sflag:s30], $0x8000  }
0x1d3: {  	v31 =	vshll.u32 v63, $0xB;
	v16 =	vor.u32 v11, v55;
	v47 =	vshll.u32 v26, $0xB;
	v55 =	vld [tilespmem:$0x1FB90]  }
0x1d4: {  	v11 =	vand.u32 $0x4000, v31;
	v48 =	vshll.u32 v26, $0x7;
	v31 =	vand.u32 $0x4000, v47;
	v57 =	vld [tilespmem:$0x1FBA0]  }
0x1d5: {  	v11 =	vadd.s32 v36, v11;
	v50 =	vand.u32 $0x380, v48;
	v49 =	vadd.s32 v35, v31;
	v59 =	vld [tilespmem:$0x1FBB0]  }
0x1d6: {  	v23 =	vor.u32 v44, v23;
	v26 =	vor.u32 v30, v11;
	v30 =	vor.u32 v50, v49;
	v50 =	vld [tilespmem:$0x1FF50]  }
0x1d7: {  	v27 =	vor.u32 v43, v27;
	[sflag:s30] =	ssyncset.done $0x0;
	v63 =	vld [tilespmem:$0x1FBC0]  }
0x1d8: {  	v48 =	vld [tilespmem:$0x1FBD0];
	[sflag:s30] =	ssyncadd.s32 $0xFFFF8000  }
0x1d9: {  	[tilespmem:v10+s26+$0x0] =	vst.idx.add.f32.msk vm8, v42  }
0x1da: {  	s3 =	sld [smem:$0x7DB];
	[tilespmem:v52+s26+$0x0] =	vst.idx.add.f32.msk vm7, v42  }
0x1db: {  	v13 =	vor.u32 v46, v13;
	v18 =	vor.u32 v45, v18;
	v6 =	vshll.u32 v6, $0x7;
	[tilespmem:v23+s26+$0x0] =	vst.idx.add.f32.msk vm13, v42  }
0x1dc: {  	v6 =	vand.u32 $0x380, v6;
	v15 =	vadd.s32 v37, v15;
	vm4 =	vgt.s32 v5, $0x0;
	[tilespmem:v27+s26+$0x0] =	vst.idx.add.f32.msk vm15, v42  }
0x1dd: {  	v15 =	vor.u32 v6, v15;
	v9 =	vshll.u32 v9, $0x7;
	v11 =	vmin.u32 v51, $0xF;
	v51 =	vld [tilespmem:$0x1FBE0];
	[hbm4b:s3+s2] =	stream.linear.scatter [tilespmem:s26], [sflag:$0x6], $0x8000, $0x38  }
0x1de: {  	v6 =	vnsel vm4, $0x0, v5;
	v9 =	vand.u32 $0x380, v9;
	v20 =	vadd.s32 v37, v20;
	v52 =	vld [tilespmem:$0x1FBF0];
	_ =	swait.ge [sflag:s31], $0x8000  }
0x1df: {  	vm4 =	vlt.u32 v53, $0x10;
	v20 =	vor.u32 v9, v20;
	vm2 =	vgt.s32 v7, $0x0;
	s3 =	sld [smem:$0x7DC]  }
0x1e0: {  	vm6 =	vlt.u32 v56, $0x10;
	vm9 =	vlt.u32 v58, $0x10;
	v9 =	vnsel vm2, $0x0, v7;
	[sflag:s31] =	ssyncset.done $0x0  }
0x1e1: {  	vm2 =	vlt.u32 v32, $0x10;
	v53 =	vshll.u32 v11, $0xB;
	v32 =	vmin.u32 v55, $0xF;
	[sflag:s31] =	ssyncadd.s32 $0xFFFF8000  }
0x1e2: {  	v11 =	vshll.u32 v11, $0x7;
	v17 =	vand.u32 $0x4000, v53;
	v56 =	vshll.u32 v32, $0xB;
	[tilespmem:s24], [sflag:$0x2] =	stream.linear.gather [hbm4b:s3+s2], $0x8000, $0x38;
	[tilespmem:$0x18180] =	vst v63  }
0x1e3: {  	v62 =	vshll.u32 v32, $0x7;
	v33 =	vand.u32 $0x4000, v56;
	v32 =	vmin.u32 v52, $0xF;
	v56 =	vld [tilespmem:$0x1FC00];
	_ =	swait.ge [sflag:s25], $0x8000  }
0x1e4: {  	v11 =	vand.u32 $0x380, v11;
	v47 =	vand.u32 $0x380, v62;
	v53 =	vshll.u32 v32, $0xB;
	v62 =	vld [tilespmem:$0x1FC20]  }
0x1e5: {  	v17 =	vadd.s32 v37, v17;
	v58 =	vadd.s32 v34, v33;
	v33 =	vand.u32 $0x4000, v53;
	v53 =	vld [tilespmem:$0x1FC40]  }
0x1e6: {  	v24 =	vor.u32 v44, v24;
	v29 =	vor.u32 v43, v29;
	v17 =	vor.u32 v11, v17  }
0x1e7: {  	v10 =	vsub.s32 v41, v50;
	vm7 =	vlt.u32 v63, $0x10;
	v31 =	vmin.u32 v48, $0xF  }
0x1e8: {  	v63 =	vimm.s32 $0x0;
	vm13 =	vgt.s32 v10, $0x0;
	v49 =	vshll.u32 v31, $0xB  }
0x1e9: {  	v31 =	vshll.u32 v31, $0x7;
	v11 =	vnsel vm13, $0x0, v10;
	vm13 =	vlt.u32 v62, $0x10  }
0x1ea: {  	v27 =	vand.u32 $0x4000, v49;
	v48 =	vsel vm13, $0xFFFFFFFF, v63;
	vm13 =	vnez.u8 v53  }
0x1eb: {  	v31 =	vand.u32 $0x380, v31;
	v23 =	vor.u32 v47, v58;
	v32 =	vshll.u32 v32, $0x7;
	v58 =	vld [tilespmem:$0x1FC10]  }
0x1ec: {  	v27 =	vadd.s32 v36, v27;
	v32 =	vand.u32 $0x380, v32;
	v55 =	vadd.s32 v35, v33;
	[sflag:s25] =	ssyncset.done $0x0;
	v52 =	vld [tilespmem:$0x1FC30]  }
0x1ed: {  	v27 =	vor.u32 v31, v27;
	v31 =	vor.u32 v32, v55;
	v32 =	vmin.u32 v56, $0xF;
	v56 =	vld [tilespmem:$0x1FC50];
	[sflag:s25] =	ssyncadd.s32 $0xFFFF8000  }
0x1ee: {  	vm14 =	vlt.u32 v57, $0x10;
	v57 =	vshll.u32 v32, $0xB;
	[tilespmem:v13+s2+$0x0] =	vst.idx.add.f32.msk vm5, v42  }
0x1ef: {  	v33 =	vand.u32 $0x4000, v57;
	v57 =	vld [tilespmem:$0x1FC60];
	[tilespmem:$0x1FD90] =	vst v48  }
0x1f0: {  	s3 =	sld [smem:$0x7DD];
	[tilespmem:v18+s2+$0x0] =	vst.idx.add.f32.msk vm13, v42  }
0x1f1: {  	[tilespmem:v24+s2+$0x0] =	vst.idx.add.f32.msk vm10, v42  }
0x1f2: {  	v47 =	vmin.u32 v58, $0xF;
	[tilespmem:v29+s2+$0x0] =	vst.idx.add.f32.msk vm0, v42  }
0x1f3: {  	vm8 =	vlt.u32 v59, $0x10;
	v59 =	vshll.u32 v47, $0xB;
	v63 =	vld [tilespmem:$0x1FC80];
	[hbm4b:s3+s2] =	stream.linear.scatter [tilespmem:s2], [sflag:$0x4], $0x8000, $0x38  }
0x1f4: {  	v49 =	vand.u32 $0x4000, v59;
	v59 =	vld [tilespmem:$0x1FC70];
	_ =	swait.ge [sflag:s0], $0x8000  }
0x1f5: {  	s3 =	sld [smem:$0x7DE]  }
0x1f6: {  	[sflag:s0] =	ssyncset.done $0x0  }
0x1f7: {  	v14 =	vor.u32 v46, v14;
	v15 =	vor.u32 v45, v15;
	[sflag:s0] =	ssyncadd.s32 $0xFFFF8000  }
0x1f8: {  	v19 =	vor.u32 v44, v19;
	vm3 =	vlt.u32 v51, $0x10;
	v32 =	vshll.u32 v32, $0x7;
	[tilespmem:s26], [sflag:$0x3] =	stream.linear.gather [hbm4b:s3+s2], $0x8000, $0x38;
	[tilespmem:$0x18180] =	vst v63  }
0x1f9: {  	v32 =	vand.u32 $0x380, v32;
	v33 =	vadd.s32 v37, v33;
	v51 =	vshll.u32 v47, $0x7;
	v47 =	vld [tilespmem:$0x1FC90];
	_ =	swait.ge [sflag:s28], $0x8000  }
0x1fa: {  	v32 =	vor.u32 v32, v33;
	v33 =	vmin.u32 v56, $0xF;
	v29 =	vmin.u32 v63, $0xF;
	v63 =	vld [tilespmem:$0x1FCF0]  }
0x1fb: {  	v21 =	vor.u32 v43, v21;
	v58 =	vshll.u32 v33, $0xB;
	v13 =	vadd.s32 v34, v49;
	v49 =	vld [tilespmem:$0x1FCA0]  }
0x1fc: {  	vm5 =	vlt.u32 v52, $0x10;
	v62 =	vshll.u32 v33, $0x7;
	v18 =	vand.u32 $0x4000, v58;
	[sflag:s28] =	ssyncset.done $0x0  }
0x1fd: {  	v53 =	vimm.s32 $0x0;
	v18 =	vadd.s32 v36, v18;
	v24 =	vand.u32 $0x380, v62;
	v52 =	vld [tilespmem:$0x1FCB0];
	[sflag:s28] =	ssyncadd.s32 $0xFFFF8000  }
0x1fe: {  	v18 =	vor.u32 v24, v18;
	v33 =	vshll.u32 v29, $0xB;
	v29 =	vshll.u32 v29, $0x7;
	[tilespmem:v14+s24+$0x0] =	vst.idx.add.f32.msk vm11, v42  }
0x1ff: {  	v24 =	vand.u32 $0x4000, v33;
	v29 =	vand.u32 $0x380, v29;
	[tilespmem:v15+s24+$0x0] =	vst.idx.add.f32.msk vm12, v42;
	vm12 =	vnez.u8 v63  }
0x200: {  	v24 =	vadd.s32 v35, v24;
	v33 =	vmin.u32 v47, $0xF;
	v47 =	vmin.u32 v49, $0xF;
	v49 =	vld [tilespmem:$0x1FD00]  }
0x201: {  	v55 =	vand.u32 $0x380, v51;
	v24 =	vor.u32 v29, v24;
	v48 =	vshll.u32 v33, $0xB  }
0x202: {  	v33 =	vshll.u32 v33, $0x7;
	v29 =	vand.u32 $0x4000, v48;
	vm13 =	vlt.u32 v52, $0x10  }
0x203: {  	v33 =	vand.u32 $0x380, v33;
	v29 =	vadd.s32 v37, v29;
	v48 =	vsel vm13, $0xFFFFFFFF, v53  }
0x204: {  	vm15 =	vlt.u32 v57, $0x10;
	v57 =	vld [tilespmem:$0x1FCC0];
	v29 =	vor.u32 v33, v29;
	v51 =	vshll.u32 v47, $0xB;
	[tilespmem:$0x1FDA0] =	vst v48  }
0x205: {  	s3 =	sld [smem:$0x7DF];
	v33 =	vand.u32 $0x4000, v51;
	v51 =	vimm.s32 $0x0;
	[tilespmem:v19+s24+$0x0] =	vst.idx.add.f32.msk vm12, v42;
	vm12 =	vlt.u32 v49, $0x10  }
0x206: {  	v19 =	vsel vm12, $0xFFFFFFFF, v51;
	[tilespmem:v21+s24+$0x0] =	vst.idx.add.f32.msk vm1, v42  }
0x207: {  	vm0 =	vlt.u32 v59, $0x10;
	v59 =	vld [tilespmem:$0x1FCD0];
	[tilespmem:$0x1FDB0] =	vst v19  }
0x208: {  	v62 =	vld [tilespmem:$0x1FCE0];
	[hbm4b:s3+s2] =	stream.linear.scatter [tilespmem:s24], [sflag:$0x5], $0x8000, $0x38  }
0x209: {  	v53 =	vld [tilespmem:$0x1FD10];
	_ =	swait.ge [sflag:s29], $0x8000  }
0x20a: {  	s3 =	sld [smem:$0x7E0]  }
0x20b: {  	[sflag:s29] =	ssyncset.done $0x0  }
0x20c: {  	[sflag:s29] =	ssyncadd.s32 $0xFFFF8000  }
0x20d: {  	v25 =	vor.u32 v46, v25;
	v20 =	vor.u32 v45, v20;
	v56 =	vshll.u32 v47, $0x7;
	[tilespmem:s2], [sflag:$0x1] =	stream.linear.gather [hbm4b:s3+s2], $0x8000, $0x38;
	[tilespmem:$0x18180] =	vst v63  }
0x20e: {  	v13 =	vor.u32 v55, v13;
	v58 =	vand.u32 $0x380, v56;
	v55 =	vadd.s32 v34, v33;
	v56 =	vld [tilespmem:$0x1FD20];
	_ =	swait.ge [sflag:s30], $0x8000  }
0x20f: {  	v16 =	vor.u32 v44, v16;
	v14 =	vor.u32 v58, v55;
	v58 =	vld [tilespmem:$0x1FD30]  }
0x210: {  	v26 =	vor.u32 v43, v26;
	vm11 =	vlt.u32 v62, $0x10;
	v33 =	vmin.u32 v59, $0xF;
	[sflag:s30] =	ssyncset.done $0x0;
	v62 =	vld [tilespmem:$0x1FD40]  }
0x211: {  	v48 =	vshll.u32 v33, $0xB;
	v49 =	vld [tilespmem:$0x1FD50];
	[sflag:s30] =	ssyncadd.s32 $0xFFFF8000  }
0x212: {  	vm10 =	vlt.u32 v57, $0x10;
	v15 =	vand.u32 $0x4000, v48;
	[tilespmem:v25+s26+$0x0] =	vst.idx.add.f32.msk vm4, v42  }
0x213: {  	v52 =	vshll.u32 v33, $0x7;
	v15 =	vadd.s32 v36, v15;
	v21 =	vmin.u32 v53, $0xF;
	s3 =	sld [smem:$0x7E1];
	[tilespmem:v20+s26+$0x0] =	vst.idx.add.f32.msk vm6, v42  }
0x214: {  	v19 =	vand.u32 $0x380, v52;
	v55 =	vshll.u32 v21, $0xB;
	v21 =	vshll.u32 v21, $0x7;
	[tilespmem:v16+s26+$0x0] =	vst.idx.add.f32.msk vm9, v42  }
0x215: {  	v15 =	vor.u32 v19, v15;
	v19 =	vand.u32 $0x4000, v55;
	v33 =	vmin.u32 v56, $0xF;
	[tilespmem:v26+s26+$0x0] =	vst.idx.add.f32.msk vm2, v42  }
0x216: {  	v21 =	vand.u32 $0x380, v21;
	v19 =	vadd.s32 v35, v19;
	v53 =	vld [tilespmem:$0x1FD60];
	v57 =	vshll.u32 v33, $0xB;
	[hbm4b:s3+s2] =	stream.linear.scatter [tilespmem:s26], [sflag:$0x6], $0x8000, $0x38  }
0x217: {  	v19 =	vor.u32 v21, v19;
	v21 =	vand.u32 $0x4000, v57;
	v57 =	vld [tilespmem:$0x1FD70];
	_ =	swait.ge [sflag:s31], $0x8000  }
0x218: {  	s3 =	sld [smem:$0x7E2]  }
0x219: {  	[sflag:s31] =	ssyncset.done $0x0  }
0x21a: {  	v30 =	vor.u32 v46, v30;
	[sflag:s31] =	ssyncadd.s32 $0xFFFF8000  }
0x21b: {  	v17 =	vor.u32 v45, v17;
	[tilespmem:s24], [sflag:$0x2] =	stream.linear.gather [hbm4b:s3+s2], $0x8000, $0x38;
	[tilespmem:$0x18180] =	vst v63  }
0x21c: {  	v52 =	vmin.u32 v61, $0xF;
	v61 =	vld [tilespmem:$0x1FD80];
	_ =	swait.ge [sflag:s25], $0x8000  }
0x21d: {  	v23 =	vor.u32 v44, v23;
	[sflag:s25] =	ssyncset.done $0x0  }
0x21e: {  	v27 =	vor.u32 v43, v27;
	[sflag:s25] =	ssyncadd.s32 $0xFFFF8000  }
0x21f: {  	vm6 =	vlt.u32 v53, $0x10;
	v53 =	vimm.s32 $0x0;
	[tilespmem:v30+s2+$0x0] =	vst.idx.add.f32.msk vm14, v42;
	vm14 =	vlt.u32 v28, $0x10  }
0x220: {  	vm4 =	vlt.u32 v49, $0x10;
	v49 =	vor.u32 v43, v15;
	v15 =	vsel vm14, $0xFFFFFFFF, v53;
	[tilespmem:v17+s2+$0x0] =	vst.idx.add.f32.msk vm8, v42  }
0x221: {  	s3 =	sld [smem:$0x7E3];
	[tilespmem:$0x1FDC0] =	vst v15  }
0x222: {  	[tilespmem:v23+s2+$0x0] =	vst.idx.add.f32.msk vm7, v42  }
0x223: {  	[tilespmem:v27+s2+$0x0] =	vst.idx.add.f32.msk vm3, v42  }
0x224: {  	[hbm4b:s3+s2] =	stream.linear.scatter [tilespmem:s2], [sflag:$0x4], $0x8000, $0x38;
	[tilespmem:$0x18180] =	vst v63  }
0x225: {  	_ =	swait.ge [sflag:s0], $0x8000  }
0x226: {  	s3 =	sld [smem:$0x7E4]  }
0x227: {  	[sflag:s0] =	ssyncset.done $0x0  }
0x228: {  	[sflag:s0] =	ssyncadd.s32 $0xFFFF8000  }
0x229: {  	[tilespmem:s26], [sflag:$0x3] =	stream.linear.gather [hbm4b:s3+s2], $0x8000, $0x38;
	[tilespmem:$0x18180] =	vst v63  }
0x22a: {  	_ =	swait.ge [sflag:s28], $0x8000  }
0x22b: {  	v27 =	vld [tilespmem:$0x1FD90];
	_ =	sdelay $0x4  }
0x22c: {  	v33 =	vshll.u32 v33, $0x7;
	vm1 =	vnez.u8 v27  }
0x22d: {  	v31 =	vor.u32 v46, v31;
	v33 =	vand.u32 $0x380, v33;
	v47 =	vmin.u32 v58, $0xF  }
0x22e: {  	v25 =	vor.u32 v45, v32;
	v21 =	vadd.s32 v37, v21;
	v59 =	vshll.u32 v47, $0xB  }
0x22f: {  	v21 =	vor.u32 v33, v21;
	v33 =	vand.u32 $0x4000, v59  }
0x230: {  	v63 =	vadd.s32 v34, v33;
	v33 =	vor.u32 v44, v13;
	[sflag:s28] =	ssyncset.done $0x0  }
0x231: {  	v18 =	vor.u32 v43, v18;
	[sflag:s28] =	ssyncadd.s32 $0xFFFF8000  }
0x232: {  	v30 =	vimm.s32 $0x0;
	[tilespmem:v31+s24+$0x0] =	vst.idx.add.f32.msk vm1, v42;
	vm1 =	vlt.u32 v3, $0x10  }
0x233: {  	v3 =	vsel vm1, $0xFFFFFFFF, v30;
	[tilespmem:v25+s24+$0x0] =	vst.idx.add.f32.msk vm5, v42  }
0x234: {  	s3 =	sld [smem:$0x7E5];
	[tilespmem:$0x1FDD0] =	vst v3  }
0x235: {  	[tilespmem:v33+s24+$0x0] =	vst.idx.add.f32.msk vm15, v42  }
0x236: {  	[tilespmem:v18+s24+$0x0] =	vst.idx.add.f32.msk vm0, v42  }
0x237: {  	[hbm4b:s3+s2] =	stream.linear.scatter [tilespmem:s24], [sflag:$0x5], $0x8000, $0x38;
	[tilespmem:$0x18180] =	vst v63  }
0x238: {  	_ =	swait.ge [sflag:s29], $0x8000  }
0x239: {  	v6 =	vmin.u32 v6, $0xF;
	v55 =	vshll.u32 v52, $0xB;
	s3 =	sld [smem:$0x7E6]  }
0x23a: {  	v24 =	vor.u32 v46, v24;
	v56 =	vshll.u32 v52, $0x7;
	v16 =	vand.u32 $0x4000, v55;
	[sflag:s29] =	ssyncset.done $0x0  }
0x23b: {  	vm12 =	vlt.u32 v62, $0x10;
	v16 =	vadd.s32 v36, v16;
	v48 =	vshll.u32 v47, $0x7;
	[sflag:s29] =	ssyncadd.s32 $0xFFFF8000  }
0x23c: {  	v26 =	vand.u32 $0x380, v56;
	v51 =	vand.u32 $0x380, v48;
	v32 =	vmin.u32 v57, $0xF;
	[tilespmem:s2], [sflag:$0x1] =	stream.linear.gather [hbm4b:s3+s2], $0x8000, $0x38;
	[tilespmem:$0x18180] =	vst v63  }
0x23d: {  	v13 =	vor.u32 v26, v16;
	v58 =	vshll.u32 v32, $0xB;
	v59 =	vshll.u32 v32, $0x7;
	_ =	swait.ge [sflag:s30], $0x8000  }
0x23e: {  	v20 =	vor.u32 v51, v63;
	v16 =	vand.u32 $0x4000, v58;
	v32 =	vmin.u32 v61, $0xF;
	v25 =	vld [tilespmem:$0x1FDA0]  }
0x23f: {  	v26 =	vand.u32 $0x380, v59;
	v16 =	vadd.s32 v35, v16;
	v62 =	vshll.u32 v32, $0xB  }
0x240: {  	v26 =	vor.u32 v26, v16;
	v32 =	vshll.u32 v32, $0x7;
	v16 =	vand.u32 $0x4000, v62  }
0x241: {  	v63 =	vmin.u32 v60, $0xF;
	v32 =	vand.u32 $0x380, v32;
	v16 =	vadd.s32 v37, v16  }
0x242: {  	v60 =	vmin.u32 v4, $0xF;
	v52 =	vshll.u32 v63, $0x7;
	v32 =	vor.u32 v32, v16  }
0x243: {  	v16 =	vshll.u32 v63, $0xB;
	v63 =	vshll.u32 v6, $0xB;
	vm0 =	vnez.u8 v25  }
0x244: {  	v4 =	vor.u32 v46, v26;
	v6 =	vshll.u32 v6, $0x7;
	v26 =	vand.u32 $0x4000, v63  }
0x245: {  	v29 =	vor.u32 v45, v29;
	v28 =	vadd.s32 v34, v26;
	v31 =	vand.u32 $0x380, v6  }
0x246: {  	v48 =	vor.u32 v44, v14;
	vm14 =	vlt.u32 v1, $0x10;
	v1 =	vor.u32 v31, v28;
	v28 =	vld [tilespmem:$0x1FDB0]  }
0x247: {  	[sflag:s30] =	ssyncset.done $0x0  }
0x248: {  	[sflag:s30] =	ssyncadd.s32 $0xFFFF8000  }
0x249: {  	[tilespmem:v24+s26+$0x0] =	vst.idx.add.f32.msk vm0, v42  }
0x24a: {  	v0 =	vmin.u32 v0, $0xF;
	vm13 =	vlt.u32 v12, $0x10;
	[tilespmem:v29+s26+$0x0] =	vst.idx.add.f32.msk vm10, v42  }
0x24b: {  	vm9 =	vlt.u32 v54, $0x10;
	v54 =	vmin.u32 v22, $0xF;
	[tilespmem:v48+s26+$0x0] =	vst.idx.add.f32.msk vm11, v42;
	vm11 =	vnez.u8 v28  }
0x24c: {  	v56 =	vshll.u32 v54, $0xB;
	vm2 =	vlt.u32 v7, $0x10;
	v47 =	vsub.s32 v40, v50  }
0x24d: {  	v58 =	vshll.u32 v54, $0x7;
	v59 =	vshll.u32 v0, $0xB;
	v0 =	vshll.u32 v0, $0x7  }
0x24e: {  	v57 =	vand.u32 $0x4000, v56;
	v12 =	vand.u32 $0x380, v58;
	v0 =	vand.u32 $0x380, v0  }
0x24f: {  	v61 =	vshll.u32 v60, $0xB;
	v62 =	vshll.u32 v60, $0x7;
	vm8 =	vlt.u32 v8, $0x10;
	s3 =	sld [smem:$0x7E7]  }
0x250: {  	v17 =	vor.u32 v43, v13;
	vm7 =	vlt.u32 v2, $0x10;
	v2 =	vadd.s32 v36, v57  }
0x251: {  	v15 =	vor.u32 v44, v20;
	v57 =	vmin.u32 v11, $0xF;
	v14 =	vand.u32 $0x4000, v16;
	[tilespmem:v49+s26+$0x0] =	vst.idx.add.f32.msk vm11, v42  }
0x252: {  	v16 =	vor.u32 v45, v21;
	v2 =	vor.u32 v12, v2;
	v12 =	vand.u32 $0x4000, v59;
	[hbm4b:s3+s2] =	stream.linear.scatter [tilespmem:s26], [sflag:$0x6], $0x8000, $0x38;
	[tilespmem:$0x18180] =	vst v63  }
0x253: {  	v13 =	vor.u32 v45, v32;
	v32 =	vsub.s32 v39, v50;
	v59 =	vshll.u32 v57, $0xB;
	v30 =	vld [tilespmem:$0x1FF60];
	_ =	swait.ge [sflag:s31], $0x8000  }
0x254: {  	v7 =	vshll.u32 v57, $0x7;
	v51 =	vadd.s32 v34, v14;
	v14 =	vand.u32 $0x380, v52;
	s3 =	sld [smem:$0x7E8]  }
0x255: {  	v12 =	vadd.s32 v35, v12;
	v60 =	vand.u32 $0x380, v7;
	v55 =	vor.u32 v14, v51;
	[sflag:s31] =	ssyncset.done $0x0  }
0x256: {  	v14 =	vor.u32 v46, v19;
	v0 =	vor.u32 v0, v12;
	v12 =	vand.u32 $0x4000, v61;
	[sflag:s31] =	ssyncadd.s32 $0xFFFF8000  }
0x257: {  	v19 =	vand.u32 $0x380, v62;
	v51 =	vmin.u32 v9, $0xF;
	v12 =	vadd.s32 v37, v12;
	[tilespmem:s24], [sflag:$0x2] =	stream.linear.gather [hbm4b:s3+s2], $0x8000, $0x38;
	[tilespmem:$0x18180] =	vst v63  }
0x258: {  	v54 =	vshll.u32 v51, $0xB;
	v19 =	vor.u32 v19, v12;
	v12 =	vor.u32 v44, v55;
	_ =	swait.ge [sflag:s25], $0x8000  }
0x259: {  	v55 =	vand.u32 $0x4000, v54;
	v6 =	vor.u32 v45, v19;
	vm5 =	vlt.u32 v5, $0x10;
	[sflag:s25] =	ssyncset.done $0x0  }
0x25a: {  	v5 =	vshll.u32 v51, $0x7;
	vm1 =	vlt.u32 v47, $0x10;
	vm15 =	vgt.s32 v32, $0x0;
	[sflag:s25] =	ssyncadd.s32 $0xFFFF8000  }
0x25b: {  	v3 =	vor.u32 v43, v2;
	v2 =	vadd.s32 v36, v55;
	v56 =	vand.u32 $0x380, v5;
	[tilespmem:v14+s2+$0x0] =	vst.idx.add.f32.msk vm12, v42  }
0x25c: {  	v5 =	vor.u32 v46, v0;
	v7 =	vor.u32 v44, v1;
	v52 =	vnsel vm15, $0x0, v32;
	s3 =	sld [smem:$0x7E9];
	[tilespmem:v16+s2+$0x0] =	vst.idx.add.f32.msk vm4, v42  }
0x25d: {  	vm15 =	vgt.s32 v47, $0x0;
	v58 =	vor.u32 v56, v2;
	v2 =	vand.u32 $0x4000, v59;
	[tilespmem:v15+s2+$0x0] =	vst.idx.add.f32.msk vm6, v42  }
0x25e: {  	v53 =	vnsel vm15, $0x0, v47;
	v2 =	vadd.s32 v35, v2;
	v61 =	vmin.u32 v52, $0xF;
	[tilespmem:v17+s2+$0x0] =	vst.idx.add.f32.msk vm9, v42  }
0x25f: {  	v8 =	vor.u32 v43, v58;
	vm15 =	vlt.u32 v10, $0x10;
	v62 =	vor.u32 v60, v2;
	[hbm4b:s3+s2] =	stream.linear.scatter [tilespmem:s2], [sflag:$0x4], $0x8000, $0x38;
	[tilespmem:$0x18180] =	vst v63  }
0x260: {  	v63 =	vshll.u32 v61, $0xB;
	v22 =	vshll.u32 v61, $0x7;
	v27 =	vmin.u32 v53, $0xF;
	_ =	swait.ge [sflag:s0], $0x8000  }
0x261: {  	v19 =	vand.u32 $0x4000, v63;
	v2 =	vand.u32 $0x380, v22;
	v9 =	vshll.u32 v27, $0xB;
	s3 =	sld [smem:$0x7EA]  }
0x262: {  	v0 =	vor.u32 v46, v62;
	v23 =	vadd.s32 v37, v19;
	v9 =	vand.u32 $0x4000, v9;
	[sflag:s0] =	ssyncset.done $0x0  }
0x263: {  	v26 =	vor.u32 v2, v23;
	v2 =	vshll.u32 v27, $0x7;
	v29 =	vsub.s32 v38, v50;
	[sflag:s0] =	ssyncadd.s32 $0xFFFF8000  }
0x264: {  	v9 =	vadd.s32 v34, v9;
	v2 =	vand.u32 $0x380, v2;
	vm11 =	vgt.s32 v29, $0x0;
	[tilespmem:s26], [sflag:$0x3] =	stream.linear.gather [hbm4b:s3+s2], $0x8000, $0x38;
	[tilespmem:$0x18180] =	vst v63  }
0x265: {  	v2 =	vor.u32 v2, v9;
	vm10 =	vlt.u32 v32, $0x10;
	v32 =	vnsel vm11, $0x0, v29;
	v63 =	vld [tilespmem:$0x1FF70];
	_ =	swait.ge [sflag:s28], $0x8000  }
0x266: {  	v1 =	vor.u32 v45, v26;
	v2 =	vor.u32 v44, v2;
	v11 =	vmin.u32 v32, $0xF;
	v32 =	vld [tilespmem:$0x1FDC0]  }
0x267: {  	v31 =	vsub.s32 v41, v30;
	v33 =	vsub.s32 v39, v30;
	v54 =	vsub.s32 v40, v30  }
0x268: {  	v61 =	vsub.s32 v38, v30;
	vm0 =	vlt.u32 v29, $0x10;
	vm11 =	vgt.s32 v31, $0x0  }
0x269: {  	v47 =	vnsel vm11, $0x0, v31;
	vm11 =	vgt.s32 v33, $0x0;
	v48 =	vshll.u32 v11, $0xB;
	[sflag:s28] =	ssyncset.done $0x0  }
0x26a: {  	v49 =	vnsel vm11, $0x0, v33;
	v19 =	vmin.u32 v47, $0xF;
	v11 =	vshll.u32 v11, $0x7;
	[sflag:s28] =	ssyncadd.s32 $0xFFFF8000  }
0x26b: {  	vm11 =	vlt.u32 v31, $0x10;
	v50 =	vand.u32 $0x4000, v48;
	[tilespmem:v4+s24+$0x0] =	vst.idx.add.f32.msk vm13, v42;
	vm13 =	vnez.u8 v32  }
0x26c: {  	v51 =	vshll.u32 v19, $0xB;
	v11 =	vand.u32 $0x380, v11;
	v19 =	vshll.u32 v19, $0x7  }
0x26d: {  	v53 =	vmin.u32 v49, $0xF;
	v10 =	vadd.s32 v36, v50;
	v20 =	vand.u32 $0x4000, v51  }
0x26e: {  	v19 =	vand.u32 $0x380, v19;
	v56 =	vshll.u32 v53, $0xB;
	v57 =	vshll.u32 v53, $0x7  }
0x26f: {  	v10 =	vor.u32 v11, v10;
	v52 =	vadd.s32 v35, v20;
	v11 =	vand.u32 $0x4000, v56  }
0x270: {  	v11 =	vadd.s32 v37, v11;
	vm12 =	vgt.s32 v54, $0x0;
	v14 =	vand.u32 $0x380, v57  }
0x271: {  	v55 =	vor.u32 v19, v52;
	v58 =	vnsel vm12, $0x0, v54;
	v14 =	vor.u32 v14, v11;
	s3 =	sld [smem:$0x7EB];
	[tilespmem:v13+s24+$0x0] =	vst.idx.add.f32.msk vm13, v42  }
0x272: {  	vm4 =	vlt.u32 v54, $0x10;
	v59 =	vmin.u32 v58, $0xF;
	vm6 =	vlt.u32 v33, $0x10;
	[tilespmem:v12+s24+$0x0] =	vst.idx.add.f32.msk vm8, v42  }
0x273: {  	v14 =	vor.u32 v45, v14;
	v60 =	vshll.u32 v59, $0xB;
	vm9 =	vgt.s32 v61, $0x0;
	[tilespmem:v3+s24+$0x0] =	vst.idx.add.f32.msk vm7, v42  }
0x274: {  	v15 =	vshll.u32 v59, $0x7;
	v11 =	vand.u32 $0x4000, v60;
	v62 =	vnsel vm9, $0x0, v61;
	[hbm4b:s3+s2] =	stream.linear.scatter [tilespmem:s24], [sflag:$0x5], $0x8000, $0x38;
	[tilespmem:$0x18180] =	vst v63  }
0x275: {  	v15 =	vand.u32 $0x380, v15;
	v11 =	vadd.s32 v34, v11;
	v23 =	vmin.u32 v62, $0xF;
	_ =	swait.ge [sflag:s29], $0x8000  }
0x276: {  	vm9 =	vlt.u32 v61, $0x10;
	v22 =	vor.u32 v15, v11;
	v25 =	vshll.u32 v23, $0xB;
	s3 =	sld [smem:$0x7EC]  }
0x277: {  	v15 =	vor.u32 v43, v10;
	v27 =	vshll.u32 v23, $0x7;
	v26 =	vand.u32 $0x4000, v25;
	[sflag:s29] =	ssyncset.done $0x0  }
0x278: {  	v11 =	vor.u32 v46, v55;
	v16 =	vand.u32 $0x380, v27;
	v28 =	vadd.s32 v36, v26;
	[sflag:s29] =	ssyncadd.s32 $0xFFFF8000  }
0x279: {  	v10 =	vor.u32 v44, v22;
	v9 =	vor.u32 v16, v28;
	v21 =	vsub.s32 v41, v63;
	[tilespmem:s2], [sflag:$0x1] =	stream.linear.gather [hbm4b:s3+s2], $0x8000, $0x38;
	[tilespmem:$0x18180] =	vst v63  }
0x27a: {  	v9 =	vor.u32 v43, v9;
	v30 =	vsub.s32 v39, v63;
	vm12 =	vgt.s32 v21, $0x0;
	_ =	swait.ge [sflag:s30], $0x8000  }
0x27b: {  	v52 =	vsub.s32 v40, v63;
	v56 =	vsub.s32 v38, v63;
	v24 =	vnsel vm12, $0x0, v21;
	v20 =	vld [tilespmem:$0x1FDD0]  }
0x27c: {  	vm3 =	vlt.u32 v21, $0x10;
	vm12 =	vgt.s32 v30, $0x0;
	v29 =	vmin.u32 v24, $0xF  }
0x27d: {  	v47 =	vnsel vm12, $0x0, v30;
	vm12 =	vgt.s32 v56, $0x0;
	v31 =	vshll.u32 v29, $0xB  }
0x27e: {  	v33 =	vshll.u32 v29, $0x7;
	v49 =	vmin.u32 v47, $0xF;
	v57 =	vnsel vm12, $0x0, v56  }
0x27f: {  	v4 =	vand.u32 $0x4000, v31;
	v48 =	vand.u32 $0x380, v33;
	vm13 =	vgt.s32 v52, $0x0  }
0x280: {  	v60 =	vmin.u32 v57, $0xF;
	v53 =	vnsel vm13, $0x0, v52;
	vm13 =	vnez.u8 v20  }
0x281: {  	v51 =	vshll.u32 v49, $0xB;
	v4 =	vadd.s32 v35, v4;
	v62 =	vshll.u32 v60, $0xB  }
0x282: {  	v50 =	vor.u32 v48, v4;
	v4 =	vand.u32 $0x4000, v51;
	v63 =	vand.u32 $0x4000, v62  }
0x283: {  	v4 =	vadd.s32 v37, v4;
	v13 =	vshll.u32 v49, $0x7;
	v54 =	vmin.u32 v53, $0xF;
	v58 =	vld [tilespmem:$0x1FF80];
	[sflag:s30] =	ssyncset.done $0x0  }
0x284: {  	v13 =	vand.u32 $0x380, v13;
	vm8 =	vlt.u32 v52, $0x10;
	v16 =	vshll.u32 v54, $0xB;
	[sflag:s30] =	ssyncadd.s32 $0xFFFF8000  }
0x285: {  	v4 =	vor.u32 v13, v4;
	v13 =	vshll.u32 v54, $0x7;
	v55 =	vand.u32 $0x4000, v16;
	[tilespmem:v5+s26+$0x0] =	vst.idx.add.f32.msk vm14, v42  }
0x286: {  	v3 =	vor.u32 v46, v50;
	v13 =	vand.u32 $0x380, v13;
	v12 =	vadd.s32 v34, v55;
	s3 =	sld [smem:$0x7ED];
	[tilespmem:v6+s26+$0x0] =	vst.idx.add.f32.msk vm13, v42  }
0x287: {  	vm7 =	vlt.u32 v30, $0x10;
	v4 =	vor.u32 v45, v4;
	v12 =	vor.u32 v13, v12;
	[tilespmem:v7+s26+$0x0] =	vst.idx.add.f32.msk vm5, v42  }
0x288: {  	v13 =	vshll.u32 v60, $0x7;
	v12 =	vor.u32 v44, v12;
	v59 =	vsub.s32 v41, v58;
	[tilespmem:v8+s26+$0x0] =	vst.idx.add.f32.msk vm2, v42  }
0x289: {  	v21 =	vand.u32 $0x380, v13;
	v5 =	vadd.s32 v36, v63;
	vm12 =	vgt.s32 v59, $0x0;
	[hbm4b:s3+s2] =	stream.linear.scatter [tilespmem:s26], [sflag:$0x6], $0x8000, $0x38;
	[tilespmem:$0x18180] =	vst v63  }
0x28a: {  	v5 =	vor.u32 v21, v5;
	v24 =	vsub.s32 v39, v58;
	v61 =	vnsel vm12, $0x0, v59;
	_ =	swait.ge [sflag:s31], $0x8000  }
0x28b: {  	v31 =	vsub.s32 v40, v58;
	v33 =	vsub.s32 v38, v58;
	v22 =	vmin.u32 v61, $0xF;
	s3 =	sld [smem:$0x7EE]  }
0x28c: {  	vm12 =	vlt.u32 v56, $0x10;
	v23 =	vshll.u32 v22, $0xB;
	v25 =	vshll.u32 v22, $0x7;
	[sflag:s31] =	ssyncset.done $0x0  }
0x28d: {  	v26 =	vand.u32 $0x380, v25;
	v6 =	vand.u32 $0x4000, v23;
	vm13 =	vgt.s32 v31, $0x0;
	[sflag:s31] =	ssyncadd.s32 $0xFFFF8000  }
0x28e: {  	vm5 =	vgt.s32 v24, $0x0;
	v6 =	vadd.s32 v35, v6;
	v7 =	vor.u32 v43, v5;
	[tilespmem:s24], [sflag:$0x2] =	stream.linear.gather [hbm4b:s3+s2], $0x8000, $0x38;
	[tilespmem:$0x18180] =	vst v63  }
0x28f: {  	v32 =	vnsel vm13, $0x0, v31;
	vm13 =	vgt.s32 v33, $0x0;
	v27 =	vnsel vm5, $0x0, v24;
	_ =	swait.ge [sflag:s25], $0x8000  }
0x290: {  	v28 =	vor.u32 v26, v6;
	vm2 =	vlt.u32 v59, $0x10;
	vm5 =	vlt.u32 v24, $0x10;
	[sflag:s25] =	ssyncset.done $0x0  }
0x291: {  	v47 =	vmin.u32 v32, $0xF;
	v48 =	vnsel vm13, $0x0, v33;
	vm13 =	vlt.u32 v31, $0x10;
	v53 =	vld [tilespmem:$0x1FF90];
	[sflag:s25] =	ssyncadd.s32 $0xFFFF8000  }
0x292: {  	v29 =	vmin.u32 v27, $0xF;
	v5 =	vor.u32 v46, v28;
	v49 =	vshll.u32 v47, $0xB;
	[tilespmem:v0+s2+$0x0] =	vst.idx.add.f32.msk vm15, v42  }
0x293: {  	v51 =	vmin.u32 v48, $0xF;
	v30 =	vshll.u32 v29, $0xB;
	v6 =	vshll.u32 v29, $0x7;
	s3 =	sld [smem:$0x7EF];
	[tilespmem:v1+s2+$0x0] =	vst.idx.add.f32.msk vm10, v42  }
0x294: {  	v13 =	vand.u32 $0x4000, v49;
	v52 =	vshll.u32 v51, $0xB;
	v8 =	vand.u32 $0x4000, v30;
	[tilespmem:v2+s2+$0x0] =	vst.idx.add.f32.msk vm1, v42  }
0x295: {  	v55 =	vshll.u32 v51, $0x7;
	v6 =	vand.u32 $0x380, v6;
	v8 =	vadd.s32 v37, v8;
	[tilespmem:v15+s2+$0x0] =	vst.idx.add.f32.msk vm0, v42  }
0x296: {  	v50 =	vadd.s32 v34, v13;
	v6 =	vor.u32 v6, v8;
	v8 =	vshll.u32 v47, $0x7;
	[hbm4b:s3+s2] =	stream.linear.scatter [tilespmem:s2], [sflag:$0x4], $0x8000, $0x38;
	[tilespmem:$0x18180] =	vst v63  }
0x297: {  	v6 =	vor.u32 v45, v6;
	v8 =	vand.u32 $0x380, v8;
	v1 =	vand.u32 $0x4000, v52;
	_ =	swait.ge [sflag:s0], $0x8000  }
0x298: {  	v0 =	vor.u32 v8, v50;
	v56 =	vadd.s32 v36, v1;
	v2 =	vand.u32 $0x380, v55;
	s3 =	sld [smem:$0x7F0]  }
0x299: {  	v1 =	vor.u32 v44, v0;
	v54 =	vsub.s32 v41, v53;
	v58 =	vor.u32 v2, v56;
	[sflag:s0] =	ssyncset.done $0x0  }
0x29a: {  	v61 =	vsub.s32 v39, v53;
	v63 =	vsub.s32 v40, v53;
	v24 =	vsub.s32 v38, v53;
	[sflag:s0] =	ssyncadd.s32 $0xFFFF8000  }
0x29b: {  	vm10 =	vgt.s32 v54, $0x0;
	v2 =	vor.u32 v43, v58;
	vm0 =	vlt.u32 v54, $0x10;
	[tilespmem:s26], [sflag:$0x3] =	stream.linear.gather [hbm4b:s3+s2], $0x8000, $0x38;
	[tilespmem:$0x18180] =	vst v63  }
0x29c: {  	vm14 =	vgt.s32 v61, $0x0;
	vm15 =	vgt.s32 v63, $0x0;
	vm1 =	vlt.u32 v61, $0x10;
	_ =	swait.ge [sflag:s28], $0x8000  }
0x29d: {  	v57 =	vnsel vm10, $0x0, v54;
	vm10 =	vlt.u32 v33, $0x10;
	v62 =	vnsel vm14, $0x0, v61;
	[sflag:s28] =	ssyncset.done $0x0  }
0x29e: {  	v21 =	vnsel vm15, $0x0, v63;
	v59 =	vmin.u32 v57, $0xF;
	v20 =	vmin.u32 v62, $0xF;
	[sflag:s28] =	ssyncadd.s32 $0xFFFF8000  }
0x29f: {  	v15 =	vmin.u32 v21, $0xF;
	v60 =	vshll.u32 v59, $0xB;
	v13 =	vshll.u32 v59, $0x7;
	[tilespmem:v11+s24+$0x0] =	vst.idx.add.f32.msk vm11, v42  }
0x2a0: {  	v22 =	vshll.u32 v20, $0xB;
	v23 =	vshll.u32 v15, $0xB;
	v25 =	vshll.u32 v15, $0x7;
	s3 =	sld [smem:$0x7F1];
	[tilespmem:v14+s24+$0x0] =	vst.idx.add.f32.msk vm6, v42  }
0x2a1: {  	v0 =	vand.u32 $0x4000, v60;
	v13 =	vand.u32 $0x380, v13;
	v8 =	vand.u32 $0x4000, v22;
	[tilespmem:v10+s24+$0x0] =	vst.idx.add.f32.msk vm4, v42  }
0x2a2: {  	v27 =	vand.u32 $0x380, v25;
	v0 =	vadd.s32 v35, v0;
	v8 =	vadd.s32 v37, v8;
	[tilespmem:v9+s24+$0x0] =	vst.idx.add.f32.msk vm9, v42  }
0x2a3: {  	v0 =	vor.u32 v13, v0;
	v13 =	vshll.u32 v20, $0x7;
	vm11 =	vgt.s32 v24, $0x0;
	[hbm4b:s3+s2] =	stream.linear.scatter [tilespmem:s24], [sflag:$0x5], $0x8000, $0x38;
	[tilespmem:$0x18180] =	vst v63  }
0x2a4: {  	v0 =	vor.u32 v46, v0;
	v13 =	vand.u32 $0x380, v13;
	v28 =	vnsel vm11, $0x0, v24;
	_ =	swait.ge [sflag:s29], $0x8000  }
0x2a5: {  	v8 =	vor.u32 v13, v8;
	v11 =	vand.u32 $0x4000, v23;
	v30 =	vmin.u32 v28, $0xF;
	v32 =	vld [tilespmem:$0x1FFA0]  }
0x2a6: {  	v8 =	vor.u32 v45, v8;
	v26 =	vadd.s32 v34, v11;
	v31 =	vshll.u32 v30, $0xB  }
0x2a7: {  	vm6 =	vlt.u32 v63, $0x10;
	v10 =	vshll.u32 v30, $0x7;
	v11 =	vand.u32 $0x4000, v31;
	s3 =	sld [smem:$0x7F2]  }
0x2a8: {  	v29 =	vor.u32 v27, v26;
	v10 =	vand.u32 $0x380, v10;
	v11 =	vadd.s32 v36, v11;
	[sflag:s29] =	ssyncset.done $0x0  }
0x2a9: {  	v9 =	vor.u32 v44, v29;
	vm9 =	vlt.u32 v24, $0x10;
	v10 =	vor.u32 v10, v11;
	[sflag:s29] =	ssyncadd.s32 $0xFFFF8000  }
0x2aa: {  	v10 =	vor.u32 v43, v10;
	[tilespmem:s2], [sflag:$0x1] =	stream.linear.gather [hbm4b:s3+s2], $0x8000, $0x38;
	v33 =	vsub.s32 v41, v32;
	v48 =	vsub.s32 v39, v32;
	[tilespmem:$0x18180] =	vst v63  }
0x2ab: {  	_ =	swait.ge [sflag:s30], $0x8000;
	v54 =	vsub.s32 v40, v32;
	v61 =	vsub.s32 v38, v32;
	vm14 =	vgt.s32 v33, $0x0  }
0x2ac: {  	[sflag:s30] =	ssyncset.done $0x0;
	vm15 =	vgt.s32 v48, $0x0;
	vm4 =	vlt.u32 v33, $0x10;
	vm11 =	vgt.s32 v54, $0x0  }
0x2ad: {  	[sflag:s30] =	ssyncadd.s32 $0xFFFF8000;
	v47 =	vnsel vm14, $0x0, v33;
	v50 =	vnsel vm15, $0x0, v48;
	v58 =	vnsel vm11, $0x0, v54  }
0x2ae: {  	[tilespmem:v3+s26+$0x0] =	vst.idx.add.f32.msk vm3, v42;
	vm3 =	vlt.u32 v48, $0x10;
	vm14 =	vgt.s32 v61, $0x0;
	v49 =	vmin.u32 v47, $0xF  }
0x2af: {  	v52 =	vmin.u32 v50, $0xF;
	[tilespmem:v4+s26+$0x0] =	vst.idx.add.f32.msk vm7, v42;
	v59 =	vmin.u32 v58, $0xF;
	vm7 =	vlt.u32 v54, $0x10  }
0x2b0: {  	v62 =	vnsel vm14, $0x0, v61;
	v14 =	vshll.u32 v49, $0xB;
	v11 =	vshll.u32 v49, $0x7;
	[tilespmem:v12+s26+$0x0] =	vst.idx.add.f32.msk vm8, v42  }
0x2b1: {  	v53 =	vshll.u32 v52, $0xB;
	v56 =	vshll.u32 v52, $0x7;
	v51 =	vand.u32 $0x4000, v14;
	[tilespmem:v7+s26+$0x0] =	vst.idx.add.f32.msk vm12, v42  }
0x2b2: {  	v60 =	vshll.u32 v59, $0xB;
	v11 =	vand.u32 $0x380, v11;
	v13 =	vadd.s32 v35, v51;
	[hbm4b:s4+s2] =	stream.linear.scatter [tilespmem:s26], [sflag:$0x6], $0x8000, $0x38;
	[tilespmem:$0x18180] =	vst v63  }
0x2b3: {  	v55 =	vand.u32 $0x4000, v53;
	v7 =	vand.u32 $0x4000, v60;
	v11 =	vor.u32 v11, v13;
	_ =	swait.ge [sflag:s31], $0x8000  }
0x2b4: {  	v57 =	vadd.s32 v37, v55;
	v3 =	vor.u32 v46, v11;
	v11 =	vshll.u32 v59, $0x7;
	v63 =	vld [tilespmem:$0x1FFB0]  }
0x2b5: {  	v7 =	vadd.s32 v34, v7;
	v13 =	vand.u32 $0x380, v56;
	[sflag:s31] =	ssyncset.done $0x0;
	v11 =	vand.u32 $0x380, v11  }
0x2b6: {  	v4 =	vor.u32 v13, v57;
	[sflag:s31] =	ssyncadd.s32 $0xFFFF8000;
	v7 =	vor.u32 v11, v7;
	v11 =	vmin.u32 v62, $0xF  }
0x2b7: {  	vm8 =	vlt.u32 v61, $0x10;
	v4 =	vor.u32 v45, v4;
	[tilespmem:s24], [sflag:$0x2] =	stream.linear.gather [hbm4b:s6+s2], $0x8000, $0x38;
	v21 =	vshll.u32 v11, $0xB;
	[tilespmem:$0x18180] =	vst v63  }
0x2b8: {  	v7 =	vor.u32 v44, v7;
	_ =	swait.ge [sflag:s25], $0x8000;
	v11 =	vshll.u32 v11, $0x7;
	v12 =	vand.u32 $0x4000, v21  }
0x2b9: {  	[sflag:s25] =	ssyncset.done $0x0;
	v11 =	vand.u32 $0x380, v11;
	v20 =	vsub.s32 v41, v63;
	v12 =	vadd.s32 v36, v12  }
0x2ba: {  	[sflag:s25] =	ssyncadd.s32 $0xFFFF8000;
	v24 =	vsub.s32 v39, v63;
	v30 =	vsub.s32 v40, v63;
	v48 =	vsub.s32 v38, v63  }
0x2bb: {  	vm15 =	vgt.s32 v20, $0x0;
	v11 =	vor.u32 v11, v12;
	[tilespmem:v5+s2+$0x0] =	vst.idx.add.f32.msk vm2, v42;
	vm2 =	vlt.u32 v20, $0x10  }
0x2bc: {  	vm12 =	vgt.s32 v24, $0x0;
	vm14 =	vgt.s32 v30, $0x0;
	v22 =	vnsel vm15, $0x0, v20;
	[tilespmem:v6+s2+$0x0] =	vst.idx.add.f32.msk vm5, v42  }
0x2bd: {  	v27 =	vnsel vm12, $0x0, v24;
	v33 =	vnsel vm14, $0x0, v30;
	vm15 =	vgt.s32 v48, $0x0;
	[tilespmem:v1+s2+$0x0] =	vst.idx.add.f32.msk vm13, v42  }
0x2be: {  	v55 =	vor.u32 v43, v11;
	v14 =	vmin.u32 v22, $0xF;
	v29 =	vmin.u32 v27, $0xF;
	[tilespmem:v2+s2+$0x0] =	vst.idx.add.f32.msk vm10, v42  }
0x2bf: {  	v6 =	vmin.u32 v33, $0xF;
	v49 =	vnsel vm15, $0x0, v48;
	v23 =	vshll.u32 v14, $0xB;
	[hbm4b:s5+s2] =	stream.linear.scatter [tilespmem:s2], [sflag:$0x4], $0x8000, $0x38;
	[tilespmem:$0x18180] =	vst v63  }
0x2c0: {  	v26 =	vshll.u32 v14, $0x7;
	v31 =	vshll.u32 v29, $0xB;
	v32 =	vshll.u32 v29, $0x7;
	_ =	swait.ge [sflag:s0], $0x8000  }
0x2c1: {  	v47 =	vshll.u32 v6, $0xB;
	v6 =	vshll.u32 v6, $0x7;
	v25 =	vand.u32 $0x4000, v23;
	[sflag:s0] =	ssyncset.done $0x0  }
0x2c2: {  	v28 =	vand.u32 $0x380, v26;
	v2 =	vand.u32 $0x4000, v31;
	v5 =	vadd.s32 v35, v25;
	[sflag:s0] =	ssyncadd.s32 $0xFFFF8000  }
0x2c3: {  	v2 =	vadd.s32 v37, v2;
	v1 =	vor.u32 v28, v5;
	v5 =	vand.u32 $0x380, v32;
	[tilespmem:s26], [sflag:$0x3] =	stream.linear.gather [hbm4b:s10+s2], $0x8000, $0x38;
	[tilespmem:$0x18180] =	vst v63  }
0x2c4: {  	v52 =	vmin.u32 v49, $0xF;
	v2 =	vor.u32 v5, v2;
	v5 =	vand.u32 $0x4000, v47;
	_ =	swait.ge [sflag:s28], $0x8000  }
0x2c5: {  	v6 =	vand.u32 $0x380, v6;
	v54 =	vshll.u32 v52, $0xB;
	v5 =	vadd.s32 v34, v5;
	v50 =	vld [tilespmem:$0x1FFC0];
	[sflag:s28] =	ssyncset.done $0x0  }
0x2c6: {  	v56 =	vand.u32 $0x4000, v54;
	v5 =	vor.u32 v6, v5;
	v6 =	vshll.u32 v52, $0x7;
	[sflag:s28] =	ssyncadd.s32 $0xFFFF8000  }
0x2c7: {  	v57 =	vadd.s32 v36, v56;
	v1 =	vor.u32 v46, v1;
	v6 =	vand.u32 $0x380, v6;
	[tilespmem:v0+s24+$0x0] =	vst.idx.add.f32.msk vm0, v42  }
0x2c8: {  	vm11 =	vlt.u32 v48, $0x10;
	v2 =	vor.u32 v45, v2;
	v6 =	vor.u32 v6, v57;
	[tilespmem:v8+s24+$0x0] =	vst.idx.add.f32.msk vm1, v42  }
0x2c9: {  	vm5 =	vlt.u32 v24, $0x10;
	v5 =	vor.u32 v44, v5;
	v6 =	vor.u32 v43, v6;
	[tilespmem:v9+s24+$0x0] =	vst.idx.add.f32.msk vm6, v42  }
0x2ca: {  	vm10 =	vlt.u32 v30, $0x10;
	v51 =	vsub.s32 v41, v50;
	v59 =	vsub.s32 v39, v50;
	[tilespmem:v10+s24+$0x0] =	vst.idx.add.f32.msk vm9, v42  }
0x2cb: {  	v63 =	vsub.s32 v40, v50;
	v19 =	vsub.s32 v38, v50;
	vm12 =	vgt.s32 v51, $0x0;
	[hbm4b:s8+s2] =	stream.linear.scatter [tilespmem:s24], [sflag:$0x5], $0x8000, $0x38;
	[tilespmem:$0x18180] =	vst v63  }
0x2cc: {  	vm13 =	vgt.s32 v59, $0x0;
	vm0 =	vlt.u32 v51, $0x10;
	vm14 =	vgt.s32 v63, $0x0;
	_ =	swait.ge [sflag:s29], $0x8000  }
0x2cd: {  	vm1 =	vlt.u32 v59, $0x10;
	vm15 =	vgt.s32 v19, $0x0;
	v53 =	vnsel vm12, $0x0, v51;
	[sflag:s29] =	ssyncset.done $0x0  }
0x2ce: {  	vm6 =	vlt.u32 v19, $0x10;
	v61 =	vnsel vm13, $0x0, v59;
	v58 =	vmin.u32 v53, $0xF;
	[sflag:s29] =	ssyncadd.s32 $0xFFFF8000  }
0x2cf: {  	v16 =	vnsel vm14, $0x0, v63;
	v21 =	vnsel vm15, $0x0, v19;
	v60 =	vshll.u32 v58, $0xB;
	[tilespmem:s2], [sflag:$0x1] =	stream.linear.gather [hbm4b:s12+s2], $0x8000, $0x38;
	[tilespmem:$0x18180] =	vst v63  }
0x2d0: {  	v10 =	vmin.u32 v61, $0xF;
	v9 =	vshll.u32 v58, $0x7;
	v8 =	vand.u32 $0x4000, v60;
	_ =	swait.ge [sflag:s30], $0x8000  }
0x2d1: {  	v62 =	vshll.u32 v10, $0xB;
	v9 =	vand.u32 $0x380, v9;
	v8 =	vadd.s32 v35, v8;
	[sflag:s30] =	ssyncset.done $0x0  }
0x2d2: {  	v10 =	vshll.u32 v10, $0x7;
	v8 =	vor.u32 v9, v8;
	v9 =	vand.u32 $0x4000, v62;
	v24 =	vld [tilespmem:$0x1FFD0];
	[sflag:s30] =	ssyncadd.s32 $0xFFFF8000  }
0x2d3: {  	v23 =	vmin.u32 v21, $0xF;
	v10 =	vand.u32 $0x380, v10;
	v9 =	vadd.s32 v37, v9;
	[tilespmem:v3+s26+$0x0] =	vst.idx.add.f32.msk vm4, v42  }
0x2d4: {  	v26 =	vshll.u32 v23, $0xB;
	v9 =	vor.u32 v10, v9;
	v10 =	vmin.u32 v16, $0xF;
	[tilespmem:v4+s26+$0x0] =	vst.idx.add.f32.msk vm3, v42  }
0x2d5: {  	v8 =	vor.u32 v46, v8;
	vm4 =	vlt.u32 v63, $0x10;
	v17 =	vshll.u32 v10, $0xB;
	[tilespmem:v7+s26+$0x0] =	vst.idx.add.f32.msk vm7, v42  }
0x2d6: {  	v9 =	vor.u32 v45, v9;
	v10 =	vshll.u32 v10, $0x7;
	v18 =	vand.u32 $0x4000, v17;
	[tilespmem:v55+s26+$0x0] =	vst.idx.add.f32.msk vm8, v42  }
0x2d7: {  	v20 =	vand.u32 $0x380, v10;
	v7 =	vand.u32 $0x4000, v26;
	v3 =	vadd.s32 v34, v18;
	[hbm4b:s11+s2] =	stream.linear.scatter [tilespmem:s26], [sflag:$0x6], $0x8000, $0x38;
	[tilespmem:$0x18180] =	vst v63  }
0x2d8: {  	v25 =	vsub.s32 v41, v24;
	v7 =	vadd.s32 v36, v7;
	v29 =	vsub.s32 v39, v24;
	_ =	swait.ge [sflag:s31], $0x8000  }
0x2d9: {  	v49 =	vsub.s32 v40, v24;
	v52 =	vsub.s32 v38, v24;
	v3 =	vor.u32 v20, v3;
	[sflag:s31] =	ssyncset.done $0x0  }
0x2da: {  	vm9 =	vgt.s32 v25, $0x0;
	vm12 =	vgt.s32 v29, $0x0;
	vm3 =	vlt.u32 v25, $0x10;
	[sflag:s31] =	ssyncadd.s32 $0xFFFF8000  }
0x2db: {  	vm13 =	vgt.s32 v49, $0x0;
	vm14 =	vgt.s32 v52, $0x0;
	v22 =	vor.u32 v44, v3;
	[tilespmem:s24], [sflag:$0x2] =	stream.linear.gather [hbm4b:s16+s2], $0x8000, $0x38;
	[tilespmem:$0x18180] =	vst v63  }
0x2dc: {  	v3 =	vshll.u32 v23, $0x7;
	v27 =	vnsel vm9, $0x0, v25;
	v30 =	vnsel vm12, $0x0, v29;
	_ =	swait.ge [sflag:s25], $0x8000  }
0x2dd: {  	v51 =	vnsel vm13, $0x0, v49;
	v54 =	vnsel vm14, $0x0, v52;
	vm9 =	vlt.u32 v52, $0x10;
	[sflag:s25] =	ssyncset.done $0x0  }
0x2de: {  	v3 =	vand.u32 $0x380, v3;
	v10 =	vmin.u32 v27, $0xF;
	v31 =	vmin.u32 v30, $0xF;
	[sflag:s25] =	ssyncadd.s32 $0xFFFF8000  }
0x2df: {  	v3 =	vor.u32 v3, v7;
	v28 =	vshll.u32 v10, $0xB;
	v10 =	vshll.u32 v10, $0x7;
	[tilespmem:v1+s2+$0x0] =	vst.idx.add.f32.msk vm2, v42  }
0x2e0: {  	v33 =	vshll.u32 v31, $0xB;
	v48 =	vshll.u32 v31, $0x7;
	v7 =	vand.u32 $0x4000, v28;
	[tilespmem:v2+s2+$0x0] =	vst.idx.add.f32.msk vm5, v42  }
0x2e1: {  	v10 =	vand.u32 $0x380, v10;
	v3 =	vor.u32 v43, v3;
	v7 =	vadd.s32 v35, v7;
	[tilespmem:v5+s2+$0x0] =	vst.idx.add.f32.msk vm10, v42  }
0x2e2: {  	v47 =	vand.u32 $0x4000, v33;
	v50 =	vand.u32 $0x380, v48;
	v7 =	vor.u32 v10, v7;
	[tilespmem:v6+s2+$0x0] =	vst.idx.add.f32.msk vm11, v42  }
0x2e3: {  	v32 =	vor.u32 v46, v7;
	v7 =	vmin.u32 v54, $0xF;
	v2 =	vmin.u32 v51, $0xF;
	[hbm4b:s15+s2] =	stream.linear.scatter [tilespmem:s2], [sflag:$0x4], $0x8000, $0x38;
	[tilespmem:$0x18180] =	vst v63  }
0x2e4: {  	v1 =	vadd.s32 v37, v47;
	vm2 =	vlt.u32 v29, $0x10;
	v53 =	vshll.u32 v2, $0xB;
	_ =	swait.ge [sflag:s0], $0x8000  }
0x2e5: {  	v55 =	vshll.u32 v7, $0xB;
	v2 =	vshll.u32 v2, $0x7;
	v6 =	vand.u32 $0x4000, v53;
	v56 =	vld [tilespmem:$0x1FFE0]  }
0x2e6: {  	v7 =	vshll.u32 v7, $0x7;
	v2 =	vand.u32 $0x380, v2;
	v6 =	vadd.s32 v34, v6;
	[sflag:s0] =	ssyncset.done $0x0  }
0x2e7: {  	v1 =	vor.u32 v50, v1;
	v2 =	vor.u32 v2, v6;
	v6 =	vand.u32 $0x4000, v55;
	[sflag:s0] =	ssyncadd.s32 $0xFFFF8000  }
0x2e8: {  	vm5 =	vlt.u32 v49, $0x10;
	v7 =	vand.u32 $0x380, v7;
	v6 =	vadd.s32 v36, v6;
	[tilespmem:s26], [sflag:$0x3] =	stream.linear.gather [hbm4b:s22+s2], $0x8000, $0x38;
	[tilespmem:$0x18180] =	vst v63  }
0x2e9: {  	v1 =	vor.u32 v45, v1;
	v2 =	vor.u32 v44, v2;
	v6 =	vor.u32 v7, v6;
	_ =	swait.ge [sflag:s28], $0x8000  }
0x2ea: {  	v60 =	vor.u32 v43, v6;
	[sflag:s28] =	ssyncset.done $0x0;
	v57 =	vsub.s32 v41, v56;
	v62 =	vsub.s32 v39, v56  }
0x2eb: {  	v20 =	vld [tilespmem:$0x1FFF0];
	[sflag:s28] =	ssyncadd.s32 $0xFFFF8000;
	v16 =	vsub.s32 v40, v56;
	v18 =	vsub.s32 v38, v56;
	vm15 =	vgt.s32 v57, $0x0  }
0x2ec: {  	[tilespmem:v8+s24+$0x0] =	vst.idx.add.f32.msk vm0, v42;
	vm0 =	vlt.u32 v57, $0x10;
	vm10 =	vgt.s32 v62, $0x0;
	vm11 =	vgt.s32 v16, $0x0  }
0x2ed: {  	vm12 =	vgt.s32 v18, $0x0;
	vm14 =	vlt.u32 v62, $0x10;
	v58 =	vnsel vm15, $0x0, v57;
	[tilespmem:v9+s24+$0x0] =	vst.idx.add.f32.msk vm1, v42  }
0x2ee: {  	v17 =	vnsel vm10, $0x0, v62;
	v19 =	vnsel vm11, $0x0, v16;
	vm15 =	vlt.u32 v16, $0x10;
	[tilespmem:v22+s24+$0x0] =	vst.idx.add.f32.msk vm4, v42  }
0x2ef: {  	vm11 =	vlt.u32 v18, $0x10;
	v59 =	vmin.u32 v58, $0xF;
	v22 =	vnsel vm12, $0x0, v18;
	[tilespmem:v3+s24+$0x0] =	vst.idx.add.f32.msk vm6, v42  }
0x2f0: {  	v9 =	vmin.u32 v19, $0xF;
	v61 =	vshll.u32 v59, $0xB;
	v7 =	vshll.u32 v59, $0x7;
	[hbm4b:s20+s2] =	stream.linear.scatter [tilespmem:s24], [sflag:$0x5], $0x8000, $0x38;
	[tilespmem:$0x18180] =	vst v63  }
0x2f1: {  	v21 =	vsub.s32 v41, v20;
	v3 =	vmin.u32 v17, $0xF;
	v25 =	vshll.u32 v9, $0xB;
	_ =	swait.ge [sflag:s29], $0x8000  }
0x2f2: {  	v11 =	vmin.u32 v22, $0xF;
	v9 =	vshll.u32 v9, $0x7;
	v41 =	vsub.s32 v39, v20;
	[sflag:s29] =	ssyncset.done $0x0  }
0x2f3: {  	v47 =	vsub.s32 v40, v20;
	v48 =	vsub.s32 v38, v20;
	v6 =	vand.u32 $0x4000, v61;
	[sflag:s29] =	ssyncadd.s32 $0xFFFF8000  }
0x2f4: {  	v7 =	vand.u32 $0x380, v7;
	vm13 =	vgt.s32 v21, $0x0;
	v24 =	vshll.u32 v3, $0xB;
	[tilespmem:s2], [sflag:$0x1] =	stream.linear.gather [hbm4b:s14+s2], $0x8000, $0x38;
	[tilespmem:$0x18180] =	vst v63  }
0x2f5: {  	v3 =	vshll.u32 v3, $0x7;
	v26 =	vand.u32 $0x4000, v25;
	v27 =	vshll.u32 v11, $0xB;
	_ =	swait.ge [sflag:s30], $0x8000  }
0x2f6: {  	v9 =	vand.u32 $0x380, v9;
	v11 =	vshll.u32 v11, $0x7;
	vm8 =	vgt.s32 v41, $0x0;
	[sflag:s30] =	ssyncset.done $0x0  }
0x2f7: {  	vm10 =	vgt.s32 v48, $0x0;
	vm12 =	vlt.u32 v21, $0x10;
	v6 =	vadd.s32 v35, v6;
	[sflag:s30] =	ssyncadd.s32 $0xFFFF8000  }
0x2f8: {  	v23 =	vnsel vm13, $0x0, v21;
	v8 =	vand.u32 $0x4000, v24;
	v3 =	vand.u32 $0x380, v3;
	[tilespmem:v32+s26+$0x0] =	vst.idx.add.f32.msk vm3, v42  }
0x2f9: {  	v13 =	vand.u32 $0x4000, v27;
	v30 =	vand.u32 $0x380, v11;
	v49 =	vnsel vm8, $0x0, v41;
	[tilespmem:v1+s26+$0x0] =	vst.idx.add.f32.msk vm2, v42  }
0x2fa: {  	v51 =	vnsel vm10, $0x0, v48;
	vm13 =	vlt.u32 v41, $0x10;
	v63 =	vor.u32 v7, v6;
	[tilespmem:v2+s26+$0x0] =	vst.idx.add.f32.msk vm5, v42  }
0x2fb: {  	v8 =	vadd.s32 v37, v8;
	v29 =	vadd.s32 v36, v13;
	v52 =	vmin.u32 v49, $0xF;
	[tilespmem:v60+s26+$0x0] =	vst.idx.add.f32.msk vm9, v42  }
0x2fc: {  	v58 =	vmin.u32 v51, $0xF;
	v3 =	vor.u32 v3, v8;
	v8 =	vadd.s32 v34, v26;
	[hbm4b:s23+s2] =	stream.linear.scatter [tilespmem:s26], [sflag:$0x6], $0x8000, $0x38;
	[tilespmem:$0x18180] =	vst v63  }
0x2fd: {  	v31 =	vor.u32 v30, v29;
	v0 =	vor.u32 v46, v63;
	v53 =	vshll.u32 v52, $0xB;
	_ =	swait.ge [sflag:s31], $0x8000  }
0x2fe: {  	v10 =	vshll.u32 v52, $0x7;
	v7 =	vshll.u32 v58, $0xB;
	v28 =	vor.u32 v9, v8;
	[sflag:s31] =	ssyncset.done $0x0  }
0x2ff: {  	v3 =	vor.u32 v45, v3;
	v10 =	vand.u32 $0x380, v10;
	v32 =	vmin.u32 v23, $0xF;
	[sflag:s31] =	ssyncadd.s32 $0xFFFF8000  }
0x300: {  	v61 =	vand.u32 $0x4000, v7;
	v4 =	vor.u32 v44, v28;
	v33 =	vshll.u32 v32, $0xB;
	[tilespmem:s24], [sflag:$0x2] =	stream.linear.gather [hbm4b:s13+s2], $0x8000, $0x38;
	[tilespmem:$0x18180] =	vst v63  }
0x301: {  	v6 =	vshll.u32 v32, $0x7;
	v1 =	vor.u32 v43, v31;
	v2 =	vand.u32 $0x4000, v33;
	_ =	swait.ge [sflag:s25], $0x8000  }
0x302: {  	v6 =	vand.u32 $0x380, v6;
	vm9 =	vgt.s32 v47, $0x0;
	v2 =	vadd.s32 v35, v2;
	[sflag:s25] =	ssyncset.done $0x0  }
0x303: {  	v50 =	vnsel vm9, $0x0, v47;
	v2 =	vor.u32 v6, v2;
	v6 =	vand.u32 $0x4000, v53;
	[sflag:s25] =	ssyncadd.s32 $0xFFFF8000  }
0x304: {  	v62 =	vadd.s32 v36, v61;
	v6 =	vadd.s32 v37, v6;
	v54 =	vmin.u32 v50, $0xF;
	[tilespmem:v0+s2+$0x0] =	vst.idx.add.f32.msk vm0, v42  }
0x305: {  	v2 =	vor.u32 v46, v2;
	v6 =	vor.u32 v10, v6;
	v56 =	vshll.u32 v54, $0xB;
	[tilespmem:v3+s2+$0x0] =	vst.idx.add.f32.msk vm14, v42  }
0x306: {  	v59 =	vshll.u32 v54, $0x7;
	v55 =	vor.u32 v45, v6;
	v57 =	vand.u32 $0x4000, v56;
	[tilespmem:v4+s2+$0x0] =	vst.idx.add.f32.msk vm15, v42  }
0x307: {  	v60 =	vand.u32 $0x380, v59;
	v6 =	vshll.u32 v58, $0x7;
	v3 =	vadd.s32 v34, v57;
	[tilespmem:v1+s2+$0x0] =	vst.idx.add.f32.msk vm11, v42  }
0x308: {  	v63 =	vand.u32 $0x380, v6;
	vm14 =	vlt.u32 v47, $0x10;
	v1 =	vor.u32 v60, v3;
	[hbm4b:s17+s2] =	stream.linear.scatter [tilespmem:s2], [sflag:$0x4], $0x8000, $0x38;
	[tilespmem:$0x18180] =	vst v63  }
0x309: {  	vm15 =	vlt.u32 v48, $0x10;
	v3 =	vor.u32 v63, v62;
	v1 =	vor.u32 v44, v1;
	_ =	swait.ge [sflag:s28], $0x8000  }
0x30a: {  	v3 =	vor.u32 v43, v3;
	[sflag:s28] =	ssyncset.done $0x0  }
0x30b: {  	[sflag:s28] =	ssyncadd.s32 $0xFFFF8000  }
0x30c: {  	[tilespmem:v2+s24+$0x0] =	vst.idx.add.f32.msk vm12, v42  }
0x30d: {  	[tilespmem:v55+s24+$0x0] =	vst.idx.add.f32.msk vm13, v42  }
0x30e: {  	[tilespmem:v1+s24+$0x0] =	vst.idx.add.f32.msk vm14, v42  }
0x30f: {  	[tilespmem:v3+s24+$0x0] =	vst.idx.add.f32.msk vm15, v42  }
0x310: {  	[hbm4b:s18+s2] =	stream.linear.scatter [tilespmem:s24], [sflag:$0x5], $0x8000, $0x38;
	[tilespmem:$0x18180] =	vst v63  }
0x311: {  	_ =	swait.ge [sflag:s0], $0x8000  }
0x312: {  	[sflag:s0] =	ssyncset.done $0x0  }
0x313: {  	[sflag:s0] =	ssyncadd.s32 $0xFFFF8000  }
0x314: {  	p0 =	sne.s32 s19, $0x1;
	_ =	swait.ge [sflag:s29], $0x8000  }
.Ltmp0:
0x315: {  	[sflag:s29] =	ssyncset.done $0x0;
	(pc) =	sbr.rel @p0 .LBB2_1-.Ltmp0, $4  }
0x316: {  	[sflag:s29] =	ssyncadd.s32 $0xFFFF8000  }
0x317: {  	_ =	swait.ge [sflag:s31], $0x8000  }
0x318: {  	[sflag:s31] =	ssyncset.done $0x0  }
0x319: {  	s19 =	sadd.s32 $0xFFFFFFFF, s19;
	[sflag:s31] =	ssyncadd.s32 $0xFFFF8000  }
0x31a: {  	_ =	sfence.sel $0x180000  }
0x31b: {  	[bflag:$0x0] =	sbarrier.arrive $0xFFFF  }
0x31c: {  	_ =	strace $0x90000047  }
0x31d: {  	s0 =	stileid.u32;
	[bflag:$0x2] =	sbarrier.arrive $0xFFFF  }
0x31e: {  	p0 =	sne.s32 s0, $0x0;
	s0 =	rddreg [dreg:$0x5]  }
0x31f: {  	s0 =	sadd.s32 @!p0 $0x100000, s0  }
0x320: {  	[sflag:s0] =	ssyncadd.tile.s32 @!p0 $0x1;
	_ =	shalt  }
.Lfunc_end2:
_tile_overlayer_lowered:
.L_overlay_start_2:
0x321: {  	(tag) =	ssettag $0x2  }
0x322: {  	s0 =	rddreg [dreg:$0x0];
	s2 =	stileid.u32  }
0x323: {  	s1 =	rddreg [dreg:$0x1];
	p0 =	sne.s32 s2, $0x0  }
0x324: {  	s3 =	rddreg [dreg:$0x2];
	[bflag:$0x3] =	sbarrier.arrive $0xFFFF;
	s2 =	simm.s32 @!p0 $0x1C07  }
0x325: {  	[timem:s3], [sflag:s2] =	dma.local @!p0 [hbm:s0], s1  }
0x326: {  	s0 =	simm.s32 @!p0 $0x7  }
0x327: {  	_ =	swait.ge @!p0 [sflag:s0], s1  }
0x328: {  	s1 =	ssub.s32 @!p0 $0x0, s1;
	[sflag:s0] =	ssyncset.done @!p0 $0x0  }
0x329: {  	[sflag:s0] =	ssyncadd.s32 @!p0 s1  }
0x32a: {  	[bflag:$0x3] =	sbarrier.arrive $0xFFFF  }
0x32b: {  	_ =	shalt  }

</sc_bundles>
